<compile_context>
chip_gen: v7x
topology: tpu7x:2x2x1
jax: 0.10.2.dev20260603
libtpu: 0.0.44.dev20260713+nightly
codegen_flags: <defaults>
</compile_context>

<pallas_src>
import functools

import numpy as np

import jax
import jax.numpy as jnp
from jax import lax
from jax.experimental import pallas as pl
from jax.experimental.pallas import tpu as pltpu
from jax.experimental.pallas import tpu_sc as plsc

N, E, D, DE = 10000, 320000, 128, 16
F = 2 * D
H = D // 2
EPS = 1e-5
NC, NS = 2, 16
NW = NC * NS
C = 80
L = 16
RA = 632
RB = N - (NS - 1) * RA
HMASK = np.int32(-65536)
HALF = np.int32(0x8000)
LMASK = np.int32(0xFFFF)

E1 = 192000
E2 = E - E1
BE = 6400

_MESH = plsc.VectorSubcoreMesh(
    core_axis_name="c", subcore_axis_name="s", num_cores=NC, num_subcores=NS)


def _pack_bf16(ev, od):
    lbc = lax.bitcast_convert_type
    we = jnp.bitwise_and(
        jnp.right_shift(lbc(ev, jnp.int32) + HALF, 16), LMASK)
    wo = jnp.bitwise_and(lbc(od, jnp.int32) + HALF, HMASK)
    return jnp.bitwise_or(we, wo)


def _pq_body(a_ref, wse_ref, wso_ref, wde_ref, wdo_ref, p_ref, q_ref):
    a = a_ref[...]

    def mm(w_ref):
        return jnp.dot(a, w_ref[...], preferred_element_type=jnp.float32)

    p_ref[...] = _pack_bf16(mm(wse_ref), mm(wso_ref))
    q_ref[...] = _pack_bf16(mm(wde_ref), mm(wdo_ref))


def _pq(atom, wse, wso, wde, wdo):
    BN = 2000
    return pl.pallas_call(
        _pq_body,
        grid=(N // BN,),
        in_specs=[pl.BlockSpec((BN, D), lambda i: (i, 0))]
        + [pl.BlockSpec((D, D), lambda i: (0, 0))] * 4,
        out_specs=[pl.BlockSpec((BN, D), lambda i: (i, 0)),
                   pl.BlockSpec((BN, D), lambda i: (i, 0))],
        out_shape=[jax.ShapeDtypeStruct((N, D), jnp.int32),
                   jax.ShapeDtypeStruct((N, D), jnp.int32)],
    )(atom, wse, wso, wde, wdo)


def _make_edge_k(epw, nch):
    @functools.partial(
        pl.kernel,
        out_type=jax.ShapeDtypeStruct((epw * NW, D), jnp.int32),
        mesh=_MESH,
        scratch_types=[pltpu.VMEM((nch, C), jnp.int32),
                       pltpu.VMEM((nch, C), jnp.int32),
                       pltpu.VMEM((C, D), jnp.int32),
                       pltpu.VMEM((C, D), jnp.int32),
                       pltpu.VMEM((C, D), jnp.int32),
                       pltpu.VMEM((C, D), jnp.int32),
                       pltpu.VMEM((C, D), jnp.int32),
                       pltpu.VMEM((C, D), jnp.int32),
                       pltpu.SemaphoreType.DMA,
                       pltpu.SemaphoreType.DMA,
                       pltpu.SemaphoreType.DMA,
                       pltpu.SemaphoreType.DMA,
                       pltpu.SemaphoreType.DMA,
                       pltpu.SemaphoreType.DMA],
    )
    def _edge_k(p_hbm, q_hbm, src_hbm, dst_hbm, s_out,
                sidx, didx, pga, qga, sba, pgb, qgb, sbb,
                spa, sqa, ssa, spb, sqb, ssb):
        wid = lax.axis_index("s") * NC + lax.axis_index("c")
        base0 = wid * epw
        pltpu.sync_copy(src_hbm.at[wid], sidx)
        pltpu.sync_copy(dst_hbm.at[wid], didx)
        lbc = lax.bitcast_convert_type

        def wait_gather(pg, qg, sp, sq):
            pltpu.make_async_copy(p_hbm.at[pl.ds(0, C)], pg, sp).wait()
            pltpu.make_async_copy(q_hbm.at[pl.ds(0, C)], qg, sq).wait()

        def wait_store(sb, ss):
            pltpu.make_async_copy(sb, s_out.at[pl.ds(base0, C)], ss).wait()

        def compute(pg, qg, sbuf):
            def row_body(r, a2):
                for g in range(D // L):
                    sl = pl.ds(g * L, L)
                    aw = pg[r, sl]
                    bw = qg[r, sl]
                    se = (lbc(jnp.left_shift(aw, 16), jnp.float32)
                          + lbc(jnp.left_shift(bw, 16), jnp.float32))
                    so = (lbc(jnp.bitwise_and(aw, HMASK), jnp.float32)
                          + lbc(jnp.bitwise_and(bw, HMASK), jnp.float32))
                    we = jnp.bitwise_and(
                        jnp.right_shift(lbc(se, jnp.int32) + HALF, 16),
                        LMASK)
                    wo = jnp.bitwise_and(lbc(so, jnp.int32) + HALF, HMASK)
                    sbuf[r, sl] = jnp.bitwise_or(we, wo)
                return a2

            lax.fori_loop(0, C, row_body, 0)

        pltpu.async_copy(p_hbm.at[sidx.at[0]], pga, spa)
        pltpu.async_copy(q_hbm.at[didx.at[0]], qga, sqa)
        pltpu.async_copy(p_hbm.at[sidx.at[1]], pgb, spb)
        pltpu.async_copy(q_hbm.at[didx.at[1]], qgb, sqb)

        def pair_body(k, acc):
            i0 = 2 * k
            i1 = 2 * k + 1
            wait_gather(pga, qga, spa, sqa)

            @pl.when(k > 0)
            def _():
                wait_store(sba, ssa)

            compute(pga, qga, sba)
            pltpu.async_copy(sba, s_out.at[pl.ds(base0 + i0 * C, C)], ssa)

            @pl.when(i0 + 2 < nch)
            def _():
                pltpu.async_copy(p_hbm.at[sidx.at[i0 + 2]], pga, spa)
                pltpu.async_copy(q_hbm.at[didx.at[i0 + 2]], qga, sqa)

            wait_gather(pgb, qgb, spb, sqb)

            @pl.when(k > 0)
            def _():
                wait_store(sbb, ssb)

            compute(pgb, qgb, sbb)
            pltpu.async_copy(sbb, s_out.at[pl.ds(base0 + i1 * C, C)], ssb)

            @pl.when(i1 + 2 < nch)
            def _():
                pltpu.async_copy(p_hbm.at[sidx.at[i1 + 2]], pgb, spb)
                pltpu.async_copy(q_hbm.at[didx.at[i1 + 2]], qgb, sqb)

            return acc

        lax.fori_loop(0, nch // 2, pair_body, 0)
        if nch % 2 == 1:
            wait_gather(pga, qga, spa, sqa)
            wait_store(sba, ssa)
            compute(pga, qga, sba)
            pltpu.async_copy(sba, s_out.at[pl.ds(base0 + (nch - 1) * C, C)],
                             ssa)
        wait_store(sba, ssa)
        wait_store(sbb, ssb)

    return _edge_k


_edge_k1 = _make_edge_k(E1 // NW, E1 // NW // C)
_edge_k2 = _make_edge_k(E2 // NW, E2 // NW // C)


def _unpack_t(s_ref, nbr_ref, wne_ref, wno_ref, be_ref, bo_ref):
    sw = s_ref[...]
    lo = lax.bitcast_convert_type(jnp.left_shift(sw, 16), jnp.float32)
    hi = lax.bitcast_convert_type(jnp.bitwise_and(sw, HMASK), jnp.float32)
    nbr_t = nbr_ref[...]
    dn = (((0,), (0,)), ((), ()))
    te = lo + lax.dot_general(nbr_t, wne_ref[...], dn,
                              preferred_element_type=jnp.float32) + be_ref[...]
    to = hi + lax.dot_general(nbr_t, wno_ref[...], dn,
                              preferred_element_type=jnp.float32) + bo_ref[...]
    return te, to


def _stats_body(s_ref, nbr_ref, wne_ref, wno_ref, be_ref, bo_ref, o_ref):
    te, to = _unpack_t(s_ref, nbr_ref, wne_ref, wno_ref, be_ref, bo_ref)
    part = jnp.concatenate(
        [jnp.sum(te, axis=0), jnp.sum(to, axis=0),
         jnp.sum(te * te, axis=0), jnp.sum(to * to, axis=0)], axis=0)[None, :]

    @pl.when(pl.program_id(0) == 0)
    def _():
        o_ref[...] = part

    @pl.when(pl.program_id(0) != 0)
    def _():
        o_ref[...] += part


def _stats(s2d, nbr_t, wne, wno, be, bo, off):
    ex = s2d.shape[0]
    return pl.pallas_call(
        _stats_body,
        grid=(ex // BE,),
        in_specs=[pl.BlockSpec((BE, D), lambda i: (i, 0)),
                  pl.BlockSpec((DE, BE), lambda i: (0, i + off)),
                  pl.BlockSpec((DE, D), lambda i: (0, 0)),
                  pl.BlockSpec((DE, D), lambda i: (0, 0)),
                  pl.BlockSpec((1, D), lambda i: (0, 0)),
                  pl.BlockSpec((1, D), lambda i: (0, 0))],
        out_specs=pl.BlockSpec((1, 4 * D), lambda i: (0, 0)),
        out_shape=jax.ShapeDtypeStruct((1, 4 * D), jnp.float32),
    )(s2d, nbr_t, wne, wno, be, bo)


def _gate_body(s_ref, nbr_ref, wne_ref, wno_ref, be_ref, bo_ref,
               ae_ref, ao_ref, ce_ref, co_ref, o_ref):
    te, to = _unpack_t(s_ref, nbr_ref, wne_ref, wno_ref, be_ref, bo_ref)
    te = te * ae_ref[...] + ce_ref[...]
    to = to * ao_ref[...] + co_ref[...]

    def _sig(x):
        return 0.5 * jnp.tanh(0.5 * x) + 0.5

    def _sp(x):
        return x + jnp.log(1.0 + jnp.exp(-x))

    msg_e = _sig(te[:, :H]) * _sp(te[:, H:])
    msg_o = _sig(to[:, :H]) * _sp(to[:, H:])
    o_ref[...] = jnp.concatenate([msg_e, msg_o], axis=1)


def _gate(s2d, nbr_t, wne, wno, be, bo, ae, ao, ce, co, off):
    ex = s2d.shape[0]
    return pl.pallas_call(
        _gate_body,
        grid=(ex // BE,),
        in_specs=[pl.BlockSpec((BE, D), lambda i: (i, 0)),
                  pl.BlockSpec((DE, BE), lambda i: (0, i + off)),
                  pl.BlockSpec((DE, D), lambda i: (0, 0)),
                  pl.BlockSpec((DE, D), lambda i: (0, 0))]
        + [pl.BlockSpec((1, D), lambda i: (0, 0))] * 6,
        out_specs=pl.BlockSpec((BE, D), lambda i: (i, 0)),
        out_shape=jax.ShapeDtypeStruct((ex, D), jnp.float32),
    )(s2d, nbr_t, wne, wno, be, bo, ae, ao, ce, co)


def _make_scatter_k(epw, nch):
    @functools.partial(
        pl.kernel,
        out_type=[jax.ShapeDtypeStruct((N, D), jnp.float32),
                  jax.ShapeDtypeStruct((N, D), jnp.float32)],
        mesh=_MESH,
        scratch_types=[pltpu.VMEM((nch, C), jnp.int32),
                       pltpu.VMEM((C, D), jnp.float32),
                       pltpu.VMEM((C, D), jnp.float32),
                       pltpu.VMEM_SHARED((N, D), jnp.float32),
                       pltpu.SemaphoreType.DMA,
                       pltpu.SemaphoreType.DMA],
    )
    def _scatter_k(msg_hbm, dst_hbm, init0, init1, out0, out1,
                   didx, msga, msgb, shared, sla, slb):
        cid = lax.axis_index("c")
        sid = lax.axis_index("s")
        wid = sid * NC + cid
        rbase = sid * RA
        pltpu.sync_copy(dst_hbm.at[wid], didx)

        def init_from(src):
            @pl.when(sid < NS - 1)
            def _():
                pltpu.sync_copy(src.at[pl.ds(rbase, RA)],
                                shared.at[pl.ds(rbase, RA)])

            @pl.when(sid == NS - 1)
            def _():
                pltpu.sync_copy(src.at[pl.ds((NS - 1) * RA, RB)],
                                shared.at[pl.ds((NS - 1) * RA, RB)])

        @pl.when(cid == 0)
        def _():
            init_from(init0)

        @pl.when(cid == 1)
        def _():
            init_from(init1)

        plsc.subcore_barrier()
        base0 = wid * epw

        def wait_load(msgx, sl):
            pltpu.make_async_copy(msg_hbm.at[pl.ds(0, C)], msgx, sl).wait()

        pltpu.async_copy(msg_hbm.at[pl.ds(base0, C)], msga, sla)
        pltpu.async_copy(msg_hbm.at[pl.ds(base0 + C, C)], msgb, slb)

        def pair(k, acc):
            i0 = 2 * k
            i1 = 2 * k + 1
            wait_load(msga, sla)
            pltpu.sync_copy(msga, shared.at[didx.at[i0]], add=True)

            @pl.when(i0 + 2 < nch)
            def _():
                pltpu.async_copy(msg_hbm.at[pl.ds(base0 + (i0 + 2) * C, C)],
                                 msga, sla)

            wait_load(msgb, slb)
            pltpu.sync_copy(msgb, shared.at[didx.at[i1]], add=True)

            @pl.when(i1 + 2 < nch)
            def _():
                pltpu.async_copy(msg_hbm.at[pl.ds(base0 + (i1 + 2) * C, C)],
                                 msgb, slb)

            return acc

        lax.fori_loop(0, nch // 2, pair, 0)
        if nch % 2 == 1:
            wait_load(msga, sla)
            pltpu.sync_copy(msga, shared.at[didx.at[nch - 1]], add=True)
        plsc.subcore_barrier()

        @pl.when((cid == 0) & (sid < NS - 1))
        def _():
            pltpu.sync_copy(shared.at[pl.ds(rbase, RA)],
                            out0.at[pl.ds(rbase, RA)])

        @pl.when((cid == 0) & (sid == NS - 1))
        def _():
            pltpu.sync_copy(shared.at[pl.ds((NS - 1) * RA, RB)],
                            out0.at[pl.ds((NS - 1) * RA, RB)])

        @pl.when((cid == 1) & (sid < NS - 1))
        def _():
            pltpu.sync_copy(shared.at[pl.ds(rbase, RA)],
                            out1.at[pl.ds(rbase, RA)])

        @pl.when((cid == 1) & (sid == NS - 1))
        def _():
            pltpu.sync_copy(shared.at[pl.ds((NS - 1) * RA, RB)],
                            out1.at[pl.ds((NS - 1) * RA, RB)])

    return _scatter_k


_scatter_k1 = _make_scatter_k(E1 // NW, E1 // NW // C)
_scatter_k2 = _make_scatter_k(E2 // NW, E2 // NW // C)


def _final_body(u0_ref, u1_ref, atom_ref, g2_ref, b2_ref, o_ref):
    upd = u0_ref[...] + u1_ref[...]
    mean = jnp.mean(upd, axis=0, keepdims=True)
    var = jnp.mean((upd - mean) ** 2, axis=0, keepdims=True)
    nrm = (upd - mean) * lax.rsqrt(var + EPS) * g2_ref[...] + b2_ref[...]
    o_ref[...] = jax.nn.softplus(atom_ref[...] + nrm)


def _final(u0, u1, atom, g2, b2):
    return pl.pallas_call(
        _final_body,
        in_specs=[pl.BlockSpec((N, D), lambda: (0, 0))] * 3
        + [pl.BlockSpec((1, D), lambda: (0, 0))] * 2,
        out_specs=pl.BlockSpec((N, D), lambda: (0, 0)),
        out_shape=jax.ShapeDtypeStruct((N, D), jnp.float32),
    )(u0, u1, atom, g2, b2)


def kernel(atom_in_fea, nbr_fea, edge_src, edge_dst, W, b,
           g1, beta1, g2, beta2):
    ws = W[:, :D].T
    wd = W[:, D:2 * D].T
    wn = W[:, 2 * D:].T
    p_i, q_i = _pq(atom_in_fea, ws[:, 0::2], ws[:, 1::2],
                   wd[:, 0::2], wd[:, 1::2])

    nch1 = E1 // NW // C
    nch2 = E2 // NW // C
    src1 = edge_src[:E1].reshape(NW, nch1, C)
    dst1 = edge_dst[:E1].reshape(NW, nch1, C)
    src2 = edge_src[E1:].reshape(NW, nch2, C)
    dst2 = edge_dst[E1:].reshape(NW, nch2, C)

    s1 = _edge_k1(p_i, q_i, src1, dst1)
    s2 = _edge_k2(p_i, q_i, src2, dst2)

    nbr_t = nbr_fea.T
    wne = wn[:, 0::2]
    wno = wn[:, 1::2]
    be = b[0::2].reshape(1, D)
    bo = b[1::2].reshape(1, D)
    st1 = _stats(s1, nbr_t, wne, wno, be, bo, 0)
    st2 = _stats(s2, nbr_t, wne, wno, be, bo, E1 // BE)
    stats = st1 + st2

    rs = lax.rsqrt
    mean_e = stats[0, :D] / E
    mean_o = stats[0, D:2 * D] / E
    var_e = stats[0, 2 * D:3 * D] / E - mean_e * mean_e
    var_o = stats[0, 3 * D:] / E - mean_o * mean_o
    g1e, g1o = g1[0::2], g1[1::2]
    b1e, b1o = beta1[0::2], beta1[1::2]
    ae = (g1e * rs(var_e + EPS)).reshape(1, D)
    ao = (g1o * rs(var_o + EPS)).reshape(1, D)
    ce = (b1e - mean_e * g1e * rs(var_e + EPS)).reshape(1, D)
    co = (b1o - mean_o * g1o * rs(var_o + EPS)).reshape(1, D)

    msg1 = _gate(s1, nbr_t, wne, wno, be, bo, ae, ao, ce, co, 0)
    msg2 = _gate(s2, nbr_t, wne, wno, be, bo, ae, ao, ce, co, E1 // BE)

    zeros = jnp.zeros((N, D), jnp.float32)
    v0, v1 = _scatter_k1(msg1, dst1, zeros, zeros)
    u0, u1 = _scatter_k2(msg2, dst2, v0, v1)

    sigma = np.concatenate([np.arange(0, D, 2), np.arange(1, D, 2)])
    inv_sigma = np.argsort(sigma)
    atom_p = atom_in_fea[:, sigma]
    out_p = _final(u0, u1, atom_p,
                   g2[sigma].reshape(1, D), beta2[sigma].reshape(1, D))
    return out_p[:, inv_sigma]

# --- scband reference (transcript-rebuilt; emitter-appended) ---
"""Pipeline reference for scband-cgcnnlayer-23063974379747 (READ-ONLY COPY).

The authoritative reference and input builder live on the scoring server;
editing this copy changes nothing except your own understanding.
"""

import jax, jax.numpy as jnp
import numpy as np

N, E, D, DE = 10000, 320000, 128, 16
EPS = 1e-5


def setup_inputs(seed: int = 0) -> dict:
    key = jax.random.key(seed)
    ks = jax.random.split(key, 10)
    atom_in_fea = jax.random.normal(ks[0], (N, D), dtype=jnp.float32)
    nbr_fea = jax.random.normal(ks[1], (E, DE), dtype=jnp.float32)
    edge_src = jax.random.randint(ks[2], (E,), 0, N, dtype=jnp.int32)
    edge_dst = jax.random.randint(ks[3], (E,), 0, N, dtype=jnp.int32)
    # fc_full: Linear(2*D + DE -> 2*D)
    fan_in = 2 * D + DE
    bound = 1.0 / np.sqrt(fan_in)
    W = jax.random.uniform(ks[4], (2 * D, fan_in), minval=-bound, maxval=bound, dtype=jnp.float32)
    b = jax.random.uniform(ks[5], (2 * D,), minval=-bound, maxval=bound, dtype=jnp.float32)
    # BatchNorm params (freshly initialized, training mode -> batch stats)
    g1 = jnp.ones((2 * D,), dtype=jnp.float32)
    beta1 = jnp.zeros((2 * D,), dtype=jnp.float32)
    g2 = jnp.ones((D,), dtype=jnp.float32)
    beta2 = jnp.zeros((D,), dtype=jnp.float32)
    return {
        "atom_in_fea": atom_in_fea,
        "nbr_fea": nbr_fea,
        "edge_src": edge_src,
        "edge_dst": edge_dst,
        "W": W,
        "b": b,
        "g1": g1,
        "beta1": beta1,
        "g2": g2,
        "beta2": beta2,
    }


def _batchnorm(x, gamma, beta):
    mean = jnp.mean(x, axis=0)
    var = jnp.var(x, axis=0)  # biased variance, as torch BN uses for normalization
    return (x - mean) / jnp.sqrt(var + EPS) * gamma + beta


def reference(atom_in_fea, nbr_fea, edge_src, edge_dst, W, b, g1, beta1, g2, beta2):
    atom_src = jnp.take(atom_in_fea, edge_src, axis=0)
    atom_dst = jnp.take(atom_in_fea, edge_dst, axis=0)
    total_fea = jnp.concatenate([atom_src, atom_dst, nbr_fea], axis=1)
    total_fea = total_fea @ W.T + b
    total_fea = _batchnorm(total_fea, g1, beta1)
    filter_fea, core_fea = jnp.split(total_fea, 2, axis=1)
    filter_fea = jax.nn.sigmoid(filter_fea)
    core_fea = jax.nn.softplus(core_fea)
    nbr_msg = filter_fea * core_fea
    atom_update = jnp.zeros_like(atom_in_fea).at[edge_dst].add(nbr_msg)
    atom_update = _batchnorm(atom_update, g2, beta2)
    return jax.nn.softplus(atom_in_fea + atom_update)

if __name__ == "__main__":
    import jax
    _d = setup_inputs()
    print(jax.jit(kernel)(*tuple(_d.values())))

</pallas_src>

<mosaic_0001>
#map = affine_map<(d0, d1) -> (0, 0)>
#map1 = affine_map<(d0, d1) -> (0, 0, 0)>
module attributes {stable_mosaic.version = 14 : i64} {
  func.func @_edge_k(%arg0: i32, %arg1: i32, %arg2: memref<10000x128xi32, #tpu.memory_space<hbm>>, %arg3: memref<10000x128xi32, #tpu.memory_space<hbm>>, %arg4: memref<32x50x80xi32, #tpu.memory_space<hbm>>, %arg5: memref<32x50x80xi32, #tpu.memory_space<hbm>>, %arg6: memref<128000x128xi32, #tpu.memory_space<hbm>>, %arg7: memref<50x80xi32, #tpu.memory_space<vmem>>, %arg8: memref<50x80xi32, #tpu.memory_space<vmem>>, %arg9: memref<80x128xi32, #tpu.memory_space<vmem>>, %arg10: memref<80x128xi32, #tpu.memory_space<vmem>>, %arg11: memref<80x128xi32, #tpu.memory_space<vmem>>, %arg12: memref<80x128xi32, #tpu.memory_space<vmem>>, %arg13: memref<80x128xi32, #tpu.memory_space<vmem>>, %arg14: memref<80x128xi32, #tpu.memory_space<vmem>>, %arg15: memref<!tpu.dma_semaphore, #tpu.memory_space<semaphore_mem>>, %arg16: memref<!tpu.dma_semaphore, #tpu.memory_space<semaphore_mem>>, %arg17: memref<!tpu.dma_semaphore, #tpu.memory_space<semaphore_mem>>, %arg18: memref<!tpu.dma_semaphore, #tpu.memory_space<semaphore_mem>>, %arg19: memref<!tpu.dma_semaphore, #tpu.memory_space<semaphore_mem>>, %arg20: memref<!tpu.dma_semaphore, #tpu.memory_space<semaphore_mem>>) attributes {dimension_semantics = [#tpu.dimension_semantics<core_parallel>, #tpu.dimension_semantics<subcore_parallel>], iteration_bounds = array<i64: 2, 16>, scalar_prefetch = 0 : i64, scratch_operands = 14 : i64, tpu.core_type = #tpu.core_type<sc_vector_subcore>, window_params = [{transform_indices = #map}, {transform_indices = #map}, {transform_indices = #map1}, {transform_indices = #map1}, {transform_indices = #map}]} {
    %mul3A = arith.constant 2 : i32
    %mul3A_0 = arith.muli %arg1, %mul3A : i32
    %add3A = arith.addi %mul3A_0, %arg0 : i32
    %mul3A_1 = arith.constant 4000 : i32
    %mul3A_2 = arith.muli %add3A, %mul3A_1 : i32
    "tpu.region"() ({
      %run_scoped3A = tpu.sem_alloc : memref<!tpu.dma_semaphore, #tpu.memory_space<semaphore_mem>>
      %dma_start3A_42 = arith.constant 0 : i32
      %dma_start3A_43 = arith.constant 0 : i32
      %dma_start3A_44 = tpu.memref_slice %arg4[%add3A, %dma_start3A_42, %dma_start3A_43] : memref<32x50x80xi32, #tpu.memory_space<hbm>> -> memref<1x50x80xi32, #tpu.memory_space<hbm>>
      %dma_start3A_45 = tpu.memref_squeeze %dma_start3A_44 : memref<1x50x80xi32, #tpu.memory_space<hbm>> -> memref<50x80xi32, #tpu.memory_space<hbm>>
      %dma_start3A_46 = arith.constant 0 : i32
      %dma_start3A_47 = arith.constant 0 : i32
      %dma_start3A_48 = tpu.memref_slice %arg4[%add3A, %dma_start3A_46, %dma_start3A_47] : memref<32x50x80xi32, #tpu.memory_space<hbm>> -> memref<1x50x80xi32, #tpu.memory_space<hbm>>
      %dma_start3A_49 = tpu.memref_squeeze %dma_start3A_48 : memref<1x50x80xi32, #tpu.memory_space<hbm>> -> memref<50x80xi32, #tpu.memory_space<hbm>>
      tpu.enqueue_dma source(%dma_start3A_49 : memref<50x80xi32, #tpu.memory_space<hbm>>) target(%arg7 : memref<50x80xi32, #tpu.memory_space<vmem>>) target_semaphore(%run_scoped3A : memref<!tpu.dma_semaphore, #tpu.memory_space<semaphore_mem>>)
      %dma_wait3A_50 = arith.constant 0 : i32
      %dma_wait3A_51 = arith.constant 0 : i32
      %dma_wait3A_52 = tpu.memref_slice %arg4[%add3A, %dma_wait3A_50, %dma_wait3A_51] : memref<32x50x80xi32, #tpu.memory_space<hbm>> -> memref<1x50x80xi32, #tpu.memory_space<hbm>>
      %dma_wait3A_53 = tpu.memref_squeeze %dma_wait3A_52 : memref<1x50x80xi32, #tpu.memory_space<hbm>> -> memref<50x80xi32, #tpu.memory_space<hbm>>
      %dma_wait3A_54 = arith.constant 0 : i32
      %dma_wait3A_55 = arith.constant 0 : i32
      %dma_wait3A_56 = tpu.memref_slice %arg4[%add3A, %dma_wait3A_54, %dma_wait3A_55] : memref<32x50x80xi32, #tpu.memory_space<hbm>> -> memref<1x50x80xi32, #tpu.memory_space<hbm>>
      %dma_wait3A_57 = tpu.memref_squeeze %dma_wait3A_56 : memref<1x50x80xi32, #tpu.memory_space<hbm>> -> memref<50x80xi32, #tpu.memory_space<hbm>>
      tpu.wait_dma2 semaphore(%run_scoped3A : memref<!tpu.dma_semaphore, #tpu.memory_space<semaphore_mem>>) src(%dma_wait3A_57 : memref<50x80xi32, #tpu.memory_space<hbm>>) dst(%arg7 : memref<50x80xi32, #tpu.memory_space<vmem>>)
      tpu.yield
    }) : () -> ()
    "tpu.region"() ({
      %run_scoped3A = tpu.sem_alloc : memref<!tpu.dma_semaphore, #tpu.memory_space<semaphore_mem>>
      %dma_start3A_42 = arith.constant 0 : i32
      %dma_start3A_43 = arith.constant 0 : i32
      %dma_start3A_44 = tpu.memref_slice %arg5[%add3A, %dma_start3A_42, %dma_start3A_43] : memref<32x50x80xi32, #tpu.memory_space<hbm>> -> memref<1x50x80xi32, #tpu.memory_space<hbm>>
      %dma_start3A_45 = tpu.memref_squeeze %dma_start3A_44 : memref<1x50x80xi32, #tpu.memory_space<hbm>> -> memref<50x80xi32, #tpu.memory_space<hbm>>
      %dma_start3A_46 = arith.constant 0 : i32
      %dma_start3A_47 = arith.constant 0 : i32
      %dma_start3A_48 = tpu.memref_slice %arg5[%add3A, %dma_start3A_46, %dma_start3A_47] : memref<32x50x80xi32, #tpu.memory_space<hbm>> -> memref<1x50x80xi32, #tpu.memory_space<hbm>>
      %dma_start3A_49 = tpu.memref_squeeze %dma_start3A_48 : memref<1x50x80xi32, #tpu.memory_space<hbm>> -> memref<50x80xi32, #tpu.memory_space<hbm>>
      tpu.enqueue_dma source(%dma_start3A_49 : memref<50x80xi32, #tpu.memory_space<hbm>>) target(%arg8 : memref<50x80xi32, #tpu.memory_space<vmem>>) target_semaphore(%run_scoped3A : memref<!tpu.dma_semaphore, #tpu.memory_space<semaphore_mem>>)
      %dma_wait3A_50 = arith.constant 0 : i32
      %dma_wait3A_51 = arith.constant 0 : i32
      %dma_wait3A_52 = tpu.memref_slice %arg5[%add3A, %dma_wait3A_50, %dma_wait3A_51] : memref<32x50x80xi32, #tpu.memory_space<hbm>> -> memref<1x50x80xi32, #tpu.memory_space<hbm>>
      %dma_wait3A_53 = tpu.memref_squeeze %dma_wait3A_52 : memref<1x50x80xi32, #tpu.memory_space<hbm>> -> memref<50x80xi32, #tpu.memory_space<hbm>>
      %dma_wait3A_54 = arith.constant 0 : i32
      %dma_wait3A_55 = arith.constant 0 : i32
      %dma_wait3A_56 = tpu.memref_slice %arg5[%add3A, %dma_wait3A_54, %dma_wait3A_55] : memref<32x50x80xi32, #tpu.memory_space<hbm>> -> memref<1x50x80xi32, #tpu.memory_space<hbm>>
      %dma_wait3A_57 = tpu.memref_squeeze %dma_wait3A_56 : memref<1x50x80xi32, #tpu.memory_space<hbm>> -> memref<50x80xi32, #tpu.memory_space<hbm>>
      tpu.wait_dma2 semaphore(%run_scoped3A : memref<!tpu.dma_semaphore, #tpu.memory_space<semaphore_mem>>) src(%dma_wait3A_57 : memref<50x80xi32, #tpu.memory_space<hbm>>) dst(%arg8 : memref<50x80xi32, #tpu.memory_space<vmem>>)
      tpu.yield
    }) : () -> ()
    %dma_start3A = arith.constant 0 : i32
    %dma_start3A_3 = arith.constant 0 : i32
    %dma_start3A_4 = tpu.memref_slice %arg7[%dma_start3A, %dma_start3A_3] : memref<50x80xi32, #tpu.memory_space<vmem>> -> memref<1x80xi32, #tpu.memory_space<vmem>>
    %dma_start3A_5 = tpu.memref_squeeze %dma_start3A_4 : memref<1x80xi32, #tpu.memory_space<vmem>> -> memref<80xi32, #tpu.memory_space<vmem>>
    %dma_start3A_6 = arith.constant 0 : i32
    %dma_start3A_7 = arith.constant 0 : i32
    %dma_start3A_8 = tpu.memref_slice %arg2[%dma_start3A_6, %dma_start3A_7] : memref<10000x128xi32, #tpu.memory_space<hbm>> -> memref<10000x128xi32, #tpu.memory_space<hbm>>
    tpu.enqueue_indirect_dma source(%dma_start3A_8 : memref<10000x128xi32, #tpu.memory_space<hbm>>) target(%arg9 : memref<80x128xi32, #tpu.memory_space<vmem>>) offsets(%dma_start3A_5 : memref<80xi32, #tpu.memory_space<vmem>>) semaphore(%arg15 : memref<!tpu.dma_semaphore, #tpu.memory_space<semaphore_mem>>)
    %dma_start3A_9 = arith.constant 0 : i32
    %dma_start3A_10 = arith.constant 0 : i32
    %dma_start3A_11 = tpu.memref_slice %arg8[%dma_start3A_9, %dma_start3A_10] : memref<50x80xi32, #tpu.memory_space<vmem>> -> memref<1x80xi32, #tpu.memory_space<vmem>>
    %dma_start3A_12 = tpu.memref_squeeze %dma_start3A_11 : memref<1x80xi32, #tpu.memory_space<vmem>> -> memref<80xi32, #tpu.memory_space<vmem>>
    %dma_start3A_13 = arith.constant 0 : i32
    %dma_start3A_14 = arith.constant 0 : i32
    %dma_start3A_15 = tpu.memref_slice %arg3[%dma_start3A_13, %dma_start3A_14] : memref<10000x128xi32, #tpu.memory_space<hbm>> -> memref<10000x128xi32, #tpu.memory_space<hbm>>
    tpu.enqueue_indirect_dma source(%dma_start3A_15 : memref<10000x128xi32, #tpu.memory_space<hbm>>) target(%arg10 : memref<80x128xi32, #tpu.memory_space<vmem>>) offsets(%dma_start3A_12 : memref<80xi32, #tpu.memory_space<vmem>>) semaphore(%arg16 : memref<!tpu.dma_semaphore, #tpu.memory_space<semaphore_mem>>)
    %dma_start3A_16 = arith.constant 1 : i32
    %dma_start3A_17 = arith.constant 0 : i32
    %dma_start3A_18 = tpu.memref_slice %arg7[%dma_start3A_16, %dma_start3A_17] : memref<50x80xi32, #tpu.memory_space<vmem>> -> memref<1x80xi32, #tpu.memory_space<vmem>>
    %dma_start3A_19 = tpu.memref_squeeze %dma_start3A_18 : memref<1x80xi32, #tpu.memory_space<vmem>> -> memref<80xi32, #tpu.memory_space<vmem>>
    %dma_start3A_20 = arith.constant 0 : i32
    %dma_start3A_21 = arith.constant 0 : i32
    %dma_start3A_22 = tpu.memref_slice %arg2[%dma_start3A_20, %dma_start3A_21] : memref<10000x128xi32, #tpu.memory_space<hbm>> -> memref<10000x128xi32, #tpu.memory_space<hbm>>
    tpu.enqueue_indirect_dma source(%dma_start3A_22 : memref<10000x128xi32, #tpu.memory_space<hbm>>) target(%arg12 : memref<80x128xi32, #tpu.memory_space<vmem>>) offsets(%dma_start3A_19 : memref<80xi32, #tpu.memory_space<vmem>>) semaphore(%arg18 : memref<!tpu.dma_semaphore, #tpu.memory_space<semaphore_mem>>)
    %dma_start3A_23 = arith.constant 1 : i32
    %dma_start3A_24 = arith.constant 0 : i32
    %dma_start3A_25 = tpu.memref_slice %arg8[%dma_start3A_23, %dma_start3A_24] : memref<50x80xi32, #tpu.memory_space<vmem>> -> memref<1x80xi32, #tpu.memory_space<vmem>>
    %dma_start3A_26 = tpu.memref_squeeze %dma_start3A_25 : memref<1x80xi32, #tpu.memory_space<vmem>> -> memref<80xi32, #tpu.memory_space<vmem>>
    %dma_start3A_27 = arith.constant 0 : i32
    %dma_start3A_28 = arith.constant 0 : i32
    %dma_start3A_29 = tpu.memref_slice %arg3[%dma_start3A_27, %dma_start3A_28] : memref<10000x128xi32, #tpu.memory_space<hbm>> -> memref<10000x128xi32, #tpu.memory_space<hbm>>
    tpu.enqueue_indirect_dma source(%dma_start3A_29 : memref<10000x128xi32, #tpu.memory_space<hbm>>) target(%arg13 : memref<80x128xi32, #tpu.memory_space<vmem>>) offsets(%dma_start3A_26 : memref<80xi32, #tpu.memory_space<vmem>>) semaphore(%arg19 : memref<!tpu.dma_semaphore, #tpu.memory_space<semaphore_mem>>)
    %scan3A = arith.constant 0 : i32
    %scan3A_30 = arith.constant 0 : i32
    %scan3A_31 = arith.constant 25 : i32
    %scan3A_32 = arith.addi %scan3A_30, %scan3A_31 : i32
    %scan3A_33 = arith.constant 1 : i32
    scf.for %scan3A_42 = %scan3A_30 to %scan3A_32 step %scan3A_33  : i32 {
      %mul3A_43 = arith.constant 2 : i32
      %mul3A_44 = arith.muli %mul3A_43, %scan3A_42 : i32
      %mul3A_45 = arith.constant 2 : i32
      %mul3A_46 = arith.muli %mul3A_45, %scan3A_42 : i32
      %add3A_47 = arith.constant 1 : i32
      %add3A_48 = arith.addi %mul3A_46, %add3A_47 : i32
      %dma_wait3A_49 = arith.constant 0 : i32
      %dma_wait3A_50 = arith.constant 0 : i32
      %dma_wait3A_51 = tpu.memref_slice %arg2[%dma_wait3A_49, %dma_wait3A_50] : memref<10000x128xi32, #tpu.memory_space<hbm>> -> memref<80x128xi32, #tpu.memory_space<hbm>>
      %dma_wait3A_52 = arith.constant 0 : i32
      %dma_wait3A_53 = arith.constant 0 : i32
      %dma_wait3A_54 = tpu.memref_slice %arg2[%dma_wait3A_52, %dma_wait3A_53] : memref<10000x128xi32, #tpu.memory_space<hbm>> -> memref<80x128xi32, #tpu.memory_space<hbm>>
      tpu.wait_dma2 semaphore(%arg15 : memref<!tpu.dma_semaphore, #tpu.memory_space<semaphore_mem>>) src(%dma_wait3A_54 : memref<80x128xi32, #tpu.memory_space<hbm>>) dst(%arg9 : memref<80x128xi32, #tpu.memory_space<vmem>>)
      %dma_wait3A_55 = arith.constant 0 : i32
      %dma_wait3A_56 = arith.constant 0 : i32
      %dma_wait3A_57 = tpu.memref_slice %arg3[%dma_wait3A_55, %dma_wait3A_56] : memref<10000x128xi32, #tpu.memory_space<hbm>> -> memref<80x128xi32, #tpu.memory_space<hbm>>
      %dma_wait3A_58 = arith.constant 0 : i32
      %dma_wait3A_59 = arith.constant 0 : i32
      %dma_wait3A_60 = tpu.memref_slice %arg3[%dma_wait3A_58, %dma_wait3A_59] : memref<10000x128xi32, #tpu.memory_space<hbm>> -> memref<80x128xi32, #tpu.memory_space<hbm>>
      tpu.wait_dma2 semaphore(%arg16 : memref<!tpu.dma_semaphore, #tpu.memory_space<semaphore_mem>>) src(%dma_wait3A_60 : memref<80x128xi32, #tpu.memory_space<hbm>>) dst(%arg10 : memref<80x128xi32, #tpu.memory_space<vmem>>)
      %gt3A = arith.constant 0 : i32
      %gt3A_61 = arith.cmpi sgt, %scan3A_42, %gt3A : i32
      %convert_element_type3A = arith.extui %gt3A_61 : i1 to i32
      %cond3A = arith.constant 0 : i32
      %cond3A_62 = arith.cmpi ne, %convert_element_type3A, %cond3A : i32
      scf.if %cond3A_62 {
        %dma_wait3A_119 = arith.constant 0 : i32
        %dma_wait3A_120 = tpu.memref_slice %arg6[%mul3A_2, %dma_wait3A_119] : memref<128000x128xi32, #tpu.memory_space<hbm>> -> memref<80x128xi32, #tpu.memory_space<hbm>>
        %dma_wait3A_121 = arith.constant 0 : i32
        %dma_wait3A_122 = tpu.memref_slice %arg6[%mul3A_2, %dma_wait3A_121] : memref<128000x128xi32, #tpu.memory_space<hbm>> -> memref<80x128xi32, #tpu.memory_space<hbm>>
        tpu.wait_dma2 semaphore(%arg17 : memref<!tpu.dma_semaphore, #tpu.memory_space<semaphore_mem>>) src(%arg11 : memref<80x128xi32, #tpu.memory_space<vmem>>) dst(%dma_wait3A_122 : memref<80x128xi32, #tpu.memory_space<hbm>>)
      } else {
      }
      %scan3A_63 = arith.constant 0 : i32
      %scan3A_64 = arith.constant 0 : i32
      %scan3A_65 = arith.constant 80 : i32
      %scan3A_66 = arith.addi %scan3A_64, %scan3A_65 : i32
      %scan3A_67 = arith.constant 1 : i32
      scf.for %scan3A_119 = %scan3A_64 to %scan3A_66 step %scan3A_67  : i32 {
        %get3A = arith.index_cast %scan3A_119 : i32 to index
        %get3A_120 = arith.constant 0 : index
        %get3A_121 = tpu.vector_load %arg9[%get3A, %get3A_120] {strides = array<i32>} : memref<80x128xi32, #tpu.memory_space<vmem>>, vector<1x16xi32>,
        %get3A_122 = vector.shape_cast %get3A_121 : vector<1x16xi32> to vector<16xi32>
        %get3A_123 = arith.index_cast %scan3A_119 : i32 to index
        %get3A_124 = arith.constant 0 : index
        %get3A_125 = tpu.vector_load %arg10[%get3A_123, %get3A_124] {strides = array<i32>} : memref<80x128xi32, #tpu.memory_space<vmem>>, vector<1x16xi32>,
        %get3A_126 = vector.shape_cast %get3A_125 : vector<1x16xi32> to vector<16xi32>
        %shift_left3A = arith.constant 16 : i32
        %shift_left3A_127 = vector.broadcast %shift_left3A : i32 to vector<16xi32>
        %shift_left3A_128 = arith.shli %get3A_122, %shift_left3A_127 : vector<16xi32>
        %bitcast_convert_type3A = tpu.bitcast %shift_left3A_128 : vector<16xi32> -> vector<16xf32>
        %shift_left3A_129 = arith.constant 16 : i32
        %shift_left3A_130 = vector.broadcast %shift_left3A_129 : i32 to vector<16xi32>
        %shift_left3A_131 = arith.shli %get3A_126, %shift_left3A_130 : vector<16xi32>
        %bitcast_convert_type3A_132 = tpu.bitcast %shift_left3A_131 : vector<16xi32> -> vector<16xf32>
        %add3A_133 = arith.addf %bitcast_convert_type3A, %bitcast_convert_type3A_132 : vector<16xf32>
        %and3A = arith.constant -65536 : i32
        %and3A_134 = vector.broadcast %and3A : i32 to vector<16xi32>
        %and3A_135 = arith.andi %get3A_122, %and3A_134 : vector<16xi32>
        %bitcast_convert_type3A_136 = tpu.bitcast %and3A_135 : vector<16xi32> -> vector<16xf32>
        %and3A_137 = arith.constant -65536 : i32
        %and3A_138 = vector.broadcast %and3A_137 : i32 to vector<16xi32>
        %and3A_139 = arith.andi %get3A_126, %and3A_138 : vector<16xi32>
        %bitcast_convert_type3A_140 = tpu.bitcast %and3A_139 : vector<16xi32> -> vector<16xf32>
        %add3A_141 = arith.addf %bitcast_convert_type3A_136, %bitcast_convert_type3A_140 : vector<16xf32>
        %bitcast_convert_type3A_142 = tpu.bitcast %add3A_133 : vector<16xf32> -> vector<16xi32>
        %add3A_143 = arith.constant 32768 : i32
        %add3A_144 = vector.broadcast %add3A_143 : i32 to vector<16xi32>
        %add3A_145 = arith.addi %bitcast_convert_type3A_142, %add3A_144 : vector<16xi32>
        %shift_right_arithmetic3A = arith.constant 16 : i32
        %shift_right_arithmetic3A_146 = vector.broadcast %shift_right_arithmetic3A : i32 to vector<16xi32>
        %shift_right_arithmetic3A_147 = arith.shrsi %add3A_145, %shift_right_arithmetic3A_146 : vector<16xi32>
        %and3A_148 = arith.constant 65535 : i32
        %and3A_149 = vector.broadcast %and3A_148 : i32 to vector<16xi32>
        %and3A_150 = arith.andi %shift_right_arithmetic3A_147, %and3A_149 : vector<16xi32>
        %bitcast_convert_type3A_151 = tpu.bitcast %add3A_141 : vector<16xf32> -> vector<16xi32>
        %add3A_152 = arith.constant 32768 : i32
        %add3A_153 = vector.broadcast %add3A_152 : i32 to vector<16xi32>
        %add3A_154 = arith.addi %bitcast_convert_type3A_151, %add3A_153 : vector<16xi32>
        %and3A_155 = arith.constant -65536 : i32
        %and3A_156 = vector.broadcast %and3A_155 : i32 to vector<16xi32>
        %and3A_157 = arith.andi %add3A_154, %and3A_156 : vector<16xi32>
        %or3A = arith.ori %and3A_150, %and3A_157 : vector<16xi32>
        %swap3A = arith.index_cast %scan3A_119 : i32 to index
        %swap3A_158 = arith.constant 0 : index
        %swap3A_159 = tpu.vector_load %arg11[%swap3A, %swap3A_158] {strides = array<i32>} : memref<80x128xi32, #tpu.memory_space<vmem>>, vector<1x16xi32>,
        %swap3A_160 = vector.shape_cast %swap3A_159 : vector<1x16xi32> to vector<16xi32>
        %swap3A_161 = vector.shape_cast %or3A : vector<16xi32> to vector<1x16xi32>
        tpu.vector_store %arg11[%swap3A, %swap3A_158], %swap3A_161 {strides = array<i32>} : memref<80x128xi32, #tpu.memory_space<vmem>>, vector<1x16xi32>,
        %get3A_162 = arith.index_cast %scan3A_119 : i32 to index
        %get3A_163 = arith.constant 16 : index
        %get3A_164 = tpu.vector_load %arg9[%get3A_162, %get3A_163] {strides = array<i32>} : memref<80x128xi32, #tpu.memory_space<vmem>>, vector<1x16xi32>,
        %get3A_165 = vector.shape_cast %get3A_164 : vector<1x16xi32> to vector<16xi32>
        %get3A_166 = arith.index_cast %scan3A_119 : i32 to index
        %get3A_167 = arith.constant 16 : index
        %get3A_168 = tpu.vector_load %arg10[%get3A_166, %get3A_167] {strides = array<i32>} : memref<80x128xi32, #tpu.memory_space<vmem>>, vector<1x16xi32>,
        %get3A_169 = vector.shape_cast %get3A_168 : vector<1x16xi32> to vector<16xi32>
        %shift_left3A_170 = arith.constant 16 : i32
        %shift_left3A_171 = vector.broadcast %shift_left3A_170 : i32 to vector<16xi32>
        %shift_left3A_172 = arith.shli %get3A_165, %shift_left3A_171 : vector<16xi32>
        %bitcast_convert_type3A_173 = tpu.bitcast %shift_left3A_172 : vector<16xi32> -> vector<16xf32>
        %shift_left3A_174 = arith.constant 16 : i32
        %shift_left3A_175 = vector.broadcast %shift_left3A_174 : i32 to vector<16xi32>
        %shift_left3A_176 = arith.shli %get3A_169, %shift_left3A_175 : vector<16xi32>
        %bitcast_convert_type3A_177 = tpu.bitcast %shift_left3A_176 : vector<16xi32> -> vector<16xf32>
        %add3A_178 = arith.addf %bitcast_convert_type3A_173, %bitcast_convert_type3A_177 : vector<16xf32>
        %and3A_179 = arith.constant -65536 : i32
        %and3A_180 = vector.broadcast %and3A_179 : i32 to vector<16xi32>
        %and3A_181 = arith.andi %get3A_165, %and3A_180 : vector<16xi32>
        %bitcast_convert_type3A_182 = tpu.bitcast %and3A_181 : vector<16xi32> -> vector<16xf32>
        %and3A_183 = arith.constant -65536 : i32
        %and3A_184 = vector.broadcast %and3A_183 : i32 to vector<16xi32>
        %and3A_185 = arith.andi %get3A_169, %and3A_184 : vector<16xi32>
        %bitcast_convert_type3A_186 = tpu.bitcast %and3A_185 : vector<16xi32> -> vector<16xf32>
        %add3A_187 = arith.addf %bitcast_convert_type3A_182, %bitcast_convert_type3A_186 : vector<16xf32>
        %bitcast_convert_type3A_188 = tpu.bitcast %add3A_178 : vector<16xf32> -> vector<16xi32>
        %add3A_189 = arith.constant 32768 : i32
        %add3A_190 = vector.broadcast %add3A_189 : i32 to vector<16xi32>
        %add3A_191 = arith.addi %bitcast_convert_type3A_188, %add3A_190 : vector<16xi32>
        %shift_right_arithmetic3A_192 = arith.constant 16 : i32
        %shift_right_arithmetic3A_193 = vector.broadcast %shift_right_arithmetic3A_192 : i32 to vector<16xi32>
        %shift_right_arithmetic3A_194 = arith.shrsi %add3A_191, %shift_right_arithmetic3A_193 : vector<16xi32>
        %and3A_195 = arith.constant 65535 : i32
        %and3A_196 = vector.broadcast %and3A_195 : i32 to vector<16xi32>
        %and3A_197 = arith.andi %shift_right_arithmetic3A_194, %and3A_196 : vector<16xi32>
        %bitcast_convert_type3A_198 = tpu.bitcast %add3A_187 : vector<16xf32> -> vector<16xi32>
        %add3A_199 = arith.constant 32768 : i32
        %add3A_200 = vector.broadcast %add3A_199 : i32 to vector<16xi32>
        %add3A_201 = arith.addi %bitcast_convert_type3A_198, %add3A_200 : vector<16xi32>
        %and3A_202 = arith.constant -65536 : i32
        %and3A_203 = vector.broadcast %and3A_202 : i32 to vector<16xi32>
        %and3A_204 = arith.andi %add3A_201, %and3A_203 : vector<16xi32>
        %or3A_205 = arith.ori %and3A_197, %and3A_204 : vector<16xi32>
        %swap3A_206 = arith.index_cast %scan3A_119 : i32 to index
        %swap3A_207 = arith.constant 16 : index
        %swap3A_208 = tpu.vector_load %arg11[%swap3A_206, %swap3A_207] {strides = array<i32>} : memref<80x128xi32, #tpu.memory_space<vmem>>, vector<1x16xi32>,
        %swap3A_209 = vector.shape_cast %swap3A_208 : vector<1x16xi32> to vector<16xi32>
        %swap3A_210 = vector.shape_cast %or3A_205 : vector<16xi32> to vector<1x16xi32>
        tpu.vector_store %arg11[%swap3A_206, %swap3A_207], %swap3A_210 {strides = array<i32>} : memref<80x128xi32, #tpu.memory_space<vmem>>, vector<1x16xi32>,
        %get3A_211 = arith.index_cast %scan3A_119 : i32 to index
        %get3A_212 = arith.constant 32 : index
        %get3A_213 = tpu.vector_load %arg9[%get3A_211, %get3A_212] {strides = array<i32>} : memref<80x128xi32, #tpu.memory_space<vmem>>, vector<1x16xi32>,
        %get3A_214 = vector.shape_cast %get3A_213 : vector<1x16xi32> to vector<16xi32>
        %get3A_215 = arith.index_cast %scan3A_119 : i32 to index
        %get3A_216 = arith.constant 32 : index
        %get3A_217 = tpu.vector_load %arg10[%get3A_215, %get3A_216] {strides = array<i32>} : memref<80x128xi32, #tpu.memory_space<vmem>>, vector<1x16xi32>,
        %get3A_218 = vector.shape_cast %get3A_217 : vector<1x16xi32> to vector<16xi32>
        %shift_left3A_219 = arith.constant 16 : i32
        %shift_left3A_220 = vector.broadcast %shift_left3A_219 : i32 to vector<16xi32>
        %shift_left3A_221 = arith.shli %get3A_214, %shift_left3A_220 : vector<16xi32>
        %bitcast_convert_type3A_222 = tpu.bitcast %shift_left3A_221 : vector<16xi32> -> vector<16xf32>
        %shift_left3A_223 = arith.constant 16 : i32
        %shift_left3A_224 = vector.broadcast %shift_left3A_223 : i32 to vector<16xi32>
        %shift_left3A_225 = arith.shli %get3A_218, %shift_left3A_224 : vector<16xi32>
        %bitcast_convert_type3A_226 = tpu.bitcast %shift_left3A_225 : vector<16xi32> -> vector<16xf32>
        %add3A_227 = arith.addf %bitcast_convert_type3A_222, %bitcast_convert_type3A_226 : vector<16xf32>
        %and3A_228 = arith.constant -65536 : i32
        %and3A_229 = vector.broadcast %and3A_228 : i32 to vector<16xi32>
        %and3A_230 = arith.andi %get3A_214, %and3A_229 : vector<16xi32>
        %bitcast_convert_type3A_231 = tpu.bitcast %and3A_230 : vector<16xi32> -> vector<16xf32>
        %and3A_232 = arith.constant -65536 : i32
        %and3A_233 = vector.broadcast %and3A_232 : i32 to vector<16xi32>
        %and3A_234 = arith.andi %get3A_218, %and3A_233 : vector<16xi32>
        %bitcast_convert_type3A_235 = tpu.bitcast %and3A_234 : vector<16xi32> -> vector<16xf32>
        %add3A_236 = arith.addf %bitcast_convert_type3A_231, %bitcast_convert_type3A_235 : vector<16xf32>
        %bitcast_convert_type3A_237 = tpu.bitcast %add3A_227 : vector<16xf32> -> vector<16xi32>
        %add3A_238 = arith.constant 32768 : i32
        %add3A_239 = vector.broadcast %add3A_238 : i32 to vector<16xi32>
        %add3A_240 = arith.addi %bitcast_convert_type3A_237, %add3A_239 : vector<16xi32>
        %shift_right_arithmetic3A_241 = arith.constant 16 : i32
        %shift_right_arithmetic3A_242 = vector.broadcast %shift_right_arithmetic3A_241 : i32 to vector<16xi32>
        %shift_right_arithmetic3A_243 = arith.shrsi %add3A_240, %shift_right_arithmetic3A_242 : vector<16xi32>
        %and3A_244 = arith.constant 65535 : i32
        %and3A_245 = vector.broadcast %and3A_244 : i32 to vector<16xi32>
        %and3A_246 = arith.andi %shift_right_arithmetic3A_243, %and3A_245 : vector<16xi32>
        %bitcast_convert_type3A_247 = tpu.bitcast %add3A_236 : vector<16xf32> -> vector<16xi32>
        %add3A_248 = arith.constant 32768 : i32
        %add3A_249 = vector.broadcast %add3A_248 : i32 to vector<16xi32>
        %add3A_250 = arith.addi %bitcast_convert_type3A_247, %add3A_249 : vector<16xi32>
        %and3A_251 = arith.constant -65536 : i32
        %and3A_252 = vector.broadcast %and3A_251 : i32 to vector<16xi32>
        %and3A_253 = arith.andi %add3A_250, %and3A_252 : vector<16xi32>
        %or3A_254 = arith.ori %and3A_246, %and3A_253 : vector<16xi32>
        %swap3A_255 = arith.index_cast %scan3A_119 : i32 to index
        %swap3A_256 = arith.constant 32 : index
        %swap3A_257 = tpu.vector_load %arg11[%swap3A_255, %swap3A_256] {strides = array<i32>} : memref<80x128xi32, #tpu.memory_space<vmem>>, vector<1x16xi32>,
        %swap3A_258 = vector.shape_cast %swap3A_257 : vector<1x16xi32> to vector<16xi32>
        %swap3A_259 = vector.shape_cast %or3A_254 : vector<16xi32> to vector<1x16xi32>
        tpu.vector_store %arg11[%swap3A_255, %swap3A_256], %swap3A_259 {strides = array<i32>} : memref<80x128xi32, #tpu.memory_space<vmem>>, vector<1x16xi32>,
        %get3A_260 = arith.index_cast %scan3A_119 : i32 to index
        %get3A_261 = arith.constant 48 : index
        %get3A_262 = tpu.vector_load %arg9[%get3A_260, %get3A_261] {strides = array<i32>} : memref<80x128xi32, #tpu.memory_space<vmem>>, vector<1x16xi32>,
        %get3A_263 = vector.shape_cast %get3A_262 : vector<1x16xi32> to vector<16xi32>
        %get3A_264 = arith.index_cast %scan3A_119 : i32 to index
        %get3A_265 = arith.constant 48 : index
        %get3A_266 = tpu.vector_load %arg10[%get3A_264, %get3A_265] {strides = array<i32>} : memref<80x128xi32, #tpu.memory_space<vmem>>, vector<1x16xi32>,
        %get3A_267 = vector.shape_cast %get3A_266 : vector<1x16xi32> to vector<16xi32>
        %shift_left3A_268 = arith.constant 16 : i32
        %shift_left3A_269 = vector.broadcast %shift_left3A_268 : i32 to vector<16xi32>
        %shift_left3A_270 = arith.shli %get3A_263, %shift_left3A_269 : vector<16xi32>
        %bitcast_convert_type3A_271 = tpu.bitcast %shift_left3A_270 : vector<16xi32> -> vector<16xf32>
        %shift_left3A_272 = arith.constant 16 : i32
        %shift_left3A_273 = vector.broadcast %shift_left3A_272 : i32 to vector<16xi32>
        %shift_left3A_274 = arith.shli %get3A_267, %shift_left3A_273 : vector<16xi32>
        %bitcast_convert_type3A_275 = tpu.bitcast %shift_left3A_274 : vector<16xi32> -> vector<16xf32>
        %add3A_276 = arith.addf %bitcast_convert_type3A_271, %bitcast_convert_type3A_275 : vector<16xf32>
        %and3A_277 = arith.constant -65536 : i32
        %and3A_278 = vector.broadcast %and3A_277 : i32 to vector<16xi32>
        %and3A_279 = arith.andi %get3A_263, %and3A_278 : vector<16xi32>
        %bitcast_convert_type3A_280 = tpu.bitcast %and3A_279 : vector<16xi32> -> vector<16xf32>
        %and3A_281 = arith.constant -65536 : i32
        %and3A_282 = vector.broadcast %and3A_281 : i32 to vector<16xi32>
        %and3A_283 = arith.andi %get3A_267, %and3A_282 : vector<16xi32>
        %bitcast_convert_type3A_284 = tpu.bitcast %and3A_283 : vector<16xi32> -> vector<16xf32>
        %add3A_285 = arith.addf %bitcast_convert_type3A_280, %bitcast_convert_type3A_284 : vector<16xf32>
        %bitcast_convert_type3A_286 = tpu.bitcast %add3A_276 : vector<16xf32> -> vector<16xi32>
        %add3A_287 = arith.constant 32768 : i32
        %add3A_288 = vector.broadcast %add3A_287 : i32 to vector<16xi32>
        %add3A_289 = arith.addi %bitcast_convert_type3A_286, %add3A_288 : vector<16xi32>
        %shift_right_arithmetic3A_290 = arith.constant 16 : i32
        %shift_right_arithmetic3A_291 = vector.broadcast %shift_right_arithmetic3A_290 : i32 to vector<16xi32>
        %shift_right_arithmetic3A_292 = arith.shrsi %add3A_289, %shift_right_arithmetic3A_291 : vector<16xi32>
        %and3A_293 = arith.constant 65535 : i32
        %and3A_294 = vector.broadcast %and3A_293 : i32 to vector<16xi32>
        %and3A_295 = arith.andi %shift_right_arithmetic3A_292, %and3A_294 : vector<16xi32>
        %bitcast_convert_type3A_296 = tpu.bitcast %add3A_285 : vector<16xf32> -> vector<16xi32>
        %add3A_297 = arith.constant 32768 : i32
        %add3A_298 = vector.broadcast %add3A_297 : i32 to vector<16xi32>
        %add3A_299 = arith.addi %bitcast_convert_type3A_296, %add3A_298 : vector<16xi32>
        %and3A_300 = arith.constant -65536 : i32
        %and3A_301 = vector.broadcast %and3A_300 : i32 to vector<16xi32>
        %and3A_302 = arith.andi %add3A_299, %and3A_301 : vector<16xi32>
        %or3A_303 = arith.ori %and3A_295, %and3A_302 : vector<16xi32>
        %swap3A_304 = arith.index_cast %scan3A_119 : i32 to index
        %swap3A_305 = arith.constant 48 : index
        %swap3A_306 = tpu.vector_load %arg11[%swap3A_304, %swap3A_305] {strides = array<i32>} : memref<80x128xi32, #tpu.memory_space<vmem>>, vector<1x16xi32>,
        %swap3A_307 = vector.shape_cast %swap3A_306 : vector<1x16xi32> to vector<16xi32>
        %swap3A_308 = vector.shape_cast %or3A_303 : vector<16xi32> to vector<1x16xi32>
        tpu.vector_store %arg11[%swap3A_304, %swap3A_305], %swap3A_308 {strides = array<i32>} : memref<80x128xi32, #tpu.memory_space<vmem>>, vector<1x16xi32>,
        %get3A_309 = arith.index_cast %scan3A_119 : i32 to index
        %get3A_310 = arith.constant 64 : index
        %get3A_311 = tpu.vector_load %arg9[%get3A_309, %get3A_310] {strides = array<i32>} : memref<80x128xi32, #tpu.memory_space<vmem>>, vector<1x16xi32>,
        %get3A_312 = vector.shape_cast %get3A_311 : vector<1x16xi32> to vector<16xi32>
        %get3A_313 = arith.index_cast %scan3A_119 : i32 to index
        %get3A_314 = arith.constant 64 : index
        %get3A_315 = tpu.vector_load %arg10[%get3A_313, %get3A_314] {strides = array<i32>} : memref<80x128xi32, #tpu.memory_space<vmem>>, vector<1x16xi32>,
        %get3A_316 = vector.shape_cast %get3A_315 : vector<1x16xi32> to vector<16xi32>
        %shift_left3A_317 = arith.constant 16 : i32
        %shift_left3A_318 = vector.broadcast %shift_left3A_317 : i32 to vector<16xi32>
        %shift_left3A_319 = arith.shli %get3A_312, %shift_left3A_318 : vector<16xi32>
        %bitcast_convert_type3A_320 = tpu.bitcast %shift_left3A_319 : vector<16xi32> -> vector<16xf32>
        %shift_left3A_321 = arith.constant 16 : i32
        %shift_left3A_322 = vector.broadcast %shift_left3A_321 : i32 to vector<16xi32>
        %shift_left3A_323 = arith.shli %get3A_316, %shift_left3A_322 : vector<16xi32>
        %bitcast_convert_type3A_324 = tpu.bitcast %shift_left3A_323 : vector<16xi32> -> vector<16xf32>
        %add3A_325 = arith.addf %bitcast_convert_type3A_320, %bitcast_convert_type3A_324 : vector<16xf32>
        %and3A_326 = arith.constant -65536 : i32
        %and3A_327 = vector.broadcast %and3A_326 : i32 to vector<16xi32>
        %and3A_328 = arith.andi %get3A_312, %and3A_327 : vector<16xi32>
        %bitcast_convert_type3A_329 = tpu.bitcast %and3A_328 : vector<16xi32> -> vector<16xf32>
        %and3A_330 = arith.constant -65536 : i32
        %and3A_331 = vector.broadcast %and3A_330 : i32 to vector<16xi32>
        %and3A_332 = arith.andi %get3A_316, %and3A_331 : vector<16xi32>
        %bitcast_convert_type3A_333 = tpu.bitcast %and3A_332 : vector<16xi32> -> vector<16xf32>
        %add3A_334 = arith.addf %bitcast_convert_type3A_329, %bitcast_convert_type3A_333 : vector<16xf32>
        %bitcast_convert_type3A_335 = tpu.bitcast %add3A_325 : vector<16xf32> -> vector<16xi32>
        %add3A_336 = arith.constant 32768 : i32
        %add3A_337 = vector.broadcast %add3A_336 : i32 to vector<16xi32>
        %add3A_338 = arith.addi %bitcast_convert_type3A_335, %add3A_337 : vector<16xi32>
        %shift_right_arithmetic3A_339 = arith.constant 16 : i32
        %shift_right_arithmetic3A_340 = vector.broadcast %shift_right_arithmetic3A_339 : i32 to vector<16xi32>
        %shift_right_arithmetic3A_341 = arith.shrsi %add3A_338, %shift_right_arithmetic3A_340 : vector<16xi32>
        %and3A_342 = arith.constant 65535 : i32
        %and3A_343 = vector.broadcast %and3A_342 : i32 to vector<16xi32>
        %and3A_344 = arith.andi %shift_right_arithmetic3A_341, %and3A_343 : vector<16xi32>
        %bitcast_convert_type3A_345 = tpu.bitcast %add3A_334 : vector<16xf32> -> vector<16xi32>
        %add3A_346 = arith.constant 32768 : i32
        %add3A_347 = vector.broadcast %add3A_346 : i32 to vector<16xi32>
        %add3A_348 = arith.addi %bitcast_convert_type3A_345, %add3A_347 : vector<16xi32>
        %and3A_349 = arith.constant -65536 : i32
        %and3A_350 = vector.broadcast %and3A_349 : i32 to vector<16xi32>
        %and3A_351 = arith.andi %add3A_348, %and3A_350 : vector<16xi32>
        %or3A_352 = arith.ori %and3A_344, %and3A_351 : vector<16xi32>
        %swap3A_353 = arith.index_cast %scan3A_119 : i32 to index
        %swap3A_354 = arith.constant 64 : index
        %swap3A_355 = tpu.vector_load %arg11[%swap3A_353, %swap3A_354] {strides = array<i32>} : memref<80x128xi32, #tpu.memory_space<vmem>>, vector<1x16xi32>,
        %swap3A_356 = vector.shape_cast %swap3A_355 : vector<1x16xi32> to vector<16xi32>
        %swap3A_357 = vector.shape_cast %or3A_352 : vector<16xi32> to vector<1x16xi32>
        tpu.vector_store %arg11[%swap3A_353, %swap3A_354], %swap3A_357 {strides = array<i32>} : memref<80x128xi32, #tpu.memory_space<vmem>>, vector<1x16xi32>,
        %get3A_358 = arith.index_cast %scan3A_119 : i32 to index
        %get3A_359 = arith.constant 80 : index
        %get3A_360 = tpu.vector_load %arg9[%get3A_358, %get3A_359] {strides = array<i32>} : memref<80x128xi32, #tpu.memory_space<vmem>>, vector<1x16xi32>,
        %get3A_361 = vector.shape_cast %get3A_360 : vector<1x16xi32> to vector<16xi32>
        %get3A_362 = arith.index_cast %scan3A_119 : i32 to index
        %get3A_363 = arith.constant 80 : index
        %get3A_364 = tpu.vector_load %arg10[%get3A_362, %get3A_363] {strides = array<i32>} : memref<80x128xi32, #tpu.memory_space<vmem>>, vector<1x16xi32>,
        %get3A_365 = vector.shape_cast %get3A_364 : vector<1x16xi32> to vector<16xi32>
        %shift_left3A_366 = arith.constant 16 : i32
        %shift_left3A_367 = vector.broadcast %shift_left3A_366 : i32 to vector<16xi32>
        %shift_left3A_368 = arith.shli %get3A_361, %shift_left3A_367 : vector<16xi32>
        %bitcast_convert_type3A_369 = tpu.bitcast %shift_left3A_368 : vector<16xi32> -> vector<16xf32>
        %shift_left3A_370 = arith.constant 16 : i32
        %shift_left3A_371 = vector.broadcast %shift_left3A_370 : i32 to vector<16xi32>
        %shift_left3A_372 = arith.shli %get3A_365, %shift_left3A_371 : vector<16xi32>
        %bitcast_convert_type3A_373 = tpu.bitcast %shift_left3A_372 : vector<16xi32> -> vector<16xf32>
        %add3A_374 = arith.addf %bitcast_convert_type3A_369, %bitcast_convert_type3A_373 : vector<16xf32>
        %and3A_375 = arith.constant -65536 : i32
        %and3A_376 = vector.broadcast %and3A_375 : i32 to vector<16xi32>
        %and3A_377 = arith.andi %get3A_361, %and3A_376 : vector<16xi32>
        %bitcast_convert_type3A_378 = tpu.bitcast %and3A_377 : vector<16xi32> -> vector<16xf32>
        %and3A_379 = arith.constant -65536 : i32
        %and3A_380 = vector.broadcast %and3A_379 : i32 to vector<16xi32>
        %and3A_381 = arith.andi %get3A_365, %and3A_380 : vector<16xi32>
        %bitcast_convert_type3A_382 = tpu.bitcast %and3A_381 : vector<16xi32> -> vector<16xf32>
        %add3A_383 = arith.addf %bitcast_convert_type3A_378, %bitcast_convert_type3A_382 : vector<16xf32>
        %bitcast_convert_type3A_384 = tpu.bitcast %add3A_374 : vector<16xf32> -> vector<16xi32>
        %add3A_385 = arith.constant 32768 : i32
        %add3A_386 = vector.broadcast %add3A_385 : i32 to vector<16xi32>
        %add3A_387 = arith.addi %bitcast_convert_type3A_384, %add3A_386 : vector<16xi32>
        %shift_right_arithmetic3A_388 = arith.constant 16 : i32
        %shift_right_arithmetic3A_389 = vector.broadcast %shift_right_arithmetic3A_388 : i32 to vector<16xi32>
        %shift_right_arithmetic3A_390 = arith.shrsi %add3A_387, %shift_right_arithmetic3A_389 : vector<16xi32>
        %and3A_391 = arith.constant 65535 : i32
        %and3A_392 = vector.broadcast %and3A_391 : i32 to vector<16xi32>
        %and3A_393 = arith.andi %shift_right_arithmetic3A_390, %and3A_392 : vector<16xi32>
        %bitcast_convert_type3A_394 = tpu.bitcast %add3A_383 : vector<16xf32> -> vector<16xi32>
        %add3A_395 = arith.constant 32768 : i32
        %add3A_396 = vector.broadcast %add3A_395 : i32 to vector<16xi32>
        %add3A_397 = arith.addi %bitcast_convert_type3A_394, %add3A_396 : vector<16xi32>
        %and3A_398 = arith.constant -65536 : i32
        %and3A_399 = vector.broadcast %and3A_398 : i32 to vector<16xi32>
        %and3A_400 = arith.andi %add3A_397, %and3A_399 : vector<16xi32>
        %or3A_401 = arith.ori %and3A_393, %and3A_400 : vector<16xi32>
        %swap3A_402 = arith.index_cast %scan3A_119 : i32 to index
        %swap3A_403 = arith.constant 80 : index
        %swap3A_404 = tpu.vector_load %arg11[%swap3A_402, %swap3A_403] {strides = array<i32>} : memref<80x128xi32, #tpu.memory_space<vmem>>, vector<1x16xi32>,
        %swap3A_405 = vector.shape_cast %swap3A_404 : vector<1x16xi32> to vector<16xi32>
        %swap3A_406 = vector.shape_cast %or3A_401 : vector<16xi32> to vector<1x16xi32>
        tpu.vector_store %arg11[%swap3A_402, %swap3A_403], %swap3A_406 {strides = array<i32>} : memref<80x128xi32, #tpu.memory_space<vmem>>, vector<1x16xi32>,
        %get3A_407 = arith.index_cast %scan3A_119 : i32 to index
        %get3A_408 = arith.constant 96 : index
        %get3A_409 = tpu.vector_load %arg9[%get3A_407, %get3A_408] {strides = array<i32>} : memref<80x128xi32, #tpu.memory_space<vmem>>, vector<1x16xi32>,
        %get3A_410 = vector.shape_cast %get3A_409 : vector<1x16xi32> to vector<16xi32>
        %get3A_411 = arith.index_cast %scan3A_119 : i32 to index
        %get3A_412 = arith.constant 96 : index
        %get3A_413 = tpu.vector_load %arg10[%get3A_411, %get3A_412] {strides = array<i32>} : memref<80x128xi32, #tpu.memory_space<vmem>>, vector<1x16xi32>,
        %get3A_414 = vector.shape_cast %get3A_413 : vector<1x16xi32> to vector<16xi32>
        %shift_left3A_415 = arith.constant 16 : i32
        %shift_left3A_416 = vector.broadcast %shift_left3A_415 : i32 to vector<16xi32>
        %shift_left3A_417 = arith.shli %get3A_410, %shift_left3A_416 : vector<16xi32>
        %bitcast_convert_type3A_418 = tpu.bitcast %shift_left3A_417 : vector<16xi32> -> vector<16xf32>
        %shift_left3A_419 = arith.constant 16 : i32
        %shift_left3A_420 = vector.broadcast %shift_left3A_419 : i32 to vector<16xi32>
        %shift_left3A_421 = arith.shli %get3A_414, %shift_left3A_420 : vector<16xi32>
        %bitcast_convert_type3A_422 = tpu.bitcast %shift_left3A_421 : vector<16xi32> -> vector<16xf32>
        %add3A_423 = arith.addf %bitcast_convert_type3A_418, %bitcast_convert_type3A_422 : vector<16xf32>
        %and3A_424 = arith.constant -65536 : i32
        %and3A_425 = vector.broadcast %and3A_424 : i32 to vector<16xi32>
        %and3A_426 = arith.andi %get3A_410, %and3A_425 : vector<16xi32>
        %bitcast_convert_type3A_427 = tpu.bitcast %and3A_426 : vector<16xi32> -> vector<16xf32>
        %and3A_428 = arith.constant -65536 : i32
        %and3A_429 = vector.broadcast %and3A_428 : i32 to vector<16xi32>
        %and3A_430 = arith.andi %get3A_414, %and3A_429 : vector<16xi32>
        %bitcast_convert_type3A_431 = tpu.bitcast %and3A_430 : vector<16xi32> -> vector<16xf32>
        %add3A_432 = arith.addf %bitcast_convert_type3A_427, %bitcast_convert_type3A_431 : vector<16xf32>
        %bitcast_convert_type3A_433 = tpu.bitcast %add3A_423 : vector<16xf32> -> vector<16xi32>
        %add3A_434 = arith.constant 32768 : i32
        %add3A_435 = vector.broadcast %add3A_434 : i32 to vector<16xi32>
        %add3A_436 = arith.addi %bitcast_convert_type3A_433, %add3A_435 : vector<16xi32>
        %shift_right_arithmetic3A_437 = arith.constant 16 : i32
        %shift_right_arithmetic3A_438 = vector.broadcast %shift_right_arithmetic3A_437 : i32 to vector<16xi32>
        %shift_right_arithmetic3A_439 = arith.shrsi %add3A_436, %shift_right_arithmetic3A_438 : vector<16xi32>
        %and3A_440 = arith.constant 65535 : i32
        %and3A_441 = vector.broadcast %and3A_440 : i32 to vector<16xi32>
        %and3A_442 = arith.andi %shift_right_arithmetic3A_439, %and3A_441 : vector<16xi32>
        %bitcast_convert_type3A_443 = tpu.bitcast %add3A_432 : vector<16xf32> -> vector<16xi32>
        %add3A_444 = arith.constant 32768 : i32
        %add3A_445 = vector.broadcast %add3A_444 : i32 to vector<16xi32>
        %add3A_446 = arith.addi %bitcast_convert_type3A_443, %add3A_445 : vector<16xi32>
        %and3A_447 = arith.constant -65536 : i32
        %and3A_448 = vector.broadcast %and3A_447 : i32 to vector<16xi32>
        %and3A_449 = arith.andi %add3A_446, %and3A_448 : vector<16xi32>
        %or3A_450 = arith.ori %and3A_442, %and3A_449 : vector<16xi32>
        %swap3A_451 = arith.index_cast %scan3A_119 : i32 to index
        %swap3A_452 = arith.constant 96 : index
        %swap3A_453 = tpu.vector_load %arg11[%swap3A_451, %swap3A_452] {strides = array<i32>} : memref<80x128xi32, #tpu.memory_space<vmem>>, vector<1x16xi32>,
        %swap3A_454 = vector.shape_cast %swap3A_453 : vector<1x16xi32> to vector<16xi32>
        %swap3A_455 = vector.shape_cast %or3A_450 : vector<16xi32> to vector<1x16xi32>
        tpu.vector_store %arg11[%swap3A_451, %swap3A_452], %swap3A_455 {strides = array<i32>} : memref<80x128xi32, #tpu.memory_space<vmem>>, vector<1x16xi32>,
        %get3A_456 = arith.index_cast %scan3A_119 : i32 to index
        %get3A_457 = arith.constant 112 : index
        %get3A_458 = tpu.vector_load %arg9[%get3A_456, %get3A_457] {strides = array<i32>} : memref<80x128xi32, #tpu.memory_space<vmem>>, vector<1x16xi32>,
        %get3A_459 = vector.shape_cast %get3A_458 : vector<1x16xi32> to vector<16xi32>
        %get3A_460 = arith.index_cast %scan3A_119 : i32 to index
        %get3A_461 = arith.constant 112 : index
        %get3A_462 = tpu.vector_load %arg10[%get3A_460, %get3A_461] {strides = array<i32>} : memref<80x128xi32, #tpu.memory_space<vmem>>, vector<1x16xi32>,
        %get3A_463 = vector.shape_cast %get3A_462 : vector<1x16xi32> to vector<16xi32>
        %shift_left3A_464 = arith.constant 16 : i32
        %shift_left3A_465 = vector.broadcast %shift_left3A_464 : i32 to vector<16xi32>
        %shift_left3A_466 = arith.shli %get3A_459, %shift_left3A_465 : vector<16xi32>
        %bitcast_convert_type3A_467 = tpu.bitcast %shift_left3A_466 : vector<16xi32> -> vector<16xf32>
        %shift_left3A_468 = arith.constant 16 : i32
        %shift_left3A_469 = vector.broadcast %shift_left3A_468 : i32 to vector<16xi32>
        %shift_left3A_470 = arith.shli %get3A_463, %shift_left3A_469 : vector<16xi32>
        %bitcast_convert_type3A_471 = tpu.bitcast %shift_left3A_470 : vector<16xi32> -> vector<16xf32>
        %add3A_472 = arith.addf %bitcast_convert_type3A_467, %bitcast_convert_type3A_471 : vector<16xf32>
        %and3A_473 = arith.constant -65536 : i32
        %and3A_474 = vector.broadcast %and3A_473 : i32 to vector<16xi32>
        %and3A_475 = arith.andi %get3A_459, %and3A_474 : vector<16xi32>
        %bitcast_convert_type3A_476 = tpu.bitcast %and3A_475 : vector<16xi32> -> vector<16xf32>
        %and3A_477 = arith.constant -65536 : i32
        %and3A_478 = vector.broadcast %and3A_477 : i32 to vector<16xi32>
        %and3A_479 = arith.andi %get3A_463, %and3A_478 : vector<16xi32>
        %bitcast_convert_type3A_480 = tpu.bitcast %and3A_479 : vector<16xi32> -> vector<16xf32>
        %add3A_481 = arith.addf %bitcast_convert_type3A_476, %bitcast_convert_type3A_480 : vector<16xf32>
        %bitcast_convert_type3A_482 = tpu.bitcast %add3A_472 : vector<16xf32> -> vector<16xi32>
        %add3A_483 = arith.constant 32768 : i32
        %add3A_484 = vector.broadcast %add3A_483 : i32 to vector<16xi32>
        %add3A_485 = arith.addi %bitcast_convert_type3A_482, %add3A_484 : vector<16xi32>
        %shift_right_arithmetic3A_486 = arith.constant 16 : i32
        %shift_right_arithmetic3A_487 = vector.broadcast %shift_right_arithmetic3A_486 : i32 to vector<16xi32>
        %shift_right_arithmetic3A_488 = arith.shrsi %add3A_485, %shift_right_arithmetic3A_487 : vector<16xi32>
        %and3A_489 = arith.constant 65535 : i32
        %and3A_490 = vector.broadcast %and3A_489 : i32 to vector<16xi32>
        %and3A_491 = arith.andi %shift_right_arithmetic3A_488, %and3A_490 : vector<16xi32>
        %bitcast_convert_type3A_492 = tpu.bitcast %add3A_481 : vector<16xf32> -> vector<16xi32>
        %add3A_493 = arith.constant 32768 : i32
        %add3A_494 = vector.broadcast %add3A_493 : i32 to vector<16xi32>
        %add3A_495 = arith.addi %bitcast_convert_type3A_492, %add3A_494 : vector<16xi32>
        %and3A_496 = arith.constant -65536 : i32
        %and3A_497 = vector.broadcast %and3A_496 : i32 to vector<16xi32>
        %and3A_498 = arith.andi %add3A_495, %and3A_497 : vector<16xi32>
        %or3A_499 = arith.ori %and3A_491, %and3A_498 : vector<16xi32>
        %swap3A_500 = arith.index_cast %scan3A_119 : i32 to index
        %swap3A_501 = arith.constant 112 : index
        %swap3A_502 = tpu.vector_load %arg11[%swap3A_500, %swap3A_501] {strides = array<i32>} : memref<80x128xi32, #tpu.memory_space<vmem>>, vector<1x16xi32>,
        %swap3A_503 = vector.shape_cast %swap3A_502 : vector<1x16xi32> to vector<16xi32>
        %swap3A_504 = vector.shape_cast %or3A_499 : vector<16xi32> to vector<1x16xi32>
        tpu.vector_store %arg11[%swap3A_500, %swap3A_501], %swap3A_504 {strides = array<i32>} : memref<80x128xi32, #tpu.memory_space<vmem>>, vector<1x16xi32>,
      }
      %scan3A_68 = arith.constant 80 : i32
      %mul3A_69 = arith.constant 80 : i32
      %mul3A_70 = arith.muli %mul3A_44, %mul3A_69 : i32
      %add3A_71 = arith.addi %mul3A_2, %mul3A_70 : i32
      %dma_start3A_72 = arith.constant 0 : i32
      %dma_start3A_73 = tpu.memref_slice %arg6[%add3A_71, %dma_start3A_72] : memref<128000x128xi32, #tpu.memory_space<hbm>> -> memref<80x128xi32, #tpu.memory_space<hbm>>
      %dma_start3A_74 = arith.constant 0 : i32
      %dma_start3A_75 = tpu.memref_slice %arg6[%add3A_71, %dma_start3A_74] : memref<128000x128xi32, #tpu.memory_space<hbm>> -> memref<80x128xi32, #tpu.memory_space<hbm>>
      tpu.enqueue_dma source(%arg11 : memref<80x128xi32, #tpu.memory_space<vmem>>) target(%dma_start3A_75 : memref<80x128xi32, #tpu.memory_space<hbm>>) target_semaphore(%arg17 : memref<!tpu.dma_semaphore, #tpu.memory_space<semaphore_mem>>)
      %add3A_76 = arith.constant 2 : i32
      %add3A_77 = arith.addi %mul3A_44, %add3A_76 : i32
      %lt3A = arith.constant 50 : i32
      %lt3A_78 = arith.cmpi slt, %add3A_77, %lt3A : i32
      %convert_element_type3A_79 = arith.extui %lt3A_78 : i1 to i32
      %cond3A_80 = arith.constant 0 : i32
      %cond3A_81 = arith.cmpi ne, %convert_element_type3A_79, %cond3A_80 : i32
      scf.if %cond3A_81 {
        %add3A_119 = arith.constant 2 : i32
        %add3A_120 = arith.addi %mul3A_44, %add3A_119 : i32
        %dma_start3A_121 = arith.constant 0 : i32
        %dma_start3A_122 = tpu.memref_slice %arg7[%add3A_120, %dma_start3A_121] : memref<50x80xi32, #tpu.memory_space<vmem>> -> memref<1x80xi32, #tpu.memory_space<vmem>>
        %dma_start3A_123 = tpu.memref_squeeze %dma_start3A_122 : memref<1x80xi32, #tpu.memory_space<vmem>> -> memref<80xi32, #tpu.memory_space<vmem>>
        %dma_start3A_124 = arith.constant 0 : i32
        %dma_start3A_125 = arith.constant 0 : i32
        %dma_start3A_126 = tpu.memref_slice %arg2[%dma_start3A_124, %dma_start3A_125] : memref<10000x128xi32, #tpu.memory_space<hbm>> -> memref<10000x128xi32, #tpu.memory_space<hbm>>
        tpu.enqueue_indirect_dma source(%dma_start3A_126 : memref<10000x128xi32, #tpu.memory_space<hbm>>) target(%arg9 : memref<80x128xi32, #tpu.memory_space<vmem>>) offsets(%dma_start3A_123 : memref<80xi32, #tpu.memory_space<vmem>>) semaphore(%arg15 : memref<!tpu.dma_semaphore, #tpu.memory_space<semaphore_mem>>)
        %add3A_127 = arith.constant 2 : i32
        %add3A_128 = arith.addi %mul3A_44, %add3A_127 : i32
        %dma_start3A_129 = arith.constant 0 : i32
        %dma_start3A_130 = tpu.memref_slice %arg8[%add3A_128, %dma_start3A_129] : memref<50x80xi32, #tpu.memory_space<vmem>> -> memref<1x80xi32, #tpu.memory_space<vmem>>
        %dma_start3A_131 = tpu.memref_squeeze %dma_start3A_130 : memref<1x80xi32, #tpu.memory_space<vmem>> -> memref<80xi32, #tpu.memory_space<vmem>>
        %dma_start3A_132 = arith.constant 0 : i32
        %dma_start3A_133 = arith.constant 0 : i32
        %dma_start3A_134 = tpu.memref_slice %arg3[%dma_start3A_132, %dma_start3A_133] : memref<10000x128xi32, #tpu.memory_space<hbm>> -> memref<10000x128xi32, #tpu.memory_space<hbm>>
        tpu.enqueue_indirect_dma source(%dma_start3A_134 : memref<10000x128xi32, #tpu.memory_space<hbm>>) target(%arg10 : memref<80x128xi32, #tpu.memory_space<vmem>>) offsets(%dma_start3A_131 : memref<80xi32, #tpu.memory_space<vmem>>) semaphore(%arg16 : memref<!tpu.dma_semaphore, #tpu.memory_space<semaphore_mem>>)
      } else {
      }
      %dma_wait3A_82 = arith.constant 0 : i32
      %dma_wait3A_83 = arith.constant 0 : i32
      %dma_wait3A_84 = tpu.memref_slice %arg2[%dma_wait3A_82, %dma_wait3A_83] : memref<10000x128xi32, #tpu.memory_space<hbm>> -> memref<80x128xi32, #tpu.memory_space<hbm>>
      %dma_wait3A_85 = arith.constant 0 : i32
      %dma_wait3A_86 = arith.constant 0 : i32
      %dma_wait3A_87 = tpu.memref_slice %arg2[%dma_wait3A_85, %dma_wait3A_86] : memref<10000x128xi32, #tpu.memory_space<hbm>> -> memref<80x128xi32, #tpu.memory_space<hbm>>
      tpu.wait_dma2 semaphore(%arg18 : memref<!tpu.dma_semaphore, #tpu.memory_space<semaphore_mem>>) src(%dma_wait3A_87 : memref<80x128xi32, #tpu.memory_space<hbm>>) dst(%arg12 : memref<80x128xi32, #tpu.memory_space<vmem>>)
      %dma_wait3A_88 = arith.constant 0 : i32
      %dma_wait3A_89 = arith.constant 0 : i32
      %dma_wait3A_90 = tpu.memref_slice %arg3[%dma_wait3A_88, %dma_wait3A_89] : memref<10000x128xi32, #tpu.memory_space<hbm>> -> memref<80x128xi32, #tpu.memory_space<hbm>>
      %dma_wait3A_91 = arith.constant 0 : i32
      %dma_wait3A_92 = arith.constant 0 : i32
      %dma_wait3A_93 = tpu.memref_slice %arg3[%dma_wait3A_91, %dma_wait3A_92] : memref<10000x128xi32, #tpu.memory_space<hbm>> -> memref<80x128xi32, #tpu.memory_space<hbm>>
      tpu.wait_dma2 semaphore(%arg19 : memref<!tpu.dma_semaphore, #tpu.memory_space<semaphore_mem>>) src(%dma_wait3A_93 : memref<80x128xi32, #tpu.memory_space<hbm>>) dst(%arg13 : memref<80x128xi32, #tpu.memory_space<vmem>>)
      %gt3A_94 = arith.constant 0 : i32
      %gt3A_95 = arith.cmpi sgt, %scan3A_42, %gt3A_94 : i32
      %convert_element_type3A_96 = arith.extui %gt3A_95 : i1 to i32
      %cond3A_97 = arith.constant 0 : i32
      %cond3A_98 = arith.cmpi ne, %convert_element_type3A_96, %cond3A_97 : i32
      scf.if %cond3A_98 {
        %dma_wait3A_119 = arith.constant 0 : i32
        %dma_wait3A_120 = tpu.memref_slice %arg6[%mul3A_2, %dma_wait3A_119] : memref<128000x128xi32, #tpu.memory_space<hbm>> -> memref<80x128xi32, #tpu.memory_space<hbm>>
        %dma_wait3A_121 = arith.constant 0 : i32
        %dma_wait3A_122 = tpu.memref_slice %arg6[%mul3A_2, %dma_wait3A_121] : memref<128000x128xi32, #tpu.memory_space<hbm>> -> memref<80x128xi32, #tpu.memory_space<hbm>>
        tpu.wait_dma2 semaphore(%arg20 : memref<!tpu.dma_semaphore, #tpu.memory_space<semaphore_mem>>) src(%arg14 : memref<80x128xi32, #tpu.memory_space<vmem>>) dst(%dma_wait3A_122 : memref<80x128xi32, #tpu.memory_space<hbm>>)
      } else {
      }
      %scan3A_99 = arith.constant 0 : i32
      %scan3A_100 = arith.constant 0 : i32
      %scan3A_101 = arith.constant 80 : i32
      %scan3A_102 = arith.addi %scan3A_100, %scan3A_101 : i32
      %scan3A_103 = arith.constant 1 : i32
      scf.for %scan3A_119 = %scan3A_100 to %scan3A_102 step %scan3A_103  : i32 {
        %get3A = arith.index_cast %scan3A_119 : i32 to index
        %get3A_120 = arith.constant 0 : index
        %get3A_121 = tpu.vector_load %arg12[%get3A, %get3A_120] {strides = array<i32>} : memref<80x128xi32, #tpu.memory_space<vmem>>, vector<1x16xi32>,
        %get3A_122 = vector.shape_cast %get3A_121 : vector<1x16xi32> to vector<16xi32>
        %get3A_123 = arith.index_cast %scan3A_119 : i32 to index
        %get3A_124 = arith.constant 0 : index
        %get3A_125 = tpu.vector_load %arg13[%get3A_123, %get3A_124] {strides = array<i32>} : memref<80x128xi32, #tpu.memory_space<vmem>>, vector<1x16xi32>,
        %get3A_126 = vector.shape_cast %get3A_125 : vector<1x16xi32> to vector<16xi32>
        %shift_left3A = arith.constant 16 : i32
        %shift_left3A_127 = vector.broadcast %shift_left3A : i32 to vector<16xi32>
        %shift_left3A_128 = arith.shli %get3A_122, %shift_left3A_127 : vector<16xi32>
        %bitcast_convert_type3A = tpu.bitcast %shift_left3A_128 : vector<16xi32> -> vector<16xf32>
        %shift_left3A_129 = arith.constant 16 : i32
        %shift_left3A_130 = vector.broadcast %shift_left3A_129 : i32 to vector<16xi32>
        %shift_left3A_131 = arith.shli %get3A_126, %shift_left3A_130 : vector<16xi32>
        %bitcast_convert_type3A_132 = tpu.bitcast %shift_left3A_131 : vector<16xi32> -> vector<16xf32>
        %add3A_133 = arith.addf %bitcast_convert_type3A, %bitcast_convert_type3A_132 : vector<16xf32>
        %and3A = arith.constant -65536 : i32
        %and3A_134 = vector.broadcast %and3A : i32 to vector<16xi32>
        %and3A_135 = arith.andi %get3A_122, %and3A_134 : vector<16xi32>
        %bitcast_convert_type3A_136 = tpu.bitcast %and3A_135 : vector<16xi32> -> vector<16xf32>
        %and3A_137 = arith.constant -65536 : i32
        %and3A_138 = vector.broadcast %and3A_137 : i32 to vector<16xi32>
        %and3A_139 = arith.andi %get3A_126, %and3A_138 : vector<16xi32>
        %bitcast_convert_type3A_140 = tpu.bitcast %and3A_139 : vector<16xi32> -> vector<16xf32>
        %add3A_141 = arith.addf %bitcast_convert_type3A_136, %bitcast_convert_type3A_140 : vector<16xf32>
        %bitcast_convert_type3A_142 = tpu.bitcast %add3A_133 : vector<16xf32> -> vector<16xi32>
        %add3A_143 = arith.constant 32768 : i32
        %add3A_144 = vector.broadcast %add3A_143 : i32 to vector<16xi32>
        %add3A_145 = arith.addi %bitcast_convert_type3A_142, %add3A_144 : vector<16xi32>
        %shift_right_arithmetic3A = arith.constant 16 : i32
        %shift_right_arithmetic3A_146 = vector.broadcast %shift_right_arithmetic3A : i32 to vector<16xi32>
        %shift_right_arithmetic3A_147 = arith.shrsi %add3A_145, %shift_right_arithmetic3A_146 : vector<16xi32>
        %and3A_148 = arith.constant 65535 : i32
        %and3A_149 = vector.broadcast %and3A_148 : i32 to vector<16xi32>
        %and3A_150 = arith.andi %shift_right_arithmetic3A_147, %and3A_149 : vector<16xi32>
        %bitcast_convert_type3A_151 = tpu.bitcast %add3A_141 : vector<16xf32> -> vector<16xi32>
        %add3A_152 = arith.constant 32768 : i32
        %add3A_153 = vector.broadcast %add3A_152 : i32 to vector<16xi32>
        %add3A_154 = arith.addi %bitcast_convert_type3A_151, %add3A_153 : vector<16xi32>
        %and3A_155 = arith.constant -65536 : i32
        %and3A_156 = vector.broadcast %and3A_155 : i32 to vector<16xi32>
        %and3A_157 = arith.andi %add3A_154, %and3A_156 : vector<16xi32>
        %or3A = arith.ori %and3A_150, %and3A_157 : vector<16xi32>
        %swap3A = arith.index_cast %scan3A_119 : i32 to index
        %swap3A_158 = arith.constant 0 : index
        %swap3A_159 = tpu.vector_load %arg14[%swap3A, %swap3A_158] {strides = array<i32>} : memref<80x128xi32, #tpu.memory_space<vmem>>, vector<1x16xi32>,
        %swap3A_160 = vector.shape_cast %swap3A_159 : vector<1x16xi32> to vector<16xi32>
        %swap3A_161 = vector.shape_cast %or3A : vector<16xi32> to vector<1x16xi32>
        tpu.vector_store %arg14[%swap3A, %swap3A_158], %swap3A_161 {strides = array<i32>} : memref<80x128xi32, #tpu.memory_space<vmem>>, vector<1x16xi32>,
        %get3A_162 = arith.index_cast %scan3A_119 : i32 to index
        %get3A_163 = arith.constant 16 : index
        %get3A_164 = tpu.vector_load %arg12[%get3A_162, %get3A_163] {strides = array<i32>} : memref<80x128xi32, #tpu.memory_space<vmem>>, vector<1x16xi32>,
        %get3A_165 = vector.shape_cast %get3A_164 : vector<1x16xi32> to vector<16xi32>
        %get3A_166 = arith.index_cast %scan3A_119 : i32 to index
        %get3A_167 = arith.constant 16 : index
        %get3A_168 = tpu.vector_load %arg13[%get3A_166, %get3A_167] {strides = array<i32>} : memref<80x128xi32, #tpu.memory_space<vmem>>, vector<1x16xi32>,
        %get3A_169 = vector.shape_cast %get3A_168 : vector<1x16xi32> to vector<16xi32>
        %shift_left3A_170 = arith.constant 16 : i32
        %shift_left3A_171 = vector.broadcast %shift_left3A_170 : i32 to vector<16xi32>
        %shift_left3A_172 = arith.shli %get3A_165, %shift_left3A_171 : vector<16xi32>
        %bitcast_convert_type3A_173 = tpu.bitcast %shift_left3A_172 : vector<16xi32> -> vector<16xf32>
        %shift_left3A_174 = arith.constant 16 : i32
        %shift_left3A_175 = vector.broadcast %shift_left3A_174 : i32 to vector<16xi32>
        %shift_left3A_176 = arith.shli %get3A_169, %shift_left3A_175 : vector<16xi32>
        %bitcast_convert_type3A_177 = tpu.bitcast %shift_left3A_176 : vector<16xi32> -> vector<16xf32>
        %add3A_178 = arith.addf %bitcast_convert_type3A_173, %bitcast_convert_type3A_177 : vector<16xf32>
        %and3A_179 = arith.constant -65536 : i32
        %and3A_180 = vector.broadcast %and3A_179 : i32 to vector<16xi32>
        %and3A_181 = arith.andi %get3A_165, %and3A_180 : vector<16xi32>
        %bitcast_convert_type3A_182 = tpu.bitcast %and3A_181 : vector<16xi32> -> vector<16xf32>
        %and3A_183 = arith.constant -65536 : i32
        %and3A_184 = vector.broadcast %and3A_183 : i32 to vector<16xi32>
        %and3A_185 = arith.andi %get3A_169, %and3A_184 : vector<16xi32>
        %bitcast_convert_type3A_186 = tpu.bitcast %and3A_185 : vector<16xi32> -> vector<16xf32>
        %add3A_187 = arith.addf %bitcast_convert_type3A_182, %bitcast_convert_type3A_186 : vector<16xf32>
        %bitcast_convert_type3A_188 = tpu.bitcast %add3A_178 : vector<16xf32> -> vector<16xi32>
        %add3A_189 = arith.constant 32768 : i32
        %add3A_190 = vector.broadcast %add3A_189 : i32 to vector<16xi32>
        %add3A_191 = arith.addi %bitcast_convert_type3A_188, %add3A_190 : vector<16xi32>
        %shift_right_arithmetic3A_192 = arith.constant 16 : i32
        %shift_right_arithmetic3A_193 = vector.broadcast %shift_right_arithmetic3A_192 : i32 to vector<16xi32>
        %shift_right_arithmetic3A_194 = arith.shrsi %add3A_191, %shift_right_arithmetic3A_193 : vector<16xi32>
        %and3A_195 = arith.constant 65535 : i32
        %and3A_196 = vector.broadcast %and3A_195 : i32 to vector<16xi32>
        %and3A_197 = arith.andi %shift_right_arithmetic3A_194, %and3A_196 : vector<16xi32>
        %bitcast_convert_type3A_198 = tpu.bitcast %add3A_187 : vector<16xf32> -> vector<16xi32>
        %add3A_199 = arith.constant 32768 : i32
        %add3A_200 = vector.broadcast %add3A_199 : i32 to vector<16xi32>
        %add3A_201 = arith.addi %bitcast_convert_type3A_198, %add3A_200 : vector<16xi32>
        %and3A_202 = arith.constant -65536 : i32
        %and3A_203 = vector.broadcast %and3A_202 : i32 to vector<16xi32>
        %and3A_204 = arith.andi %add3A_201, %and3A_203 : vector<16xi32>
        %or3A_205 = arith.ori %and3A_197, %and3A_204 : vector<16xi32>
        %swap3A_206 = arith.index_cast %scan3A_119 : i32 to index
        %swap3A_207 = arith.constant 16 : index
        %swap3A_208 = tpu.vector_load %arg14[%swap3A_206, %swap3A_207] {strides = array<i32>} : memref<80x128xi32, #tpu.memory_space<vmem>>, vector<1x16xi32>,
        %swap3A_209 = vector.shape_cast %swap3A_208 : vector<1x16xi32> to vector<16xi32>
        %swap3A_210 = vector.shape_cast %or3A_205 : vector<16xi32> to vector<1x16xi32>
        tpu.vector_store %arg14[%swap3A_206, %swap3A_207], %swap3A_210 {strides = array<i32>} : memref<80x128xi32, #tpu.memory_space<vmem>>, vector<1x16xi32>,
        %get3A_211 = arith.index_cast %scan3A_119 : i32 to index
        %get3A_212 = arith.constant 32 : index
        %get3A_213 = tpu.vector_load %arg12[%get3A_211, %get3A_212] {strides = array<i32>} : memref<80x128xi32, #tpu.memory_space<vmem>>, vector<1x16xi32>,
        %get3A_214 = vector.shape_cast %get3A_213 : vector<1x16xi32> to vector<16xi32>
        %get3A_215 = arith.index_cast %scan3A_119 : i32 to index
        %get3A_216 = arith.constant 32 : index
        %get3A_217 = tpu.vector_load %arg13[%get3A_215, %get3A_216] {strides = array<i32>} : memref<80x128xi32, #tpu.memory_space<vmem>>, vector<1x16xi32>,
        %get3A_218 = vector.shape_cast %get3A_217 : vector<1x16xi32> to vector<16xi32>
        %shift_left3A_219 = arith.constant 16 : i32
        %shift_left3A_220 = vector.broadcast %shift_left3A_219 : i32 to vector<16xi32>
        %shift_left3A_221 = arith.shli %get3A_214, %shift_left3A_220 : vector<16xi32>
        %bitcast_convert_type3A_222 = tpu.bitcast %shift_left3A_221 : vector<16xi32> -> vector<16xf32>
        %shift_left3A_223 = arith.constant 16 : i32
        %shift_left3A_224 = vector.broadcast %shift_left3A_223 : i32 to vector<16xi32>
        %shift_left3A_225 = arith.shli %get3A_218, %shift_left3A_224 : vector<16xi32>
        %bitcast_convert_type3A_226 = tpu.bitcast %shift_left3A_225 : vector<16xi32> -> vector<16xf32>
        %add3A_227 = arith.addf %bitcast_convert_type3A_222, %bitcast_convert_type3A_226 : vector<16xf32>
        %and3A_228 = arith.constant -65536 : i32
        %and3A_229 = vector.broadcast %and3A_228 : i32 to vector<16xi32>
        %and3A_230 = arith.andi %get3A_214, %and3A_229 : vector<16xi32>
        %bitcast_convert_type3A_231 = tpu.bitcast %and3A_230 : vector<16xi32> -> vector<16xf32>
        %and3A_232 = arith.constant -65536 : i32
        %and3A_233 = vector.broadcast %and3A_232 : i32 to vector<16xi32>
        %and3A_234 = arith.andi %get3A_218, %and3A_233 : vector<16xi32>
        %bitcast_convert_type3A_235 = tpu.bitcast %and3A_234 : vector<16xi32> -> vector<16xf32>
        %add3A_236 = arith.addf %bitcast_convert_type3A_231, %bitcast_convert_type3A_235 : vector<16xf32>
        %bitcast_convert_type3A_237 = tpu.bitcast %add3A_227 : vector<16xf32> -> vector<16xi32>
        %add3A_238 = arith.constant 32768 : i32
        %add3A_239 = vector.broadcast %add3A_238 : i32 to vector<16xi32>
        %add3A_240 = arith.addi %bitcast_convert_type3A_237, %add3A_239 : vector<16xi32>
        %shift_right_arithmetic3A_241 = arith.constant 16 : i32
        %shift_right_arithmetic3A_242 = vector.broadcast %shift_right_arithmetic3A_241 : i32 to vector<16xi32>
        %shift_right_arithmetic3A_243 = arith.shrsi %add3A_240, %shift_right_arithmetic3A_242 : vector<16xi32>
        %and3A_244 = arith.constant 65535 : i32
        %and3A_245 = vector.broadcast %and3A_244 : i32 to vector<16xi32>
        %and3A_246 = arith.andi %shift_right_arithmetic3A_243, %and3A_245 : vector<16xi32>
        %bitcast_convert_type3A_247 = tpu.bitcast %add3A_236 : vector<16xf32> -> vector<16xi32>
        %add3A_248 = arith.constant 32768 : i32
        %add3A_249 = vector.broadcast %add3A_248 : i32 to vector<16xi32>
        %add3A_250 = arith.addi %bitcast_convert_type3A_247, %add3A_249 : vector<16xi32>
        %and3A_251 = arith.constant -65536 : i32
        %and3A_252 = vector.broadcast %and3A_251 : i32 to vector<16xi32>
        %and3A_253 = arith.andi %add3A_250, %and3A_252 : vector<16xi32>
        %or3A_254 = arith.ori %and3A_246, %and3A_253 : vector<16xi32>
        %swap3A_255 = arith.index_cast %scan3A_119 : i32 to index
        %swap3A_256 = arith.constant 32 : index
        %swap3A_257 = tpu.vector_load %arg14[%swap3A_255, %swap3A_256] {strides = array<i32>} : memref<80x128xi32, #tpu.memory_space<vmem>>, vector<1x16xi32>,
        %swap3A_258 = vector.shape_cast %swap3A_257 : vector<1x16xi32> to vector<16xi32>
        %swap3A_259 = vector.shape_cast %or3A_254 : vector<16xi32> to vector<1x16xi32>
        tpu.vector_store %arg14[%swap3A_255, %swap3A_256], %swap3A_259 {strides = array<i32>} : memref<80x128xi32, #tpu.memory_space<vmem>>, vector<1x16xi32>,
        %get3A_260 = arith.index_cast %scan3A_119 : i32 to index
        %get3A_261 = arith.constant 48 : index
        %get3A_262 = tpu.vector_load %arg12[%get3A_260, %get3A_261] {strides = array<i32>} : memref<80x128xi32, #tpu.memory_space<vmem>>, vector<1x16xi32>,
        %get3A_263 = vector.shape_cast %get3A_262 : vector<1x16xi32> to vector<16xi32>
        %get3A_264 = arith.index_cast %scan3A_119 : i32 to index
        %get3A_265 = arith.constant 48 : index
        %get3A_266 = tpu.vector_load %arg13[%get3A_264, %get3A_265] {strides = array<i32>} : memref<80x128xi32, #tpu.memory_space<vmem>>, vector<1x16xi32>,
        %get3A_267 = vector.shape_cast %get3A_266 : vector<1x16xi32> to vector<16xi32>
        %shift_left3A_268 = arith.constant 16 : i32
        %shift_left3A_269 = vector.broadcast %shift_left3A_268 : i32 to vector<16xi32>
        %shift_left3A_270 = arith.shli %get3A_263, %shift_left3A_269 : vector<16xi32>
        %bitcast_convert_type3A_271 = tpu.bitcast %shift_left3A_270 : vector<16xi32> -> vector<16xf32>
        %shift_left3A_272 = arith.constant 16 : i32
        %shift_left3A_273 = vector.broadcast %shift_left3A_272 : i32 to vector<16xi32>
        %shift_left3A_274 = arith.shli %get3A_267, %shift_left3A_273 : vector<16xi32>
        %bitcast_convert_type3A_275 = tpu.bitcast %shift_left3A_274 : vector<16xi32> -> vector<16xf32>
        %add3A_276 = arith.addf %bitcast_convert_type3A_271, %bitcast_convert_type3A_275 : vector<16xf32>
        %and3A_277 = arith.constant -65536 : i32
        %and3A_278 = vector.broadcast %and3A_277 : i32 to vector<16xi32>
        %and3A_279 = arith.andi %get3A_263, %and3A_278 : vector<16xi32>
        %bitcast_convert_type3A_280 = tpu.bitcast %and3A_279 : vector<16xi32> -> vector<16xf32>
        %and3A_281 = arith.constant -65536 : i32
        %and3A_282 = vector.broadcast %and3A_281 : i32 to vector<16xi32>
        %and3A_283 = arith.andi %get3A_267, %and3A_282 : vector<16xi32>
        %bitcast_convert_type3A_284 = tpu.bitcast %and3A_283 : vector<16xi32> -> vector<16xf32>
        %add3A_285 = arith.addf %bitcast_convert_type3A_280, %bitcast_convert_type3A_284 : vector<16xf32>
        %bitcast_convert_type3A_286 = tpu.bitcast %add3A_276 : vector<16xf32> -> vector<16xi32>
        %add3A_287 = arith.constant 32768 : i32
        %add3A_288 = vector.broadcast %add3A_287 : i32 to vector<16xi32>
        %add3A_289 = arith.addi %bitcast_convert_type3A_286, %add3A_288 : vector<16xi32>
        %shift_right_arithmetic3A_290 = arith.constant 16 : i32
        %shift_right_arithmetic3A_291 = vector.broadcast %shift_right_arithmetic3A_290 : i32 to vector<16xi32>
        %shift_right_arithmetic3A_292 = arith.shrsi %add3A_289, %shift_right_arithmetic3A_291 : vector<16xi32>
        %and3A_293 = arith.constant 65535 : i32
        %and3A_294 = vector.broadcast %and3A_293 : i32 to vector<16xi32>
        %and3A_295 = arith.andi %shift_right_arithmetic3A_292, %and3A_294 : vector<16xi32>
        %bitcast_convert_type3A_296 = tpu.bitcast %add3A_285 : vector<16xf32> -> vector<16xi32>
        %add3A_297 = arith.constant 32768 : i32
        %add3A_298 = vector.broadcast %add3A_297 : i32 to vector<16xi32>
        %add3A_299 = arith.addi %bitcast_convert_type3A_296, %add3A_298 : vector<16xi32>
        %and3A_300 = arith.constant -65536 : i32
        %and3A_301 = vector.broadcast %and3A_300 : i32 to vector<16xi32>
        %and3A_302 = arith.andi %add3A_299, %and3A_301 : vector<16xi32>
        %or3A_303 = arith.ori %and3A_295, %and3A_302 : vector<16xi32>
        %swap3A_304 = arith.index_cast %scan3A_119 : i32 to index
        %swap3A_305 = arith.constant 48 : index
        %swap3A_306 = tpu.vector_load %arg14[%swap3A_304, %swap3A_305] {strides = array<i32>} : memref<80x128xi32, #tpu.memory_space<vmem>>, vector<1x16xi32>,
        %swap3A_307 = vector.shape_cast %swap3A_306 : vector<1x16xi32> to vector<16xi32>
        %swap3A_308 = vector.shape_cast %or3A_303 : vector<16xi32> to vector<1x16xi32>
        tpu.vector_store %arg14[%swap3A_304, %swap3A_305], %swap3A_308 {strides = array<i32>} : memref<80x128xi32, #tpu.memory_space<vmem>>, vector<1x16xi32>,
        %get3A_309 = arith.index_cast %scan3A_119 : i32 to index
        %get3A_310 = arith.constant 64 : index
        %get3A_311 = tpu.vector_load %arg12[%get3A_309, %get3A_310] {strides = array<i32>} : memref<80x128xi32, #tpu.memory_space<vmem>>, vector<1x16xi32>,
        %get3A_312 = vector.shape_cast %get3A_311 : vector<1x16xi32> to vector<16xi32>
        %get3A_313 = arith.index_cast %scan3A_119 : i32 to index
        %get3A_314 = arith.constant 64 : index
        %get3A_315 = tpu.vector_load %arg13[%get3A_313, %get3A_314] {strides = array<i32>} : memref<80x128xi32, #tpu.memory_space<vmem>>, vector<1x16xi32>,
        %get3A_316 = vector.shape_cast %get3A_315 : vector<1x16xi32> to vector<16xi32>
        %shift_left3A_317 = arith.constant 16 : i32
        %shift_left3A_318 = vector.broadcast %shift_left3A_317 : i32 to vector<16xi32>
        %shift_left3A_319 = arith.shli %get3A_312, %shift_left3A_318 : vector<16xi32>
        %bitcast_convert_type3A_320 = tpu.bitcast %shift_left3A_319 : vector<16xi32> -> vector<16xf32>
        %shift_left3A_321 = arith.constant 16 : i32
        %shift_left3A_322 = vector.broadcast %shift_left3A_321 : i32 to vector<16xi32>
        %shift_left3A_323 = arith.shli %get3A_316, %shift_left3A_322 : vector<16xi32>
        %bitcast_convert_type3A_324 = tpu.bitcast %shift_left3A_323 : vector<16xi32> -> vector<16xf32>
        %add3A_325 = arith.addf %bitcast_convert_type3A_320, %bitcast_convert_type3A_324 : vector<16xf32>
        %and3A_326 = arith.constant -65536 : i32
        %and3A_327 = vector.broadcast %and3A_326 : i32 to vector<16xi32>
        %and3A_328 = arith.andi %get3A_312, %and3A_327 : vector<16xi32>
        %bitcast_convert_type3A_329 = tpu.bitcast %and3A_328 : vector<16xi32> -> vector<16xf32>
        %and3A_330 = arith.constant -65536 : i32
        %and3A_331 = vector.broadcast %and3A_330 : i32 to vector<16xi32>
        %and3A_332 = arith.andi %get3A_316, %and3A_331 : vector<16xi32>
        %bitcast_convert_type3A_333 = tpu.bitcast %and3A_332 : vector<16xi32> -> vector<16xf32>
        %add3A_334 = arith.addf %bitcast_convert_type3A_329, %bitcast_convert_type3A_333 : vector<16xf32>
        %bitcast_convert_type3A_335 = tpu.bitcast %add3A_325 : vector<16xf32> -> vector<16xi32>
        %add3A_336 = arith.constant 32768 : i32
        %add3A_337 = vector.broadcast %add3A_336 : i32 to vector<16xi32>
        %add3A_338 = arith.addi %bitcast_convert_type3A_335, %add3A_337 : vector<16xi32>
        %shift_right_arithmetic3A_339 = arith.constant 16 : i32
        %shift_right_arithmetic3A_340 = vector.broadcast %shift_right_arithmetic3A_339 : i32 to vector<16xi32>
        %shift_right_arithmetic3A_341 = arith.shrsi %add3A_338, %shift_right_arithmetic3A_340 : vector<16xi32>
        %and3A_342 = arith.constant 65535 : i32
        %and3A_343 = vector.broadcast %and3A_342 : i32 to vector<16xi32>
        %and3A_344 = arith.andi %shift_right_arithmetic3A_341, %and3A_343 : vector<16xi32>
        %bitcast_convert_type3A_345 = tpu.bitcast %add3A_334 : vector<16xf32> -> vector<16xi32>
        %add3A_346 = arith.constant 32768 : i32
        %add3A_347 = vector.broadcast %add3A_346 : i32 to vector<16xi32>
        %add3A_348 = arith.addi %bitcast_convert_type3A_345, %add3A_347 : vector<16xi32>
        %and3A_349 = arith.constant -65536 : i32
        %and3A_350 = vector.broadcast %and3A_349 : i32 to vector<16xi32>
        %and3A_351 = arith.andi %add3A_348, %and3A_350 : vector<16xi32>
        %or3A_352 = arith.ori %and3A_344, %and3A_351 : vector<16xi32>
        %swap3A_353 = arith.index_cast %scan3A_119 : i32 to index
        %swap3A_354 = arith.constant 64 : index
        %swap3A_355 = tpu.vector_load %arg14[%swap3A_353, %swap3A_354] {strides = array<i32>} : memref<80x128xi32, #tpu.memory_space<vmem>>, vector<1x16xi32>,
        %swap3A_356 = vector.shape_cast %swap3A_355 : vector<1x16xi32> to vector<16xi32>
        %swap3A_357 = vector.shape_cast %or3A_352 : vector<16xi32> to vector<1x16xi32>
        tpu.vector_store %arg14[%swap3A_353, %swap3A_354], %swap3A_357 {strides = array<i32>} : memref<80x128xi32, #tpu.memory_space<vmem>>, vector<1x16xi32>,
        %get3A_358 = arith.index_cast %scan3A_119 : i32 to index
        %get3A_359 = arith.constant 80 : index
        %get3A_360 = tpu.vector_load %arg12[%get3A_358, %get3A_359] {strides = array<i32>} : memref<80x128xi32, #tpu.memory_space<vmem>>, vector<1x16xi32>,
        %get3A_361 = vector.shape_cast %get3A_360 : vector<1x16xi32> to vector<16xi32>
        %get3A_362 = arith.index_cast %scan3A_119 : i32 to index
        %get3A_363 = arith.constant 80 : index
        %get3A_364 = tpu.vector_load %arg13[%get3A_362, %get3A_363] {strides = array<i32>} : memref<80x128xi32, #tpu.memory_space<vmem>>, vector<1x16xi32>,
        %get3A_365 = vector.shape_cast %get3A_364 : vector<1x16xi32> to vector<16xi32>
        %shift_left3A_366 = arith.constant 16 : i32
        %shift_left3A_367 = vector.broadcast %shift_left3A_366 : i32 to vector<16xi32>
        %shift_left3A_368 = arith.shli %get3A_361, %shift_left3A_367 : vector<16xi32>
        %bitcast_convert_type3A_369 = tpu.bitcast %shift_left3A_368 : vector<16xi32> -> vector<16xf32>
        %shift_left3A_370 = arith.constant 16 : i32
        %shift_left3A_371 = vector.broadcast %shift_left3A_370 : i32 to vector<16xi32>
        %shift_left3A_372 = arith.shli %get3A_365, %shift_left3A_371 : vector<16xi32>
        %bitcast_convert_type3A_373 = tpu.bitcast %shift_left3A_372 : vector<16xi32> -> vector<16xf32>
        %add3A_374 = arith.addf %bitcast_convert_type3A_369, %bitcast_convert_type3A_373 : vector<16xf32>
        %and3A_375 = arith.constant -65536 : i32
        %and3A_376 = vector.broadcast %and3A_375 : i32 to vector<16xi32>
        %and3A_377 = arith.andi %get3A_361, %and3A_376 : vector<16xi32>
        %bitcast_convert_type3A_378 = tpu.bitcast %and3A_377 : vector<16xi32> -> vector<16xf32>
        %and3A_379 = arith.constant -65536 : i32
        %and3A_380 = vector.broadcast %and3A_379 : i32 to vector<16xi32>
        %and3A_381 = arith.andi %get3A_365, %and3A_380 : vector<16xi32>
        %bitcast_convert_type3A_382 = tpu.bitcast %and3A_381 : vector<16xi32> -> vector<16xf32>
        %add3A_383 = arith.addf %bitcast_convert_type3A_378, %bitcast_convert_type3A_382 : vector<16xf32>
        %bitcast_convert_type3A_384 = tpu.bitcast %add3A_374 : vector<16xf32> -> vector<16xi32>
        %add3A_385 = arith.constant 32768 : i32
        %add3A_386 = vector.broadcast %add3A_385 : i32 to vector<16xi32>
        %add3A_387 = arith.addi %bitcast_convert_type3A_384, %add3A_386 : vector<16xi32>
        %shift_right_arithmetic3A_388 = arith.constant 16 : i32
        %shift_right_arithmetic3A_389 = vector.broadcast %shift_right_arithmetic3A_388 : i32 to vector<16xi32>
        %shift_right_arithmetic3A_390 = arith.shrsi %add3A_387, %shift_right_arithmetic3A_389 : vector<16xi32>
        %and3A_391 = arith.constant 65535 : i32
        %and3A_392 = vector.broadcast %and3A_391 : i32 to vector<16xi32>
        %and3A_393 = arith.andi %shift_right_arithmetic3A_390, %and3A_392 : vector<16xi32>
        %bitcast_convert_type3A_394 = tpu.bitcast %add3A_383 : vector<16xf32> -> vector<16xi32>
        %add3A_395 = arith.constant 32768 : i32
        %add3A_396 = vector.broadcast %add3A_395 : i32 to vector<16xi32>
        %add3A_397 = arith.addi %bitcast_convert_type3A_394, %add3A_396 : vector<16xi32>
        %and3A_398 = arith.constant -65536 : i32
        %and3A_399 = vector.broadcast %and3A_398 : i32 to vector<16xi32>
        %and3A_400 = arith.andi %add3A_397, %and3A_399 : vector<16xi32>
        %or3A_401 = arith.ori %and3A_393, %and3A_400 : vector<16xi32>
        %swap3A_402 = arith.index_cast %scan3A_119 : i32 to index
        %swap3A_403 = arith.constant 80 : index
        %swap3A_404 = tpu.vector_load %arg14[%swap3A_402, %swap3A_403] {strides = array<i32>} : memref<80x128xi32, #tpu.memory_space<vmem>>, vector<1x16xi32>,
        %swap3A_405 = vector.shape_cast %swap3A_404 : vector<1x16xi32> to vector<16xi32>
        %swap3A_406 = vector.shape_cast %or3A_401 : vector<16xi32> to vector<1x16xi32>
        tpu.vector_store %arg14[%swap3A_402, %swap3A_403], %swap3A_406 {strides = array<i32>} : memref<80x128xi32, #tpu.memory_space<vmem>>, vector<1x16xi32>,
        %get3A_407 = arith.index_cast %scan3A_119 : i32 to index
        %get3A_408 = arith.constant 96 : index
        %get3A_409 = tpu.vector_load %arg12[%get3A_407, %get3A_408] {strides = array<i32>} : memref<80x128xi32, #tpu.memory_space<vmem>>, vector<1x16xi32>,
        %get3A_410 = vector.shape_cast %get3A_409 : vector<1x16xi32> to vector<16xi32>
        %get3A_411 = arith.index_cast %scan3A_119 : i32 to index
        %get3A_412 = arith.constant 96 : index
        %get3A_413 = tpu.vector_load %arg13[%get3A_411, %get3A_412] {strides = array<i32>} : memref<80x128xi32, #tpu.memory_space<vmem>>, vector<1x16xi32>,
        %get3A_414 = vector.shape_cast %get3A_413 : vector<1x16xi32> to vector<16xi32>
        %shift_left3A_415 = arith.constant 16 : i32
        %shift_left3A_416 = vector.broadcast %shift_left3A_415 : i32 to vector<16xi32>
        %shift_left3A_417 = arith.shli %get3A_410, %shift_left3A_416 : vector<16xi32>
        %bitcast_convert_type3A_418 = tpu.bitcast %shift_left3A_417 : vector<16xi32> -> vector<16xf32>
        %shift_left3A_419 = arith.constant 16 : i32
        %shift_left3A_420 = vector.broadcast %shift_left3A_419 : i32 to vector<16xi32>
        %shift_left3A_421 = arith.shli %get3A_414, %shift_left3A_420 : vector<16xi32>
        %bitcast_convert_type3A_422 = tpu.bitcast %shift_left3A_421 : vector<16xi32> -> vector<16xf32>
        %add3A_423 = arith.addf %bitcast_convert_type3A_418, %bitcast_convert_type3A_422 : vector<16xf32>
        %and3A_424 = arith.constant -65536 : i32
        %and3A_425 = vector.broadcast %and3A_424 : i32 to vector<16xi32>
        %and3A_426 = arith.andi %get3A_410, %and3A_425 : vector<16xi32>
        %bitcast_convert_type3A_427 = tpu.bitcast %and3A_426 : vector<16xi32> -> vector<16xf32>
        %and3A_428 = arith.constant -65536 : i32
        %and3A_429 = vector.broadcast %and3A_428 : i32 to vector<16xi32>
        %and3A_430 = arith.andi %get3A_414, %and3A_429 : vector<16xi32>
        %bitcast_convert_type3A_431 = tpu.bitcast %and3A_430 : vector<16xi32> -> vector<16xf32>
        %add3A_432 = arith.addf %bitcast_convert_type3A_427, %bitcast_convert_type3A_431 : vector<16xf32>
        %bitcast_convert_type3A_433 = tpu.bitcast %add3A_423 : vector<16xf32> -> vector<16xi32>
        %add3A_434 = arith.constant 32768 : i32
        %add3A_435 = vector.broadcast %add3A_434 : i32 to vector<16xi32>
        %add3A_436 = arith.addi %bitcast_convert_type3A_433, %add3A_435 : vector<16xi32>
        %shift_right_arithmetic3A_437 = arith.constant 16 : i32
        %shift_right_arithmetic3A_438 = vector.broadcast %shift_right_arithmetic3A_437 : i32 to vector<16xi32>
        %shift_right_arithmetic3A_439 = arith.shrsi %add3A_436, %shift_right_arithmetic3A_438 : vector<16xi32>
        %and3A_440 = arith.constant 65535 : i32
        %and3A_441 = vector.broadcast %and3A_440 : i32 to vector<16xi32>
        %and3A_442 = arith.andi %shift_right_arithmetic3A_439, %and3A_441 : vector<16xi32>
        %bitcast_convert_type3A_443 = tpu.bitcast %add3A_432 : vector<16xf32> -> vector<16xi32>
        %add3A_444 = arith.constant 32768 : i32
        %add3A_445 = vector.broadcast %add3A_444 : i32 to vector<16xi32>
        %add3A_446 = arith.addi %bitcast_convert_type3A_443, %add3A_445 : vector<16xi32>
        %and3A_447 = arith.constant -65536 : i32
        %and3A_448 = vector.broadcast %and3A_447 : i32 to vector<16xi32>
        %and3A_449 = arith.andi %add3A_446, %and3A_448 : vector<16xi32>
        %or3A_450 = arith.ori %and3A_442, %and3A_449 : vector<16xi32>
        %swap3A_451 = arith.index_cast %scan3A_119 : i32 to index
        %swap3A_452 = arith.constant 96 : index
        %swap3A_453 = tpu.vector_load %arg14[%swap3A_451, %swap3A_452] {strides = array<i32>} : memref<80x128xi32, #tpu.memory_space<vmem>>, vector<1x16xi32>,
        %swap3A_454 = vector.shape_cast %swap3A_453 : vector<1x16xi32> to vector<16xi32>
        %swap3A_455 = vector.shape_cast %or3A_450 : vector<16xi32> to vector<1x16xi32>
        tpu.vector_store %arg14[%swap3A_451, %swap3A_452], %swap3A_455 {strides = array<i32>} : memref<80x128xi32, #tpu.memory_space<vmem>>, vector<1x16xi32>,
        %get3A_456 = arith.index_cast %scan3A_119 : i32 to index
        %get3A_457 = arith.constant 112 : index
        %get3A_458 = tpu.vector_load %arg12[%get3A_456, %get3A_457] {strides = array<i32>} : memref<80x128xi32, #tpu.memory_space<vmem>>, vector<1x16xi32>,
        %get3A_459 = vector.shape_cast %get3A_458 : vector<1x16xi32> to vector<16xi32>
        %get3A_460 = arith.index_cast %scan3A_119 : i32 to index
        %get3A_461 = arith.constant 112 : index
        %get3A_462 = tpu.vector_load %arg13[%get3A_460, %get3A_461] {strides = array<i32>} : memref<80x128xi32, #tpu.memory_space<vmem>>, vector<1x16xi32>,
        %get3A_463 = vector.shape_cast %get3A_462 : vector<1x16xi32> to vector<16xi32>
        %shift_left3A_464 = arith.constant 16 : i32
        %shift_left3A_465 = vector.broadcast %shift_left3A_464 : i32 to vector<16xi32>
        %shift_left3A_466 = arith.shli %get3A_459, %shift_left3A_465 : vector<16xi32>
        %bitcast_convert_type3A_467 = tpu.bitcast %shift_left3A_466 : vector<16xi32> -> vector<16xf32>
        %shift_left3A_468 = arith.constant 16 : i32
        %shift_left3A_469 = vector.broadcast %shift_left3A_468 : i32 to vector<16xi32>
        %shift_left3A_470 = arith.shli %get3A_463, %shift_left3A_469 : vector<16xi32>
        %bitcast_convert_type3A_471 = tpu.bitcast %shift_left3A_470 : vector<16xi32> -> vector<16xf32>
        %add3A_472 = arith.addf %bitcast_convert_type3A_467, %bitcast_convert_type3A_471 : vector<16xf32>
        %and3A_473 = arith.constant -65536 : i32
        %and3A_474 = vector.broadcast %and3A_473 : i32 to vector<16xi32>
        %and3A_475 = arith.andi %get3A_459, %and3A_474 : vector<16xi32>
        %bitcast_convert_type3A_476 = tpu.bitcast %and3A_475 : vector<16xi32> -> vector<16xf32>
        %and3A_477 = arith.constant -65536 : i32
        %and3A_478 = vector.broadcast %and3A_477 : i32 to vector<16xi32>
        %and3A_479 = arith.andi %get3A_463, %and3A_478 : vector<16xi32>
        %bitcast_convert_type3A_480 = tpu.bitcast %and3A_479 : vector<16xi32> -> vector<16xf32>
        %add3A_481 = arith.addf %bitcast_convert_type3A_476, %bitcast_convert_type3A_480 : vector<16xf32>
        %bitcast_convert_type3A_482 = tpu.bitcast %add3A_472 : vector<16xf32> -> vector<16xi32>
        %add3A_483 = arith.constant 32768 : i32
        %add3A_484 = vector.broadcast %add3A_483 : i32 to vector<16xi32>
        %add3A_485 = arith.addi %bitcast_convert_type3A_482, %add3A_484 : vector<16xi32>
        %shift_right_arithmetic3A_486 = arith.constant 16 : i32
        %shift_right_arithmetic3A_487 = vector.broadcast %shift_right_arithmetic3A_486 : i32 to vector<16xi32>
        %shift_right_arithmetic3A_488 = arith.shrsi %add3A_485, %shift_right_arithmetic3A_487 : vector<16xi32>
        %and3A_489 = arith.constant 65535 : i32
        %and3A_490 = vector.broadcast %and3A_489 : i32 to vector<16xi32>
        %and3A_491 = arith.andi %shift_right_arithmetic3A_488, %and3A_490 : vector<16xi32>
        %bitcast_convert_type3A_492 = tpu.bitcast %add3A_481 : vector<16xf32> -> vector<16xi32>
        %add3A_493 = arith.constant 32768 : i32
        %add3A_494 = vector.broadcast %add3A_493 : i32 to vector<16xi32>
        %add3A_495 = arith.addi %bitcast_convert_type3A_492, %add3A_494 : vector<16xi32>
        %and3A_496 = arith.constant -65536 : i32
        %and3A_497 = vector.broadcast %and3A_496 : i32 to vector<16xi32>
        %and3A_498 = arith.andi %add3A_495, %and3A_497 : vector<16xi32>
        %or3A_499 = arith.ori %and3A_491, %and3A_498 : vector<16xi32>
        %swap3A_500 = arith.index_cast %scan3A_119 : i32 to index
        %swap3A_501 = arith.constant 112 : index
        %swap3A_502 = tpu.vector_load %arg14[%swap3A_500, %swap3A_501] {strides = array<i32>} : memref<80x128xi32, #tpu.memory_space<vmem>>, vector<1x16xi32>,
        %swap3A_503 = vector.shape_cast %swap3A_502 : vector<1x16xi32> to vector<16xi32>
        %swap3A_504 = vector.shape_cast %or3A_499 : vector<16xi32> to vector<1x16xi32>
        tpu.vector_store %arg14[%swap3A_500, %swap3A_501], %swap3A_504 {strides = array<i32>} : memref<80x128xi32, #tpu.memory_space<vmem>>, vector<1x16xi32>,
      }
      %scan3A_104 = arith.constant 80 : i32
      %mul3A_105 = arith.constant 80 : i32
      %mul3A_106 = arith.muli %add3A_48, %mul3A_105 : i32
      %add3A_107 = arith.addi %mul3A_2, %mul3A_106 : i32
      %dma_start3A_108 = arith.constant 0 : i32
      %dma_start3A_109 = tpu.memref_slice %arg6[%add3A_107, %dma_start3A_108] : memref<128000x128xi32, #tpu.memory_space<hbm>> -> memref<80x128xi32, #tpu.memory_space<hbm>>
      %dma_start3A_110 = arith.constant 0 : i32
      %dma_start3A_111 = tpu.memref_slice %arg6[%add3A_107, %dma_start3A_110] : memref<128000x128xi32, #tpu.memory_space<hbm>> -> memref<80x128xi32, #tpu.memory_space<hbm>>
      tpu.enqueue_dma source(%arg14 : memref<80x128xi32, #tpu.memory_space<vmem>>) target(%dma_start3A_111 : memref<80x128xi32, #tpu.memory_space<hbm>>) target_semaphore(%arg20 : memref<!tpu.dma_semaphore, #tpu.memory_space<semaphore_mem>>)
      %add3A_112 = arith.constant 2 : i32
      %add3A_113 = arith.addi %add3A_48, %add3A_112 : i32
      %lt3A_114 = arith.constant 50 : i32
      %lt3A_115 = arith.cmpi slt, %add3A_113, %lt3A_114 : i32
      %convert_element_type3A_116 = arith.extui %lt3A_115 : i1 to i32
      %cond3A_117 = arith.constant 0 : i32
      %cond3A_118 = arith.cmpi ne, %convert_element_type3A_116, %cond3A_117 : i32
      scf.if %cond3A_118 {
        %add3A_119 = arith.constant 2 : i32
        %add3A_120 = arith.addi %add3A_48, %add3A_119 : i32
        %dma_start3A_121 = arith.constant 0 : i32
        %dma_start3A_122 = tpu.memref_slice %arg7[%add3A_120, %dma_start3A_121] : memref<50x80xi32, #tpu.memory_space<vmem>> -> memref<1x80xi32, #tpu.memory_space<vmem>>
        %dma_start3A_123 = tpu.memref_squeeze %dma_start3A_122 : memref<1x80xi32, #tpu.memory_space<vmem>> -> memref<80xi32, #tpu.memory_space<vmem>>
        %dma_start3A_124 = arith.constant 0 : i32
        %dma_start3A_125 = arith.constant 0 : i32
        %dma_start3A_126 = tpu.memref_slice %arg2[%dma_start3A_124, %dma_start3A_125] : memref<10000x128xi32, #tpu.memory_space<hbm>> -> memref<10000x128xi32, #tpu.memory_space<hbm>>
        tpu.enqueue_indirect_dma source(%dma_start3A_126 : memref<10000x128xi32, #tpu.memory_space<hbm>>) target(%arg12 : memref<80x128xi32, #tpu.memory_space<vmem>>) offsets(%dma_start3A_123 : memref<80xi32, #tpu.memory_space<vmem>>) semaphore(%arg18 : memref<!tpu.dma_semaphore, #tpu.memory_space<semaphore_mem>>)
        %add3A_127 = arith.constant 2 : i32
        %add3A_128 = arith.addi %add3A_48, %add3A_127 : i32
        %dma_start3A_129 = arith.constant 0 : i32
        %dma_start3A_130 = tpu.memref_slice %arg8[%add3A_128, %dma_start3A_129] : memref<50x80xi32, #tpu.memory_space<vmem>> -> memref<1x80xi32, #tpu.memory_space<vmem>>
        %dma_start3A_131 = tpu.memref_squeeze %dma_start3A_130 : memref<1x80xi32, #tpu.memory_space<vmem>> -> memref<80xi32, #tpu.memory_space<vmem>>
        %dma_start3A_132 = arith.constant 0 : i32
        %dma_start3A_133 = arith.constant 0 : i32
        %dma_start3A_134 = tpu.memref_slice %arg3[%dma_start3A_132, %dma_start3A_133] : memref<10000x128xi32, #tpu.memory_space<hbm>> -> memref<10000x128xi32, #tpu.memory_space<hbm>>
        tpu.enqueue_indirect_dma source(%dma_start3A_134 : memref<10000x128xi32, #tpu.memory_space<hbm>>) target(%arg13 : memref<80x128xi32, #tpu.memory_space<vmem>>) offsets(%dma_start3A_131 : memref<80xi32, #tpu.memory_space<vmem>>) semaphore(%arg19 : memref<!tpu.dma_semaphore, #tpu.memory_space<semaphore_mem>>)
      } else {
      }
    }
    %scan3A_34 = arith.constant 25 : i32
    %dma_wait3A = arith.constant 0 : i32
    %dma_wait3A_35 = tpu.memref_slice %arg6[%mul3A_2, %dma_wait3A] : memref<128000x128xi32, #tpu.memory_space<hbm>> -> memref<80x128xi32, #tpu.memory_space<hbm>>
    %dma_wait3A_36 = arith.constant 0 : i32
    %dma_wait3A_37 = tpu.memref_slice %arg6[%mul3A_2, %dma_wait3A_36] : memref<128000x128xi32, #tpu.memory_space<hbm>> -> memref<80x128xi32, #tpu.memory_space<hbm>>
    tpu.wait_dma2 semaphore(%arg17 : memref<!tpu.dma_semaphore, #tpu.memory_space<semaphore_mem>>) src(%arg11 : memref<80x128xi32, #tpu.memory_space<vmem>>) dst(%dma_wait3A_37 : memref<80x128xi32, #tpu.memory_space<hbm>>)
    %dma_wait3A_38 = arith.constant 0 : i32
    %dma_wait3A_39 = tpu.memref_slice %arg6[%mul3A_2, %dma_wait3A_38] : memref<128000x128xi32, #tpu.memory_space<hbm>> -> memref<80x128xi32, #tpu.memory_space<hbm>>
    %dma_wait3A_40 = arith.constant 0 : i32
    %dma_wait3A_41 = tpu.memref_slice %arg6[%mul3A_2, %dma_wait3A_40] : memref<128000x128xi32, #tpu.memory_space<hbm>> -> memref<80x128xi32, #tpu.memory_space<hbm>>
    tpu.wait_dma2 semaphore(%arg20 : memref<!tpu.dma_semaphore, #tpu.memory_space<semaphore_mem>>) src(%arg14 : memref<80x128xi32, #tpu.memory_space<vmem>>) dst(%dma_wait3A_41 : memref<80x128xi32, #tpu.memory_space<hbm>>)
    return
  }
}

#map = affine_map<(d0, d1) -> (0, 0)>
#map1 = affine_map<(d0, d1) -> (0, 0, 0)>
module attributes {stable_mosaic.version = 14 : i64} {
  func.func @_scatter_k(%arg0: i32, %arg1: i32, %arg2: memref<128000x128xf32, #tpu.memory_space<hbm>>, %arg3: memref<32x50x80xi32, #tpu.memory_space<hbm>>, %arg4: memref<10000x128xf32, #tpu.memory_space<hbm>>, %arg5: memref<10000x128xf32, #tpu.memory_space<hbm>>, %arg6: memref<10000x128xf32, #tpu.memory_space<hbm>>, %arg7: memref<10000x128xf32, #tpu.memory_space<hbm>>, %arg8: memref<50x80xi32, #tpu.memory_space<vmem>>, %arg9: memref<80x128xf32, #tpu.memory_space<vmem>>, %arg10: memref<80x128xf32, #tpu.memory_space<vmem>>, %arg11: memref<10000x128xf32, #tpu.memory_space<vmem_shared>>, %arg12: memref<!tpu.dma_semaphore, #tpu.memory_space<semaphore_mem>>, %arg13: memref<!tpu.dma_semaphore, #tpu.memory_space<semaphore_mem>>) attributes {dimension_semantics = [#tpu.dimension_semantics<core_parallel>, #tpu.dimension_semantics<subcore_parallel>], iteration_bounds = array<i64: 2, 16>, scalar_prefetch = 0 : i64, scratch_operands = 6 : i64, tpu.core_type = #tpu.core_type<sc_vector_subcore>, window_params = [{transform_indices = #map}, {transform_indices = #map1}, {transform_indices = #map}, {transform_indices = #map}, {transform_indices = #map}, {transform_indices = #map}]} {
    %mul3A = arith.constant 2 : i32
    %mul3A_0 = arith.muli %arg1, %mul3A : i32
    %add3A = arith.addi %mul3A_0, %arg0 : i32
    %mul3A_1 = arith.constant 632 : i32
    %mul3A_2 = arith.muli %arg1, %mul3A_1 : i32
    "tpu.region"() ({
      %run_scoped3A = tpu.sem_alloc : memref<!tpu.dma_semaphore, #tpu.memory_space<semaphore_mem>>
      %dma_start3A_57 = arith.constant 0 : i32
      %dma_start3A_58 = arith.constant 0 : i32
      %dma_start3A_59 = tpu.memref_slice %arg3[%add3A, %dma_start3A_57, %dma_start3A_58] : memref<32x50x80xi32, #tpu.memory_space<hbm>> -> memref<1x50x80xi32, #tpu.memory_space<hbm>>
      %dma_start3A_60 = tpu.memref_squeeze %dma_start3A_59 : memref<1x50x80xi32, #tpu.memory_space<hbm>> -> memref<50x80xi32, #tpu.memory_space<hbm>>
      %dma_start3A_61 = arith.constant 0 : i32
      %dma_start3A_62 = arith.constant 0 : i32
      %dma_start3A_63 = tpu.memref_slice %arg3[%add3A, %dma_start3A_61, %dma_start3A_62] : memref<32x50x80xi32, #tpu.memory_space<hbm>> -> memref<1x50x80xi32, #tpu.memory_space<hbm>>
      %dma_start3A_64 = tpu.memref_squeeze %dma_start3A_63 : memref<1x50x80xi32, #tpu.memory_space<hbm>> -> memref<50x80xi32, #tpu.memory_space<hbm>>
      tpu.enqueue_dma source(%dma_start3A_64 : memref<50x80xi32, #tpu.memory_space<hbm>>) target(%arg8 : memref<50x80xi32, #tpu.memory_space<vmem>>) target_semaphore(%run_scoped3A : memref<!tpu.dma_semaphore, #tpu.memory_space<semaphore_mem>>)
      %dma_wait3A = arith.constant 0 : i32
      %dma_wait3A_65 = arith.constant 0 : i32
      %dma_wait3A_66 = tpu.memref_slice %arg3[%add3A, %dma_wait3A, %dma_wait3A_65] : memref<32x50x80xi32, #tpu.memory_space<hbm>> -> memref<1x50x80xi32, #tpu.memory_space<hbm>>
      %dma_wait3A_67 = tpu.memref_squeeze %dma_wait3A_66 : memref<1x50x80xi32, #tpu.memory_space<hbm>> -> memref<50x80xi32, #tpu.memory_space<hbm>>
      %dma_wait3A_68 = arith.constant 0 : i32
      %dma_wait3A_69 = arith.constant 0 : i32
      %dma_wait3A_70 = tpu.memref_slice %arg3[%add3A, %dma_wait3A_68, %dma_wait3A_69] : memref<32x50x80xi32, #tpu.memory_space<hbm>> -> memref<1x50x80xi32, #tpu.memory_space<hbm>>
      %dma_wait3A_71 = tpu.memref_squeeze %dma_wait3A_70 : memref<1x50x80xi32, #tpu.memory_space<hbm>> -> memref<50x80xi32, #tpu.memory_space<hbm>>
      tpu.wait_dma2 semaphore(%run_scoped3A : memref<!tpu.dma_semaphore, #tpu.memory_space<semaphore_mem>>) src(%dma_wait3A_71 : memref<50x80xi32, #tpu.memory_space<hbm>>) dst(%arg8 : memref<50x80xi32, #tpu.memory_space<vmem>>)
      tpu.yield
    }) : () -> ()
    %eq3A = arith.constant 0 : i32
    %eq3A_3 = arith.cmpi eq, %arg0, %eq3A : i32
    %convert_element_type3A = arith.extui %eq3A_3 : i1 to i32
    %cond3A = arith.constant 0 : i32
    %cond3A_4 = arith.cmpi ne, %convert_element_type3A, %cond3A : i32
    scf.if %cond3A_4 {
      %lt3A_57 = arith.constant 15 : i32
      %lt3A_58 = arith.cmpi slt, %arg1, %lt3A_57 : i32
      %convert_element_type3A_59 = arith.extui %lt3A_58 : i1 to i32
      %cond3A_60 = arith.constant 0 : i32
      %cond3A_61 = arith.cmpi ne, %convert_element_type3A_59, %cond3A_60 : i32
      scf.if %cond3A_61 {
        "tpu.region"() ({
          %run_scoped3A = tpu.sem_alloc : memref<!tpu.dma_semaphore, #tpu.memory_space<semaphore_mem>>
          %dma_start3A_67 = arith.constant 0 : i32
          %dma_start3A_68 = tpu.memref_slice %arg11[%mul3A_2, %dma_start3A_67] : memref<10000x128xf32, #tpu.memory_space<vmem_shared>> -> memref<632x128xf32, #tpu.memory_space<vmem_shared>>
          %dma_start3A_69 = arith.constant 0 : i32
          %dma_start3A_70 = tpu.memref_slice %arg4[%mul3A_2, %dma_start3A_69] : memref<10000x128xf32, #tpu.memory_space<hbm>> -> memref<632x128xf32, #tpu.memory_space<hbm>>
          tpu.enqueue_dma source(%dma_start3A_70 : memref<632x128xf32, #tpu.memory_space<hbm>>) target(%dma_start3A_68 : memref<632x128xf32, #tpu.memory_space<vmem_shared>>) target_semaphore(%run_scoped3A : memref<!tpu.dma_semaphore, #tpu.memory_space<semaphore_mem>>)
          %dma_wait3A = arith.constant 0 : i32
          %dma_wait3A_71 = tpu.memref_slice %arg11[%mul3A_2, %dma_wait3A] : memref<10000x128xf32, #tpu.memory_space<vmem_shared>> -> memref<632x128xf32, #tpu.memory_space<vmem_shared>>
          %dma_wait3A_72 = arith.constant 0 : i32
          %dma_wait3A_73 = tpu.memref_slice %arg4[%mul3A_2, %dma_wait3A_72] : memref<10000x128xf32, #tpu.memory_space<hbm>> -> memref<632x128xf32, #tpu.memory_space<hbm>>
          tpu.wait_dma2 semaphore(%run_scoped3A : memref<!tpu.dma_semaphore, #tpu.memory_space<semaphore_mem>>) src(%dma_wait3A_73 : memref<632x128xf32, #tpu.memory_space<hbm>>) dst(%dma_wait3A_71 : memref<632x128xf32, #tpu.memory_space<vmem_shared>>)
          tpu.yield
        }) : () -> ()
      } else {
      }
      %eq3A_62 = arith.constant 15 : i32
      %eq3A_63 = arith.cmpi eq, %arg1, %eq3A_62 : i32
      %convert_element_type3A_64 = arith.extui %eq3A_63 : i1 to i32
      %cond3A_65 = arith.constant 0 : i32
      %cond3A_66 = arith.cmpi ne, %convert_element_type3A_64, %cond3A_65 : i32
      scf.if %cond3A_66 {
        "tpu.region"() ({
          %run_scoped3A = tpu.sem_alloc : memref<!tpu.dma_semaphore, #tpu.memory_space<semaphore_mem>>
          %dma_start3A_67 = arith.constant 9480 : i32
          %dma_start3A_68 = arith.constant 0 : i32
          %dma_start3A_69 = tpu.memref_slice %arg11[%dma_start3A_67, %dma_start3A_68] : memref<10000x128xf32, #tpu.memory_space<vmem_shared>> -> memref<520x128xf32, #tpu.memory_space<vmem_shared>>
          %dma_start3A_70 = arith.constant 9480 : i32
          %dma_start3A_71 = arith.constant 0 : i32
          %dma_start3A_72 = tpu.memref_slice %arg4[%dma_start3A_70, %dma_start3A_71] : memref<10000x128xf32, #tpu.memory_space<hbm>> -> memref<520x128xf32, #tpu.memory_space<hbm>>
          tpu.enqueue_dma source(%dma_start3A_72 : memref<520x128xf32, #tpu.memory_space<hbm>>) target(%dma_start3A_69 : memref<520x128xf32, #tpu.memory_space<vmem_shared>>) target_semaphore(%run_scoped3A : memref<!tpu.dma_semaphore, #tpu.memory_space<semaphore_mem>>)
          %dma_wait3A = arith.constant 9480 : i32
          %dma_wait3A_73 = arith.constant 0 : i32
          %dma_wait3A_74 = tpu.memref_slice %arg11[%dma_wait3A, %dma_wait3A_73] : memref<10000x128xf32, #tpu.memory_space<vmem_shared>> -> memref<520x128xf32, #tpu.memory_space<vmem_shared>>
          %dma_wait3A_75 = arith.constant 9480 : i32
          %dma_wait3A_76 = arith.constant 0 : i32
          %dma_wait3A_77 = tpu.memref_slice %arg4[%dma_wait3A_75, %dma_wait3A_76] : memref<10000x128xf32, #tpu.memory_space<hbm>> -> memref<520x128xf32, #tpu.memory_space<hbm>>
          tpu.wait_dma2 semaphore(%run_scoped3A : memref<!tpu.dma_semaphore, #tpu.memory_space<semaphore_mem>>) src(%dma_wait3A_77 : memref<520x128xf32, #tpu.memory_space<hbm>>) dst(%dma_wait3A_74 : memref<520x128xf32, #tpu.memory_space<vmem_shared>>)
          tpu.yield
        }) : () -> ()
      } else {
      }
    } else {
    }
    %eq3A_5 = arith.constant 1 : i32
    %eq3A_6 = arith.cmpi eq, %arg0, %eq3A_5 : i32
    %convert_element_type3A_7 = arith.extui %eq3A_6 : i1 to i32
    %cond3A_8 = arith.constant 0 : i32
    %cond3A_9 = arith.cmpi ne, %convert_element_type3A_7, %cond3A_8 : i32
    scf.if %cond3A_9 {
      %lt3A_57 = arith.constant 15 : i32
      %lt3A_58 = arith.cmpi slt, %arg1, %lt3A_57 : i32
      %convert_element_type3A_59 = arith.extui %lt3A_58 : i1 to i32
      %cond3A_60 = arith.constant 0 : i32
      %cond3A_61 = arith.cmpi ne, %convert_element_type3A_59, %cond3A_60 : i32
      scf.if %cond3A_61 {
        "tpu.region"() ({
          %run_scoped3A = tpu.sem_alloc : memref<!tpu.dma_semaphore, #tpu.memory_space<semaphore_mem>>
          %dma_start3A_67 = arith.constant 0 : i32
          %dma_start3A_68 = tpu.memref_slice %arg11[%mul3A_2, %dma_start3A_67] : memref<10000x128xf32, #tpu.memory_space<vmem_shared>> -> memref<632x128xf32, #tpu.memory_space<vmem_shared>>
          %dma_start3A_69 = arith.constant 0 : i32
          %dma_start3A_70 = tpu.memref_slice %arg5[%mul3A_2, %dma_start3A_69] : memref<10000x128xf32, #tpu.memory_space<hbm>> -> memref<632x128xf32, #tpu.memory_space<hbm>>
          tpu.enqueue_dma source(%dma_start3A_70 : memref<632x128xf32, #tpu.memory_space<hbm>>) target(%dma_start3A_68 : memref<632x128xf32, #tpu.memory_space<vmem_shared>>) target_semaphore(%run_scoped3A : memref<!tpu.dma_semaphore, #tpu.memory_space<semaphore_mem>>)
          %dma_wait3A = arith.constant 0 : i32
          %dma_wait3A_71 = tpu.memref_slice %arg11[%mul3A_2, %dma_wait3A] : memref<10000x128xf32, #tpu.memory_space<vmem_shared>> -> memref<632x128xf32, #tpu.memory_space<vmem_shared>>
          %dma_wait3A_72 = arith.constant 0 : i32
          %dma_wait3A_73 = tpu.memref_slice %arg5[%mul3A_2, %dma_wait3A_72] : memref<10000x128xf32, #tpu.memory_space<hbm>> -> memref<632x128xf32, #tpu.memory_space<hbm>>
          tpu.wait_dma2 semaphore(%run_scoped3A : memref<!tpu.dma_semaphore, #tpu.memory_space<semaphore_mem>>) src(%dma_wait3A_73 : memref<632x128xf32, #tpu.memory_space<hbm>>) dst(%dma_wait3A_71 : memref<632x128xf32, #tpu.memory_space<vmem_shared>>)
          tpu.yield
        }) : () -> ()
      } else {
      }
      %eq3A_62 = arith.constant 15 : i32
      %eq3A_63 = arith.cmpi eq, %arg1, %eq3A_62 : i32
      %convert_element_type3A_64 = arith.extui %eq3A_63 : i1 to i32
      %cond3A_65 = arith.constant 0 : i32
      %cond3A_66 = arith.cmpi ne, %convert_element_type3A_64, %cond3A_65 : i32
      scf.if %cond3A_66 {
        "tpu.region"() ({
          %run_scoped3A = tpu.sem_alloc : memref<!tpu.dma_semaphore, #tpu.memory_space<semaphore_mem>>
          %dma_start3A_67 = arith.constant 9480 : i32
          %dma_start3A_68 = arith.constant 0 : i32
          %dma_start3A_69 = tpu.memref_slice %arg11[%dma_start3A_67, %dma_start3A_68] : memref<10000x128xf32, #tpu.memory_space<vmem_shared>> -> memref<520x128xf32, #tpu.memory_space<vmem_shared>>
          %dma_start3A_70 = arith.constant 9480 : i32
          %dma_start3A_71 = arith.constant 0 : i32
          %dma_start3A_72 = tpu.memref_slice %arg5[%dma_start3A_70, %dma_start3A_71] : memref<10000x128xf32, #tpu.memory_space<hbm>> -> memref<520x128xf32, #tpu.memory_space<hbm>>
          tpu.enqueue_dma source(%dma_start3A_72 : memref<520x128xf32, #tpu.memory_space<hbm>>) target(%dma_start3A_69 : memref<520x128xf32, #tpu.memory_space<vmem_shared>>) target_semaphore(%run_scoped3A : memref<!tpu.dma_semaphore, #tpu.memory_space<semaphore_mem>>)
          %dma_wait3A = arith.constant 9480 : i32
          %dma_wait3A_73 = arith.constant 0 : i32
          %dma_wait3A_74 = tpu.memref_slice %arg11[%dma_wait3A, %dma_wait3A_73] : memref<10000x128xf32, #tpu.memory_space<vmem_shared>> -> memref<520x128xf32, #tpu.memory_space<vmem_shared>>
          %dma_wait3A_75 = arith.constant 9480 : i32
          %dma_wait3A_76 = arith.constant 0 : i32
          %dma_wait3A_77 = tpu.memref_slice %arg5[%dma_wait3A_75, %dma_wait3A_76] : memref<10000x128xf32, #tpu.memory_space<hbm>> -> memref<520x128xf32, #tpu.memory_space<hbm>>
          tpu.wait_dma2 semaphore(%run_scoped3A : memref<!tpu.dma_semaphore, #tpu.memory_space<semaphore_mem>>) src(%dma_wait3A_77 : memref<520x128xf32, #tpu.memory_space<hbm>>) dst(%dma_wait3A_74 : memref<520x128xf32, #tpu.memory_space<vmem_shared>>)
          tpu.yield
        }) : () -> ()
      } else {
      }
    } else {
    }
    %barrier3A = arith.constant 0 : index
    tpu.barrier barrier_id(%barrier3A)
    %mul3A_10 = arith.constant 4000 : i32
    %mul3A_11 = arith.muli %add3A, %mul3A_10 : i32
    %dma_start3A = arith.constant 0 : i32
    %dma_start3A_12 = tpu.memref_slice %arg2[%mul3A_11, %dma_start3A] : memref<128000x128xf32, #tpu.memory_space<hbm>> -> memref<80x128xf32, #tpu.memory_space<hbm>>
    %dma_start3A_13 = arith.constant 0 : i32
    %dma_start3A_14 = tpu.memref_slice %arg2[%mul3A_11, %dma_start3A_13] : memref<128000x128xf32, #tpu.memory_space<hbm>> -> memref<80x128xf32, #tpu.memory_space<hbm>>
    tpu.enqueue_dma source(%dma_start3A_14 : memref<80x128xf32, #tpu.memory_space<hbm>>) target(%arg9 : memref<80x128xf32, #tpu.memory_space<vmem>>) target_semaphore(%arg12 : memref<!tpu.dma_semaphore, #tpu.memory_space<semaphore_mem>>)
    %add3A_15 = arith.constant 80 : i32
    %add3A_16 = arith.addi %mul3A_11, %add3A_15 : i32
    %dma_start3A_17 = arith.constant 0 : i32
    %dma_start3A_18 = tpu.memref_slice %arg2[%add3A_16, %dma_start3A_17] : memref<128000x128xf32, #tpu.memory_space<hbm>> -> memref<80x128xf32, #tpu.memory_space<hbm>>
    %dma_start3A_19 = arith.constant 0 : i32
    %dma_start3A_20 = tpu.memref_slice %arg2[%add3A_16, %dma_start3A_19] : memref<128000x128xf32, #tpu.memory_space<hbm>> -> memref<80x128xf32, #tpu.memory_space<hbm>>
    tpu.enqueue_dma source(%dma_start3A_20 : memref<80x128xf32, #tpu.memory_space<hbm>>) target(%arg10 : memref<80x128xf32, #tpu.memory_space<vmem>>) target_semaphore(%arg13 : memref<!tpu.dma_semaphore, #tpu.memory_space<semaphore_mem>>)
    %scan3A = arith.constant 0 : i32
    %scan3A_21 = arith.constant 0 : i32
    %scan3A_22 = arith.constant 25 : i32
    %scan3A_23 = arith.addi %scan3A_21, %scan3A_22 : i32
    %scan3A_24 = arith.constant 1 : i32
    scf.for %scan3A_57 = %scan3A_21 to %scan3A_23 step %scan3A_24  : i32 {
      %mul3A_58 = arith.constant 2 : i32
      %mul3A_59 = arith.muli %mul3A_58, %scan3A_57 : i32
      %mul3A_60 = arith.constant 2 : i32
      %mul3A_61 = arith.muli %mul3A_60, %scan3A_57 : i32
      %add3A_62 = arith.constant 1 : i32
      %add3A_63 = arith.addi %mul3A_61, %add3A_62 : i32
      %dma_wait3A = arith.constant 0 : i32
      %dma_wait3A_64 = arith.constant 0 : i32
      %dma_wait3A_65 = tpu.memref_slice %arg2[%dma_wait3A, %dma_wait3A_64] : memref<128000x128xf32, #tpu.memory_space<hbm>> -> memref<80x128xf32, #tpu.memory_space<hbm>>
      %dma_wait3A_66 = arith.constant 0 : i32
      %dma_wait3A_67 = arith.constant 0 : i32
      %dma_wait3A_68 = tpu.memref_slice %arg2[%dma_wait3A_66, %dma_wait3A_67] : memref<128000x128xf32, #tpu.memory_space<hbm>> -> memref<80x128xf32, #tpu.memory_space<hbm>>
      tpu.wait_dma2 semaphore(%arg12 : memref<!tpu.dma_semaphore, #tpu.memory_space<semaphore_mem>>) src(%dma_wait3A_68 : memref<80x128xf32, #tpu.memory_space<hbm>>) dst(%arg9 : memref<80x128xf32, #tpu.memory_space<vmem>>)
      "tpu.region"() ({
        %run_scoped3A = tpu.sem_alloc : memref<!tpu.dma_semaphore, #tpu.memory_space<semaphore_mem>>
        %dma_start3A_89 = arith.constant 0 : i32
        %dma_start3A_90 = tpu.memref_slice %arg8[%mul3A_59, %dma_start3A_89] : memref<50x80xi32, #tpu.memory_space<vmem>> -> memref<1x80xi32, #tpu.memory_space<vmem>>
        %dma_start3A_91 = tpu.memref_squeeze %dma_start3A_90 : memref<1x80xi32, #tpu.memory_space<vmem>> -> memref<80xi32, #tpu.memory_space<vmem>>
        %dma_start3A_92 = arith.constant 0 : i32
        %dma_start3A_93 = arith.constant 0 : i32
        %dma_start3A_94 = tpu.memref_slice %arg11[%dma_start3A_92, %dma_start3A_93] : memref<10000x128xf32, #tpu.memory_space<vmem_shared>> -> memref<10000x128xf32, #tpu.memory_space<vmem_shared>>
        tpu.enqueue_indirect_dma source(%arg9 : memref<80x128xf32, #tpu.memory_space<vmem>>) target(%dma_start3A_94 : memref<10000x128xf32, #tpu.memory_space<vmem_shared>>) offsets(%dma_start3A_91 : memref<80xi32, #tpu.memory_space<vmem>>) semaphore(%run_scoped3A : memref<!tpu.dma_semaphore, #tpu.memory_space<semaphore_mem>>) {add = true}
        %dma_wait3A_95 = arith.constant 0 : i32
        %dma_wait3A_96 = tpu.memref_slice %arg8[%mul3A_59, %dma_wait3A_95] : memref<50x80xi32, #tpu.memory_space<vmem>> -> memref<1x80xi32, #tpu.memory_space<vmem>>
        %dma_wait3A_97 = tpu.memref_squeeze %dma_wait3A_96 : memref<1x80xi32, #tpu.memory_space<vmem>> -> memref<80xi32, #tpu.memory_space<vmem>>
        %dma_wait3A_98 = arith.constant 0 : i32
        %dma_wait3A_99 = arith.constant 0 : i32
        %dma_wait3A_100 = tpu.memref_slice %arg11[%dma_wait3A_98, %dma_wait3A_99] : memref<10000x128xf32, #tpu.memory_space<vmem_shared>> -> memref<10000x128xf32, #tpu.memory_space<vmem_shared>>
        tpu.wait_indirect_dma semaphore(%run_scoped3A : memref<!tpu.dma_semaphore, #tpu.memory_space<semaphore_mem>>) src(%arg9 : memref<80x128xf32, #tpu.memory_space<vmem>>) dst(%dma_wait3A_100 : memref<10000x128xf32, #tpu.memory_space<vmem_shared>>)
        tpu.yield
      }) : () -> ()
      %add3A_69 = arith.constant 2 : i32
      %add3A_70 = arith.addi %mul3A_59, %add3A_69 : i32
      %lt3A_71 = arith.constant 50 : i32
      %lt3A_72 = arith.cmpi slt, %add3A_70, %lt3A_71 : i32
      %convert_element_type3A_73 = arith.extui %lt3A_72 : i1 to i32
      %cond3A_74 = arith.constant 0 : i32
      %cond3A_75 = arith.cmpi ne, %convert_element_type3A_73, %cond3A_74 : i32
      scf.if %cond3A_75 {
        %add3A_89 = arith.constant 2 : i32
        %add3A_90 = arith.addi %mul3A_59, %add3A_89 : i32
        %mul3A_91 = arith.constant 80 : i32
        %mul3A_92 = arith.muli %add3A_90, %mul3A_91 : i32
        %add3A_93 = arith.addi %mul3A_11, %mul3A_92 : i32
        %dma_start3A_94 = arith.constant 0 : i32
        %dma_start3A_95 = tpu.memref_slice %arg2[%add3A_93, %dma_start3A_94] : memref<128000x128xf32, #tpu.memory_space<hbm>> -> memref<80x128xf32, #tpu.memory_space<hbm>>
        %dma_start3A_96 = arith.constant 0 : i32
        %dma_start3A_97 = tpu.memref_slice %arg2[%add3A_93, %dma_start3A_96] : memref<128000x128xf32, #tpu.memory_space<hbm>> -> memref<80x128xf32, #tpu.memory_space<hbm>>
        tpu.enqueue_dma source(%dma_start3A_97 : memref<80x128xf32, #tpu.memory_space<hbm>>) target(%arg9 : memref<80x128xf32, #tpu.memory_space<vmem>>) target_semaphore(%arg12 : memref<!tpu.dma_semaphore, #tpu.memory_space<semaphore_mem>>)
      } else {
      }
      %dma_wait3A_76 = arith.constant 0 : i32
      %dma_wait3A_77 = arith.constant 0 : i32
      %dma_wait3A_78 = tpu.memref_slice %arg2[%dma_wait3A_76, %dma_wait3A_77] : memref<128000x128xf32, #tpu.memory_space<hbm>> -> memref<80x128xf32, #tpu.memory_space<hbm>>
      %dma_wait3A_79 = arith.constant 0 : i32
      %dma_wait3A_80 = arith.constant 0 : i32
      %dma_wait3A_81 = tpu.memref_slice %arg2[%dma_wait3A_79, %dma_wait3A_80] : memref<128000x128xf32, #tpu.memory_space<hbm>> -> memref<80x128xf32, #tpu.memory_space<hbm>>
      tpu.wait_dma2 semaphore(%arg13 : memref<!tpu.dma_semaphore, #tpu.memory_space<semaphore_mem>>) src(%dma_wait3A_81 : memref<80x128xf32, #tpu.memory_space<hbm>>) dst(%arg10 : memref<80x128xf32, #tpu.memory_space<vmem>>)
      "tpu.region"() ({
        %run_scoped3A = tpu.sem_alloc : memref<!tpu.dma_semaphore, #tpu.memory_space<semaphore_mem>>
        %dma_start3A_89 = arith.constant 0 : i32
        %dma_start3A_90 = tpu.memref_slice %arg8[%add3A_63, %dma_start3A_89] : memref<50x80xi32, #tpu.memory_space<vmem>> -> memref<1x80xi32, #tpu.memory_space<vmem>>
        %dma_start3A_91 = tpu.memref_squeeze %dma_start3A_90 : memref<1x80xi32, #tpu.memory_space<vmem>> -> memref<80xi32, #tpu.memory_space<vmem>>
        %dma_start3A_92 = arith.constant 0 : i32
        %dma_start3A_93 = arith.constant 0 : i32
        %dma_start3A_94 = tpu.memref_slice %arg11[%dma_start3A_92, %dma_start3A_93] : memref<10000x128xf32, #tpu.memory_space<vmem_shared>> -> memref<10000x128xf32, #tpu.memory_space<vmem_shared>>
        tpu.enqueue_indirect_dma source(%arg10 : memref<80x128xf32, #tpu.memory_space<vmem>>) target(%dma_start3A_94 : memref<10000x128xf32, #tpu.memory_space<vmem_shared>>) offsets(%dma_start3A_91 : memref<80xi32, #tpu.memory_space<vmem>>) semaphore(%run_scoped3A : memref<!tpu.dma_semaphore, #tpu.memory_space<semaphore_mem>>) {add = true}
        %dma_wait3A_95 = arith.constant 0 : i32
        %dma_wait3A_96 = tpu.memref_slice %arg8[%add3A_63, %dma_wait3A_95] : memref<50x80xi32, #tpu.memory_space<vmem>> -> memref<1x80xi32, #tpu.memory_space<vmem>>
        %dma_wait3A_97 = tpu.memref_squeeze %dma_wait3A_96 : memref<1x80xi32, #tpu.memory_space<vmem>> -> memref<80xi32, #tpu.memory_space<vmem>>
        %dma_wait3A_98 = arith.constant 0 : i32
        %dma_wait3A_99 = arith.constant 0 : i32
        %dma_wait3A_100 = tpu.memref_slice %arg11[%dma_wait3A_98, %dma_wait3A_99] : memref<10000x128xf32, #tpu.memory_space<vmem_shared>> -> memref<10000x128xf32, #tpu.memory_space<vmem_shared>>
        tpu.wait_indirect_dma semaphore(%run_scoped3A : memref<!tpu.dma_semaphore, #tpu.memory_space<semaphore_mem>>) src(%arg10 : memref<80x128xf32, #tpu.memory_space<vmem>>) dst(%dma_wait3A_100 : memref<10000x128xf32, #tpu.memory_space<vmem_shared>>)
        tpu.yield
      }) : () -> ()
      %add3A_82 = arith.constant 2 : i32
      %add3A_83 = arith.addi %add3A_63, %add3A_82 : i32
      %lt3A_84 = arith.constant 50 : i32
      %lt3A_85 = arith.cmpi slt, %add3A_83, %lt3A_84 : i32
      %convert_element_type3A_86 = arith.extui %lt3A_85 : i1 to i32
      %cond3A_87 = arith.constant 0 : i32
      %cond3A_88 = arith.cmpi ne, %convert_element_type3A_86, %cond3A_87 : i32
      scf.if %cond3A_88 {
        %add3A_89 = arith.constant 2 : i32
        %add3A_90 = arith.addi %add3A_63, %add3A_89 : i32
        %mul3A_91 = arith.constant 80 : i32
        %mul3A_92 = arith.muli %add3A_90, %mul3A_91 : i32
        %add3A_93 = arith.addi %mul3A_11, %mul3A_92 : i32
        %dma_start3A_94 = arith.constant 0 : i32
        %dma_start3A_95 = tpu.memref_slice %arg2[%add3A_93, %dma_start3A_94] : memref<128000x128xf32, #tpu.memory_space<hbm>> -> memref<80x128xf32, #tpu.memory_space<hbm>>
        %dma_start3A_96 = arith.constant 0 : i32
        %dma_start3A_97 = tpu.memref_slice %arg2[%add3A_93, %dma_start3A_96] : memref<128000x128xf32, #tpu.memory_space<hbm>> -> memref<80x128xf32, #tpu.memory_space<hbm>>
        tpu.enqueue_dma source(%dma_start3A_97 : memref<80x128xf32, #tpu.memory_space<hbm>>) target(%arg10 : memref<80x128xf32, #tpu.memory_space<vmem>>) target_semaphore(%arg13 : memref<!tpu.dma_semaphore, #tpu.memory_space<semaphore_mem>>)
      } else {
      }
    }
    %scan3A_25 = arith.constant 25 : i32
    %barrier3A_26 = arith.constant 0 : index
    tpu.barrier barrier_id(%barrier3A_26)
    %eq3A_27 = arith.constant 0 : i32
    %eq3A_28 = arith.cmpi eq, %arg0, %eq3A_27 : i32
    %lt3A = arith.constant 15 : i32
    %lt3A_29 = arith.cmpi slt, %arg1, %lt3A : i32
    %and3A = arith.andi %eq3A_28, %lt3A_29 : i1
    %convert_element_type3A_30 = arith.extui %and3A : i1 to i32
    %cond3A_31 = arith.constant 0 : i32
    %cond3A_32 = arith.cmpi ne, %convert_element_type3A_30, %cond3A_31 : i32
    scf.if %cond3A_32 {
      "tpu.region"() ({
        %run_scoped3A = tpu.sem_alloc : memref<!tpu.dma_semaphore, #tpu.memory_space<semaphore_mem>>
        %dma_start3A_57 = arith.constant 0 : i32
        %dma_start3A_58 = tpu.memref_slice %arg6[%mul3A_2, %dma_start3A_57] : memref<10000x128xf32, #tpu.memory_space<hbm>> -> memref<632x128xf32, #tpu.memory_space<hbm>>
        %dma_start3A_59 = arith.constant 0 : i32
        %dma_start3A_60 = tpu.memref_slice %arg11[%mul3A_2, %dma_start3A_59] : memref<10000x128xf32, #tpu.memory_space<vmem_shared>> -> memref<632x128xf32, #tpu.memory_space<vmem_shared>>
        tpu.enqueue_dma source(%dma_start3A_60 : memref<632x128xf32, #tpu.memory_space<vmem_shared>>) target(%dma_start3A_58 : memref<632x128xf32, #tpu.memory_space<hbm>>) target_semaphore(%run_scoped3A : memref<!tpu.dma_semaphore, #tpu.memory_space<semaphore_mem>>)
        %dma_wait3A = arith.constant 0 : i32
        %dma_wait3A_61 = tpu.memref_slice %arg6[%mul3A_2, %dma_wait3A] : memref<10000x128xf32, #tpu.memory_space<hbm>> -> memref<632x128xf32, #tpu.memory_space<hbm>>
        %dma_wait3A_62 = arith.constant 0 : i32
        %dma_wait3A_63 = tpu.memref_slice %arg11[%mul3A_2, %dma_wait3A_62] : memref<10000x128xf32, #tpu.memory_space<vmem_shared>> -> memref<632x128xf32, #tpu.memory_space<vmem_shared>>
        tpu.wait_dma2 semaphore(%run_scoped3A : memref<!tpu.dma_semaphore, #tpu.memory_space<semaphore_mem>>) src(%dma_wait3A_63 : memref<632x128xf32, #tpu.memory_space<vmem_shared>>) dst(%dma_wait3A_61 : memref<632x128xf32, #tpu.memory_space<hbm>>)
        tpu.yield
      }) : () -> ()
    } else {
    }
    %eq3A_33 = arith.constant 0 : i32
    %eq3A_34 = arith.cmpi eq, %arg0, %eq3A_33 : i32
    %eq3A_35 = arith.constant 15 : i32
    %eq3A_36 = arith.cmpi eq, %arg1, %eq3A_35 : i32
    %and3A_37 = arith.andi %eq3A_34, %eq3A_36 : i1
    %convert_element_type3A_38 = arith.extui %and3A_37 : i1 to i32
    %cond3A_39 = arith.constant 0 : i32
    %cond3A_40 = arith.cmpi ne, %convert_element_type3A_38, %cond3A_39 : i32
    scf.if %cond3A_40 {
      "tpu.region"() ({
        %run_scoped3A = tpu.sem_alloc : memref<!tpu.dma_semaphore, #tpu.memory_space<semaphore_mem>>
        %dma_start3A_57 = arith.constant 9480 : i32
        %dma_start3A_58 = arith.constant 0 : i32
        %dma_start3A_59 = tpu.memref_slice %arg6[%dma_start3A_57, %dma_start3A_58] : memref<10000x128xf32, #tpu.memory_space<hbm>> -> memref<520x128xf32, #tpu.memory_space<hbm>>
        %dma_start3A_60 = arith.constant 9480 : i32
        %dma_start3A_61 = arith.constant 0 : i32
        %dma_start3A_62 = tpu.memref_slice %arg11[%dma_start3A_60, %dma_start3A_61] : memref<10000x128xf32, #tpu.memory_space<vmem_shared>> -> memref<520x128xf32, #tpu.memory_space<vmem_shared>>
        tpu.enqueue_dma source(%dma_start3A_62 : memref<520x128xf32, #tpu.memory_space<vmem_shared>>) target(%dma_start3A_59 : memref<520x128xf32, #tpu.memory_space<hbm>>) target_semaphore(%run_scoped3A : memref<!tpu.dma_semaphore, #tpu.memory_space<semaphore_mem>>)
        %dma_wait3A = arith.constant 9480 : i32
        %dma_wait3A_63 = arith.constant 0 : i32
        %dma_wait3A_64 = tpu.memref_slice %arg6[%dma_wait3A, %dma_wait3A_63] : memref<10000x128xf32, #tpu.memory_space<hbm>> -> memref<520x128xf32, #tpu.memory_space<hbm>>
        %dma_wait3A_65 = arith.constant 9480 : i32
        %dma_wait3A_66 = arith.constant 0 : i32
        %dma_wait3A_67 = tpu.memref_slice %arg11[%dma_wait3A_65, %dma_wait3A_66] : memref<10000x128xf32, #tpu.memory_space<vmem_shared>> -> memref<520x128xf32, #tpu.memory_space<vmem_shared>>
        tpu.wait_dma2 semaphore(%run_scoped3A : memref<!tpu.dma_semaphore, #tpu.memory_space<semaphore_mem>>) src(%dma_wait3A_67 : memref<520x128xf32, #tpu.memory_space<vmem_shared>>) dst(%dma_wait3A_64 : memref<520x128xf32, #tpu.memory_space<hbm>>)
        tpu.yield
      }) : () -> ()
    } else {
    }
    %eq3A_41 = arith.constant 1 : i32
    %eq3A_42 = arith.cmpi eq, %arg0, %eq3A_41 : i32
    %lt3A_43 = arith.constant 15 : i32
    %lt3A_44 = arith.cmpi slt, %arg1, %lt3A_43 : i32
    %and3A_45 = arith.andi %eq3A_42, %lt3A_44 : i1
    %convert_element_type3A_46 = arith.extui %and3A_45 : i1 to i32
    %cond3A_47 = arith.constant 0 : i32
    %cond3A_48 = arith.cmpi ne, %convert_element_type3A_46, %cond3A_47 : i32
    scf.if %cond3A_48 {
      "tpu.region"() ({
        %run_scoped3A = tpu.sem_alloc : memref<!tpu.dma_semaphore, #tpu.memory_space<semaphore_mem>>
        %dma_start3A_57 = arith.constant 0 : i32
        %dma_start3A_58 = tpu.memref_slice %arg7[%mul3A_2, %dma_start3A_57] : memref<10000x128xf32, #tpu.memory_space<hbm>> -> memref<632x128xf32, #tpu.memory_space<hbm>>
        %dma_start3A_59 = arith.constant 0 : i32
        %dma_start3A_60 = tpu.memref_slice %arg11[%mul3A_2, %dma_start3A_59] : memref<10000x128xf32, #tpu.memory_space<vmem_shared>> -> memref<632x128xf32, #tpu.memory_space<vmem_shared>>
        tpu.enqueue_dma source(%dma_start3A_60 : memref<632x128xf32, #tpu.memory_space<vmem_shared>>) target(%dma_start3A_58 : memref<632x128xf32, #tpu.memory_space<hbm>>) target_semaphore(%run_scoped3A : memref<!tpu.dma_semaphore, #tpu.memory_space<semaphore_mem>>)
        %dma_wait3A = arith.constant 0 : i32
        %dma_wait3A_61 = tpu.memref_slice %arg7[%mul3A_2, %dma_wait3A] : memref<10000x128xf32, #tpu.memory_space<hbm>> -> memref<632x128xf32, #tpu.memory_space<hbm>>
        %dma_wait3A_62 = arith.constant 0 : i32
        %dma_wait3A_63 = tpu.memref_slice %arg11[%mul3A_2, %dma_wait3A_62] : memref<10000x128xf32, #tpu.memory_space<vmem_shared>> -> memref<632x128xf32, #tpu.memory_space<vmem_shared>>
        tpu.wait_dma2 semaphore(%run_scoped3A : memref<!tpu.dma_semaphore, #tpu.memory_space<semaphore_mem>>) src(%dma_wait3A_63 : memref<632x128xf32, #tpu.memory_space<vmem_shared>>) dst(%dma_wait3A_61 : memref<632x128xf32, #tpu.memory_space<hbm>>)
        tpu.yield
      }) : () -> ()
    } else {
    }
    %eq3A_49 = arith.constant 1 : i32
    %eq3A_50 = arith.cmpi eq, %arg0, %eq3A_49 : i32
    %eq3A_51 = arith.constant 15 : i32
    %eq3A_52 = arith.cmpi eq, %arg1, %eq3A_51 : i32
    %and3A_53 = arith.andi %eq3A_50, %eq3A_52 : i1
    %convert_element_type3A_54 = arith.extui %and3A_53 : i1 to i32
    %cond3A_55 = arith.constant 0 : i32
    %cond3A_56 = arith.cmpi ne, %convert_element_type3A_54, %cond3A_55 : i32
    scf.if %cond3A_56 {
      "tpu.region"() ({
        %run_scoped3A = tpu.sem_alloc : memref<!tpu.dma_semaphore, #tpu.memory_space<semaphore_mem>>
        %dma_start3A_57 = arith.constant 9480 : i32
        %dma_start3A_58 = arith.constant 0 : i32
        %dma_start3A_59 = tpu.memref_slice %arg7[%dma_start3A_57, %dma_start3A_58] : memref<10000x128xf32, #tpu.memory_space<hbm>> -> memref<520x128xf32, #tpu.memory_space<hbm>>
        %dma_start3A_60 = arith.constant 9480 : i32
        %dma_start3A_61 = arith.constant 0 : i32
        %dma_start3A_62 = tpu.memref_slice %arg11[%dma_start3A_60, %dma_start3A_61] : memref<10000x128xf32, #tpu.memory_space<vmem_shared>> -> memref<520x128xf32, #tpu.memory_space<vmem_shared>>
        tpu.enqueue_dma source(%dma_start3A_62 : memref<520x128xf32, #tpu.memory_space<vmem_shared>>) target(%dma_start3A_59 : memref<520x128xf32, #tpu.memory_space<hbm>>) target_semaphore(%run_scoped3A : memref<!tpu.dma_semaphore, #tpu.memory_space<semaphore_mem>>)
        %dma_wait3A = arith.constant 9480 : i32
        %dma_wait3A_63 = arith.constant 0 : i32
        %dma_wait3A_64 = tpu.memref_slice %arg7[%dma_wait3A, %dma_wait3A_63] : memref<10000x128xf32, #tpu.memory_space<hbm>> -> memref<520x128xf32, #tpu.memory_space<hbm>>
        %dma_wait3A_65 = arith.constant 9480 : i32
        %dma_wait3A_66 = arith.constant 0 : i32
        %dma_wait3A_67 = tpu.memref_slice %arg11[%dma_wait3A_65, %dma_wait3A_66] : memref<10000x128xf32, #tpu.memory_space<vmem_shared>> -> memref<520x128xf32, #tpu.memory_space<vmem_shared>>
        tpu.wait_dma2 semaphore(%run_scoped3A : memref<!tpu.dma_semaphore, #tpu.memory_space<semaphore_mem>>) src(%dma_wait3A_67 : memref<520x128xf32, #tpu.memory_space<vmem_shared>>) dst(%dma_wait3A_64 : memref<520x128xf32, #tpu.memory_space<hbm>>)
        tpu.yield
      }) : () -> ()
    } else {
    }
    return
  }
}

#map = affine_map<(d0, d1) -> (0, 0)>
#map1 = affine_map<(d0, d1) -> (0, 0, 0)>
module attributes {stable_mosaic.version = 14 : i64} {
  func.func @_edge_k(%arg0: i32, %arg1: i32, %arg2: memref<10000x128xi32, #tpu.memory_space<hbm>>, %arg3: memref<10000x128xi32, #tpu.memory_space<hbm>>, %arg4: memref<32x75x80xi32, #tpu.memory_space<hbm>>, %arg5: memref<32x75x80xi32, #tpu.memory_space<hbm>>, %arg6: memref<192000x128xi32, #tpu.memory_space<hbm>>, %arg7: memref<75x80xi32, #tpu.memory_space<vmem>>, %arg8: memref<75x80xi32, #tpu.memory_space<vmem>>, %arg9: memref<80x128xi32, #tpu.memory_space<vmem>>, %arg10: memref<80x128xi32, #tpu.memory_space<vmem>>, %arg11: memref<80x128xi32, #tpu.memory_space<vmem>>, %arg12: memref<80x128xi32, #tpu.memory_space<vmem>>, %arg13: memref<80x128xi32, #tpu.memory_space<vmem>>, %arg14: memref<80x128xi32, #tpu.memory_space<vmem>>, %arg15: memref<!tpu.dma_semaphore, #tpu.memory_space<semaphore_mem>>, %arg16: memref<!tpu.dma_semaphore, #tpu.memory_space<semaphore_mem>>, %arg17: memref<!tpu.dma_semaphore, #tpu.memory_space<semaphore_mem>>, %arg18: memref<!tpu.dma_semaphore, #tpu.memory_space<semaphore_mem>>, %arg19: memref<!tpu.dma_semaphore, #tpu.memory_space<semaphore_mem>>, %arg20: memref<!tpu.dma_semaphore, #tpu.memory_space<semaphore_mem>>) attributes {dimension_semantics = [#tpu.dimension_semantics<core_parallel>, #tpu.dimension_semantics<subcore_parallel>], iteration_bounds = array<i64: 2, 16>, scalar_prefetch = 0 : i64, scratch_operands = 14 : i64, tpu.core_type = #tpu.core_type<sc_vector_subcore>, window_params = [{transform_indices = #map}, {transform_indices = #map}, {transform_indices = #map1}, {transform_indices = #map1}, {transform_indices = #map}]} {
    %mul3A = arith.constant 2 : i32
    %mul3A_0 = arith.muli %arg1, %mul3A : i32
    %add3A = arith.addi %mul3A_0, %arg0 : i32
    %mul3A_1 = arith.constant 6000 : i32
    %mul3A_2 = arith.muli %add3A, %mul3A_1 : i32
    "tpu.region"() ({
      %run_scoped3A = tpu.sem_alloc : memref<!tpu.dma_semaphore, #tpu.memory_space<semaphore_mem>>
      %dma_start3A_70 = arith.constant 0 : i32
      %dma_start3A_71 = arith.constant 0 : i32
      %dma_start3A_72 = tpu.memref_slice %arg4[%add3A, %dma_start3A_70, %dma_start3A_71] : memref<32x75x80xi32, #tpu.memory_space<hbm>> -> memref<1x75x80xi32, #tpu.memory_space<hbm>>
      %dma_start3A_73 = tpu.memref_squeeze %dma_start3A_72 : memref<1x75x80xi32, #tpu.memory_space<hbm>> -> memref<75x80xi32, #tpu.memory_space<hbm>>
      %dma_start3A_74 = arith.constant 0 : i32
      %dma_start3A_75 = arith.constant 0 : i32
      %dma_start3A_76 = tpu.memref_slice %arg4[%add3A, %dma_start3A_74, %dma_start3A_75] : memref<32x75x80xi32, #tpu.memory_space<hbm>> -> memref<1x75x80xi32, #tpu.memory_space<hbm>>
      %dma_start3A_77 = tpu.memref_squeeze %dma_start3A_76 : memref<1x75x80xi32, #tpu.memory_space<hbm>> -> memref<75x80xi32, #tpu.memory_space<hbm>>
      tpu.enqueue_dma source(%dma_start3A_77 : memref<75x80xi32, #tpu.memory_space<hbm>>) target(%arg7 : memref<75x80xi32, #tpu.memory_space<vmem>>) target_semaphore(%run_scoped3A : memref<!tpu.dma_semaphore, #tpu.memory_space<semaphore_mem>>)
      %dma_wait3A_78 = arith.constant 0 : i32
      %dma_wait3A_79 = arith.constant 0 : i32
      %dma_wait3A_80 = tpu.memref_slice %arg4[%add3A, %dma_wait3A_78, %dma_wait3A_79] : memref<32x75x80xi32, #tpu.memory_space<hbm>> -> memref<1x75x80xi32, #tpu.memory_space<hbm>>
      %dma_wait3A_81 = tpu.memref_squeeze %dma_wait3A_80 : memref<1x75x80xi32, #tpu.memory_space<hbm>> -> memref<75x80xi32, #tpu.memory_space<hbm>>
      %dma_wait3A_82 = arith.constant 0 : i32
      %dma_wait3A_83 = arith.constant 0 : i32
      %dma_wait3A_84 = tpu.memref_slice %arg4[%add3A, %dma_wait3A_82, %dma_wait3A_83] : memref<32x75x80xi32, #tpu.memory_space<hbm>> -> memref<1x75x80xi32, #tpu.memory_space<hbm>>
      %dma_wait3A_85 = tpu.memref_squeeze %dma_wait3A_84 : memref<1x75x80xi32, #tpu.memory_space<hbm>> -> memref<75x80xi32, #tpu.memory_space<hbm>>
      tpu.wait_dma2 semaphore(%run_scoped3A : memref<!tpu.dma_semaphore, #tpu.memory_space<semaphore_mem>>) src(%dma_wait3A_85 : memref<75x80xi32, #tpu.memory_space<hbm>>) dst(%arg7 : memref<75x80xi32, #tpu.memory_space<vmem>>)
      tpu.yield
    }) : () -> ()
    "tpu.region"() ({
      %run_scoped3A = tpu.sem_alloc : memref<!tpu.dma_semaphore, #tpu.memory_space<semaphore_mem>>
      %dma_start3A_70 = arith.constant 0 : i32
      %dma_start3A_71 = arith.constant 0 : i32
      %dma_start3A_72 = tpu.memref_slice %arg5[%add3A, %dma_start3A_70, %dma_start3A_71] : memref<32x75x80xi32, #tpu.memory_space<hbm>> -> memref<1x75x80xi32, #tpu.memory_space<hbm>>
      %dma_start3A_73 = tpu.memref_squeeze %dma_start3A_72 : memref<1x75x80xi32, #tpu.memory_space<hbm>> -> memref<75x80xi32, #tpu.memory_space<hbm>>
      %dma_start3A_74 = arith.constant 0 : i32
      %dma_start3A_75 = arith.constant 0 : i32
      %dma_start3A_76 = tpu.memref_slice %arg5[%add3A, %dma_start3A_74, %dma_start3A_75] : memref<32x75x80xi32, #tpu.memory_space<hbm>> -> memref<1x75x80xi32, #tpu.memory_space<hbm>>
      %dma_start3A_77 = tpu.memref_squeeze %dma_start3A_76 : memref<1x75x80xi32, #tpu.memory_space<hbm>> -> memref<75x80xi32, #tpu.memory_space<hbm>>
      tpu.enqueue_dma source(%dma_start3A_77 : memref<75x80xi32, #tpu.memory_space<hbm>>) target(%arg8 : memref<75x80xi32, #tpu.memory_space<vmem>>) target_semaphore(%run_scoped3A : memref<!tpu.dma_semaphore, #tpu.memory_space<semaphore_mem>>)
      %dma_wait3A_78 = arith.constant 0 : i32
      %dma_wait3A_79 = arith.constant 0 : i32
      %dma_wait3A_80 = tpu.memref_slice %arg5[%add3A, %dma_wait3A_78, %dma_wait3A_79] : memref<32x75x80xi32, #tpu.memory_space<hbm>> -> memref<1x75x80xi32, #tpu.memory_space<hbm>>
      %dma_wait3A_81 = tpu.memref_squeeze %dma_wait3A_80 : memref<1x75x80xi32, #tpu.memory_space<hbm>> -> memref<75x80xi32, #tpu.memory_space<hbm>>
      %dma_wait3A_82 = arith.constant 0 : i32
      %dma_wait3A_83 = arith.constant 0 : i32
      %dma_wait3A_84 = tpu.memref_slice %arg5[%add3A, %dma_wait3A_82, %dma_wait3A_83] : memref<32x75x80xi32, #tpu.memory_space<hbm>> -> memref<1x75x80xi32, #tpu.memory_space<hbm>>
      %dma_wait3A_85 = tpu.memref_squeeze %dma_wait3A_84 : memref<1x75x80xi32, #tpu.memory_space<hbm>> -> memref<75x80xi32, #tpu.memory_space<hbm>>
      tpu.wait_dma2 semaphore(%run_scoped3A : memref<!tpu.dma_semaphore, #tpu.memory_space<semaphore_mem>>) src(%dma_wait3A_85 : memref<75x80xi32, #tpu.memory_space<hbm>>) dst(%arg8 : memref<75x80xi32, #tpu.memory_space<vmem>>)
      tpu.yield
    }) : () -> ()
    %dma_start3A = arith.constant 0 : i32
    %dma_start3A_3 = arith.constant 0 : i32
    %dma_start3A_4 = tpu.memref_slice %arg7[%dma_start3A, %dma_start3A_3] : memref<75x80xi32, #tpu.memory_space<vmem>> -> memref<1x80xi32, #tpu.memory_space<vmem>>
    %dma_start3A_5 = tpu.memref_squeeze %dma_start3A_4 : memref<1x80xi32, #tpu.memory_space<vmem>> -> memref<80xi32, #tpu.memory_space<vmem>>
    %dma_start3A_6 = arith.constant 0 : i32
    %dma_start3A_7 = arith.constant 0 : i32
    %dma_start3A_8 = tpu.memref_slice %arg2[%dma_start3A_6, %dma_start3A_7] : memref<10000x128xi32, #tpu.memory_space<hbm>> -> memref<10000x128xi32, #tpu.memory_space<hbm>>
    tpu.enqueue_indirect_dma source(%dma_start3A_8 : memref<10000x128xi32, #tpu.memory_space<hbm>>) target(%arg9 : memref<80x128xi32, #tpu.memory_space<vmem>>) offsets(%dma_start3A_5 : memref<80xi32, #tpu.memory_space<vmem>>) semaphore(%arg15 : memref<!tpu.dma_semaphore, #tpu.memory_space<semaphore_mem>>)
    %dma_start3A_9 = arith.constant 0 : i32
    %dma_start3A_10 = arith.constant 0 : i32
    %dma_start3A_11 = tpu.memref_slice %arg8[%dma_start3A_9, %dma_start3A_10] : memref<75x80xi32, #tpu.memory_space<vmem>> -> memref<1x80xi32, #tpu.memory_space<vmem>>
    %dma_start3A_12 = tpu.memref_squeeze %dma_start3A_11 : memref<1x80xi32, #tpu.memory_space<vmem>> -> memref<80xi32, #tpu.memory_space<vmem>>
    %dma_start3A_13 = arith.constant 0 : i32
    %dma_start3A_14 = arith.constant 0 : i32
    %dma_start3A_15 = tpu.memref_slice %arg3[%dma_start3A_13, %dma_start3A_14] : memref<10000x128xi32, #tpu.memory_space<hbm>> -> memref<10000x128xi32, #tpu.memory_space<hbm>>
    tpu.enqueue_indirect_dma source(%dma_start3A_15 : memref<10000x128xi32, #tpu.memory_space<hbm>>) target(%arg10 : memref<80x128xi32, #tpu.memory_space<vmem>>) offsets(%dma_start3A_12 : memref<80xi32, #tpu.memory_space<vmem>>) semaphore(%arg16 : memref<!tpu.dma_semaphore, #tpu.memory_space<semaphore_mem>>)
    %dma_start3A_16 = arith.constant 1 : i32
    %dma_start3A_17 = arith.constant 0 : i32
    %dma_start3A_18 = tpu.memref_slice %arg7[%dma_start3A_16, %dma_start3A_17] : memref<75x80xi32, #tpu.memory_space<vmem>> -> memref<1x80xi32, #tpu.memory_space<vmem>>
    %dma_start3A_19 = tpu.memref_squeeze %dma_start3A_18 : memref<1x80xi32, #tpu.memory_space<vmem>> -> memref<80xi32, #tpu.memory_space<vmem>>
    %dma_start3A_20 = arith.constant 0 : i32
    %dma_start3A_21 = arith.constant 0 : i32
    %dma_start3A_22 = tpu.memref_slice %arg2[%dma_start3A_20, %dma_start3A_21] : memref<10000x128xi32, #tpu.memory_space<hbm>> -> memref<10000x128xi32, #tpu.memory_space<hbm>>
    tpu.enqueue_indirect_dma source(%dma_start3A_22 : memref<10000x128xi32, #tpu.memory_space<hbm>>) target(%arg12 : memref<80x128xi32, #tpu.memory_space<vmem>>) offsets(%dma_start3A_19 : memref<80xi32, #tpu.memory_space<vmem>>) semaphore(%arg18 : memref<!tpu.dma_semaphore, #tpu.memory_space<semaphore_mem>>)
    %dma_start3A_23 = arith.constant 1 : i32
    %dma_start3A_24 = arith.constant 0 : i32
    %dma_start3A_25 = tpu.memref_slice %arg8[%dma_start3A_23, %dma_start3A_24] : memref<75x80xi32, #tpu.memory_space<vmem>> -> memref<1x80xi32, #tpu.memory_space<vmem>>
    %dma_start3A_26 = tpu.memref_squeeze %dma_start3A_25 : memref<1x80xi32, #tpu.memory_space<vmem>> -> memref<80xi32, #tpu.memory_space<vmem>>
    %dma_start3A_27 = arith.constant 0 : i32
    %dma_start3A_28 = arith.constant 0 : i32
    %dma_start3A_29 = tpu.memref_slice %arg3[%dma_start3A_27, %dma_start3A_28] : memref<10000x128xi32, #tpu.memory_space<hbm>> -> memref<10000x128xi32, #tpu.memory_space<hbm>>
    tpu.enqueue_indirect_dma source(%dma_start3A_29 : memref<10000x128xi32, #tpu.memory_space<hbm>>) target(%arg13 : memref<80x128xi32, #tpu.memory_space<vmem>>) offsets(%dma_start3A_26 : memref<80xi32, #tpu.memory_space<vmem>>) semaphore(%arg19 : memref<!tpu.dma_semaphore, #tpu.memory_space<semaphore_mem>>)
    %scan3A = arith.constant 0 : i32
    %scan3A_30 = arith.constant 0 : i32
    %scan3A_31 = arith.constant 37 : i32
    %scan3A_32 = arith.addi %scan3A_30, %scan3A_31 : i32
    %scan3A_33 = arith.constant 1 : i32
    scf.for %scan3A_70 = %scan3A_30 to %scan3A_32 step %scan3A_33  : i32 {
      %mul3A_71 = arith.constant 2 : i32
      %mul3A_72 = arith.muli %mul3A_71, %scan3A_70 : i32
      %mul3A_73 = arith.constant 2 : i32
      %mul3A_74 = arith.muli %mul3A_73, %scan3A_70 : i32
      %add3A_75 = arith.constant 1 : i32
      %add3A_76 = arith.addi %mul3A_74, %add3A_75 : i32
      %dma_wait3A_77 = arith.constant 0 : i32
      %dma_wait3A_78 = arith.constant 0 : i32
      %dma_wait3A_79 = tpu.memref_slice %arg2[%dma_wait3A_77, %dma_wait3A_78] : memref<10000x128xi32, #tpu.memory_space<hbm>> -> memref<80x128xi32, #tpu.memory_space<hbm>>
      %dma_wait3A_80 = arith.constant 0 : i32
      %dma_wait3A_81 = arith.constant 0 : i32
      %dma_wait3A_82 = tpu.memref_slice %arg2[%dma_wait3A_80, %dma_wait3A_81] : memref<10000x128xi32, #tpu.memory_space<hbm>> -> memref<80x128xi32, #tpu.memory_space<hbm>>
      tpu.wait_dma2 semaphore(%arg15 : memref<!tpu.dma_semaphore, #tpu.memory_space<semaphore_mem>>) src(%dma_wait3A_82 : memref<80x128xi32, #tpu.memory_space<hbm>>) dst(%arg9 : memref<80x128xi32, #tpu.memory_space<vmem>>)
      %dma_wait3A_83 = arith.constant 0 : i32
      %dma_wait3A_84 = arith.constant 0 : i32
      %dma_wait3A_85 = tpu.memref_slice %arg3[%dma_wait3A_83, %dma_wait3A_84] : memref<10000x128xi32, #tpu.memory_space<hbm>> -> memref<80x128xi32, #tpu.memory_space<hbm>>
      %dma_wait3A_86 = arith.constant 0 : i32
      %dma_wait3A_87 = arith.constant 0 : i32
      %dma_wait3A_88 = tpu.memref_slice %arg3[%dma_wait3A_86, %dma_wait3A_87] : memref<10000x128xi32, #tpu.memory_space<hbm>> -> memref<80x128xi32, #tpu.memory_space<hbm>>
      tpu.wait_dma2 semaphore(%arg16 : memref<!tpu.dma_semaphore, #tpu.memory_space<semaphore_mem>>) src(%dma_wait3A_88 : memref<80x128xi32, #tpu.memory_space<hbm>>) dst(%arg10 : memref<80x128xi32, #tpu.memory_space<vmem>>)
      %gt3A = arith.constant 0 : i32
      %gt3A_89 = arith.cmpi sgt, %scan3A_70, %gt3A : i32
      %convert_element_type3A = arith.extui %gt3A_89 : i1 to i32
      %cond3A = arith.constant 0 : i32
      %cond3A_90 = arith.cmpi ne, %convert_element_type3A, %cond3A : i32
      scf.if %cond3A_90 {
        %dma_wait3A_147 = arith.constant 0 : i32
        %dma_wait3A_148 = tpu.memref_slice %arg6[%mul3A_2, %dma_wait3A_147] : memref<192000x128xi32, #tpu.memory_space<hbm>> -> memref<80x128xi32, #tpu.memory_space<hbm>>
        %dma_wait3A_149 = arith.constant 0 : i32
        %dma_wait3A_150 = tpu.memref_slice %arg6[%mul3A_2, %dma_wait3A_149] : memref<192000x128xi32, #tpu.memory_space<hbm>> -> memref<80x128xi32, #tpu.memory_space<hbm>>
        tpu.wait_dma2 semaphore(%arg17 : memref<!tpu.dma_semaphore, #tpu.memory_space<semaphore_mem>>) src(%arg11 : memref<80x128xi32, #tpu.memory_space<vmem>>) dst(%dma_wait3A_150 : memref<80x128xi32, #tpu.memory_space<hbm>>)
      } else {
      }
      %scan3A_91 = arith.constant 0 : i32
      %scan3A_92 = arith.constant 0 : i32
      %scan3A_93 = arith.constant 80 : i32
      %scan3A_94 = arith.addi %scan3A_92, %scan3A_93 : i32
      %scan3A_95 = arith.constant 1 : i32
      scf.for %scan3A_147 = %scan3A_92 to %scan3A_94 step %scan3A_95  : i32 {
        %get3A = arith.index_cast %scan3A_147 : i32 to index
        %get3A_148 = arith.constant 0 : index
        %get3A_149 = tpu.vector_load %arg9[%get3A, %get3A_148] {strides = array<i32>} : memref<80x128xi32, #tpu.memory_space<vmem>>, vector<1x16xi32>,
        %get3A_150 = vector.shape_cast %get3A_149 : vector<1x16xi32> to vector<16xi32>
        %get3A_151 = arith.index_cast %scan3A_147 : i32 to index
        %get3A_152 = arith.constant 0 : index
        %get3A_153 = tpu.vector_load %arg10[%get3A_151, %get3A_152] {strides = array<i32>} : memref<80x128xi32, #tpu.memory_space<vmem>>, vector<1x16xi32>,
        %get3A_154 = vector.shape_cast %get3A_153 : vector<1x16xi32> to vector<16xi32>
        %shift_left3A = arith.constant 16 : i32
        %shift_left3A_155 = vector.broadcast %shift_left3A : i32 to vector<16xi32>
        %shift_left3A_156 = arith.shli %get3A_150, %shift_left3A_155 : vector<16xi32>
        %bitcast_convert_type3A = tpu.bitcast %shift_left3A_156 : vector<16xi32> -> vector<16xf32>
        %shift_left3A_157 = arith.constant 16 : i32
        %shift_left3A_158 = vector.broadcast %shift_left3A_157 : i32 to vector<16xi32>
        %shift_left3A_159 = arith.shli %get3A_154, %shift_left3A_158 : vector<16xi32>
        %bitcast_convert_type3A_160 = tpu.bitcast %shift_left3A_159 : vector<16xi32> -> vector<16xf32>
        %add3A_161 = arith.addf %bitcast_convert_type3A, %bitcast_convert_type3A_160 : vector<16xf32>
        %and3A = arith.constant -65536 : i32
        %and3A_162 = vector.broadcast %and3A : i32 to vector<16xi32>
        %and3A_163 = arith.andi %get3A_150, %and3A_162 : vector<16xi32>
        %bitcast_convert_type3A_164 = tpu.bitcast %and3A_163 : vector<16xi32> -> vector<16xf32>
        %and3A_165 = arith.constant -65536 : i32
        %and3A_166 = vector.broadcast %and3A_165 : i32 to vector<16xi32>
        %and3A_167 = arith.andi %get3A_154, %and3A_166 : vector<16xi32>
        %bitcast_convert_type3A_168 = tpu.bitcast %and3A_167 : vector<16xi32> -> vector<16xf32>
        %add3A_169 = arith.addf %bitcast_convert_type3A_164, %bitcast_convert_type3A_168 : vector<16xf32>
        %bitcast_convert_type3A_170 = tpu.bitcast %add3A_161 : vector<16xf32> -> vector<16xi32>
        %add3A_171 = arith.constant 32768 : i32
        %add3A_172 = vector.broadcast %add3A_171 : i32 to vector<16xi32>
        %add3A_173 = arith.addi %bitcast_convert_type3A_170, %add3A_172 : vector<16xi32>
        %shift_right_arithmetic3A = arith.constant 16 : i32
        %shift_right_arithmetic3A_174 = vector.broadcast %shift_right_arithmetic3A : i32 to vector<16xi32>
        %shift_right_arithmetic3A_175 = arith.shrsi %add3A_173, %shift_right_arithmetic3A_174 : vector<16xi32>
        %and3A_176 = arith.constant 65535 : i32
        %and3A_177 = vector.broadcast %and3A_176 : i32 to vector<16xi32>
        %and3A_178 = arith.andi %shift_right_arithmetic3A_175, %and3A_177 : vector<16xi32>
        %bitcast_convert_type3A_179 = tpu.bitcast %add3A_169 : vector<16xf32> -> vector<16xi32>
        %add3A_180 = arith.constant 32768 : i32
        %add3A_181 = vector.broadcast %add3A_180 : i32 to vector<16xi32>
        %add3A_182 = arith.addi %bitcast_convert_type3A_179, %add3A_181 : vector<16xi32>
        %and3A_183 = arith.constant -65536 : i32
        %and3A_184 = vector.broadcast %and3A_183 : i32 to vector<16xi32>
        %and3A_185 = arith.andi %add3A_182, %and3A_184 : vector<16xi32>
        %or3A = arith.ori %and3A_178, %and3A_185 : vector<16xi32>
        %swap3A = arith.index_cast %scan3A_147 : i32 to index
        %swap3A_186 = arith.constant 0 : index
        %swap3A_187 = tpu.vector_load %arg11[%swap3A, %swap3A_186] {strides = array<i32>} : memref<80x128xi32, #tpu.memory_space<vmem>>, vector<1x16xi32>,
        %swap3A_188 = vector.shape_cast %swap3A_187 : vector<1x16xi32> to vector<16xi32>
        %swap3A_189 = vector.shape_cast %or3A : vector<16xi32> to vector<1x16xi32>
        tpu.vector_store %arg11[%swap3A, %swap3A_186], %swap3A_189 {strides = array<i32>} : memref<80x128xi32, #tpu.memory_space<vmem>>, vector<1x16xi32>,
        %get3A_190 = arith.index_cast %scan3A_147 : i32 to index
        %get3A_191 = arith.constant 16 : index
        %get3A_192 = tpu.vector_load %arg9[%get3A_190, %get3A_191] {strides = array<i32>} : memref<80x128xi32, #tpu.memory_space<vmem>>, vector<1x16xi32>,
        %get3A_193 = vector.shape_cast %get3A_192 : vector<1x16xi32> to vector<16xi32>
        %get3A_194 = arith.index_cast %scan3A_147 : i32 to index
        %get3A_195 = arith.constant 16 : index
        %get3A_196 = tpu.vector_load %arg10[%get3A_194, %get3A_195] {strides = array<i32>} : memref<80x128xi32, #tpu.memory_space<vmem>>, vector<1x16xi32>,
        %get3A_197 = vector.shape_cast %get3A_196 : vector<1x16xi32> to vector<16xi32>
        %shift_left3A_198 = arith.constant 16 : i32
        %shift_left3A_199 = vector.broadcast %shift_left3A_198 : i32 to vector<16xi32>
        %shift_left3A_200 = arith.shli %get3A_193, %shift_left3A_199 : vector<16xi32>
        %bitcast_convert_type3A_201 = tpu.bitcast %shift_left3A_200 : vector<16xi32> -> vector<16xf32>
        %shift_left3A_202 = arith.constant 16 : i32
        %shift_left3A_203 = vector.broadcast %shift_left3A_202 : i32 to vector<16xi32>
        %shift_left3A_204 = arith.shli %get3A_197, %shift_left3A_203 : vector<16xi32>
        %bitcast_convert_type3A_205 = tpu.bitcast %shift_left3A_204 : vector<16xi32> -> vector<16xf32>
        %add3A_206 = arith.addf %bitcast_convert_type3A_201, %bitcast_convert_type3A_205 : vector<16xf32>
        %and3A_207 = arith.constant -65536 : i32
        %and3A_208 = vector.broadcast %and3A_207 : i32 to vector<16xi32>
        %and3A_209 = arith.andi %get3A_193, %and3A_208 : vector<16xi32>
        %bitcast_convert_type3A_210 = tpu.bitcast %and3A_209 : vector<16xi32> -> vector<16xf32>
        %and3A_211 = arith.constant -65536 : i32
        %and3A_212 = vector.broadcast %and3A_211 : i32 to vector<16xi32>
        %and3A_213 = arith.andi %get3A_197, %and3A_212 : vector<16xi32>
        %bitcast_convert_type3A_214 = tpu.bitcast %and3A_213 : vector<16xi32> -> vector<16xf32>
        %add3A_215 = arith.addf %bitcast_convert_type3A_210, %bitcast_convert_type3A_214 : vector<16xf32>
        %bitcast_convert_type3A_216 = tpu.bitcast %add3A_206 : vector<16xf32> -> vector<16xi32>
        %add3A_217 = arith.constant 32768 : i32
        %add3A_218 = vector.broadcast %add3A_217 : i32 to vector<16xi32>
        %add3A_219 = arith.addi %bitcast_convert_type3A_216, %add3A_218 : vector<16xi32>
        %shift_right_arithmetic3A_220 = arith.constant 16 : i32
        %shift_right_arithmetic3A_221 = vector.broadcast %shift_right_arithmetic3A_220 : i32 to vector<16xi32>
        %shift_right_arithmetic3A_222 = arith.shrsi %add3A_219, %shift_right_arithmetic3A_221 : vector<16xi32>
        %and3A_223 = arith.constant 65535 : i32
        %and3A_224 = vector.broadcast %and3A_223 : i32 to vector<16xi32>
        %and3A_225 = arith.andi %shift_right_arithmetic3A_222, %and3A_224 : vector<16xi32>
        %bitcast_convert_type3A_226 = tpu.bitcast %add3A_215 : vector<16xf32> -> vector<16xi32>
        %add3A_227 = arith.constant 32768 : i32
        %add3A_228 = vector.broadcast %add3A_227 : i32 to vector<16xi32>
        %add3A_229 = arith.addi %bitcast_convert_type3A_226, %add3A_228 : vector<16xi32>
        %and3A_230 = arith.constant -65536 : i32
        %and3A_231 = vector.broadcast %and3A_230 : i32 to vector<16xi32>
        %and3A_232 = arith.andi %add3A_229, %and3A_231 : vector<16xi32>
        %or3A_233 = arith.ori %and3A_225, %and3A_232 : vector<16xi32>
        %swap3A_234 = arith.index_cast %scan3A_147 : i32 to index
        %swap3A_235 = arith.constant 16 : index
        %swap3A_236 = tpu.vector_load %arg11[%swap3A_234, %swap3A_235] {strides = array<i32>} : memref<80x128xi32, #tpu.memory_space<vmem>>, vector<1x16xi32>,
        %swap3A_237 = vector.shape_cast %swap3A_236 : vector<1x16xi32> to vector<16xi32>
        %swap3A_238 = vector.shape_cast %or3A_233 : vector<16xi32> to vector<1x16xi32>
        tpu.vector_store %arg11[%swap3A_234, %swap3A_235], %swap3A_238 {strides = array<i32>} : memref<80x128xi32, #tpu.memory_space<vmem>>, vector<1x16xi32>,
        %get3A_239 = arith.index_cast %scan3A_147 : i32 to index
        %get3A_240 = arith.constant 32 : index
        %get3A_241 = tpu.vector_load %arg9[%get3A_239, %get3A_240] {strides = array<i32>} : memref<80x128xi32, #tpu.memory_space<vmem>>, vector<1x16xi32>,
        %get3A_242 = vector.shape_cast %get3A_241 : vector<1x16xi32> to vector<16xi32>
        %get3A_243 = arith.index_cast %scan3A_147 : i32 to index
        %get3A_244 = arith.constant 32 : index
        %get3A_245 = tpu.vector_load %arg10[%get3A_243, %get3A_244] {strides = array<i32>} : memref<80x128xi32, #tpu.memory_space<vmem>>, vector<1x16xi32>,
        %get3A_246 = vector.shape_cast %get3A_245 : vector<1x16xi32> to vector<16xi32>
        %shift_left3A_247 = arith.constant 16 : i32
        %shift_left3A_248 = vector.broadcast %shift_left3A_247 : i32 to vector<16xi32>
        %shift_left3A_249 = arith.shli %get3A_242, %shift_left3A_248 : vector<16xi32>
        %bitcast_convert_type3A_250 = tpu.bitcast %shift_left3A_249 : vector<16xi32> -> vector<16xf32>
        %shift_left3A_251 = arith.constant 16 : i32
        %shift_left3A_252 = vector.broadcast %shift_left3A_251 : i32 to vector<16xi32>
        %shift_left3A_253 = arith.shli %get3A_246, %shift_left3A_252 : vector<16xi32>
        %bitcast_convert_type3A_254 = tpu.bitcast %shift_left3A_253 : vector<16xi32> -> vector<16xf32>
        %add3A_255 = arith.addf %bitcast_convert_type3A_250, %bitcast_convert_type3A_254 : vector<16xf32>
        %and3A_256 = arith.constant -65536 : i32
        %and3A_257 = vector.broadcast %and3A_256 : i32 to vector<16xi32>
        %and3A_258 = arith.andi %get3A_242, %and3A_257 : vector<16xi32>
        %bitcast_convert_type3A_259 = tpu.bitcast %and3A_258 : vector<16xi32> -> vector<16xf32>
        %and3A_260 = arith.constant -65536 : i32
        %and3A_261 = vector.broadcast %and3A_260 : i32 to vector<16xi32>
        %and3A_262 = arith.andi %get3A_246, %and3A_261 : vector<16xi32>
        %bitcast_convert_type3A_263 = tpu.bitcast %and3A_262 : vector<16xi32> -> vector<16xf32>
        %add3A_264 = arith.addf %bitcast_convert_type3A_259, %bitcast_convert_type3A_263 : vector<16xf32>
        %bitcast_convert_type3A_265 = tpu.bitcast %add3A_255 : vector<16xf32> -> vector<16xi32>
        %add3A_266 = arith.constant 32768 : i32
        %add3A_267 = vector.broadcast %add3A_266 : i32 to vector<16xi32>
        %add3A_268 = arith.addi %bitcast_convert_type3A_265, %add3A_267 : vector<16xi32>
        %shift_right_arithmetic3A_269 = arith.constant 16 : i32
        %shift_right_arithmetic3A_270 = vector.broadcast %shift_right_arithmetic3A_269 : i32 to vector<16xi32>
        %shift_right_arithmetic3A_271 = arith.shrsi %add3A_268, %shift_right_arithmetic3A_270 : vector<16xi32>
        %and3A_272 = arith.constant 65535 : i32
        %and3A_273 = vector.broadcast %and3A_272 : i32 to vector<16xi32>
        %and3A_274 = arith.andi %shift_right_arithmetic3A_271, %and3A_273 : vector<16xi32>
        %bitcast_convert_type3A_275 = tpu.bitcast %add3A_264 : vector<16xf32> -> vector<16xi32>
        %add3A_276 = arith.constant 32768 : i32
        %add3A_277 = vector.broadcast %add3A_276 : i32 to vector<16xi32>
        %add3A_278 = arith.addi %bitcast_convert_type3A_275, %add3A_277 : vector<16xi32>
        %and3A_279 = arith.constant -65536 : i32
        %and3A_280 = vector.broadcast %and3A_279 : i32 to vector<16xi32>
        %and3A_281 = arith.andi %add3A_278, %and3A_280 : vector<16xi32>
        %or3A_282 = arith.ori %and3A_274, %and3A_281 : vector<16xi32>
        %swap3A_283 = arith.index_cast %scan3A_147 : i32 to index
        %swap3A_284 = arith.constant 32 : index
        %swap3A_285 = tpu.vector_load %arg11[%swap3A_283, %swap3A_284] {strides = array<i32>} : memref<80x128xi32, #tpu.memory_space<vmem>>, vector<1x16xi32>,
        %swap3A_286 = vector.shape_cast %swap3A_285 : vector<1x16xi32> to vector<16xi32>
        %swap3A_287 = vector.shape_cast %or3A_282 : vector<16xi32> to vector<1x16xi32>
        tpu.vector_store %arg11[%swap3A_283, %swap3A_284], %swap3A_287 {strides = array<i32>} : memref<80x128xi32, #tpu.memory_space<vmem>>, vector<1x16xi32>,
        %get3A_288 = arith.index_cast %scan3A_147 : i32 to index
        %get3A_289 = arith.constant 48 : index
        %get3A_290 = tpu.vector_load %arg9[%get3A_288, %get3A_289] {strides = array<i32>} : memref<80x128xi32, #tpu.memory_space<vmem>>, vector<1x16xi32>,
        %get3A_291 = vector.shape_cast %get3A_290 : vector<1x16xi32> to vector<16xi32>
        %get3A_292 = arith.index_cast %scan3A_147 : i32 to index
        %get3A_293 = arith.constant 48 : index
        %get3A_294 = tpu.vector_load %arg10[%get3A_292, %get3A_293] {strides = array<i32>} : memref<80x128xi32, #tpu.memory_space<vmem>>, vector<1x16xi32>,
        %get3A_295 = vector.shape_cast %get3A_294 : vector<1x16xi32> to vector<16xi32>
        %shift_left3A_296 = arith.constant 16 : i32
        %shift_left3A_297 = vector.broadcast %shift_left3A_296 : i32 to vector<16xi32>
        %shift_left3A_298 = arith.shli %get3A_291, %shift_left3A_297 : vector<16xi32>
        %bitcast_convert_type3A_299 = tpu.bitcast %shift_left3A_298 : vector<16xi32> -> vector<16xf32>
        %shift_left3A_300 = arith.constant 16 : i32
        %shift_left3A_301 = vector.broadcast %shift_left3A_300 : i32 to vector<16xi32>
        %shift_left3A_302 = arith.shli %get3A_295, %shift_left3A_301 : vector<16xi32>
        %bitcast_convert_type3A_303 = tpu.bitcast %shift_left3A_302 : vector<16xi32> -> vector<16xf32>
        %add3A_304 = arith.addf %bitcast_convert_type3A_299, %bitcast_convert_type3A_303 : vector<16xf32>
        %and3A_305 = arith.constant -65536 : i32
        %and3A_306 = vector.broadcast %and3A_305 : i32 to vector<16xi32>
        %and3A_307 = arith.andi %get3A_291, %and3A_306 : vector<16xi32>
        %bitcast_convert_type3A_308 = tpu.bitcast %and3A_307 : vector<16xi32> -> vector<16xf32>
        %and3A_309 = arith.constant -65536 : i32
        %and3A_310 = vector.broadcast %and3A_309 : i32 to vector<16xi32>
        %and3A_311 = arith.andi %get3A_295, %and3A_310 : vector<16xi32>
        %bitcast_convert_type3A_312 = tpu.bitcast %and3A_311 : vector<16xi32> -> vector<16xf32>
        %add3A_313 = arith.addf %bitcast_convert_type3A_308, %bitcast_convert_type3A_312 : vector<16xf32>
        %bitcast_convert_type3A_314 = tpu.bitcast %add3A_304 : vector<16xf32> -> vector<16xi32>
        %add3A_315 = arith.constant 32768 : i32
        %add3A_316 = vector.broadcast %add3A_315 : i32 to vector<16xi32>
        %add3A_317 = arith.addi %bitcast_convert_type3A_314, %add3A_316 : vector<16xi32>
        %shift_right_arithmetic3A_318 = arith.constant 16 : i32
        %shift_right_arithmetic3A_319 = vector.broadcast %shift_right_arithmetic3A_318 : i32 to vector<16xi32>
        %shift_right_arithmetic3A_320 = arith.shrsi %add3A_317, %shift_right_arithmetic3A_319 : vector<16xi32>
        %and3A_321 = arith.constant 65535 : i32
        %and3A_322 = vector.broadcast %and3A_321 : i32 to vector<16xi32>
        %and3A_323 = arith.andi %shift_right_arithmetic3A_320, %and3A_322 : vector<16xi32>
        %bitcast_convert_type3A_324 = tpu.bitcast %add3A_313 : vector<16xf32> -> vector<16xi32>
        %add3A_325 = arith.constant 32768 : i32
        %add3A_326 = vector.broadcast %add3A_325 : i32 to vector<16xi32>
        %add3A_327 = arith.addi %bitcast_convert_type3A_324, %add3A_326 : vector<16xi32>
        %and3A_328 = arith.constant -65536 : i32
        %and3A_329 = vector.broadcast %and3A_328 : i32 to vector<16xi32>
        %and3A_330 = arith.andi %add3A_327, %and3A_329 : vector<16xi32>
        %or3A_331 = arith.ori %and3A_323, %and3A_330 : vector<16xi32>
        %swap3A_332 = arith.index_cast %scan3A_147 : i32 to index
        %swap3A_333 = arith.constant 48 : index
        %swap3A_334 = tpu.vector_load %arg11[%swap3A_332, %swap3A_333] {strides = array<i32>} : memref<80x128xi32, #tpu.memory_space<vmem>>, vector<1x16xi32>,
        %swap3A_335 = vector.shape_cast %swap3A_334 : vector<1x16xi32> to vector<16xi32>
        %swap3A_336 = vector.shape_cast %or3A_331 : vector<16xi32> to vector<1x16xi32>
        tpu.vector_store %arg11[%swap3A_332, %swap3A_333], %swap3A_336 {strides = array<i32>} : memref<80x128xi32, #tpu.memory_space<vmem>>, vector<1x16xi32>,
        %get3A_337 = arith.index_cast %scan3A_147 : i32 to index
        %get3A_338 = arith.constant 64 : index
        %get3A_339 = tpu.vector_load %arg9[%get3A_337, %get3A_338] {strides = array<i32>} : memref<80x128xi32, #tpu.memory_space<vmem>>, vector<1x16xi32>,
        %get3A_340 = vector.shape_cast %get3A_339 : vector<1x16xi32> to vector<16xi32>
        %get3A_341 = arith.index_cast %scan3A_147 : i32 to index
        %get3A_342 = arith.constant 64 : index
        %get3A_343 = tpu.vector_load %arg10[%get3A_341, %get3A_342] {strides = array<i32>} : memref<80x128xi32, #tpu.memory_space<vmem>>, vector<1x16xi32>,
        %get3A_344 = vector.shape_cast %get3A_343 : vector<1x16xi32> to vector<16xi32>
        %shift_left3A_345 = arith.constant 16 : i32
        %shift_left3A_346 = vector.broadcast %shift_left3A_345 : i32 to vector<16xi32>
        %shift_left3A_347 = arith.shli %get3A_340, %shift_left3A_346 : vector<16xi32>
        %bitcast_convert_type3A_348 = tpu.bitcast %shift_left3A_347 : vector<16xi32> -> vector<16xf32>
        %shift_left3A_349 = arith.constant 16 : i32
        %shift_left3A_350 = vector.broadcast %shift_left3A_349 : i32 to vector<16xi32>
        %shift_left3A_351 = arith.shli %get3A_344, %shift_left3A_350 : vector<16xi32>
        %bitcast_convert_type3A_352 = tpu.bitcast %shift_left3A_351 : vector<16xi32> -> vector<16xf32>
        %add3A_353 = arith.addf %bitcast_convert_type3A_348, %bitcast_convert_type3A_352 : vector<16xf32>
        %and3A_354 = arith.constant -65536 : i32
        %and3A_355 = vector.broadcast %and3A_354 : i32 to vector<16xi32>
        %and3A_356 = arith.andi %get3A_340, %and3A_355 : vector<16xi32>
        %bitcast_convert_type3A_357 = tpu.bitcast %and3A_356 : vector<16xi32> -> vector<16xf32>
        %and3A_358 = arith.constant -65536 : i32
        %and3A_359 = vector.broadcast %and3A_358 : i32 to vector<16xi32>
        %and3A_360 = arith.andi %get3A_344, %and3A_359 : vector<16xi32>
        %bitcast_convert_type3A_361 = tpu.bitcast %and3A_360 : vector<16xi32> -> vector<16xf32>
        %add3A_362 = arith.addf %bitcast_convert_type3A_357, %bitcast_convert_type3A_361 : vector<16xf32>
        %bitcast_convert_type3A_363 = tpu.bitcast %add3A_353 : vector<16xf32> -> vector<16xi32>
        %add3A_364 = arith.constant 32768 : i32
        %add3A_365 = vector.broadcast %add3A_364 : i32 to vector<16xi32>
        %add3A_366 = arith.addi %bitcast_convert_type3A_363, %add3A_365 : vector<16xi32>
        %shift_right_arithmetic3A_367 = arith.constant 16 : i32
        %shift_right_arithmetic3A_368 = vector.broadcast %shift_right_arithmetic3A_367 : i32 to vector<16xi32>
        %shift_right_arithmetic3A_369 = arith.shrsi %add3A_366, %shift_right_arithmetic3A_368 : vector<16xi32>
        %and3A_370 = arith.constant 65535 : i32
        %and3A_371 = vector.broadcast %and3A_370 : i32 to vector<16xi32>
        %and3A_372 = arith.andi %shift_right_arithmetic3A_369, %and3A_371 : vector<16xi32>
        %bitcast_convert_type3A_373 = tpu.bitcast %add3A_362 : vector<16xf32> -> vector<16xi32>
        %add3A_374 = arith.constant 32768 : i32
        %add3A_375 = vector.broadcast %add3A_374 : i32 to vector<16xi32>
        %add3A_376 = arith.addi %bitcast_convert_type3A_373, %add3A_375 : vector<16xi32>
        %and3A_377 = arith.constant -65536 : i32
        %and3A_378 = vector.broadcast %and3A_377 : i32 to vector<16xi32>
        %and3A_379 = arith.andi %add3A_376, %and3A_378 : vector<16xi32>
        %or3A_380 = arith.ori %and3A_372, %and3A_379 : vector<16xi32>
        %swap3A_381 = arith.index_cast %scan3A_147 : i32 to index
        %swap3A_382 = arith.constant 64 : index
        %swap3A_383 = tpu.vector_load %arg11[%swap3A_381, %swap3A_382] {strides = array<i32>} : memref<80x128xi32, #tpu.memory_space<vmem>>, vector<1x16xi32>,
        %swap3A_384 = vector.shape_cast %swap3A_383 : vector<1x16xi32> to vector<16xi32>
        %swap3A_385 = vector.shape_cast %or3A_380 : vector<16xi32> to vector<1x16xi32>
        tpu.vector_store %arg11[%swap3A_381, %swap3A_382], %swap3A_385 {strides = array<i32>} : memref<80x128xi32, #tpu.memory_space<vmem>>, vector<1x16xi32>,
        %get3A_386 = arith.index_cast %scan3A_147 : i32 to index
        %get3A_387 = arith.constant 80 : index
        %get3A_388 = tpu.vector_load %arg9[%get3A_386, %get3A_387] {strides = array<i32>} : memref<80x128xi32, #tpu.memory_space<vmem>>, vector<1x16xi32>,
        %get3A_389 = vector.shape_cast %get3A_388 : vector<1x16xi32> to vector<16xi32>
        %get3A_390 = arith.index_cast %scan3A_147 : i32 to index
        %get3A_391 = arith.constant 80 : index
        %get3A_392 = tpu.vector_load %arg10[%get3A_390, %get3A_391] {strides = array<i32>} : memref<80x128xi32, #tpu.memory_space<vmem>>, vector<1x16xi32>,
        %get3A_393 = vector.shape_cast %get3A_392 : vector<1x16xi32> to vector<16xi32>
        %shift_left3A_394 = arith.constant 16 : i32
        %shift_left3A_395 = vector.broadcast %shift_left3A_394 : i32 to vector<16xi32>
        %shift_left3A_396 = arith.shli %get3A_389, %shift_left3A_395 : vector<16xi32>
        %bitcast_convert_type3A_397 = tpu.bitcast %shift_left3A_396 : vector<16xi32> -> vector<16xf32>
        %shift_left3A_398 = arith.constant 16 : i32
        %shift_left3A_399 = vector.broadcast %shift_left3A_398 : i32 to vector<16xi32>
        %shift_left3A_400 = arith.shli %get3A_393, %shift_left3A_399 : vector<16xi32>
        %bitcast_convert_type3A_401 = tpu.bitcast %shift_left3A_400 : vector<16xi32> -> vector<16xf32>
        %add3A_402 = arith.addf %bitcast_convert_type3A_397, %bitcast_convert_type3A_401 : vector<16xf32>
        %and3A_403 = arith.constant -65536 : i32
        %and3A_404 = vector.broadcast %and3A_403 : i32 to vector<16xi32>
        %and3A_405 = arith.andi %get3A_389, %and3A_404 : vector<16xi32>
        %bitcast_convert_type3A_406 = tpu.bitcast %and3A_405 : vector<16xi32> -> vector<16xf32>
        %and3A_407 = arith.constant -65536 : i32
        %and3A_408 = vector.broadcast %and3A_407 : i32 to vector<16xi32>
        %and3A_409 = arith.andi %get3A_393, %and3A_408 : vector<16xi32>
        %bitcast_convert_type3A_410 = tpu.bitcast %and3A_409 : vector<16xi32> -> vector<16xf32>
        %add3A_411 = arith.addf %bitcast_convert_type3A_406, %bitcast_convert_type3A_410 : vector<16xf32>
        %bitcast_convert_type3A_412 = tpu.bitcast %add3A_402 : vector<16xf32> -> vector<16xi32>
        %add3A_413 = arith.constant 32768 : i32
        %add3A_414 = vector.broadcast %add3A_413 : i32 to vector<16xi32>
        %add3A_415 = arith.addi %bitcast_convert_type3A_412, %add3A_414 : vector<16xi32>
        %shift_right_arithmetic3A_416 = arith.constant 16 : i32
        %shift_right_arithmetic3A_417 = vector.broadcast %shift_right_arithmetic3A_416 : i32 to vector<16xi32>
        %shift_right_arithmetic3A_418 = arith.shrsi %add3A_415, %shift_right_arithmetic3A_417 : vector<16xi32>
        %and3A_419 = arith.constant 65535 : i32
        %and3A_420 = vector.broadcast %and3A_419 : i32 to vector<16xi32>
        %and3A_421 = arith.andi %shift_right_arithmetic3A_418, %and3A_420 : vector<16xi32>
        %bitcast_convert_type3A_422 = tpu.bitcast %add3A_411 : vector<16xf32> -> vector<16xi32>
        %add3A_423 = arith.constant 32768 : i32
        %add3A_424 = vector.broadcast %add3A_423 : i32 to vector<16xi32>
        %add3A_425 = arith.addi %bitcast_convert_type3A_422, %add3A_424 : vector<16xi32>
        %and3A_426 = arith.constant -65536 : i32
        %and3A_427 = vector.broadcast %and3A_426 : i32 to vector<16xi32>
        %and3A_428 = arith.andi %add3A_425, %and3A_427 : vector<16xi32>
        %or3A_429 = arith.ori %and3A_421, %and3A_428 : vector<16xi32>
        %swap3A_430 = arith.index_cast %scan3A_147 : i32 to index
        %swap3A_431 = arith.constant 80 : index
        %swap3A_432 = tpu.vector_load %arg11[%swap3A_430, %swap3A_431] {strides = array<i32>} : memref<80x128xi32, #tpu.memory_space<vmem>>, vector<1x16xi32>,
        %swap3A_433 = vector.shape_cast %swap3A_432 : vector<1x16xi32> to vector<16xi32>
        %swap3A_434 = vector.shape_cast %or3A_429 : vector<16xi32> to vector<1x16xi32>
        tpu.vector_store %arg11[%swap3A_430, %swap3A_431], %swap3A_434 {strides = array<i32>} : memref<80x128xi32, #tpu.memory_space<vmem>>, vector<1x16xi32>,
        %get3A_435 = arith.index_cast %scan3A_147 : i32 to index
        %get3A_436 = arith.constant 96 : index
        %get3A_437 = tpu.vector_load %arg9[%get3A_435, %get3A_436] {strides = array<i32>} : memref<80x128xi32, #tpu.memory_space<vmem>>, vector<1x16xi32>,
        %get3A_438 = vector.shape_cast %get3A_437 : vector<1x16xi32> to vector<16xi32>
        %get3A_439 = arith.index_cast %scan3A_147 : i32 to index
        %get3A_440 = arith.constant 96 : index
        %get3A_441 = tpu.vector_load %arg10[%get3A_439, %get3A_440] {strides = array<i32>} : memref<80x128xi32, #tpu.memory_space<vmem>>, vector<1x16xi32>,
        %get3A_442 = vector.shape_cast %get3A_441 : vector<1x16xi32> to vector<16xi32>
        %shift_left3A_443 = arith.constant 16 : i32
        %shift_left3A_444 = vector.broadcast %shift_left3A_443 : i32 to vector<16xi32>
        %shift_left3A_445 = arith.shli %get3A_438, %shift_left3A_444 : vector<16xi32>
        %bitcast_convert_type3A_446 = tpu.bitcast %shift_left3A_445 : vector<16xi32> -> vector<16xf32>
        %shift_left3A_447 = arith.constant 16 : i32
        %shift_left3A_448 = vector.broadcast %shift_left3A_447 : i32 to vector<16xi32>
        %shift_left3A_449 = arith.shli %get3A_442, %shift_left3A_448 : vector<16xi32>
        %bitcast_convert_type3A_450 = tpu.bitcast %shift_left3A_449 : vector<16xi32> -> vector<16xf32>
        %add3A_451 = arith.addf %bitcast_convert_type3A_446, %bitcast_convert_type3A_450 : vector<16xf32>
        %and3A_452 = arith.constant -65536 : i32
        %and3A_453 = vector.broadcast %and3A_452 : i32 to vector<16xi32>
        %and3A_454 = arith.andi %get3A_438, %and3A_453 : vector<16xi32>
        %bitcast_convert_type3A_455 = tpu.bitcast %and3A_454 : vector<16xi32> -> vector<16xf32>
        %and3A_456 = arith.constant -65536 : i32
        %and3A_457 = vector.broadcast %and3A_456 : i32 to vector<16xi32>
        %and3A_458 = arith.andi %get3A_442, %and3A_457 : vector<16xi32>
        %bitcast_convert_type3A_459 = tpu.bitcast %and3A_458 : vector<16xi32> -> vector<16xf32>
        %add3A_460 = arith.addf %bitcast_convert_type3A_455, %bitcast_convert_type3A_459 : vector<16xf32>
        %bitcast_convert_type3A_461 = tpu.bitcast %add3A_451 : vector<16xf32> -> vector<16xi32>
        %add3A_462 = arith.constant 32768 : i32
        %add3A_463 = vector.broadcast %add3A_462 : i32 to vector<16xi32>
        %add3A_464 = arith.addi %bitcast_convert_type3A_461, %add3A_463 : vector<16xi32>
        %shift_right_arithmetic3A_465 = arith.constant 16 : i32
        %shift_right_arithmetic3A_466 = vector.broadcast %shift_right_arithmetic3A_465 : i32 to vector<16xi32>
        %shift_right_arithmetic3A_467 = arith.shrsi %add3A_464, %shift_right_arithmetic3A_466 : vector<16xi32>
        %and3A_468 = arith.constant 65535 : i32
        %and3A_469 = vector.broadcast %and3A_468 : i32 to vector<16xi32>
        %and3A_470 = arith.andi %shift_right_arithmetic3A_467, %and3A_469 : vector<16xi32>
        %bitcast_convert_type3A_471 = tpu.bitcast %add3A_460 : vector<16xf32> -> vector<16xi32>
        %add3A_472 = arith.constant 32768 : i32
        %add3A_473 = vector.broadcast %add3A_472 : i32 to vector<16xi32>
        %add3A_474 = arith.addi %bitcast_convert_type3A_471, %add3A_473 : vector<16xi32>
        %and3A_475 = arith.constant -65536 : i32
        %and3A_476 = vector.broadcast %and3A_475 : i32 to vector<16xi32>
        %and3A_477 = arith.andi %add3A_474, %and3A_476 : vector<16xi32>
        %or3A_478 = arith.ori %and3A_470, %and3A_477 : vector<16xi32>
        %swap3A_479 = arith.index_cast %scan3A_147 : i32 to index
        %swap3A_480 = arith.constant 96 : index
        %swap3A_481 = tpu.vector_load %arg11[%swap3A_479, %swap3A_480] {strides = array<i32>} : memref<80x128xi32, #tpu.memory_space<vmem>>, vector<1x16xi32>,
        %swap3A_482 = vector.shape_cast %swap3A_481 : vector<1x16xi32> to vector<16xi32>
        %swap3A_483 = vector.shape_cast %or3A_478 : vector<16xi32> to vector<1x16xi32>
        tpu.vector_store %arg11[%swap3A_479, %swap3A_480], %swap3A_483 {strides = array<i32>} : memref<80x128xi32, #tpu.memory_space<vmem>>, vector<1x16xi32>,
        %get3A_484 = arith.index_cast %scan3A_147 : i32 to index
        %get3A_485 = arith.constant 112 : index
        %get3A_486 = tpu.vector_load %arg9[%get3A_484, %get3A_485] {strides = array<i32>} : memref<80x128xi32, #tpu.memory_space<vmem>>, vector<1x16xi32>,
        %get3A_487 = vector.shape_cast %get3A_486 : vector<1x16xi32> to vector<16xi32>
        %get3A_488 = arith.index_cast %scan3A_147 : i32 to index
        %get3A_489 = arith.constant 112 : index
        %get3A_490 = tpu.vector_load %arg10[%get3A_488, %get3A_489] {strides = array<i32>} : memref<80x128xi32, #tpu.memory_space<vmem>>, vector<1x16xi32>,
        %get3A_491 = vector.shape_cast %get3A_490 : vector<1x16xi32> to vector<16xi32>
        %shift_left3A_492 = arith.constant 16 : i32
        %shift_left3A_493 = vector.broadcast %shift_left3A_492 : i32 to vector<16xi32>
        %shift_left3A_494 = arith.shli %get3A_487, %shift_left3A_493 : vector<16xi32>
        %bitcast_convert_type3A_495 = tpu.bitcast %shift_left3A_494 : vector<16xi32> -> vector<16xf32>
        %shift_left3A_496 = arith.constant 16 : i32
        %shift_left3A_497 = vector.broadcast %shift_left3A_496 : i32 to vector<16xi32>
        %shift_left3A_498 = arith.shli %get3A_491, %shift_left3A_497 : vector<16xi32>
        %bitcast_convert_type3A_499 = tpu.bitcast %shift_left3A_498 : vector<16xi32> -> vector<16xf32>
        %add3A_500 = arith.addf %bitcast_convert_type3A_495, %bitcast_convert_type3A_499 : vector<16xf32>
        %and3A_501 = arith.constant -65536 : i32
        %and3A_502 = vector.broadcast %and3A_501 : i32 to vector<16xi32>
        %and3A_503 = arith.andi %get3A_487, %and3A_502 : vector<16xi32>
        %bitcast_convert_type3A_504 = tpu.bitcast %and3A_503 : vector<16xi32> -> vector<16xf32>
        %and3A_505 = arith.constant -65536 : i32
        %and3A_506 = vector.broadcast %and3A_505 : i32 to vector<16xi32>
        %and3A_507 = arith.andi %get3A_491, %and3A_506 : vector<16xi32>
        %bitcast_convert_type3A_508 = tpu.bitcast %and3A_507 : vector<16xi32> -> vector<16xf32>
        %add3A_509 = arith.addf %bitcast_convert_type3A_504, %bitcast_convert_type3A_508 : vector<16xf32>
        %bitcast_convert_type3A_510 = tpu.bitcast %add3A_500 : vector<16xf32> -> vector<16xi32>
        %add3A_511 = arith.constant 32768 : i32
        %add3A_512 = vector.broadcast %add3A_511 : i32 to vector<16xi32>
        %add3A_513 = arith.addi %bitcast_convert_type3A_510, %add3A_512 : vector<16xi32>
        %shift_right_arithmetic3A_514 = arith.constant 16 : i32
        %shift_right_arithmetic3A_515 = vector.broadcast %shift_right_arithmetic3A_514 : i32 to vector<16xi32>
        %shift_right_arithmetic3A_516 = arith.shrsi %add3A_513, %shift_right_arithmetic3A_515 : vector<16xi32>
        %and3A_517 = arith.constant 65535 : i32
        %and3A_518 = vector.broadcast %and3A_517 : i32 to vector<16xi32>
        %and3A_519 = arith.andi %shift_right_arithmetic3A_516, %and3A_518 : vector<16xi32>
        %bitcast_convert_type3A_520 = tpu.bitcast %add3A_509 : vector<16xf32> -> vector<16xi32>
        %add3A_521 = arith.constant 32768 : i32
        %add3A_522 = vector.broadcast %add3A_521 : i32 to vector<16xi32>
        %add3A_523 = arith.addi %bitcast_convert_type3A_520, %add3A_522 : vector<16xi32>
        %and3A_524 = arith.constant -65536 : i32
        %and3A_525 = vector.broadcast %and3A_524 : i32 to vector<16xi32>
        %and3A_526 = arith.andi %add3A_523, %and3A_525 : vector<16xi32>
        %or3A_527 = arith.ori %and3A_519, %and3A_526 : vector<16xi32>
        %swap3A_528 = arith.index_cast %scan3A_147 : i32 to index
        %swap3A_529 = arith.constant 112 : index
        %swap3A_530 = tpu.vector_load %arg11[%swap3A_528, %swap3A_529] {strides = array<i32>} : memref<80x128xi32, #tpu.memory_space<vmem>>, vector<1x16xi32>,
        %swap3A_531 = vector.shape_cast %swap3A_530 : vector<1x16xi32> to vector<16xi32>
        %swap3A_532 = vector.shape_cast %or3A_527 : vector<16xi32> to vector<1x16xi32>
        tpu.vector_store %arg11[%swap3A_528, %swap3A_529], %swap3A_532 {strides = array<i32>} : memref<80x128xi32, #tpu.memory_space<vmem>>, vector<1x16xi32>,
      }
      %scan3A_96 = arith.constant 80 : i32
      %mul3A_97 = arith.constant 80 : i32
      %mul3A_98 = arith.muli %mul3A_72, %mul3A_97 : i32
      %add3A_99 = arith.addi %mul3A_2, %mul3A_98 : i32
      %dma_start3A_100 = arith.constant 0 : i32
      %dma_start3A_101 = tpu.memref_slice %arg6[%add3A_99, %dma_start3A_100] : memref<192000x128xi32, #tpu.memory_space<hbm>> -> memref<80x128xi32, #tpu.memory_space<hbm>>
      %dma_start3A_102 = arith.constant 0 : i32
      %dma_start3A_103 = tpu.memref_slice %arg6[%add3A_99, %dma_start3A_102] : memref<192000x128xi32, #tpu.memory_space<hbm>> -> memref<80x128xi32, #tpu.memory_space<hbm>>
      tpu.enqueue_dma source(%arg11 : memref<80x128xi32, #tpu.memory_space<vmem>>) target(%dma_start3A_103 : memref<80x128xi32, #tpu.memory_space<hbm>>) target_semaphore(%arg17 : memref<!tpu.dma_semaphore, #tpu.memory_space<semaphore_mem>>)
      %add3A_104 = arith.constant 2 : i32
      %add3A_105 = arith.addi %mul3A_72, %add3A_104 : i32
      %lt3A = arith.constant 75 : i32
      %lt3A_106 = arith.cmpi slt, %add3A_105, %lt3A : i32
      %convert_element_type3A_107 = arith.extui %lt3A_106 : i1 to i32
      %cond3A_108 = arith.constant 0 : i32
      %cond3A_109 = arith.cmpi ne, %convert_element_type3A_107, %cond3A_108 : i32
      scf.if %cond3A_109 {
        %add3A_147 = arith.constant 2 : i32
        %add3A_148 = arith.addi %mul3A_72, %add3A_147 : i32
        %dma_start3A_149 = arith.constant 0 : i32
        %dma_start3A_150 = tpu.memref_slice %arg7[%add3A_148, %dma_start3A_149] : memref<75x80xi32, #tpu.memory_space<vmem>> -> memref<1x80xi32, #tpu.memory_space<vmem>>
        %dma_start3A_151 = tpu.memref_squeeze %dma_start3A_150 : memref<1x80xi32, #tpu.memory_space<vmem>> -> memref<80xi32, #tpu.memory_space<vmem>>
        %dma_start3A_152 = arith.constant 0 : i32
        %dma_start3A_153 = arith.constant 0 : i32
        %dma_start3A_154 = tpu.memref_slice %arg2[%dma_start3A_152, %dma_start3A_153] : memref<10000x128xi32, #tpu.memory_space<hbm>> -> memref<10000x128xi32, #tpu.memory_space<hbm>>
        tpu.enqueue_indirect_dma source(%dma_start3A_154 : memref<10000x128xi32, #tpu.memory_space<hbm>>) target(%arg9 : memref<80x128xi32, #tpu.memory_space<vmem>>) offsets(%dma_start3A_151 : memref<80xi32, #tpu.memory_space<vmem>>) semaphore(%arg15 : memref<!tpu.dma_semaphore, #tpu.memory_space<semaphore_mem>>)
        %add3A_155 = arith.constant 2 : i32
        %add3A_156 = arith.addi %mul3A_72, %add3A_155 : i32
        %dma_start3A_157 = arith.constant 0 : i32
        %dma_start3A_158 = tpu.memref_slice %arg8[%add3A_156, %dma_start3A_157] : memref<75x80xi32, #tpu.memory_space<vmem>> -> memref<1x80xi32, #tpu.memory_space<vmem>>
        %dma_start3A_159 = tpu.memref_squeeze %dma_start3A_158 : memref<1x80xi32, #tpu.memory_space<vmem>> -> memref<80xi32, #tpu.memory_space<vmem>>
        %dma_start3A_160 = arith.constant 0 : i32
        %dma_start3A_161 = arith.constant 0 : i32
        %dma_start3A_162 = tpu.memref_slice %arg3[%dma_start3A_160, %dma_start3A_161] : memref<10000x128xi32, #tpu.memory_space<hbm>> -> memref<10000x128xi32, #tpu.memory_space<hbm>>
        tpu.enqueue_indirect_dma source(%dma_start3A_162 : memref<10000x128xi32, #tpu.memory_space<hbm>>) target(%arg10 : memref<80x128xi32, #tpu.memory_space<vmem>>) offsets(%dma_start3A_159 : memref<80xi32, #tpu.memory_space<vmem>>) semaphore(%arg16 : memref<!tpu.dma_semaphore, #tpu.memory_space<semaphore_mem>>)
      } else {
      }
      %dma_wait3A_110 = arith.constant 0 : i32
      %dma_wait3A_111 = arith.constant 0 : i32
      %dma_wait3A_112 = tpu.memref_slice %arg2[%dma_wait3A_110, %dma_wait3A_111] : memref<10000x128xi32, #tpu.memory_space<hbm>> -> memref<80x128xi32, #tpu.memory_space<hbm>>
      %dma_wait3A_113 = arith.constant 0 : i32
      %dma_wait3A_114 = arith.constant 0 : i32
      %dma_wait3A_115 = tpu.memref_slice %arg2[%dma_wait3A_113, %dma_wait3A_114] : memref<10000x128xi32, #tpu.memory_space<hbm>> -> memref<80x128xi32, #tpu.memory_space<hbm>>
      tpu.wait_dma2 semaphore(%arg18 : memref<!tpu.dma_semaphore, #tpu.memory_space<semaphore_mem>>) src(%dma_wait3A_115 : memref<80x128xi32, #tpu.memory_space<hbm>>) dst(%arg12 : memref<80x128xi32, #tpu.memory_space<vmem>>)
      %dma_wait3A_116 = arith.constant 0 : i32
      %dma_wait3A_117 = arith.constant 0 : i32
      %dma_wait3A_118 = tpu.memref_slice %arg3[%dma_wait3A_116, %dma_wait3A_117] : memref<10000x128xi32, #tpu.memory_space<hbm>> -> memref<80x128xi32, #tpu.memory_space<hbm>>
      %dma_wait3A_119 = arith.constant 0 : i32
      %dma_wait3A_120 = arith.constant 0 : i32
      %dma_wait3A_121 = tpu.memref_slice %arg3[%dma_wait3A_119, %dma_wait3A_120] : memref<10000x128xi32, #tpu.memory_space<hbm>> -> memref<80x128xi32, #tpu.memory_space<hbm>>
      tpu.wait_dma2 semaphore(%arg19 : memref<!tpu.dma_semaphore, #tpu.memory_space<semaphore_mem>>) src(%dma_wait3A_121 : memref<80x128xi32, #tpu.memory_space<hbm>>) dst(%arg13 : memref<80x128xi32, #tpu.memory_space<vmem>>)
      %gt3A_122 = arith.constant 0 : i32
      %gt3A_123 = arith.cmpi sgt, %scan3A_70, %gt3A_122 : i32
      %convert_element_type3A_124 = arith.extui %gt3A_123 : i1 to i32
      %cond3A_125 = arith.constant 0 : i32
      %cond3A_126 = arith.cmpi ne, %convert_element_type3A_124, %cond3A_125 : i32
      scf.if %cond3A_126 {
        %dma_wait3A_147 = arith.constant 0 : i32
        %dma_wait3A_148 = tpu.memref_slice %arg6[%mul3A_2, %dma_wait3A_147] : memref<192000x128xi32, #tpu.memory_space<hbm>> -> memref<80x128xi32, #tpu.memory_space<hbm>>
        %dma_wait3A_149 = arith.constant 0 : i32
        %dma_wait3A_150 = tpu.memref_slice %arg6[%mul3A_2, %dma_wait3A_149] : memref<192000x128xi32, #tpu.memory_space<hbm>> -> memref<80x128xi32, #tpu.memory_space<hbm>>
        tpu.wait_dma2 semaphore(%arg20 : memref<!tpu.dma_semaphore, #tpu.memory_space<semaphore_mem>>) src(%arg14 : memref<80x128xi32, #tpu.memory_space<vmem>>) dst(%dma_wait3A_150 : memref<80x128xi32, #tpu.memory_space<hbm>>)
      } else {
      }
      %scan3A_127 = arith.constant 0 : i32
      %scan3A_128 = arith.constant 0 : i32
      %scan3A_129 = arith.constant 80 : i32
      %scan3A_130 = arith.addi %scan3A_128, %scan3A_129 : i32
      %scan3A_131 = arith.constant 1 : i32
      scf.for %scan3A_147 = %scan3A_128 to %scan3A_130 step %scan3A_131  : i32 {
        %get3A = arith.index_cast %scan3A_147 : i32 to index
        %get3A_148 = arith.constant 0 : index
        %get3A_149 = tpu.vector_load %arg12[%get3A, %get3A_148] {strides = array<i32>} : memref<80x128xi32, #tpu.memory_space<vmem>>, vector<1x16xi32>,
        %get3A_150 = vector.shape_cast %get3A_149 : vector<1x16xi32> to vector<16xi32>
        %get3A_151 = arith.index_cast %scan3A_147 : i32 to index
        %get3A_152 = arith.constant 0 : index
        %get3A_153 = tpu.vector_load %arg13[%get3A_151, %get3A_152] {strides = array<i32>} : memref<80x128xi32, #tpu.memory_space<vmem>>, vector<1x16xi32>,
        %get3A_154 = vector.shape_cast %get3A_153 : vector<1x16xi32> to vector<16xi32>
        %shift_left3A = arith.constant 16 : i32
        %shift_left3A_155 = vector.broadcast %shift_left3A : i32 to vector<16xi32>
        %shift_left3A_156 = arith.shli %get3A_150, %shift_left3A_155 : vector<16xi32>
        %bitcast_convert_type3A = tpu.bitcast %shift_left3A_156 : vector<16xi32> -> vector<16xf32>
        %shift_left3A_157 = arith.constant 16 : i32
        %shift_left3A_158 = vector.broadcast %shift_left3A_157 : i32 to vector<16xi32>
        %shift_left3A_159 = arith.shli %get3A_154, %shift_left3A_158 : vector<16xi32>
        %bitcast_convert_type3A_160 = tpu.bitcast %shift_left3A_159 : vector<16xi32> -> vector<16xf32>
        %add3A_161 = arith.addf %bitcast_convert_type3A, %bitcast_convert_type3A_160 : vector<16xf32>
        %and3A = arith.constant -65536 : i32
        %and3A_162 = vector.broadcast %and3A : i32 to vector<16xi32>
        %and3A_163 = arith.andi %get3A_150, %and3A_162 : vector<16xi32>
        %bitcast_convert_type3A_164 = tpu.bitcast %and3A_163 : vector<16xi32> -> vector<16xf32>
        %and3A_165 = arith.constant -65536 : i32
        %and3A_166 = vector.broadcast %and3A_165 : i32 to vector<16xi32>
        %and3A_167 = arith.andi %get3A_154, %and3A_166 : vector<16xi32>
        %bitcast_convert_type3A_168 = tpu.bitcast %and3A_167 : vector<16xi32> -> vector<16xf32>
        %add3A_169 = arith.addf %bitcast_convert_type3A_164, %bitcast_convert_type3A_168 : vector<16xf32>
        %bitcast_convert_type3A_170 = tpu.bitcast %add3A_161 : vector<16xf32> -> vector<16xi32>
        %add3A_171 = arith.constant 32768 : i32
        %add3A_172 = vector.broadcast %add3A_171 : i32 to vector<16xi32>
        %add3A_173 = arith.addi %bitcast_convert_type3A_170, %add3A_172 : vector<16xi32>
        %shift_right_arithmetic3A = arith.constant 16 : i32
        %shift_right_arithmetic3A_174 = vector.broadcast %shift_right_arithmetic3A : i32 to vector<16xi32>
        %shift_right_arithmetic3A_175 = arith.shrsi %add3A_173, %shift_right_arithmetic3A_174 : vector<16xi32>
        %and3A_176 = arith.constant 65535 : i32
        %and3A_177 = vector.broadcast %and3A_176 : i32 to vector<16xi32>
        %and3A_178 = arith.andi %shift_right_arithmetic3A_175, %and3A_177 : vector<16xi32>
        %bitcast_convert_type3A_179 = tpu.bitcast %add3A_169 : vector<16xf32> -> vector<16xi32>
        %add3A_180 = arith.constant 32768 : i32
        %add3A_181 = vector.broadcast %add3A_180 : i32 to vector<16xi32>
        %add3A_182 = arith.addi %bitcast_convert_type3A_179, %add3A_181 : vector<16xi32>
        %and3A_183 = arith.constant -65536 : i32
        %and3A_184 = vector.broadcast %and3A_183 : i32 to vector<16xi32>
        %and3A_185 = arith.andi %add3A_182, %and3A_184 : vector<16xi32>
        %or3A = arith.ori %and3A_178, %and3A_185 : vector<16xi32>
        %swap3A = arith.index_cast %scan3A_147 : i32 to index
        %swap3A_186 = arith.constant 0 : index
        %swap3A_187 = tpu.vector_load %arg14[%swap3A, %swap3A_186] {strides = array<i32>} : memref<80x128xi32, #tpu.memory_space<vmem>>, vector<1x16xi32>,
        %swap3A_188 = vector.shape_cast %swap3A_187 : vector<1x16xi32> to vector<16xi32>
        %swap3A_189 = vector.shape_cast %or3A : vector<16xi32> to vector<1x16xi32>
        tpu.vector_store %arg14[%swap3A, %swap3A_186], %swap3A_189 {strides = array<i32>} : memref<80x128xi32, #tpu.memory_space<vmem>>, vector<1x16xi32>,
        %get3A_190 = arith.index_cast %scan3A_147 : i32 to index
        %get3A_191 = arith.constant 16 : index
        %get3A_192 = tpu.vector_load %arg12[%get3A_190, %get3A_191] {strides = array<i32>} : memref<80x128xi32, #tpu.memory_space<vmem>>, vector<1x16xi32>,
        %get3A_193 = vector.shape_cast %get3A_192 : vector<1x16xi32> to vector<16xi32>
        %get3A_194 = arith.index_cast %scan3A_147 : i32 to index
        %get3A_195 = arith.constant 16 : index
        %get3A_196 = tpu.vector_load %arg13[%get3A_194, %get3A_195] {strides = array<i32>} : memref<80x128xi32, #tpu.memory_space<vmem>>, vector<1x16xi32>,
        %get3A_197 = vector.shape_cast %get3A_196 : vector<1x16xi32> to vector<16xi32>
        %shift_left3A_198 = arith.constant 16 : i32
        %shift_left3A_199 = vector.broadcast %shift_left3A_198 : i32 to vector<16xi32>
        %shift_left3A_200 = arith.shli %get3A_193, %shift_left3A_199 : vector<16xi32>
        %bitcast_convert_type3A_201 = tpu.bitcast %shift_left3A_200 : vector<16xi32> -> vector<16xf32>
        %shift_left3A_202 = arith.constant 16 : i32
        %shift_left3A_203 = vector.broadcast %shift_left3A_202 : i32 to vector<16xi32>
        %shift_left3A_204 = arith.shli %get3A_197, %shift_left3A_203 : vector<16xi32>
        %bitcast_convert_type3A_205 = tpu.bitcast %shift_left3A_204 : vector<16xi32> -> vector<16xf32>
        %add3A_206 = arith.addf %bitcast_convert_type3A_201, %bitcast_convert_type3A_205 : vector<16xf32>
        %and3A_207 = arith.constant -65536 : i32
        %and3A_208 = vector.broadcast %and3A_207 : i32 to vector<16xi32>
        %and3A_209 = arith.andi %get3A_193, %and3A_208 : vector<16xi32>
        %bitcast_convert_type3A_210 = tpu.bitcast %and3A_209 : vector<16xi32> -> vector<16xf32>
        %and3A_211 = arith.constant -65536 : i32
        %and3A_212 = vector.broadcast %and3A_211 : i32 to vector<16xi32>
        %and3A_213 = arith.andi %get3A_197, %and3A_212 : vector<16xi32>
        %bitcast_convert_type3A_214 = tpu.bitcast %and3A_213 : vector<16xi32> -> vector<16xf32>
        %add3A_215 = arith.addf %bitcast_convert_type3A_210, %bitcast_convert_type3A_214 : vector<16xf32>
        %bitcast_convert_type3A_216 = tpu.bitcast %add3A_206 : vector<16xf32> -> vector<16xi32>
        %add3A_217 = arith.constant 32768 : i32
        %add3A_218 = vector.broadcast %add3A_217 : i32 to vector<16xi32>
        %add3A_219 = arith.addi %bitcast_convert_type3A_216, %add3A_218 : vector<16xi32>
        %shift_right_arithmetic3A_220 = arith.constant 16 : i32
        %shift_right_arithmetic3A_221 = vector.broadcast %shift_right_arithmetic3A_220 : i32 to vector<16xi32>
        %shift_right_arithmetic3A_222 = arith.shrsi %add3A_219, %shift_right_arithmetic3A_221 : vector<16xi32>
        %and3A_223 = arith.constant 65535 : i32
        %and3A_224 = vector.broadcast %and3A_223 : i32 to vector<16xi32>
        %and3A_225 = arith.andi %shift_right_arithmetic3A_222, %and3A_224 : vector<16xi32>
        %bitcast_convert_type3A_226 = tpu.bitcast %add3A_215 : vector<16xf32> -> vector<16xi32>
        %add3A_227 = arith.constant 32768 : i32
        %add3A_228 = vector.broadcast %add3A_227 : i32 to vector<16xi32>
        %add3A_229 = arith.addi %bitcast_convert_type3A_226, %add3A_228 : vector<16xi32>
        %and3A_230 = arith.constant -65536 : i32
        %and3A_231 = vector.broadcast %and3A_230 : i32 to vector<16xi32>
        %and3A_232 = arith.andi %add3A_229, %and3A_231 : vector<16xi32>
        %or3A_233 = arith.ori %and3A_225, %and3A_232 : vector<16xi32>
        %swap3A_234 = arith.index_cast %scan3A_147 : i32 to index
        %swap3A_235 = arith.constant 16 : index
        %swap3A_236 = tpu.vector_load %arg14[%swap3A_234, %swap3A_235] {strides = array<i32>} : memref<80x128xi32, #tpu.memory_space<vmem>>, vector<1x16xi32>,
        %swap3A_237 = vector.shape_cast %swap3A_236 : vector<1x16xi32> to vector<16xi32>
        %swap3A_238 = vector.shape_cast %or3A_233 : vector<16xi32> to vector<1x16xi32>
        tpu.vector_store %arg14[%swap3A_234, %swap3A_235], %swap3A_238 {strides = array<i32>} : memref<80x128xi32, #tpu.memory_space<vmem>>, vector<1x16xi32>,
        %get3A_239 = arith.index_cast %scan3A_147 : i32 to index
        %get3A_240 = arith.constant 32 : index
        %get3A_241 = tpu.vector_load %arg12[%get3A_239, %get3A_240] {strides = array<i32>} : memref<80x128xi32, #tpu.memory_space<vmem>>, vector<1x16xi32>,
        %get3A_242 = vector.shape_cast %get3A_241 : vector<1x16xi32> to vector<16xi32>
        %get3A_243 = arith.index_cast %scan3A_147 : i32 to index
        %get3A_244 = arith.constant 32 : index
        %get3A_245 = tpu.vector_load %arg13[%get3A_243, %get3A_244] {strides = array<i32>} : memref<80x128xi32, #tpu.memory_space<vmem>>, vector<1x16xi32>,
        %get3A_246 = vector.shape_cast %get3A_245 : vector<1x16xi32> to vector<16xi32>
        %shift_left3A_247 = arith.constant 16 : i32
        %shift_left3A_248 = vector.broadcast %shift_left3A_247 : i32 to vector<16xi32>
        %shift_left3A_249 = arith.shli %get3A_242, %shift_left3A_248 : vector<16xi32>
        %bitcast_convert_type3A_250 = tpu.bitcast %shift_left3A_249 : vector<16xi32> -> vector<16xf32>
        %shift_left3A_251 = arith.constant 16 : i32
        %shift_left3A_252 = vector.broadcast %shift_left3A_251 : i32 to vector<16xi32>
        %shift_left3A_253 = arith.shli %get3A_246, %shift_left3A_252 : vector<16xi32>
        %bitcast_convert_type3A_254 = tpu.bitcast %shift_left3A_253 : vector<16xi32> -> vector<16xf32>
        %add3A_255 = arith.addf %bitcast_convert_type3A_250, %bitcast_convert_type3A_254 : vector<16xf32>
        %and3A_256 = arith.constant -65536 : i32
        %and3A_257 = vector.broadcast %and3A_256 : i32 to vector<16xi32>
        %and3A_258 = arith.andi %get3A_242, %and3A_257 : vector<16xi32>
        %bitcast_convert_type3A_259 = tpu.bitcast %and3A_258 : vector<16xi32> -> vector<16xf32>
        %and3A_260 = arith.constant -65536 : i32
        %and3A_261 = vector.broadcast %and3A_260 : i32 to vector<16xi32>
        %and3A_262 = arith.andi %get3A_246, %and3A_261 : vector<16xi32>
        %bitcast_convert_type3A_263 = tpu.bitcast %and3A_262 : vector<16xi32> -> vector<16xf32>
        %add3A_264 = arith.addf %bitcast_convert_type3A_259, %bitcast_convert_type3A_263 : vector<16xf32>
        %bitcast_convert_type3A_265 = tpu.bitcast %add3A_255 : vector<16xf32> -> vector<16xi32>
        %add3A_266 = arith.constant 32768 : i32
        %add3A_267 = vector.broadcast %add3A_266 : i32 to vector<16xi32>
        %add3A_268 = arith.addi %bitcast_convert_type3A_265, %add3A_267 : vector<16xi32>
        %shift_right_arithmetic3A_269 = arith.constant 16 : i32
        %shift_right_arithmetic3A_270 = vector.broadcast %shift_right_arithmetic3A_269 : i32 to vector<16xi32>
        %shift_right_arithmetic3A_271 = arith.shrsi %add3A_268, %shift_right_arithmetic3A_270 : vector<16xi32>
        %and3A_272 = arith.constant 65535 : i32
        %and3A_273 = vector.broadcast %and3A_272 : i32 to vector<16xi32>
        %and3A_274 = arith.andi %shift_right_arithmetic3A_271, %and3A_273 : vector<16xi32>
        %bitcast_convert_type3A_275 = tpu.bitcast %add3A_264 : vector<16xf32> -> vector<16xi32>
        %add3A_276 = arith.constant 32768 : i32
        %add3A_277 = vector.broadcast %add3A_276 : i32 to vector<16xi32>
        %add3A_278 = arith.addi %bitcast_convert_type3A_275, %add3A_277 : vector<16xi32>
        %and3A_279 = arith.constant -65536 : i32
        %and3A_280 = vector.broadcast %and3A_279 : i32 to vector<16xi32>
        %and3A_281 = arith.andi %add3A_278, %and3A_280 : vector<16xi32>
        %or3A_282 = arith.ori %and3A_274, %and3A_281 : vector<16xi32>
        %swap3A_283 = arith.index_cast %scan3A_147 : i32 to index
        %swap3A_284 = arith.constant 32 : index
        %swap3A_285 = tpu.vector_load %arg14[%swap3A_283, %swap3A_284] {strides = array<i32>} : memref<80x128xi32, #tpu.memory_space<vmem>>, vector<1x16xi32>,
        %swap3A_286 = vector.shape_cast %swap3A_285 : vector<1x16xi32> to vector<16xi32>
        %swap3A_287 = vector.shape_cast %or3A_282 : vector<16xi32> to vector<1x16xi32>
        tpu.vector_store %arg14[%swap3A_283, %swap3A_284], %swap3A_287 {strides = array<i32>} : memref<80x128xi32, #tpu.memory_space<vmem>>, vector<1x16xi32>,
        %get3A_288 = arith.index_cast %scan3A_147 : i32 to index
        %get3A_289 = arith.constant 48 : index
        %get3A_290 = tpu.vector_load %arg12[%get3A_288, %get3A_289] {strides = array<i32>} : memref<80x128xi32, #tpu.memory_space<vmem>>, vector<1x16xi32>,
        %get3A_291 = vector.shape_cast %get3A_290 : vector<1x16xi32> to vector<16xi32>
        %get3A_292 = arith.index_cast %scan3A_147 : i32 to index
        %get3A_293 = arith.constant 48 : index
        %get3A_294 = tpu.vector_load %arg13[%get3A_292, %get3A_293] {strides = array<i32>} : memref<80x128xi32, #tpu.memory_space<vmem>>, vector<1x16xi32>,
        %get3A_295 = vector.shape_cast %get3A_294 : vector<1x16xi32> to vector<16xi32>
        %shift_left3A_296 = arith.constant 16 : i32
        %shift_left3A_297 = vector.broadcast %shift_left3A_296 : i32 to vector<16xi32>
        %shift_left3A_298 = arith.shli %get3A_291, %shift_left3A_297 : vector<16xi32>
        %bitcast_convert_type3A_299 = tpu.bitcast %shift_left3A_298 : vector<16xi32> -> vector<16xf32>
        %shift_left3A_300 = arith.constant 16 : i32
        %shift_left3A_301 = vector.broadcast %shift_left3A_300 : i32 to vector<16xi32>
        %shift_left3A_302 = arith.shli %get3A_295, %shift_left3A_301 : vector<16xi32>
        %bitcast_convert_type3A_303 = tpu.bitcast %shift_left3A_302 : vector<16xi32> -> vector<16xf32>
        %add3A_304 = arith.addf %bitcast_convert_type3A_299, %bitcast_convert_type3A_303 : vector<16xf32>
        %and3A_305 = arith.constant -65536 : i32
        %and3A_306 = vector.broadcast %and3A_305 : i32 to vector<16xi32>
        %and3A_307 = arith.andi %get3A_291, %and3A_306 : vector<16xi32>
        %bitcast_convert_type3A_308 = tpu.bitcast %and3A_307 : vector<16xi32> -> vector<16xf32>
        %and3A_309 = arith.constant -65536 : i32
        %and3A_310 = vector.broadcast %and3A_309 : i32 to vector<16xi32>
        %and3A_311 = arith.andi %get3A_295, %and3A_310 : vector<16xi32>
        %bitcast_convert_type3A_312 = tpu.bitcast %and3A_311 : vector<16xi32> -> vector<16xf32>
        %add3A_313 = arith.addf %bitcast_convert_type3A_308, %bitcast_convert_type3A_312 : vector<16xf32>
        %bitcast_convert_type3A_314 = tpu.bitcast %add3A_304 : vector<16xf32> -> vector<16xi32>
        %add3A_315 = arith.constant 32768 : i32
        %add3A_316 = vector.broadcast %add3A_315 : i32 to vector<16xi32>
        %add3A_317 = arith.addi %bitcast_convert_type3A_314, %add3A_316 : vector<16xi32>
        %shift_right_arithmetic3A_318 = arith.constant 16 : i32
        %shift_right_arithmetic3A_319 = vector.broadcast %shift_right_arithmetic3A_318 : i32 to vector<16xi32>
        %shift_right_arithmetic3A_320 = arith.shrsi %add3A_317, %shift_right_arithmetic3A_319 : vector<16xi32>
        %and3A_321 = arith.constant 65535 : i32
        %and3A_322 = vector.broadcast %and3A_321 : i32 to vector<16xi32>
        %and3A_323 = arith.andi %shift_right_arithmetic3A_320, %and3A_322 : vector<16xi32>
        %bitcast_convert_type3A_324 = tpu.bitcast %add3A_313 : vector<16xf32> -> vector<16xi32>
        %add3A_325 = arith.constant 32768 : i32
        %add3A_326 = vector.broadcast %add3A_325 : i32 to vector<16xi32>
        %add3A_327 = arith.addi %bitcast_convert_type3A_324, %add3A_326 : vector<16xi32>
        %and3A_328 = arith.constant -65536 : i32
        %and3A_329 = vector.broadcast %and3A_328 : i32 to vector<16xi32>
        %and3A_330 = arith.andi %add3A_327, %and3A_329 : vector<16xi32>
        %or3A_331 = arith.ori %and3A_323, %and3A_330 : vector<16xi32>
        %swap3A_332 = arith.index_cast %scan3A_147 : i32 to index
        %swap3A_333 = arith.constant 48 : index
        %swap3A_334 = tpu.vector_load %arg14[%swap3A_332, %swap3A_333] {strides = array<i32>} : memref<80x128xi32, #tpu.memory_space<vmem>>, vector<1x16xi32>,
        %swap3A_335 = vector.shape_cast %swap3A_334 : vector<1x16xi32> to vector<16xi32>
        %swap3A_336 = vector.shape_cast %or3A_331 : vector<16xi32> to vector<1x16xi32>
        tpu.vector_store %arg14[%swap3A_332, %swap3A_333], %swap3A_336 {strides = array<i32>} : memref<80x128xi32, #tpu.memory_space<vmem>>, vector<1x16xi32>,
        %get3A_337 = arith.index_cast %scan3A_147 : i32 to index
        %get3A_338 = arith.constant 64 : index
        %get3A_339 = tpu.vector_load %arg12[%get3A_337, %get3A_338] {strides = array<i32>} : memref<80x128xi32, #tpu.memory_space<vmem>>, vector<1x16xi32>,
        %get3A_340 = vector.shape_cast %get3A_339 : vector<1x16xi32> to vector<16xi32>
        %get3A_341 = arith.index_cast %scan3A_147 : i32 to index
        %get3A_342 = arith.constant 64 : index
        %get3A_343 = tpu.vector_load %arg13[%get3A_341, %get3A_342] {strides = array<i32>} : memref<80x128xi32, #tpu.memory_space<vmem>>, vector<1x16xi32>,
        %get3A_344 = vector.shape_cast %get3A_343 : vector<1x16xi32> to vector<16xi32>
        %shift_left3A_345 = arith.constant 16 : i32
        %shift_left3A_346 = vector.broadcast %shift_left3A_345 : i32 to vector<16xi32>
        %shift_left3A_347 = arith.shli %get3A_340, %shift_left3A_346 : vector<16xi32>
        %bitcast_convert_type3A_348 = tpu.bitcast %shift_left3A_347 : vector<16xi32> -> vector<16xf32>
        %shift_left3A_349 = arith.constant 16 : i32
        %shift_left3A_350 = vector.broadcast %shift_left3A_349 : i32 to vector<16xi32>
        %shift_left3A_351 = arith.shli %get3A_344, %shift_left3A_350 : vector<16xi32>
        %bitcast_convert_type3A_352 = tpu.bitcast %shift_left3A_351 : vector<16xi32> -> vector<16xf32>
        %add3A_353 = arith.addf %bitcast_convert_type3A_348, %bitcast_convert_type3A_352 : vector<16xf32>
        %and3A_354 = arith.constant -65536 : i32
        %and3A_355 = vector.broadcast %and3A_354 : i32 to vector<16xi32>
        %and3A_356 = arith.andi %get3A_340, %and3A_355 : vector<16xi32>
        %bitcast_convert_type3A_357 = tpu.bitcast %and3A_356 : vector<16xi32> -> vector<16xf32>
        %and3A_358 = arith.constant -65536 : i32
        %and3A_359 = vector.broadcast %and3A_358 : i32 to vector<16xi32>
        %and3A_360 = arith.andi %get3A_344, %and3A_359 : vector<16xi32>
        %bitcast_convert_type3A_361 = tpu.bitcast %and3A_360 : vector<16xi32> -> vector<16xf32>
        %add3A_362 = arith.addf %bitcast_convert_type3A_357, %bitcast_convert_type3A_361 : vector<16xf32>
        %bitcast_convert_type3A_363 = tpu.bitcast %add3A_353 : vector<16xf32> -> vector<16xi32>
        %add3A_364 = arith.constant 32768 : i32
        %add3A_365 = vector.broadcast %add3A_364 : i32 to vector<16xi32>
        %add3A_366 = arith.addi %bitcast_convert_type3A_363, %add3A_365 : vector<16xi32>
        %shift_right_arithmetic3A_367 = arith.constant 16 : i32
        %shift_right_arithmetic3A_368 = vector.broadcast %shift_right_arithmetic3A_367 : i32 to vector<16xi32>
        %shift_right_arithmetic3A_369 = arith.shrsi %add3A_366, %shift_right_arithmetic3A_368 : vector<16xi32>
        %and3A_370 = arith.constant 65535 : i32
        %and3A_371 = vector.broadcast %and3A_370 : i32 to vector<16xi32>
        %and3A_372 = arith.andi %shift_right_arithmetic3A_369, %and3A_371 : vector<16xi32>
        %bitcast_convert_type3A_373 = tpu.bitcast %add3A_362 : vector<16xf32> -> vector<16xi32>
        %add3A_374 = arith.constant 32768 : i32
        %add3A_375 = vector.broadcast %add3A_374 : i32 to vector<16xi32>
        %add3A_376 = arith.addi %bitcast_convert_type3A_373, %add3A_375 : vector<16xi32>
        %and3A_377 = arith.constant -65536 : i32
        %and3A_378 = vector.broadcast %and3A_377 : i32 to vector<16xi32>
        %and3A_379 = arith.andi %add3A_376, %and3A_378 : vector<16xi32>
        %or3A_380 = arith.ori %and3A_372, %and3A_379 : vector<16xi32>
        %swap3A_381 = arith.index_cast %scan3A_147 : i32 to index
        %swap3A_382 = arith.constant 64 : index
        %swap3A_383 = tpu.vector_load %arg14[%swap3A_381, %swap3A_382] {strides = array<i32>} : memref<80x128xi32, #tpu.memory_space<vmem>>, vector<1x16xi32>,
        %swap3A_384 = vector.shape_cast %swap3A_383 : vector<1x16xi32> to vector<16xi32>
        %swap3A_385 = vector.shape_cast %or3A_380 : vector<16xi32> to vector<1x16xi32>
        tpu.vector_store %arg14[%swap3A_381, %swap3A_382], %swap3A_385 {strides = array<i32>} : memref<80x128xi32, #tpu.memory_space<vmem>>, vector<1x16xi32>,
        %get3A_386 = arith.index_cast %scan3A_147 : i32 to index
        %get3A_387 = arith.constant 80 : index
        %get3A_388 = tpu.vector_load %arg12[%get3A_386, %get3A_387] {strides = array<i32>} : memref<80x128xi32, #tpu.memory_space<vmem>>, vector<1x16xi32>,
        %get3A_389 = vector.shape_cast %get3A_388 : vector<1x16xi32> to vector<16xi32>
        %get3A_390 = arith.index_cast %scan3A_147 : i32 to index
        %get3A_391 = arith.constant 80 : index
        %get3A_392 = tpu.vector_load %arg13[%get3A_390, %get3A_391] {strides = array<i32>} : memref<80x128xi32, #tpu.memory_space<vmem>>, vector<1x16xi32>,
        %get3A_393 = vector.shape_cast %get3A_392 : vector<1x16xi32> to vector<16xi32>
        %shift_left3A_394 = arith.constant 16 : i32
        %shift_left3A_395 = vector.broadcast %shift_left3A_394 : i32 to vector<16xi32>
        %shift_left3A_396 = arith.shli %get3A_389, %shift_left3A_395 : vector<16xi32>
        %bitcast_convert_type3A_397 = tpu.bitcast %shift_left3A_396 : vector<16xi32> -> vector<16xf32>
        %shift_left3A_398 = arith.constant 16 : i32
        %shift_left3A_399 = vector.broadcast %shift_left3A_398 : i32 to vector<16xi32>
        %shift_left3A_400 = arith.shli %get3A_393, %shift_left3A_399 : vector<16xi32>
        %bitcast_convert_type3A_401 = tpu.bitcast %shift_left3A_400 : vector<16xi32> -> vector<16xf32>
        %add3A_402 = arith.addf %bitcast_convert_type3A_397, %bitcast_convert_type3A_401 : vector<16xf32>
        %and3A_403 = arith.constant -65536 : i32
        %and3A_404 = vector.broadcast %and3A_403 : i32 to vector<16xi32>
        %and3A_405 = arith.andi %get3A_389, %and3A_404 : vector<16xi32>
        %bitcast_convert_type3A_406 = tpu.bitcast %and3A_405 : vector<16xi32> -> vector<16xf32>
        %and3A_407 = arith.constant -65536 : i32
        %and3A_408 = vector.broadcast %and3A_407 : i32 to vector<16xi32>
        %and3A_409 = arith.andi %get3A_393, %and3A_408 : vector<16xi32>
        %bitcast_convert_type3A_410 = tpu.bitcast %and3A_409 : vector<16xi32> -> vector<16xf32>
        %add3A_411 = arith.addf %bitcast_convert_type3A_406, %bitcast_convert_type3A_410 : vector<16xf32>
        %bitcast_convert_type3A_412 = tpu.bitcast %add3A_402 : vector<16xf32> -> vector<16xi32>
        %add3A_413 = arith.constant 32768 : i32
        %add3A_414 = vector.broadcast %add3A_413 : i32 to vector<16xi32>
        %add3A_415 = arith.addi %bitcast_convert_type3A_412, %add3A_414 : vector<16xi32>
        %shift_right_arithmetic3A_416 = arith.constant 16 : i32
        %shift_right_arithmetic3A_417 = vector.broadcast %shift_right_arithmetic3A_416 : i32 to vector<16xi32>
        %shift_right_arithmetic3A_418 = arith.shrsi %add3A_415, %shift_right_arithmetic3A_417 : vector<16xi32>
        %and3A_419 = arith.constant 65535 : i32
        %and3A_420 = vector.broadcast %and3A_419 : i32 to vector<16xi32>
        %and3A_421 = arith.andi %shift_right_arithmetic3A_418, %and3A_420 : vector<16xi32>
        %bitcast_convert_type3A_422 = tpu.bitcast %add3A_411 : vector<16xf32> -> vector<16xi32>
        %add3A_423 = arith.constant 32768 : i32
        %add3A_424 = vector.broadcast %add3A_423 : i32 to vector<16xi32>
        %add3A_425 = arith.addi %bitcast_convert_type3A_422, %add3A_424 : vector<16xi32>
        %and3A_426 = arith.constant -65536 : i32
        %and3A_427 = vector.broadcast %and3A_426 : i32 to vector<16xi32>
        %and3A_428 = arith.andi %add3A_425, %and3A_427 : vector<16xi32>
        %or3A_429 = arith.ori %and3A_421, %and3A_428 : vector<16xi32>
        %swap3A_430 = arith.index_cast %scan3A_147 : i32 to index
        %swap3A_431 = arith.constant 80 : index
        %swap3A_432 = tpu.vector_load %arg14[%swap3A_430, %swap3A_431] {strides = array<i32>} : memref<80x128xi32, #tpu.memory_space<vmem>>, vector<1x16xi32>,
        %swap3A_433 = vector.shape_cast %swap3A_432 : vector<1x16xi32> to vector<16xi32>
        %swap3A_434 = vector.shape_cast %or3A_429 : vector<16xi32> to vector<1x16xi32>
        tpu.vector_store %arg14[%swap3A_430, %swap3A_431], %swap3A_434 {strides = array<i32>} : memref<80x128xi32, #tpu.memory_space<vmem>>, vector<1x16xi32>,
        %get3A_435 = arith.index_cast %scan3A_147 : i32 to index
        %get3A_436 = arith.constant 96 : index
        %get3A_437 = tpu.vector_load %arg12[%get3A_435, %get3A_436] {strides = array<i32>} : memref<80x128xi32, #tpu.memory_space<vmem>>, vector<1x16xi32>,
        %get3A_438 = vector.shape_cast %get3A_437 : vector<1x16xi32> to vector<16xi32>
        %get3A_439 = arith.index_cast %scan3A_147 : i32 to index
        %get3A_440 = arith.constant 96 : index
        %get3A_441 = tpu.vector_load %arg13[%get3A_439, %get3A_440] {strides = array<i32>} : memref<80x128xi32, #tpu.memory_space<vmem>>, vector<1x16xi32>,
        %get3A_442 = vector.shape_cast %get3A_441 : vector<1x16xi32> to vector<16xi32>
        %shift_left3A_443 = arith.constant 16 : i32
        %shift_left3A_444 = vector.broadcast %shift_left3A_443 : i32 to vector<16xi32>
        %shift_left3A_445 = arith.shli %get3A_438, %shift_left3A_444 : vector<16xi32>
        %bitcast_convert_type3A_446 = tpu.bitcast %shift_left3A_445 : vector<16xi32> -> vector<16xf32>
        %shift_left3A_447 = arith.constant 16 : i32
        %shift_left3A_448 = vector.broadcast %shift_left3A_447 : i32 to vector<16xi32>
        %shift_left3A_449 = arith.shli %get3A_442, %shift_left3A_448 : vector<16xi32>
        %bitcast_convert_type3A_450 = tpu.bitcast %shift_left3A_449 : vector<16xi32> -> vector<16xf32>
        %add3A_451 = arith.addf %bitcast_convert_type3A_446, %bitcast_convert_type3A_450 : vector<16xf32>
        %and3A_452 = arith.constant -65536 : i32
        %and3A_453 = vector.broadcast %and3A_452 : i32 to vector<16xi32>
        %and3A_454 = arith.andi %get3A_438, %and3A_453 : vector<16xi32>
        %bitcast_convert_type3A_455 = tpu.bitcast %and3A_454 : vector<16xi32> -> vector<16xf32>
        %and3A_456 = arith.constant -65536 : i32
        %and3A_457 = vector.broadcast %and3A_456 : i32 to vector<16xi32>
        %and3A_458 = arith.andi %get3A_442, %and3A_457 : vector<16xi32>
        %bitcast_convert_type3A_459 = tpu.bitcast %and3A_458 : vector<16xi32> -> vector<16xf32>
        %add3A_460 = arith.addf %bitcast_convert_type3A_455, %bitcast_convert_type3A_459 : vector<16xf32>
        %bitcast_convert_type3A_461 = tpu.bitcast %add3A_451 : vector<16xf32> -> vector<16xi32>
        %add3A_462 = arith.constant 32768 : i32
        %add3A_463 = vector.broadcast %add3A_462 : i32 to vector<16xi32>
        %add3A_464 = arith.addi %bitcast_convert_type3A_461, %add3A_463 : vector<16xi32>
        %shift_right_arithmetic3A_465 = arith.constant 16 : i32
        %shift_right_arithmetic3A_466 = vector.broadcast %shift_right_arithmetic3A_465 : i32 to vector<16xi32>
        %shift_right_arithmetic3A_467 = arith.shrsi %add3A_464, %shift_right_arithmetic3A_466 : vector<16xi32>
        %and3A_468 = arith.constant 65535 : i32
        %and3A_469 = vector.broadcast %and3A_468 : i32 to vector<16xi32>
        %and3A_470 = arith.andi %shift_right_arithmetic3A_467, %and3A_469 : vector<16xi32>
        %bitcast_convert_type3A_471 = tpu.bitcast %add3A_460 : vector<16xf32> -> vector<16xi32>
        %add3A_472 = arith.constant 32768 : i32
        %add3A_473 = vector.broadcast %add3A_472 : i32 to vector<16xi32>
        %add3A_474 = arith.addi %bitcast_convert_type3A_471, %add3A_473 : vector<16xi32>
        %and3A_475 = arith.constant -65536 : i32
        %and3A_476 = vector.broadcast %and3A_475 : i32 to vector<16xi32>
        %and3A_477 = arith.andi %add3A_474, %and3A_476 : vector<16xi32>
        %or3A_478 = arith.ori %and3A_470, %and3A_477 : vector<16xi32>
        %swap3A_479 = arith.index_cast %scan3A_147 : i32 to index
        %swap3A_480 = arith.constant 96 : index
        %swap3A_481 = tpu.vector_load %arg14[%swap3A_479, %swap3A_480] {strides = array<i32>} : memref<80x128xi32, #tpu.memory_space<vmem>>, vector<1x16xi32>,
        %swap3A_482 = vector.shape_cast %swap3A_481 : vector<1x16xi32> to vector<16xi32>
        %swap3A_483 = vector.shape_cast %or3A_478 : vector<16xi32> to vector<1x16xi32>
        tpu.vector_store %arg14[%swap3A_479, %swap3A_480], %swap3A_483 {strides = array<i32>} : memref<80x128xi32, #tpu.memory_space<vmem>>, vector<1x16xi32>,
        %get3A_484 = arith.index_cast %scan3A_147 : i32 to index
        %get3A_485 = arith.constant 112 : index
        %get3A_486 = tpu.vector_load %arg12[%get3A_484, %get3A_485] {strides = array<i32>} : memref<80x128xi32, #tpu.memory_space<vmem>>, vector<1x16xi32>,
        %get3A_487 = vector.shape_cast %get3A_486 : vector<1x16xi32> to vector<16xi32>
        %get3A_488 = arith.index_cast %scan3A_147 : i32 to index
        %get3A_489 = arith.constant 112 : index
        %get3A_490 = tpu.vector_load %arg13[%get3A_488, %get3A_489] {strides = array<i32>} : memref<80x128xi32, #tpu.memory_space<vmem>>, vector<1x16xi32>,
        %get3A_491 = vector.shape_cast %get3A_490 : vector<1x16xi32> to vector<16xi32>
        %shift_left3A_492 = arith.constant 16 : i32
        %shift_left3A_493 = vector.broadcast %shift_left3A_492 : i32 to vector<16xi32>
        %shift_left3A_494 = arith.shli %get3A_487, %shift_left3A_493 : vector<16xi32>
        %bitcast_convert_type3A_495 = tpu.bitcast %shift_left3A_494 : vector<16xi32> -> vector<16xf32>
        %shift_left3A_496 = arith.constant 16 : i32
        %shift_left3A_497 = vector.broadcast %shift_left3A_496 : i32 to vector<16xi32>
        %shift_left3A_498 = arith.shli %get3A_491, %shift_left3A_497 : vector<16xi32>
        %bitcast_convert_type3A_499 = tpu.bitcast %shift_left3A_498 : vector<16xi32> -> vector<16xf32>
        %add3A_500 = arith.addf %bitcast_convert_type3A_495, %bitcast_convert_type3A_499 : vector<16xf32>
        %and3A_501 = arith.constant -65536 : i32
        %and3A_502 = vector.broadcast %and3A_501 : i32 to vector<16xi32>
        %and3A_503 = arith.andi %get3A_487, %and3A_502 : vector<16xi32>
        %bitcast_convert_type3A_504 = tpu.bitcast %and3A_503 : vector<16xi32> -> vector<16xf32>
        %and3A_505 = arith.constant -65536 : i32
        %and3A_506 = vector.broadcast %and3A_505 : i32 to vector<16xi32>
        %and3A_507 = arith.andi %get3A_491, %and3A_506 : vector<16xi32>
        %bitcast_convert_type3A_508 = tpu.bitcast %and3A_507 : vector<16xi32> -> vector<16xf32>
        %add3A_509 = arith.addf %bitcast_convert_type3A_504, %bitcast_convert_type3A_508 : vector<16xf32>
        %bitcast_convert_type3A_510 = tpu.bitcast %add3A_500 : vector<16xf32> -> vector<16xi32>
        %add3A_511 = arith.constant 32768 : i32
        %add3A_512 = vector.broadcast %add3A_511 : i32 to vector<16xi32>
        %add3A_513 = arith.addi %bitcast_convert_type3A_510, %add3A_512 : vector<16xi32>
        %shift_right_arithmetic3A_514 = arith.constant 16 : i32
        %shift_right_arithmetic3A_515 = vector.broadcast %shift_right_arithmetic3A_514 : i32 to vector<16xi32>
        %shift_right_arithmetic3A_516 = arith.shrsi %add3A_513, %shift_right_arithmetic3A_515 : vector<16xi32>
        %and3A_517 = arith.constant 65535 : i32
        %and3A_518 = vector.broadcast %and3A_517 : i32 to vector<16xi32>
        %and3A_519 = arith.andi %shift_right_arithmetic3A_516, %and3A_518 : vector<16xi32>
        %bitcast_convert_type3A_520 = tpu.bitcast %add3A_509 : vector<16xf32> -> vector<16xi32>
        %add3A_521 = arith.constant 32768 : i32
        %add3A_522 = vector.broadcast %add3A_521 : i32 to vector<16xi32>
        %add3A_523 = arith.addi %bitcast_convert_type3A_520, %add3A_522 : vector<16xi32>
        %and3A_524 = arith.constant -65536 : i32
        %and3A_525 = vector.broadcast %and3A_524 : i32 to vector<16xi32>
        %and3A_526 = arith.andi %add3A_523, %and3A_525 : vector<16xi32>
        %or3A_527 = arith.ori %and3A_519, %and3A_526 : vector<16xi32>
        %swap3A_528 = arith.index_cast %scan3A_147 : i32 to index
        %swap3A_529 = arith.constant 112 : index
        %swap3A_530 = tpu.vector_load %arg14[%swap3A_528, %swap3A_529] {strides = array<i32>} : memref<80x128xi32, #tpu.memory_space<vmem>>, vector<1x16xi32>,
        %swap3A_531 = vector.shape_cast %swap3A_530 : vector<1x16xi32> to vector<16xi32>
        %swap3A_532 = vector.shape_cast %or3A_527 : vector<16xi32> to vector<1x16xi32>
        tpu.vector_store %arg14[%swap3A_528, %swap3A_529], %swap3A_532 {strides = array<i32>} : memref<80x128xi32, #tpu.memory_space<vmem>>, vector<1x16xi32>,
      }
      %scan3A_132 = arith.constant 80 : i32
      %mul3A_133 = arith.constant 80 : i32
      %mul3A_134 = arith.muli %add3A_76, %mul3A_133 : i32
      %add3A_135 = arith.addi %mul3A_2, %mul3A_134 : i32
      %dma_start3A_136 = arith.constant 0 : i32
      %dma_start3A_137 = tpu.memref_slice %arg6[%add3A_135, %dma_start3A_136] : memref<192000x128xi32, #tpu.memory_space<hbm>> -> memref<80x128xi32, #tpu.memory_space<hbm>>
      %dma_start3A_138 = arith.constant 0 : i32
      %dma_start3A_139 = tpu.memref_slice %arg6[%add3A_135, %dma_start3A_138] : memref<192000x128xi32, #tpu.memory_space<hbm>> -> memref<80x128xi32, #tpu.memory_space<hbm>>
      tpu.enqueue_dma source(%arg14 : memref<80x128xi32, #tpu.memory_space<vmem>>) target(%dma_start3A_139 : memref<80x128xi32, #tpu.memory_space<hbm>>) target_semaphore(%arg20 : memref<!tpu.dma_semaphore, #tpu.memory_space<semaphore_mem>>)
      %add3A_140 = arith.constant 2 : i32
      %add3A_141 = arith.addi %add3A_76, %add3A_140 : i32
      %lt3A_142 = arith.constant 75 : i32
      %lt3A_143 = arith.cmpi slt, %add3A_141, %lt3A_142 : i32
      %convert_element_type3A_144 = arith.extui %lt3A_143 : i1 to i32
      %cond3A_145 = arith.constant 0 : i32
      %cond3A_146 = arith.cmpi ne, %convert_element_type3A_144, %cond3A_145 : i32
      scf.if %cond3A_146 {
        %add3A_147 = arith.constant 2 : i32
        %add3A_148 = arith.addi %add3A_76, %add3A_147 : i32
        %dma_start3A_149 = arith.constant 0 : i32
        %dma_start3A_150 = tpu.memref_slice %arg7[%add3A_148, %dma_start3A_149] : memref<75x80xi32, #tpu.memory_space<vmem>> -> memref<1x80xi32, #tpu.memory_space<vmem>>
        %dma_start3A_151 = tpu.memref_squeeze %dma_start3A_150 : memref<1x80xi32, #tpu.memory_space<vmem>> -> memref<80xi32, #tpu.memory_space<vmem>>
        %dma_start3A_152 = arith.constant 0 : i32
        %dma_start3A_153 = arith.constant 0 : i32
        %dma_start3A_154 = tpu.memref_slice %arg2[%dma_start3A_152, %dma_start3A_153] : memref<10000x128xi32, #tpu.memory_space<hbm>> -> memref<10000x128xi32, #tpu.memory_space<hbm>>
        tpu.enqueue_indirect_dma source(%dma_start3A_154 : memref<10000x128xi32, #tpu.memory_space<hbm>>) target(%arg12 : memref<80x128xi32, #tpu.memory_space<vmem>>) offsets(%dma_start3A_151 : memref<80xi32, #tpu.memory_space<vmem>>) semaphore(%arg18 : memref<!tpu.dma_semaphore, #tpu.memory_space<semaphore_mem>>)
        %add3A_155 = arith.constant 2 : i32
        %add3A_156 = arith.addi %add3A_76, %add3A_155 : i32
        %dma_start3A_157 = arith.constant 0 : i32
        %dma_start3A_158 = tpu.memref_slice %arg8[%add3A_156, %dma_start3A_157] : memref<75x80xi32, #tpu.memory_space<vmem>> -> memref<1x80xi32, #tpu.memory_space<vmem>>
        %dma_start3A_159 = tpu.memref_squeeze %dma_start3A_158 : memref<1x80xi32, #tpu.memory_space<vmem>> -> memref<80xi32, #tpu.memory_space<vmem>>
        %dma_start3A_160 = arith.constant 0 : i32
        %dma_start3A_161 = arith.constant 0 : i32
        %dma_start3A_162 = tpu.memref_slice %arg3[%dma_start3A_160, %dma_start3A_161] : memref<10000x128xi32, #tpu.memory_space<hbm>> -> memref<10000x128xi32, #tpu.memory_space<hbm>>
        tpu.enqueue_indirect_dma source(%dma_start3A_162 : memref<10000x128xi32, #tpu.memory_space<hbm>>) target(%arg13 : memref<80x128xi32, #tpu.memory_space<vmem>>) offsets(%dma_start3A_159 : memref<80xi32, #tpu.memory_space<vmem>>) semaphore(%arg19 : memref<!tpu.dma_semaphore, #tpu.memory_space<semaphore_mem>>)
      } else {
      }
    }
    %scan3A_34 = arith.constant 37 : i32
    %dma_wait3A = arith.constant 0 : i32
    %dma_wait3A_35 = arith.constant 0 : i32
    %dma_wait3A_36 = tpu.memref_slice %arg2[%dma_wait3A, %dma_wait3A_35] : memref<10000x128xi32, #tpu.memory_space<hbm>> -> memref<80x128xi32, #tpu.memory_space<hbm>>
    %dma_wait3A_37 = arith.constant 0 : i32
    %dma_wait3A_38 = arith.constant 0 : i32
    %dma_wait3A_39 = tpu.memref_slice %arg2[%dma_wait3A_37, %dma_wait3A_38] : memref<10000x128xi32, #tpu.memory_space<hbm>> -> memref<80x128xi32, #tpu.memory_space<hbm>>
    tpu.wait_dma2 semaphore(%arg15 : memref<!tpu.dma_semaphore, #tpu.memory_space<semaphore_mem>>) src(%dma_wait3A_39 : memref<80x128xi32, #tpu.memory_space<hbm>>) dst(%arg9 : memref<80x128xi32, #tpu.memory_space<vmem>>)
    %dma_wait3A_40 = arith.constant 0 : i32
    %dma_wait3A_41 = arith.constant 0 : i32
    %dma_wait3A_42 = tpu.memref_slice %arg3[%dma_wait3A_40, %dma_wait3A_41] : memref<10000x128xi32, #tpu.memory_space<hbm>> -> memref<80x128xi32, #tpu.memory_space<hbm>>
    %dma_wait3A_43 = arith.constant 0 : i32
    %dma_wait3A_44 = arith.constant 0 : i32
    %dma_wait3A_45 = tpu.memref_slice %arg3[%dma_wait3A_43, %dma_wait3A_44] : memref<10000x128xi32, #tpu.memory_space<hbm>> -> memref<80x128xi32, #tpu.memory_space<hbm>>
    tpu.wait_dma2 semaphore(%arg16 : memref<!tpu.dma_semaphore, #tpu.memory_space<semaphore_mem>>) src(%dma_wait3A_45 : memref<80x128xi32, #tpu.memory_space<hbm>>) dst(%arg10 : memref<80x128xi32, #tpu.memory_space<vmem>>)
    %dma_wait3A_46 = arith.constant 0 : i32
    %dma_wait3A_47 = tpu.memref_slice %arg6[%mul3A_2, %dma_wait3A_46] : memref<192000x128xi32, #tpu.memory_space<hbm>> -> memref<80x128xi32, #tpu.memory_space<hbm>>
    %dma_wait3A_48 = arith.constant 0 : i32
    %dma_wait3A_49 = tpu.memref_slice %arg6[%mul3A_2, %dma_wait3A_48] : memref<192000x128xi32, #tpu.memory_space<hbm>> -> memref<80x128xi32, #tpu.memory_space<hbm>>
    tpu.wait_dma2 semaphore(%arg17 : memref<!tpu.dma_semaphore, #tpu.memory_space<semaphore_mem>>) src(%arg11 : memref<80x128xi32, #tpu.memory_space<vmem>>) dst(%dma_wait3A_49 : memref<80x128xi32, #tpu.memory_space<hbm>>)
    %scan3A_50 = arith.constant 0 : i32
    %scan3A_51 = arith.constant 0 : i32
    %scan3A_52 = arith.constant 80 : i32
    %scan3A_53 = arith.addi %scan3A_51, %scan3A_52 : i32
    %scan3A_54 = arith.constant 1 : i32
    scf.for %scan3A_70 = %scan3A_51 to %scan3A_53 step %scan3A_54  : i32 {
      %get3A = arith.index_cast %scan3A_70 : i32 to index
      %get3A_71 = arith.constant 0 : index
      %get3A_72 = tpu.vector_load %arg9[%get3A, %get3A_71] {strides = array<i32>} : memref<80x128xi32, #tpu.memory_space<vmem>>, vector<1x16xi32>,
      %get3A_73 = vector.shape_cast %get3A_72 : vector<1x16xi32> to vector<16xi32>
      %get3A_74 = arith.index_cast %scan3A_70 : i32 to index
      %get3A_75 = arith.constant 0 : index
      %get3A_76 = tpu.vector_load %arg10[%get3A_74, %get3A_75] {strides = array<i32>} : memref<80x128xi32, #tpu.memory_space<vmem>>, vector<1x16xi32>,
      %get3A_77 = vector.shape_cast %get3A_76 : vector<1x16xi32> to vector<16xi32>
      %shift_left3A = arith.constant 16 : i32
      %shift_left3A_78 = vector.broadcast %shift_left3A : i32 to vector<16xi32>
      %shift_left3A_79 = arith.shli %get3A_73, %shift_left3A_78 : vector<16xi32>
      %bitcast_convert_type3A = tpu.bitcast %shift_left3A_79 : vector<16xi32> -> vector<16xf32>
      %shift_left3A_80 = arith.constant 16 : i32
      %shift_left3A_81 = vector.broadcast %shift_left3A_80 : i32 to vector<16xi32>
      %shift_left3A_82 = arith.shli %get3A_77, %shift_left3A_81 : vector<16xi32>
      %bitcast_convert_type3A_83 = tpu.bitcast %shift_left3A_82 : vector<16xi32> -> vector<16xf32>
      %add3A_84 = arith.addf %bitcast_convert_type3A, %bitcast_convert_type3A_83 : vector<16xf32>
      %and3A = arith.constant -65536 : i32
      %and3A_85 = vector.broadcast %and3A : i32 to vector<16xi32>
      %and3A_86 = arith.andi %get3A_73, %and3A_85 : vector<16xi32>
      %bitcast_convert_type3A_87 = tpu.bitcast %and3A_86 : vector<16xi32> -> vector<16xf32>
      %and3A_88 = arith.constant -65536 : i32
      %and3A_89 = vector.broadcast %and3A_88 : i32 to vector<16xi32>
      %and3A_90 = arith.andi %get3A_77, %and3A_89 : vector<16xi32>
      %bitcast_convert_type3A_91 = tpu.bitcast %and3A_90 : vector<16xi32> -> vector<16xf32>
      %add3A_92 = arith.addf %bitcast_convert_type3A_87, %bitcast_convert_type3A_91 : vector<16xf32>
      %bitcast_convert_type3A_93 = tpu.bitcast %add3A_84 : vector<16xf32> -> vector<16xi32>
      %add3A_94 = arith.constant 32768 : i32
      %add3A_95 = vector.broadcast %add3A_94 : i32 to vector<16xi32>
      %add3A_96 = arith.addi %bitcast_convert_type3A_93, %add3A_95 : vector<16xi32>
      %shift_right_arithmetic3A = arith.constant 16 : i32
      %shift_right_arithmetic3A_97 = vector.broadcast %shift_right_arithmetic3A : i32 to vector<16xi32>
      %shift_right_arithmetic3A_98 = arith.shrsi %add3A_96, %shift_right_arithmetic3A_97 : vector<16xi32>
      %and3A_99 = arith.constant 65535 : i32
      %and3A_100 = vector.broadcast %and3A_99 : i32 to vector<16xi32>
      %and3A_101 = arith.andi %shift_right_arithmetic3A_98, %and3A_100 : vector<16xi32>
      %bitcast_convert_type3A_102 = tpu.bitcast %add3A_92 : vector<16xf32> -> vector<16xi32>
      %add3A_103 = arith.constant 32768 : i32
      %add3A_104 = vector.broadcast %add3A_103 : i32 to vector<16xi32>
      %add3A_105 = arith.addi %bitcast_convert_type3A_102, %add3A_104 : vector<16xi32>
      %and3A_106 = arith.constant -65536 : i32
      %and3A_107 = vector.broadcast %and3A_106 : i32 to vector<16xi32>
      %and3A_108 = arith.andi %add3A_105, %and3A_107 : vector<16xi32>
      %or3A = arith.ori %and3A_101, %and3A_108 : vector<16xi32>
      %swap3A = arith.index_cast %scan3A_70 : i32 to index
      %swap3A_109 = arith.constant 0 : index
      %swap3A_110 = tpu.vector_load %arg11[%swap3A, %swap3A_109] {strides = array<i32>} : memref<80x128xi32, #tpu.memory_space<vmem>>, vector<1x16xi32>,
      %swap3A_111 = vector.shape_cast %swap3A_110 : vector<1x16xi32> to vector<16xi32>
      %swap3A_112 = vector.shape_cast %or3A : vector<16xi32> to vector<1x16xi32>
      tpu.vector_store %arg11[%swap3A, %swap3A_109], %swap3A_112 {strides = array<i32>} : memref<80x128xi32, #tpu.memory_space<vmem>>, vector<1x16xi32>,
      %get3A_113 = arith.index_cast %scan3A_70 : i32 to index
      %get3A_114 = arith.constant 16 : index
      %get3A_115 = tpu.vector_load %arg9[%get3A_113, %get3A_114] {strides = array<i32>} : memref<80x128xi32, #tpu.memory_space<vmem>>, vector<1x16xi32>,
      %get3A_116 = vector.shape_cast %get3A_115 : vector<1x16xi32> to vector<16xi32>
      %get3A_117 = arith.index_cast %scan3A_70 : i32 to index
      %get3A_118 = arith.constant 16 : index
      %get3A_119 = tpu.vector_load %arg10[%get3A_117, %get3A_118] {strides = array<i32>} : memref<80x128xi32, #tpu.memory_space<vmem>>, vector<1x16xi32>,
      %get3A_120 = vector.shape_cast %get3A_119 : vector<1x16xi32> to vector<16xi32>
      %shift_left3A_121 = arith.constant 16 : i32
      %shift_left3A_122 = vector.broadcast %shift_left3A_121 : i32 to vector<16xi32>
      %shift_left3A_123 = arith.shli %get3A_116, %shift_left3A_122 : vector<16xi32>
      %bitcast_convert_type3A_124 = tpu.bitcast %shift_left3A_123 : vector<16xi32> -> vector<16xf32>
      %shift_left3A_125 = arith.constant 16 : i32
      %shift_left3A_126 = vector.broadcast %shift_left3A_125 : i32 to vector<16xi32>
      %shift_left3A_127 = arith.shli %get3A_120, %shift_left3A_126 : vector<16xi32>
      %bitcast_convert_type3A_128 = tpu.bitcast %shift_left3A_127 : vector<16xi32> -> vector<16xf32>
      %add3A_129 = arith.addf %bitcast_convert_type3A_124, %bitcast_convert_type3A_128 : vector<16xf32>
      %and3A_130 = arith.constant -65536 : i32
      %and3A_131 = vector.broadcast %and3A_130 : i32 to vector<16xi32>
      %and3A_132 = arith.andi %get3A_116, %and3A_131 : vector<16xi32>
      %bitcast_convert_type3A_133 = tpu.bitcast %and3A_132 : vector<16xi32> -> vector<16xf32>
      %and3A_134 = arith.constant -65536 : i32
      %and3A_135 = vector.broadcast %and3A_134 : i32 to vector<16xi32>
      %and3A_136 = arith.andi %get3A_120, %and3A_135 : vector<16xi32>
      %bitcast_convert_type3A_137 = tpu.bitcast %and3A_136 : vector<16xi32> -> vector<16xf32>
      %add3A_138 = arith.addf %bitcast_convert_type3A_133, %bitcast_convert_type3A_137 : vector<16xf32>
      %bitcast_convert_type3A_139 = tpu.bitcast %add3A_129 : vector<16xf32> -> vector<16xi32>
      %add3A_140 = arith.constant 32768 : i32
      %add3A_141 = vector.broadcast %add3A_140 : i32 to vector<16xi32>
      %add3A_142 = arith.addi %bitcast_convert_type3A_139, %add3A_141 : vector<16xi32>
      %shift_right_arithmetic3A_143 = arith.constant 16 : i32
      %shift_right_arithmetic3A_144 = vector.broadcast %shift_right_arithmetic3A_143 : i32 to vector<16xi32>
      %shift_right_arithmetic3A_145 = arith.shrsi %add3A_142, %shift_right_arithmetic3A_144 : vector<16xi32>
      %and3A_146 = arith.constant 65535 : i32
      %and3A_147 = vector.broadcast %and3A_146 : i32 to vector<16xi32>
      %and3A_148 = arith.andi %shift_right_arithmetic3A_145, %and3A_147 : vector<16xi32>
      %bitcast_convert_type3A_149 = tpu.bitcast %add3A_138 : vector<16xf32> -> vector<16xi32>
      %add3A_150 = arith.constant 32768 : i32
      %add3A_151 = vector.broadcast %add3A_150 : i32 to vector<16xi32>
      %add3A_152 = arith.addi %bitcast_convert_type3A_149, %add3A_151 : vector<16xi32>
      %and3A_153 = arith.constant -65536 : i32
      %and3A_154 = vector.broadcast %and3A_153 : i32 to vector<16xi32>
      %and3A_155 = arith.andi %add3A_152, %and3A_154 : vector<16xi32>
      %or3A_156 = arith.ori %and3A_148, %and3A_155 : vector<16xi32>
      %swap3A_157 = arith.index_cast %scan3A_70 : i32 to index
      %swap3A_158 = arith.constant 16 : index
      %swap3A_159 = tpu.vector_load %arg11[%swap3A_157, %swap3A_158] {strides = array<i32>} : memref<80x128xi32, #tpu.memory_space<vmem>>, vector<1x16xi32>,
      %swap3A_160 = vector.shape_cast %swap3A_159 : vector<1x16xi32> to vector<16xi32>
      %swap3A_161 = vector.shape_cast %or3A_156 : vector<16xi32> to vector<1x16xi32>
      tpu.vector_store %arg11[%swap3A_157, %swap3A_158], %swap3A_161 {strides = array<i32>} : memref<80x128xi32, #tpu.memory_space<vmem>>, vector<1x16xi32>,
      %get3A_162 = arith.index_cast %scan3A_70 : i32 to index
      %get3A_163 = arith.constant 32 : index
      %get3A_164 = tpu.vector_load %arg9[%get3A_162, %get3A_163] {strides = array<i32>} : memref<80x128xi32, #tpu.memory_space<vmem>>, vector<1x16xi32>,
      %get3A_165 = vector.shape_cast %get3A_164 : vector<1x16xi32> to vector<16xi32>
      %get3A_166 = arith.index_cast %scan3A_70 : i32 to index
      %get3A_167 = arith.constant 32 : index
      %get3A_168 = tpu.vector_load %arg10[%get3A_166, %get3A_167] {strides = array<i32>} : memref<80x128xi32, #tpu.memory_space<vmem>>, vector<1x16xi32>,
      %get3A_169 = vector.shape_cast %get3A_168 : vector<1x16xi32> to vector<16xi32>
      %shift_left3A_170 = arith.constant 16 : i32
      %shift_left3A_171 = vector.broadcast %shift_left3A_170 : i32 to vector<16xi32>
      %shift_left3A_172 = arith.shli %get3A_165, %shift_left3A_171 : vector<16xi32>
      %bitcast_convert_type3A_173 = tpu.bitcast %shift_left3A_172 : vector<16xi32> -> vector<16xf32>
      %shift_left3A_174 = arith.constant 16 : i32
      %shift_left3A_175 = vector.broadcast %shift_left3A_174 : i32 to vector<16xi32>
      %shift_left3A_176 = arith.shli %get3A_169, %shift_left3A_175 : vector<16xi32>
      %bitcast_convert_type3A_177 = tpu.bitcast %shift_left3A_176 : vector<16xi32> -> vector<16xf32>
      %add3A_178 = arith.addf %bitcast_convert_type3A_173, %bitcast_convert_type3A_177 : vector<16xf32>
      %and3A_179 = arith.constant -65536 : i32
      %and3A_180 = vector.broadcast %and3A_179 : i32 to vector<16xi32>
      %and3A_181 = arith.andi %get3A_165, %and3A_180 : vector<16xi32>
      %bitcast_convert_type3A_182 = tpu.bitcast %and3A_181 : vector<16xi32> -> vector<16xf32>
      %and3A_183 = arith.constant -65536 : i32
      %and3A_184 = vector.broadcast %and3A_183 : i32 to vector<16xi32>
      %and3A_185 = arith.andi %get3A_169, %and3A_184 : vector<16xi32>
      %bitcast_convert_type3A_186 = tpu.bitcast %and3A_185 : vector<16xi32> -> vector<16xf32>
      %add3A_187 = arith.addf %bitcast_convert_type3A_182, %bitcast_convert_type3A_186 : vector<16xf32>
      %bitcast_convert_type3A_188 = tpu.bitcast %add3A_178 : vector<16xf32> -> vector<16xi32>
      %add3A_189 = arith.constant 32768 : i32
      %add3A_190 = vector.broadcast %add3A_189 : i32 to vector<16xi32>
      %add3A_191 = arith.addi %bitcast_convert_type3A_188, %add3A_190 : vector<16xi32>
      %shift_right_arithmetic3A_192 = arith.constant 16 : i32
      %shift_right_arithmetic3A_193 = vector.broadcast %shift_right_arithmetic3A_192 : i32 to vector<16xi32>
      %shift_right_arithmetic3A_194 = arith.shrsi %add3A_191, %shift_right_arithmetic3A_193 : vector<16xi32>
      %and3A_195 = arith.constant 65535 : i32
      %and3A_196 = vector.broadcast %and3A_195 : i32 to vector<16xi32>
      %and3A_197 = arith.andi %shift_right_arithmetic3A_194, %and3A_196 : vector<16xi32>
      %bitcast_convert_type3A_198 = tpu.bitcast %add3A_187 : vector<16xf32> -> vector<16xi32>
      %add3A_199 = arith.constant 32768 : i32
      %add3A_200 = vector.broadcast %add3A_199 : i32 to vector<16xi32>
      %add3A_201 = arith.addi %bitcast_convert_type3A_198, %add3A_200 : vector<16xi32>
      %and3A_202 = arith.constant -65536 : i32
      %and3A_203 = vector.broadcast %and3A_202 : i32 to vector<16xi32>
      %and3A_204 = arith.andi %add3A_201, %and3A_203 : vector<16xi32>
      %or3A_205 = arith.ori %and3A_197, %and3A_204 : vector<16xi32>
      %swap3A_206 = arith.index_cast %scan3A_70 : i32 to index
      %swap3A_207 = arith.constant 32 : index
      %swap3A_208 = tpu.vector_load %arg11[%swap3A_206, %swap3A_207] {strides = array<i32>} : memref<80x128xi32, #tpu.memory_space<vmem>>, vector<1x16xi32>,
      %swap3A_209 = vector.shape_cast %swap3A_208 : vector<1x16xi32> to vector<16xi32>
      %swap3A_210 = vector.shape_cast %or3A_205 : vector<16xi32> to vector<1x16xi32>
      tpu.vector_store %arg11[%swap3A_206, %swap3A_207], %swap3A_210 {strides = array<i32>} : memref<80x128xi32, #tpu.memory_space<vmem>>, vector<1x16xi32>,
      %get3A_211 = arith.index_cast %scan3A_70 : i32 to index
      %get3A_212 = arith.constant 48 : index
      %get3A_213 = tpu.vector_load %arg9[%get3A_211, %get3A_212] {strides = array<i32>} : memref<80x128xi32, #tpu.memory_space<vmem>>, vector<1x16xi32>,
      %get3A_214 = vector.shape_cast %get3A_213 : vector<1x16xi32> to vector<16xi32>
      %get3A_215 = arith.index_cast %scan3A_70 : i32 to index
      %get3A_216 = arith.constant 48 : index
      %get3A_217 = tpu.vector_load %arg10[%get3A_215, %get3A_216] {strides = array<i32>} : memref<80x128xi32, #tpu.memory_space<vmem>>, vector<1x16xi32>,
      %get3A_218 = vector.shape_cast %get3A_217 : vector<1x16xi32> to vector<16xi32>
      %shift_left3A_219 = arith.constant 16 : i32
      %shift_left3A_220 = vector.broadcast %shift_left3A_219 : i32 to vector<16xi32>
      %shift_left3A_221 = arith.shli %get3A_214, %shift_left3A_220 : vector<16xi32>
      %bitcast_convert_type3A_222 = tpu.bitcast %shift_left3A_221 : vector<16xi32> -> vector<16xf32>
      %shift_left3A_223 = arith.constant 16 : i32
      %shift_left3A_224 = vector.broadcast %shift_left3A_223 : i32 to vector<16xi32>
      %shift_left3A_225 = arith.shli %get3A_218, %shift_left3A_224 : vector<16xi32>
      %bitcast_convert_type3A_226 = tpu.bitcast %shift_left3A_225 : vector<16xi32> -> vector<16xf32>
      %add3A_227 = arith.addf %bitcast_convert_type3A_222, %bitcast_convert_type3A_226 : vector<16xf32>
      %and3A_228 = arith.constant -65536 : i32
      %and3A_229 = vector.broadcast %and3A_228 : i32 to vector<16xi32>
      %and3A_230 = arith.andi %get3A_214, %and3A_229 : vector<16xi32>
      %bitcast_convert_type3A_231 = tpu.bitcast %and3A_230 : vector<16xi32> -> vector<16xf32>
      %and3A_232 = arith.constant -65536 : i32
      %and3A_233 = vector.broadcast %and3A_232 : i32 to vector<16xi32>
      %and3A_234 = arith.andi %get3A_218, %and3A_233 : vector<16xi32>
      %bitcast_convert_type3A_235 = tpu.bitcast %and3A_234 : vector<16xi32> -> vector<16xf32>
      %add3A_236 = arith.addf %bitcast_convert_type3A_231, %bitcast_convert_type3A_235 : vector<16xf32>
      %bitcast_convert_type3A_237 = tpu.bitcast %add3A_227 : vector<16xf32> -> vector<16xi32>
      %add3A_238 = arith.constant 32768 : i32
      %add3A_239 = vector.broadcast %add3A_238 : i32 to vector<16xi32>
      %add3A_240 = arith.addi %bitcast_convert_type3A_237, %add3A_239 : vector<16xi32>
      %shift_right_arithmetic3A_241 = arith.constant 16 : i32
      %shift_right_arithmetic3A_242 = vector.broadcast %shift_right_arithmetic3A_241 : i32 to vector<16xi32>
      %shift_right_arithmetic3A_243 = arith.shrsi %add3A_240, %shift_right_arithmetic3A_242 : vector<16xi32>
      %and3A_244 = arith.constant 65535 : i32
      %and3A_245 = vector.broadcast %and3A_244 : i32 to vector<16xi32>
      %and3A_246 = arith.andi %shift_right_arithmetic3A_243, %and3A_245 : vector<16xi32>
      %bitcast_convert_type3A_247 = tpu.bitcast %add3A_236 : vector<16xf32> -> vector<16xi32>
      %add3A_248 = arith.constant 32768 : i32
      %add3A_249 = vector.broadcast %add3A_248 : i32 to vector<16xi32>
      %add3A_250 = arith.addi %bitcast_convert_type3A_247, %add3A_249 : vector<16xi32>
      %and3A_251 = arith.constant -65536 : i32
      %and3A_252 = vector.broadcast %and3A_251 : i32 to vector<16xi32>
      %and3A_253 = arith.andi %add3A_250, %and3A_252 : vector<16xi32>
      %or3A_254 = arith.ori %and3A_246, %and3A_253 : vector<16xi32>
      %swap3A_255 = arith.index_cast %scan3A_70 : i32 to index
      %swap3A_256 = arith.constant 48 : index
      %swap3A_257 = tpu.vector_load %arg11[%swap3A_255, %swap3A_256] {strides = array<i32>} : memref<80x128xi32, #tpu.memory_space<vmem>>, vector<1x16xi32>,
      %swap3A_258 = vector.shape_cast %swap3A_257 : vector<1x16xi32> to vector<16xi32>
      %swap3A_259 = vector.shape_cast %or3A_254 : vector<16xi32> to vector<1x16xi32>
      tpu.vector_store %arg11[%swap3A_255, %swap3A_256], %swap3A_259 {strides = array<i32>} : memref<80x128xi32, #tpu.memory_space<vmem>>, vector<1x16xi32>,
      %get3A_260 = arith.index_cast %scan3A_70 : i32 to index
      %get3A_261 = arith.constant 64 : index
      %get3A_262 = tpu.vector_load %arg9[%get3A_260, %get3A_261] {strides = array<i32>} : memref<80x128xi32, #tpu.memory_space<vmem>>, vector<1x16xi32>,
      %get3A_263 = vector.shape_cast %get3A_262 : vector<1x16xi32> to vector<16xi32>
      %get3A_264 = arith.index_cast %scan3A_70 : i32 to index
      %get3A_265 = arith.constant 64 : index
      %get3A_266 = tpu.vector_load %arg10[%get3A_264, %get3A_265] {strides = array<i32>} : memref<80x128xi32, #tpu.memory_space<vmem>>, vector<1x16xi32>,
      %get3A_267 = vector.shape_cast %get3A_266 : vector<1x16xi32> to vector<16xi32>
      %shift_left3A_268 = arith.constant 16 : i32
      %shift_left3A_269 = vector.broadcast %shift_left3A_268 : i32 to vector<16xi32>
      %shift_left3A_270 = arith.shli %get3A_263, %shift_left3A_269 : vector<16xi32>
      %bitcast_convert_type3A_271 = tpu.bitcast %shift_left3A_270 : vector<16xi32> -> vector<16xf32>
      %shift_left3A_272 = arith.constant 16 : i32
      %shift_left3A_273 = vector.broadcast %shift_left3A_272 : i32 to vector<16xi32>
      %shift_left3A_274 = arith.shli %get3A_267, %shift_left3A_273 : vector<16xi32>
      %bitcast_convert_type3A_275 = tpu.bitcast %shift_left3A_274 : vector<16xi32> -> vector<16xf32>
      %add3A_276 = arith.addf %bitcast_convert_type3A_271, %bitcast_convert_type3A_275 : vector<16xf32>
      %and3A_277 = arith.constant -65536 : i32
      %and3A_278 = vector.broadcast %and3A_277 : i32 to vector<16xi32>
      %and3A_279 = arith.andi %get3A_263, %and3A_278 : vector<16xi32>
      %bitcast_convert_type3A_280 = tpu.bitcast %and3A_279 : vector<16xi32> -> vector<16xf32>
      %and3A_281 = arith.constant -65536 : i32
      %and3A_282 = vector.broadcast %and3A_281 : i32 to vector<16xi32>
      %and3A_283 = arith.andi %get3A_267, %and3A_282 : vector<16xi32>
      %bitcast_convert_type3A_284 = tpu.bitcast %and3A_283 : vector<16xi32> -> vector<16xf32>
      %add3A_285 = arith.addf %bitcast_convert_type3A_280, %bitcast_convert_type3A_284 : vector<16xf32>
      %bitcast_convert_type3A_286 = tpu.bitcast %add3A_276 : vector<16xf32> -> vector<16xi32>
      %add3A_287 = arith.constant 32768 : i32
      %add3A_288 = vector.broadcast %add3A_287 : i32 to vector<16xi32>
      %add3A_289 = arith.addi %bitcast_convert_type3A_286, %add3A_288 : vector<16xi32>
      %shift_right_arithmetic3A_290 = arith.constant 16 : i32
      %shift_right_arithmetic3A_291 = vector.broadcast %shift_right_arithmetic3A_290 : i32 to vector<16xi32>
      %shift_right_arithmetic3A_292 = arith.shrsi %add3A_289, %shift_right_arithmetic3A_291 : vector<16xi32>
      %and3A_293 = arith.constant 65535 : i32
      %and3A_294 = vector.broadcast %and3A_293 : i32 to vector<16xi32>
      %and3A_295 = arith.andi %shift_right_arithmetic3A_292, %and3A_294 : vector<16xi32>
      %bitcast_convert_type3A_296 = tpu.bitcast %add3A_285 : vector<16xf32> -> vector<16xi32>
      %add3A_297 = arith.constant 32768 : i32
      %add3A_298 = vector.broadcast %add3A_297 : i32 to vector<16xi32>
      %add3A_299 = arith.addi %bitcast_convert_type3A_296, %add3A_298 : vector<16xi32>
      %and3A_300 = arith.constant -65536 : i32
      %and3A_301 = vector.broadcast %and3A_300 : i32 to vector<16xi32>
      %and3A_302 = arith.andi %add3A_299, %and3A_301 : vector<16xi32>
      %or3A_303 = arith.ori %and3A_295, %and3A_302 : vector<16xi32>
      %swap3A_304 = arith.index_cast %scan3A_70 : i32 to index
      %swap3A_305 = arith.constant 64 : index
      %swap3A_306 = tpu.vector_load %arg11[%swap3A_304, %swap3A_305] {strides = array<i32>} : memref<80x128xi32, #tpu.memory_space<vmem>>, vector<1x16xi32>,
      %swap3A_307 = vector.shape_cast %swap3A_306 : vector<1x16xi32> to vector<16xi32>
      %swap3A_308 = vector.shape_cast %or3A_303 : vector<16xi32> to vector<1x16xi32>
      tpu.vector_store %arg11[%swap3A_304, %swap3A_305], %swap3A_308 {strides = array<i32>} : memref<80x128xi32, #tpu.memory_space<vmem>>, vector<1x16xi32>,
      %get3A_309 = arith.index_cast %scan3A_70 : i32 to index
      %get3A_310 = arith.constant 80 : index
      %get3A_311 = tpu.vector_load %arg9[%get3A_309, %get3A_310] {strides = array<i32>} : memref<80x128xi32, #tpu.memory_space<vmem>>, vector<1x16xi32>,
      %get3A_312 = vector.shape_cast %get3A_311 : vector<1x16xi32> to vector<16xi32>
      %get3A_313 = arith.index_cast %scan3A_70 : i32 to index
      %get3A_314 = arith.constant 80 : index
      %get3A_315 = tpu.vector_load %arg10[%get3A_313, %get3A_314] {strides = array<i32>} : memref<80x128xi32, #tpu.memory_space<vmem>>, vector<1x16xi32>,
      %get3A_316 = vector.shape_cast %get3A_315 : vector<1x16xi32> to vector<16xi32>
      %shift_left3A_317 = arith.constant 16 : i32
      %shift_left3A_318 = vector.broadcast %shift_left3A_317 : i32 to vector<16xi32>
      %shift_left3A_319 = arith.shli %get3A_312, %shift_left3A_318 : vector<16xi32>
      %bitcast_convert_type3A_320 = tpu.bitcast %shift_left3A_319 : vector<16xi32> -> vector<16xf32>
      %shift_left3A_321 = arith.constant 16 : i32
      %shift_left3A_322 = vector.broadcast %shift_left3A_321 : i32 to vector<16xi32>
      %shift_left3A_323 = arith.shli %get3A_316, %shift_left3A_322 : vector<16xi32>
      %bitcast_convert_type3A_324 = tpu.bitcast %shift_left3A_323 : vector<16xi32> -> vector<16xf32>
      %add3A_325 = arith.addf %bitcast_convert_type3A_320, %bitcast_convert_type3A_324 : vector<16xf32>
      %and3A_326 = arith.constant -65536 : i32
      %and3A_327 = vector.broadcast %and3A_326 : i32 to vector<16xi32>
      %and3A_328 = arith.andi %get3A_312, %and3A_327 : vector<16xi32>
      %bitcast_convert_type3A_329 = tpu.bitcast %and3A_328 : vector<16xi32> -> vector<16xf32>
      %and3A_330 = arith.constant -65536 : i32
      %and3A_331 = vector.broadcast %and3A_330 : i32 to vector<16xi32>
      %and3A_332 = arith.andi %get3A_316, %and3A_331 : vector<16xi32>
      %bitcast_convert_type3A_333 = tpu.bitcast %and3A_332 : vector<16xi32> -> vector<16xf32>
      %add3A_334 = arith.addf %bitcast_convert_type3A_329, %bitcast_convert_type3A_333 : vector<16xf32>
      %bitcast_convert_type3A_335 = tpu.bitcast %add3A_325 : vector<16xf32> -> vector<16xi32>
      %add3A_336 = arith.constant 32768 : i32
      %add3A_337 = vector.broadcast %add3A_336 : i32 to vector<16xi32>
      %add3A_338 = arith.addi %bitcast_convert_type3A_335, %add3A_337 : vector<16xi32>
      %shift_right_arithmetic3A_339 = arith.constant 16 : i32
      %shift_right_arithmetic3A_340 = vector.broadcast %shift_right_arithmetic3A_339 : i32 to vector<16xi32>
      %shift_right_arithmetic3A_341 = arith.shrsi %add3A_338, %shift_right_arithmetic3A_340 : vector<16xi32>
      %and3A_342 = arith.constant 65535 : i32
      %and3A_343 = vector.broadcast %and3A_342 : i32 to vector<16xi32>
      %and3A_344 = arith.andi %shift_right_arithmetic3A_341, %and3A_343 : vector<16xi32>
      %bitcast_convert_type3A_345 = tpu.bitcast %add3A_334 : vector<16xf32> -> vector<16xi32>
      %add3A_346 = arith.constant 32768 : i32
      %add3A_347 = vector.broadcast %add3A_346 : i32 to vector<16xi32>
      %add3A_348 = arith.addi %bitcast_convert_type3A_345, %add3A_347 : vector<16xi32>
      %and3A_349 = arith.constant -65536 : i32
      %and3A_350 = vector.broadcast %and3A_349 : i32 to vector<16xi32>
      %and3A_351 = arith.andi %add3A_348, %and3A_350 : vector<16xi32>
      %or3A_352 = arith.ori %and3A_344, %and3A_351 : vector<16xi32>
      %swap3A_353 = arith.index_cast %scan3A_70 : i32 to index
      %swap3A_354 = arith.constant 80 : index
      %swap3A_355 = tpu.vector_load %arg11[%swap3A_353, %swap3A_354] {strides = array<i32>} : memref<80x128xi32, #tpu.memory_space<vmem>>, vector<1x16xi32>,
      %swap3A_356 = vector.shape_cast %swap3A_355 : vector<1x16xi32> to vector<16xi32>
      %swap3A_357 = vector.shape_cast %or3A_352 : vector<16xi32> to vector<1x16xi32>
      tpu.vector_store %arg11[%swap3A_353, %swap3A_354], %swap3A_357 {strides = array<i32>} : memref<80x128xi32, #tpu.memory_space<vmem>>, vector<1x16xi32>,
      %get3A_358 = arith.index_cast %scan3A_70 : i32 to index
      %get3A_359 = arith.constant 96 : index
      %get3A_360 = tpu.vector_load %arg9[%get3A_358, %get3A_359] {strides = array<i32>} : memref<80x128xi32, #tpu.memory_space<vmem>>, vector<1x16xi32>,
      %get3A_361 = vector.shape_cast %get3A_360 : vector<1x16xi32> to vector<16xi32>
      %get3A_362 = arith.index_cast %scan3A_70 : i32 to index
      %get3A_363 = arith.constant 96 : index
      %get3A_364 = tpu.vector_load %arg10[%get3A_362, %get3A_363] {strides = array<i32>} : memref<80x128xi32, #tpu.memory_space<vmem>>, vector<1x16xi32>,
      %get3A_365 = vector.shape_cast %get3A_364 : vector<1x16xi32> to vector<16xi32>
      %shift_left3A_366 = arith.constant 16 : i32
      %shift_left3A_367 = vector.broadcast %shift_left3A_366 : i32 to vector<16xi32>
      %shift_left3A_368 = arith.shli %get3A_361, %shift_left3A_367 : vector<16xi32>
      %bitcast_convert_type3A_369 = tpu.bitcast %shift_left3A_368 : vector<16xi32> -> vector<16xf32>
      %shift_left3A_370 = arith.constant 16 : i32
      %shift_left3A_371 = vector.broadcast %shift_left3A_370 : i32 to vector<16xi32>
      %shift_left3A_372 = arith.shli %get3A_365, %shift_left3A_371 : vector<16xi32>
      %bitcast_convert_type3A_373 = tpu.bitcast %shift_left3A_372 : vector<16xi32> -> vector<16xf32>
      %add3A_374 = arith.addf %bitcast_convert_type3A_369, %bitcast_convert_type3A_373 : vector<16xf32>
      %and3A_375 = arith.constant -65536 : i32
      %and3A_376 = vector.broadcast %and3A_375 : i32 to vector<16xi32>
      %and3A_377 = arith.andi %get3A_361, %and3A_376 : vector<16xi32>
      %bitcast_convert_type3A_378 = tpu.bitcast %and3A_377 : vector<16xi32> -> vector<16xf32>
      %and3A_379 = arith.constant -65536 : i32
      %and3A_380 = vector.broadcast %and3A_379 : i32 to vector<16xi32>
      %and3A_381 = arith.andi %get3A_365, %and3A_380 : vector<16xi32>
      %bitcast_convert_type3A_382 = tpu.bitcast %and3A_381 : vector<16xi32> -> vector<16xf32>
      %add3A_383 = arith.addf %bitcast_convert_type3A_378, %bitcast_convert_type3A_382 : vector<16xf32>
      %bitcast_convert_type3A_384 = tpu.bitcast %add3A_374 : vector<16xf32> -> vector<16xi32>
      %add3A_385 = arith.constant 32768 : i32
      %add3A_386 = vector.broadcast %add3A_385 : i32 to vector<16xi32>
      %add3A_387 = arith.addi %bitcast_convert_type3A_384, %add3A_386 : vector<16xi32>
      %shift_right_arithmetic3A_388 = arith.constant 16 : i32
      %shift_right_arithmetic3A_389 = vector.broadcast %shift_right_arithmetic3A_388 : i32 to vector<16xi32>
      %shift_right_arithmetic3A_390 = arith.shrsi %add3A_387, %shift_right_arithmetic3A_389 : vector<16xi32>
      %and3A_391 = arith.constant 65535 : i32
      %and3A_392 = vector.broadcast %and3A_391 : i32 to vector<16xi32>
      %and3A_393 = arith.andi %shift_right_arithmetic3A_390, %and3A_392 : vector<16xi32>
      %bitcast_convert_type3A_394 = tpu.bitcast %add3A_383 : vector<16xf32> -> vector<16xi32>
      %add3A_395 = arith.constant 32768 : i32
      %add3A_396 = vector.broadcast %add3A_395 : i32 to vector<16xi32>
      %add3A_397 = arith.addi %bitcast_convert_type3A_394, %add3A_396 : vector<16xi32>
      %and3A_398 = arith.constant -65536 : i32
      %and3A_399 = vector.broadcast %and3A_398 : i32 to vector<16xi32>
      %and3A_400 = arith.andi %add3A_397, %and3A_399 : vector<16xi32>
      %or3A_401 = arith.ori %and3A_393, %and3A_400 : vector<16xi32>
      %swap3A_402 = arith.index_cast %scan3A_70 : i32 to index
      %swap3A_403 = arith.constant 96 : index
      %swap3A_404 = tpu.vector_load %arg11[%swap3A_402, %swap3A_403] {strides = array<i32>} : memref<80x128xi32, #tpu.memory_space<vmem>>, vector<1x16xi32>,
      %swap3A_405 = vector.shape_cast %swap3A_404 : vector<1x16xi32> to vector<16xi32>
      %swap3A_406 = vector.shape_cast %or3A_401 : vector<16xi32> to vector<1x16xi32>
      tpu.vector_store %arg11[%swap3A_402, %swap3A_403], %swap3A_406 {strides = array<i32>} : memref<80x128xi32, #tpu.memory_space<vmem>>, vector<1x16xi32>,
      %get3A_407 = arith.index_cast %scan3A_70 : i32 to index
      %get3A_408 = arith.constant 112 : index
      %get3A_409 = tpu.vector_load %arg9[%get3A_407, %get3A_408] {strides = array<i32>} : memref<80x128xi32, #tpu.memory_space<vmem>>, vector<1x16xi32>,
      %get3A_410 = vector.shape_cast %get3A_409 : vector<1x16xi32> to vector<16xi32>
      %get3A_411 = arith.index_cast %scan3A_70 : i32 to index
      %get3A_412 = arith.constant 112 : index
      %get3A_413 = tpu.vector_load %arg10[%get3A_411, %get3A_412] {strides = array<i32>} : memref<80x128xi32, #tpu.memory_space<vmem>>, vector<1x16xi32>,
      %get3A_414 = vector.shape_cast %get3A_413 : vector<1x16xi32> to vector<16xi32>
      %shift_left3A_415 = arith.constant 16 : i32
      %shift_left3A_416 = vector.broadcast %shift_left3A_415 : i32 to vector<16xi32>
      %shift_left3A_417 = arith.shli %get3A_410, %shift_left3A_416 : vector<16xi32>
      %bitcast_convert_type3A_418 = tpu.bitcast %shift_left3A_417 : vector<16xi32> -> vector<16xf32>
      %shift_left3A_419 = arith.constant 16 : i32
      %shift_left3A_420 = vector.broadcast %shift_left3A_419 : i32 to vector<16xi32>
      %shift_left3A_421 = arith.shli %get3A_414, %shift_left3A_420 : vector<16xi32>
      %bitcast_convert_type3A_422 = tpu.bitcast %shift_left3A_421 : vector<16xi32> -> vector<16xf32>
      %add3A_423 = arith.addf %bitcast_convert_type3A_418, %bitcast_convert_type3A_422 : vector<16xf32>
      %and3A_424 = arith.constant -65536 : i32
      %and3A_425 = vector.broadcast %and3A_424 : i32 to vector<16xi32>
      %and3A_426 = arith.andi %get3A_410, %and3A_425 : vector<16xi32>
      %bitcast_convert_type3A_427 = tpu.bitcast %and3A_426 : vector<16xi32> -> vector<16xf32>
      %and3A_428 = arith.constant -65536 : i32
      %and3A_429 = vector.broadcast %and3A_428 : i32 to vector<16xi32>
      %and3A_430 = arith.andi %get3A_414, %and3A_429 : vector<16xi32>
      %bitcast_convert_type3A_431 = tpu.bitcast %and3A_430 : vector<16xi32> -> vector<16xf32>
      %add3A_432 = arith.addf %bitcast_convert_type3A_427, %bitcast_convert_type3A_431 : vector<16xf32>
      %bitcast_convert_type3A_433 = tpu.bitcast %add3A_423 : vector<16xf32> -> vector<16xi32>
      %add3A_434 = arith.constant 32768 : i32
      %add3A_435 = vector.broadcast %add3A_434 : i32 to vector<16xi32>
      %add3A_436 = arith.addi %bitcast_convert_type3A_433, %add3A_435 : vector<16xi32>
      %shift_right_arithmetic3A_437 = arith.constant 16 : i32
      %shift_right_arithmetic3A_438 = vector.broadcast %shift_right_arithmetic3A_437 : i32 to vector<16xi32>
      %shift_right_arithmetic3A_439 = arith.shrsi %add3A_436, %shift_right_arithmetic3A_438 : vector<16xi32>
      %and3A_440 = arith.constant 65535 : i32
      %and3A_441 = vector.broadcast %and3A_440 : i32 to vector<16xi32>
      %and3A_442 = arith.andi %shift_right_arithmetic3A_439, %and3A_441 : vector<16xi32>
      %bitcast_convert_type3A_443 = tpu.bitcast %add3A_432 : vector<16xf32> -> vector<16xi32>
      %add3A_444 = arith.constant 32768 : i32
      %add3A_445 = vector.broadcast %add3A_444 : i32 to vector<16xi32>
      %add3A_446 = arith.addi %bitcast_convert_type3A_443, %add3A_445 : vector<16xi32>
      %and3A_447 = arith.constant -65536 : i32
      %and3A_448 = vector.broadcast %and3A_447 : i32 to vector<16xi32>
      %and3A_449 = arith.andi %add3A_446, %and3A_448 : vector<16xi32>
      %or3A_450 = arith.ori %and3A_442, %and3A_449 : vector<16xi32>
      %swap3A_451 = arith.index_cast %scan3A_70 : i32 to index
      %swap3A_452 = arith.constant 112 : index
      %swap3A_453 = tpu.vector_load %arg11[%swap3A_451, %swap3A_452] {strides = array<i32>} : memref<80x128xi32, #tpu.memory_space<vmem>>, vector<1x16xi32>,
      %swap3A_454 = vector.shape_cast %swap3A_453 : vector<1x16xi32> to vector<16xi32>
      %swap3A_455 = vector.shape_cast %or3A_450 : vector<16xi32> to vector<1x16xi32>
      tpu.vector_store %arg11[%swap3A_451, %swap3A_452], %swap3A_455 {strides = array<i32>} : memref<80x128xi32, #tpu.memory_space<vmem>>, vector<1x16xi32>,
    }
    %scan3A_55 = arith.constant 80 : i32
    %add3A_56 = arith.constant 5920 : i32
    %add3A_57 = arith.addi %mul3A_2, %add3A_56 : i32
    %dma_start3A_58 = arith.constant 0 : i32
    %dma_start3A_59 = tpu.memref_slice %arg6[%add3A_57, %dma_start3A_58] : memref<192000x128xi32, #tpu.memory_space<hbm>> -> memref<80x128xi32, #tpu.memory_space<hbm>>
    %dma_start3A_60 = arith.constant 0 : i32
    %dma_start3A_61 = tpu.memref_slice %arg6[%add3A_57, %dma_start3A_60] : memref<192000x128xi32, #tpu.memory_space<hbm>> -> memref<80x128xi32, #tpu.memory_space<hbm>>
    tpu.enqueue_dma source(%arg11 : memref<80x128xi32, #tpu.memory_space<vmem>>) target(%dma_start3A_61 : memref<80x128xi32, #tpu.memory_space<hbm>>) target_semaphore(%arg17 : memref<!tpu.dma_semaphore, #tpu.memory_space<semaphore_mem>>)
    %dma_wait3A_62 = arith.constant 0 : i32
    %dma_wait3A_63 = tpu.memref_slice %arg6[%mul3A_2, %dma_wait3A_62] : memref<192000x128xi32, #tpu.memory_space<hbm>> -> memref<80x128xi32, #tpu.memory_space<hbm>>
    %dma_wait3A_64 = arith.constant 0 : i32
    %dma_wait3A_65 = tpu.memref_slice %arg6[%mul3A_2, %dma_wait3A_64] : memref<192000x128xi32, #tpu.memory_space<hbm>> -> memref<80x128xi32, #tpu.memory_space<hbm>>
    tpu.wait_dma2 semaphore(%arg17 : memref<!tpu.dma_semaphore, #tpu.memory_space<semaphore_mem>>) src(%arg11 : memref<80x128xi32, #tpu.memory_space<vmem>>) dst(%dma_wait3A_65 : memref<80x128xi32, #tpu.memory_space<hbm>>)
    %dma_wait3A_66 = arith.constant 0 : i32
    %dma_wait3A_67 = tpu.memref_slice %arg6[%mul3A_2, %dma_wait3A_66] : memref<192000x128xi32, #tpu.memory_space<hbm>> -> memref<80x128xi32, #tpu.memory_space<hbm>>
    %dma_wait3A_68 = arith.constant 0 : i32
    %dma_wait3A_69 = tpu.memref_slice %arg6[%mul3A_2, %dma_wait3A_68] : memref<192000x128xi32, #tpu.memory_space<hbm>> -> memref<80x128xi32, #tpu.memory_space<hbm>>
    tpu.wait_dma2 semaphore(%arg20 : memref<!tpu.dma_semaphore, #tpu.memory_space<semaphore_mem>>) src(%arg14 : memref<80x128xi32, #tpu.memory_space<vmem>>) dst(%dma_wait3A_69 : memref<80x128xi32, #tpu.memory_space<hbm>>)
    return
  }
}

#map = affine_map<(d0, d1) -> (0, 0)>
#map1 = affine_map<(d0, d1) -> (0, 0, 0)>
module attributes {stable_mosaic.version = 14 : i64} {
  func.func @_scatter_k(%arg0: i32, %arg1: i32, %arg2: memref<192000x128xf32, #tpu.memory_space<hbm>>, %arg3: memref<32x75x80xi32, #tpu.memory_space<hbm>>, %arg4: memref<10000x128xf32, #tpu.memory_space<hbm>>, %arg5: memref<10000x128xf32, #tpu.memory_space<hbm>>, %arg6: memref<10000x128xf32, #tpu.memory_space<hbm>>, %arg7: memref<10000x128xf32, #tpu.memory_space<hbm>>, %arg8: memref<75x80xi32, #tpu.memory_space<vmem>>, %arg9: memref<80x128xf32, #tpu.memory_space<vmem>>, %arg10: memref<80x128xf32, #tpu.memory_space<vmem>>, %arg11: memref<10000x128xf32, #tpu.memory_space<vmem_shared>>, %arg12: memref<!tpu.dma_semaphore, #tpu.memory_space<semaphore_mem>>, %arg13: memref<!tpu.dma_semaphore, #tpu.memory_space<semaphore_mem>>) attributes {dimension_semantics = [#tpu.dimension_semantics<core_parallel>, #tpu.dimension_semantics<subcore_parallel>], iteration_bounds = array<i64: 2, 16>, scalar_prefetch = 0 : i64, scratch_operands = 6 : i64, tpu.core_type = #tpu.core_type<sc_vector_subcore>, window_params = [{transform_indices = #map}, {transform_indices = #map1}, {transform_indices = #map}, {transform_indices = #map}, {transform_indices = #map}, {transform_indices = #map}]} {
    %mul3A = arith.constant 2 : i32
    %mul3A_0 = arith.muli %arg1, %mul3A : i32
    %add3A = arith.addi %mul3A_0, %arg0 : i32
    %mul3A_1 = arith.constant 632 : i32
    %mul3A_2 = arith.muli %arg1, %mul3A_1 : i32
    "tpu.region"() ({
      %run_scoped3A_62 = tpu.sem_alloc : memref<!tpu.dma_semaphore, #tpu.memory_space<semaphore_mem>>
      %dma_start3A_63 = arith.constant 0 : i32
      %dma_start3A_64 = arith.constant 0 : i32
      %dma_start3A_65 = tpu.memref_slice %arg3[%add3A, %dma_start3A_63, %dma_start3A_64] : memref<32x75x80xi32, #tpu.memory_space<hbm>> -> memref<1x75x80xi32, #tpu.memory_space<hbm>>
      %dma_start3A_66 = tpu.memref_squeeze %dma_start3A_65 : memref<1x75x80xi32, #tpu.memory_space<hbm>> -> memref<75x80xi32, #tpu.memory_space<hbm>>
      %dma_start3A_67 = arith.constant 0 : i32
      %dma_start3A_68 = arith.constant 0 : i32
      %dma_start3A_69 = tpu.memref_slice %arg3[%add3A, %dma_start3A_67, %dma_start3A_68] : memref<32x75x80xi32, #tpu.memory_space<hbm>> -> memref<1x75x80xi32, #tpu.memory_space<hbm>>
      %dma_start3A_70 = tpu.memref_squeeze %dma_start3A_69 : memref<1x75x80xi32, #tpu.memory_space<hbm>> -> memref<75x80xi32, #tpu.memory_space<hbm>>
      tpu.enqueue_dma source(%dma_start3A_70 : memref<75x80xi32, #tpu.memory_space<hbm>>) target(%arg8 : memref<75x80xi32, #tpu.memory_space<vmem>>) target_semaphore(%run_scoped3A_62 : memref<!tpu.dma_semaphore, #tpu.memory_space<semaphore_mem>>)
      %dma_wait3A_71 = arith.constant 0 : i32
      %dma_wait3A_72 = arith.constant 0 : i32
      %dma_wait3A_73 = tpu.memref_slice %arg3[%add3A, %dma_wait3A_71, %dma_wait3A_72] : memref<32x75x80xi32, #tpu.memory_space<hbm>> -> memref<1x75x80xi32, #tpu.memory_space<hbm>>
      %dma_wait3A_74 = tpu.memref_squeeze %dma_wait3A_73 : memref<1x75x80xi32, #tpu.memory_space<hbm>> -> memref<75x80xi32, #tpu.memory_space<hbm>>
      %dma_wait3A_75 = arith.constant 0 : i32
      %dma_wait3A_76 = arith.constant 0 : i32
      %dma_wait3A_77 = tpu.memref_slice %arg3[%add3A, %dma_wait3A_75, %dma_wait3A_76] : memref<32x75x80xi32, #tpu.memory_space<hbm>> -> memref<1x75x80xi32, #tpu.memory_space<hbm>>
      %dma_wait3A_78 = tpu.memref_squeeze %dma_wait3A_77 : memref<1x75x80xi32, #tpu.memory_space<hbm>> -> memref<75x80xi32, #tpu.memory_space<hbm>>
      tpu.wait_dma2 semaphore(%run_scoped3A_62 : memref<!tpu.dma_semaphore, #tpu.memory_space<semaphore_mem>>) src(%dma_wait3A_78 : memref<75x80xi32, #tpu.memory_space<hbm>>) dst(%arg8 : memref<75x80xi32, #tpu.memory_space<vmem>>)
      tpu.yield
    }) : () -> ()
    %eq3A = arith.constant 0 : i32
    %eq3A_3 = arith.cmpi eq, %arg0, %eq3A : i32
    %convert_element_type3A = arith.extui %eq3A_3 : i1 to i32
    %cond3A = arith.constant 0 : i32
    %cond3A_4 = arith.cmpi ne, %convert_element_type3A, %cond3A : i32
    scf.if %cond3A_4 {
      %lt3A_62 = arith.constant 15 : i32
      %lt3A_63 = arith.cmpi slt, %arg1, %lt3A_62 : i32
      %convert_element_type3A_64 = arith.extui %lt3A_63 : i1 to i32
      %cond3A_65 = arith.constant 0 : i32
      %cond3A_66 = arith.cmpi ne, %convert_element_type3A_64, %cond3A_65 : i32
      scf.if %cond3A_66 {
        "tpu.region"() ({
          %run_scoped3A_72 = tpu.sem_alloc : memref<!tpu.dma_semaphore, #tpu.memory_space<semaphore_mem>>
          %dma_start3A_73 = arith.constant 0 : i32
          %dma_start3A_74 = tpu.memref_slice %arg11[%mul3A_2, %dma_start3A_73] : memref<10000x128xf32, #tpu.memory_space<vmem_shared>> -> memref<632x128xf32, #tpu.memory_space<vmem_shared>>
          %dma_start3A_75 = arith.constant 0 : i32
          %dma_start3A_76 = tpu.memref_slice %arg4[%mul3A_2, %dma_start3A_75] : memref<10000x128xf32, #tpu.memory_space<hbm>> -> memref<632x128xf32, #tpu.memory_space<hbm>>
          tpu.enqueue_dma source(%dma_start3A_76 : memref<632x128xf32, #tpu.memory_space<hbm>>) target(%dma_start3A_74 : memref<632x128xf32, #tpu.memory_space<vmem_shared>>) target_semaphore(%run_scoped3A_72 : memref<!tpu.dma_semaphore, #tpu.memory_space<semaphore_mem>>)
          %dma_wait3A_77 = arith.constant 0 : i32
          %dma_wait3A_78 = tpu.memref_slice %arg11[%mul3A_2, %dma_wait3A_77] : memref<10000x128xf32, #tpu.memory_space<vmem_shared>> -> memref<632x128xf32, #tpu.memory_space<vmem_shared>>
          %dma_wait3A_79 = arith.constant 0 : i32
          %dma_wait3A_80 = tpu.memref_slice %arg4[%mul3A_2, %dma_wait3A_79] : memref<10000x128xf32, #tpu.memory_space<hbm>> -> memref<632x128xf32, #tpu.memory_space<hbm>>
          tpu.wait_dma2 semaphore(%run_scoped3A_72 : memref<!tpu.dma_semaphore, #tpu.memory_space<semaphore_mem>>) src(%dma_wait3A_80 : memref<632x128xf32, #tpu.memory_space<hbm>>) dst(%dma_wait3A_78 : memref<632x128xf32, #tpu.memory_space<vmem_shared>>)
          tpu.yield
        }) : () -> ()
      } else {
      }
      %eq3A_67 = arith.constant 15 : i32
      %eq3A_68 = arith.cmpi eq, %arg1, %eq3A_67 : i32
      %convert_element_type3A_69 = arith.extui %eq3A_68 : i1 to i32
      %cond3A_70 = arith.constant 0 : i32
      %cond3A_71 = arith.cmpi ne, %convert_element_type3A_69, %cond3A_70 : i32
      scf.if %cond3A_71 {
        "tpu.region"() ({
          %run_scoped3A_72 = tpu.sem_alloc : memref<!tpu.dma_semaphore, #tpu.memory_space<semaphore_mem>>
          %dma_start3A_73 = arith.constant 9480 : i32
          %dma_start3A_74 = arith.constant 0 : i32
          %dma_start3A_75 = tpu.memref_slice %arg11[%dma_start3A_73, %dma_start3A_74] : memref<10000x128xf32, #tpu.memory_space<vmem_shared>> -> memref<520x128xf32, #tpu.memory_space<vmem_shared>>
          %dma_start3A_76 = arith.constant 9480 : i32
          %dma_start3A_77 = arith.constant 0 : i32
          %dma_start3A_78 = tpu.memref_slice %arg4[%dma_start3A_76, %dma_start3A_77] : memref<10000x128xf32, #tpu.memory_space<hbm>> -> memref<520x128xf32, #tpu.memory_space<hbm>>
          tpu.enqueue_dma source(%dma_start3A_78 : memref<520x128xf32, #tpu.memory_space<hbm>>) target(%dma_start3A_75 : memref<520x128xf32, #tpu.memory_space<vmem_shared>>) target_semaphore(%run_scoped3A_72 : memref<!tpu.dma_semaphore, #tpu.memory_space<semaphore_mem>>)
          %dma_wait3A_79 = arith.constant 9480 : i32
          %dma_wait3A_80 = arith.constant 0 : i32
          %dma_wait3A_81 = tpu.memref_slice %arg11[%dma_wait3A_79, %dma_wait3A_80] : memref<10000x128xf32, #tpu.memory_space<vmem_shared>> -> memref<520x128xf32, #tpu.memory_space<vmem_shared>>
          %dma_wait3A_82 = arith.constant 9480 : i32
          %dma_wait3A_83 = arith.constant 0 : i32
          %dma_wait3A_84 = tpu.memref_slice %arg4[%dma_wait3A_82, %dma_wait3A_83] : memref<10000x128xf32, #tpu.memory_space<hbm>> -> memref<520x128xf32, #tpu.memory_space<hbm>>
          tpu.wait_dma2 semaphore(%run_scoped3A_72 : memref<!tpu.dma_semaphore, #tpu.memory_space<semaphore_mem>>) src(%dma_wait3A_84 : memref<520x128xf32, #tpu.memory_space<hbm>>) dst(%dma_wait3A_81 : memref<520x128xf32, #tpu.memory_space<vmem_shared>>)
          tpu.yield
        }) : () -> ()
      } else {
      }
    } else {
    }
    %eq3A_5 = arith.constant 1 : i32
    %eq3A_6 = arith.cmpi eq, %arg0, %eq3A_5 : i32
    %convert_element_type3A_7 = arith.extui %eq3A_6 : i1 to i32
    %cond3A_8 = arith.constant 0 : i32
    %cond3A_9 = arith.cmpi ne, %convert_element_type3A_7, %cond3A_8 : i32
    scf.if %cond3A_9 {
      %lt3A_62 = arith.constant 15 : i32
      %lt3A_63 = arith.cmpi slt, %arg1, %lt3A_62 : i32
      %convert_element_type3A_64 = arith.extui %lt3A_63 : i1 to i32
      %cond3A_65 = arith.constant 0 : i32
      %cond3A_66 = arith.cmpi ne, %convert_element_type3A_64, %cond3A_65 : i32
      scf.if %cond3A_66 {
        "tpu.region"() ({
          %run_scoped3A_72 = tpu.sem_alloc : memref<!tpu.dma_semaphore, #tpu.memory_space<semaphore_mem>>
          %dma_start3A_73 = arith.constant 0 : i32
          %dma_start3A_74 = tpu.memref_slice %arg11[%mul3A_2, %dma_start3A_73] : memref<10000x128xf32, #tpu.memory_space<vmem_shared>> -> memref<632x128xf32, #tpu.memory_space<vmem_shared>>
          %dma_start3A_75 = arith.constant 0 : i32
          %dma_start3A_76 = tpu.memref_slice %arg5[%mul3A_2, %dma_start3A_75] : memref<10000x128xf32, #tpu.memory_space<hbm>> -> memref<632x128xf32, #tpu.memory_space<hbm>>
          tpu.enqueue_dma source(%dma_start3A_76 : memref<632x128xf32, #tpu.memory_space<hbm>>) target(%dma_start3A_74 : memref<632x128xf32, #tpu.memory_space<vmem_shared>>) target_semaphore(%run_scoped3A_72 : memref<!tpu.dma_semaphore, #tpu.memory_space<semaphore_mem>>)
          %dma_wait3A_77 = arith.constant 0 : i32
          %dma_wait3A_78 = tpu.memref_slice %arg11[%mul3A_2, %dma_wait3A_77] : memref<10000x128xf32, #tpu.memory_space<vmem_shared>> -> memref<632x128xf32, #tpu.memory_space<vmem_shared>>
          %dma_wait3A_79 = arith.constant 0 : i32
          %dma_wait3A_80 = tpu.memref_slice %arg5[%mul3A_2, %dma_wait3A_79] : memref<10000x128xf32, #tpu.memory_space<hbm>> -> memref<632x128xf32, #tpu.memory_space<hbm>>
          tpu.wait_dma2 semaphore(%run_scoped3A_72 : memref<!tpu.dma_semaphore, #tpu.memory_space<semaphore_mem>>) src(%dma_wait3A_80 : memref<632x128xf32, #tpu.memory_space<hbm>>) dst(%dma_wait3A_78 : memref<632x128xf32, #tpu.memory_space<vmem_shared>>)
          tpu.yield
        }) : () -> ()
      } else {
      }
      %eq3A_67 = arith.constant 15 : i32
      %eq3A_68 = arith.cmpi eq, %arg1, %eq3A_67 : i32
      %convert_element_type3A_69 = arith.extui %eq3A_68 : i1 to i32
      %cond3A_70 = arith.constant 0 : i32
      %cond3A_71 = arith.cmpi ne, %convert_element_type3A_69, %cond3A_70 : i32
      scf.if %cond3A_71 {
        "tpu.region"() ({
          %run_scoped3A_72 = tpu.sem_alloc : memref<!tpu.dma_semaphore, #tpu.memory_space<semaphore_mem>>
          %dma_start3A_73 = arith.constant 9480 : i32
          %dma_start3A_74 = arith.constant 0 : i32
          %dma_start3A_75 = tpu.memref_slice %arg11[%dma_start3A_73, %dma_start3A_74] : memref<10000x128xf32, #tpu.memory_space<vmem_shared>> -> memref<520x128xf32, #tpu.memory_space<vmem_shared>>
          %dma_start3A_76 = arith.constant 9480 : i32
          %dma_start3A_77 = arith.constant 0 : i32
          %dma_start3A_78 = tpu.memref_slice %arg5[%dma_start3A_76, %dma_start3A_77] : memref<10000x128xf32, #tpu.memory_space<hbm>> -> memref<520x128xf32, #tpu.memory_space<hbm>>
          tpu.enqueue_dma source(%dma_start3A_78 : memref<520x128xf32, #tpu.memory_space<hbm>>) target(%dma_start3A_75 : memref<520x128xf32, #tpu.memory_space<vmem_shared>>) target_semaphore(%run_scoped3A_72 : memref<!tpu.dma_semaphore, #tpu.memory_space<semaphore_mem>>)
          %dma_wait3A_79 = arith.constant 9480 : i32
          %dma_wait3A_80 = arith.constant 0 : i32
          %dma_wait3A_81 = tpu.memref_slice %arg11[%dma_wait3A_79, %dma_wait3A_80] : memref<10000x128xf32, #tpu.memory_space<vmem_shared>> -> memref<520x128xf32, #tpu.memory_space<vmem_shared>>
          %dma_wait3A_82 = arith.constant 9480 : i32
          %dma_wait3A_83 = arith.constant 0 : i32
          %dma_wait3A_84 = tpu.memref_slice %arg5[%dma_wait3A_82, %dma_wait3A_83] : memref<10000x128xf32, #tpu.memory_space<hbm>> -> memref<520x128xf32, #tpu.memory_space<hbm>>
          tpu.wait_dma2 semaphore(%run_scoped3A_72 : memref<!tpu.dma_semaphore, #tpu.memory_space<semaphore_mem>>) src(%dma_wait3A_84 : memref<520x128xf32, #tpu.memory_space<hbm>>) dst(%dma_wait3A_81 : memref<520x128xf32, #tpu.memory_space<vmem_shared>>)
          tpu.yield
        }) : () -> ()
      } else {
      }
    } else {
    }
    %barrier3A = arith.constant 0 : index
    tpu.barrier barrier_id(%barrier3A)
    %mul3A_10 = arith.constant 6000 : i32
    %mul3A_11 = arith.muli %add3A, %mul3A_10 : i32
    %dma_start3A = arith.constant 0 : i32
    %dma_start3A_12 = tpu.memref_slice %arg2[%mul3A_11, %dma_start3A] : memref<192000x128xf32, #tpu.memory_space<hbm>> -> memref<80x128xf32, #tpu.memory_space<hbm>>
    %dma_start3A_13 = arith.constant 0 : i32
    %dma_start3A_14 = tpu.memref_slice %arg2[%mul3A_11, %dma_start3A_13] : memref<192000x128xf32, #tpu.memory_space<hbm>> -> memref<80x128xf32, #tpu.memory_space<hbm>>
    tpu.enqueue_dma source(%dma_start3A_14 : memref<80x128xf32, #tpu.memory_space<hbm>>) target(%arg9 : memref<80x128xf32, #tpu.memory_space<vmem>>) target_semaphore(%arg12 : memref<!tpu.dma_semaphore, #tpu.memory_space<semaphore_mem>>)
    %add3A_15 = arith.constant 80 : i32
    %add3A_16 = arith.addi %mul3A_11, %add3A_15 : i32
    %dma_start3A_17 = arith.constant 0 : i32
    %dma_start3A_18 = tpu.memref_slice %arg2[%add3A_16, %dma_start3A_17] : memref<192000x128xf32, #tpu.memory_space<hbm>> -> memref<80x128xf32, #tpu.memory_space<hbm>>
    %dma_start3A_19 = arith.constant 0 : i32
    %dma_start3A_20 = tpu.memref_slice %arg2[%add3A_16, %dma_start3A_19] : memref<192000x128xf32, #tpu.memory_space<hbm>> -> memref<80x128xf32, #tpu.memory_space<hbm>>
    tpu.enqueue_dma source(%dma_start3A_20 : memref<80x128xf32, #tpu.memory_space<hbm>>) target(%arg10 : memref<80x128xf32, #tpu.memory_space<vmem>>) target_semaphore(%arg13 : memref<!tpu.dma_semaphore, #tpu.memory_space<semaphore_mem>>)
    %scan3A = arith.constant 0 : i32
    %scan3A_21 = arith.constant 0 : i32
    %scan3A_22 = arith.constant 37 : i32
    %scan3A_23 = arith.addi %scan3A_21, %scan3A_22 : i32
    %scan3A_24 = arith.constant 1 : i32
    scf.for %scan3A_62 = %scan3A_21 to %scan3A_23 step %scan3A_24  : i32 {
      %mul3A_63 = arith.constant 2 : i32
      %mul3A_64 = arith.muli %mul3A_63, %scan3A_62 : i32
      %mul3A_65 = arith.constant 2 : i32
      %mul3A_66 = arith.muli %mul3A_65, %scan3A_62 : i32
      %add3A_67 = arith.constant 1 : i32
      %add3A_68 = arith.addi %mul3A_66, %add3A_67 : i32
      %dma_wait3A_69 = arith.constant 0 : i32
      %dma_wait3A_70 = arith.constant 0 : i32
      %dma_wait3A_71 = tpu.memref_slice %arg2[%dma_wait3A_69, %dma_wait3A_70] : memref<192000x128xf32, #tpu.memory_space<hbm>> -> memref<80x128xf32, #tpu.memory_space<hbm>>
      %dma_wait3A_72 = arith.constant 0 : i32
      %dma_wait3A_73 = arith.constant 0 : i32
      %dma_wait3A_74 = tpu.memref_slice %arg2[%dma_wait3A_72, %dma_wait3A_73] : memref<192000x128xf32, #tpu.memory_space<hbm>> -> memref<80x128xf32, #tpu.memory_space<hbm>>
      tpu.wait_dma2 semaphore(%arg12 : memref<!tpu.dma_semaphore, #tpu.memory_space<semaphore_mem>>) src(%dma_wait3A_74 : memref<80x128xf32, #tpu.memory_space<hbm>>) dst(%arg9 : memref<80x128xf32, #tpu.memory_space<vmem>>)
      "tpu.region"() ({
        %run_scoped3A_95 = tpu.sem_alloc : memref<!tpu.dma_semaphore, #tpu.memory_space<semaphore_mem>>
        %dma_start3A_96 = arith.constant 0 : i32
        %dma_start3A_97 = tpu.memref_slice %arg8[%mul3A_64, %dma_start3A_96] : memref<75x80xi32, #tpu.memory_space<vmem>> -> memref<1x80xi32, #tpu.memory_space<vmem>>
        %dma_start3A_98 = tpu.memref_squeeze %dma_start3A_97 : memref<1x80xi32, #tpu.memory_space<vmem>> -> memref<80xi32, #tpu.memory_space<vmem>>
        %dma_start3A_99 = arith.constant 0 : i32
        %dma_start3A_100 = arith.constant 0 : i32
        %dma_start3A_101 = tpu.memref_slice %arg11[%dma_start3A_99, %dma_start3A_100] : memref<10000x128xf32, #tpu.memory_space<vmem_shared>> -> memref<10000x128xf32, #tpu.memory_space<vmem_shared>>
        tpu.enqueue_indirect_dma source(%arg9 : memref<80x128xf32, #tpu.memory_space<vmem>>) target(%dma_start3A_101 : memref<10000x128xf32, #tpu.memory_space<vmem_shared>>) offsets(%dma_start3A_98 : memref<80xi32, #tpu.memory_space<vmem>>) semaphore(%run_scoped3A_95 : memref<!tpu.dma_semaphore, #tpu.memory_space<semaphore_mem>>) {add = true}
        %dma_wait3A_102 = arith.constant 0 : i32
        %dma_wait3A_103 = tpu.memref_slice %arg8[%mul3A_64, %dma_wait3A_102] : memref<75x80xi32, #tpu.memory_space<vmem>> -> memref<1x80xi32, #tpu.memory_space<vmem>>
        %dma_wait3A_104 = tpu.memref_squeeze %dma_wait3A_103 : memref<1x80xi32, #tpu.memory_space<vmem>> -> memref<80xi32, #tpu.memory_space<vmem>>
        %dma_wait3A_105 = arith.constant 0 : i32
        %dma_wait3A_106 = arith.constant 0 : i32
        %dma_wait3A_107 = tpu.memref_slice %arg11[%dma_wait3A_105, %dma_wait3A_106] : memref<10000x128xf32, #tpu.memory_space<vmem_shared>> -> memref<10000x128xf32, #tpu.memory_space<vmem_shared>>
        tpu.wait_indirect_dma semaphore(%run_scoped3A_95 : memref<!tpu.dma_semaphore, #tpu.memory_space<semaphore_mem>>) src(%arg9 : memref<80x128xf32, #tpu.memory_space<vmem>>) dst(%dma_wait3A_107 : memref<10000x128xf32, #tpu.memory_space<vmem_shared>>)
        tpu.yield
      }) : () -> ()
      %add3A_75 = arith.constant 2 : i32
      %add3A_76 = arith.addi %mul3A_64, %add3A_75 : i32
      %lt3A_77 = arith.constant 75 : i32
      %lt3A_78 = arith.cmpi slt, %add3A_76, %lt3A_77 : i32
      %convert_element_type3A_79 = arith.extui %lt3A_78 : i1 to i32
      %cond3A_80 = arith.constant 0 : i32
      %cond3A_81 = arith.cmpi ne, %convert_element_type3A_79, %cond3A_80 : i32
      scf.if %cond3A_81 {
        %add3A_95 = arith.constant 2 : i32
        %add3A_96 = arith.addi %mul3A_64, %add3A_95 : i32
        %mul3A_97 = arith.constant 80 : i32
        %mul3A_98 = arith.muli %add3A_96, %mul3A_97 : i32
        %add3A_99 = arith.addi %mul3A_11, %mul3A_98 : i32
        %dma_start3A_100 = arith.constant 0 : i32
        %dma_start3A_101 = tpu.memref_slice %arg2[%add3A_99, %dma_start3A_100] : memref<192000x128xf32, #tpu.memory_space<hbm>> -> memref<80x128xf32, #tpu.memory_space<hbm>>
        %dma_start3A_102 = arith.constant 0 : i32
        %dma_start3A_103 = tpu.memref_slice %arg2[%add3A_99, %dma_start3A_102] : memref<192000x128xf32, #tpu.memory_space<hbm>> -> memref<80x128xf32, #tpu.memory_space<hbm>>
        tpu.enqueue_dma source(%dma_start3A_103 : memref<80x128xf32, #tpu.memory_space<hbm>>) target(%arg9 : memref<80x128xf32, #tpu.memory_space<vmem>>) target_semaphore(%arg12 : memref<!tpu.dma_semaphore, #tpu.memory_space<semaphore_mem>>)
      } else {
      }
      %dma_wait3A_82 = arith.constant 0 : i32
      %dma_wait3A_83 = arith.constant 0 : i32
      %dma_wait3A_84 = tpu.memref_slice %arg2[%dma_wait3A_82, %dma_wait3A_83] : memref<192000x128xf32, #tpu.memory_space<hbm>> -> memref<80x128xf32, #tpu.memory_space<hbm>>
      %dma_wait3A_85 = arith.constant 0 : i32
      %dma_wait3A_86 = arith.constant 0 : i32
      %dma_wait3A_87 = tpu.memref_slice %arg2[%dma_wait3A_85, %dma_wait3A_86] : memref<192000x128xf32, #tpu.memory_space<hbm>> -> memref<80x128xf32, #tpu.memory_space<hbm>>
      tpu.wait_dma2 semaphore(%arg13 : memref<!tpu.dma_semaphore, #tpu.memory_space<semaphore_mem>>) src(%dma_wait3A_87 : memref<80x128xf32, #tpu.memory_space<hbm>>) dst(%arg10 : memref<80x128xf32, #tpu.memory_space<vmem>>)
      "tpu.region"() ({
        %run_scoped3A_95 = tpu.sem_alloc : memref<!tpu.dma_semaphore, #tpu.memory_space<semaphore_mem>>
        %dma_start3A_96 = arith.constant 0 : i32
        %dma_start3A_97 = tpu.memref_slice %arg8[%add3A_68, %dma_start3A_96] : memref<75x80xi32, #tpu.memory_space<vmem>> -> memref<1x80xi32, #tpu.memory_space<vmem>>
        %dma_start3A_98 = tpu.memref_squeeze %dma_start3A_97 : memref<1x80xi32, #tpu.memory_space<vmem>> -> memref<80xi32, #tpu.memory_space<vmem>>
        %dma_start3A_99 = arith.constant 0 : i32
        %dma_start3A_100 = arith.constant 0 : i32
        %dma_start3A_101 = tpu.memref_slice %arg11[%dma_start3A_99, %dma_start3A_100] : memref<10000x128xf32, #tpu.memory_space<vmem_shared>> -> memref<10000x128xf32, #tpu.memory_space<vmem_shared>>
        tpu.enqueue_indirect_dma source(%arg10 : memref<80x128xf32, #tpu.memory_space<vmem>>) target(%dma_start3A_101 : memref<10000x128xf32, #tpu.memory_space<vmem_shared>>) offsets(%dma_start3A_98 : memref<80xi32, #tpu.memory_space<vmem>>) semaphore(%run_scoped3A_95 : memref<!tpu.dma_semaphore, #tpu.memory_space<semaphore_mem>>) {add = true}
        %dma_wait3A_102 = arith.constant 0 : i32
        %dma_wait3A_103 = tpu.memref_slice %arg8[%add3A_68, %dma_wait3A_102] : memref<75x80xi32, #tpu.memory_space<vmem>> -> memref<1x80xi32, #tpu.memory_space<vmem>>
        %dma_wait3A_104 = tpu.memref_squeeze %dma_wait3A_103 : memref<1x80xi32, #tpu.memory_space<vmem>> -> memref<80xi32, #tpu.memory_space<vmem>>
        %dma_wait3A_105 = arith.constant 0 : i32
        %dma_wait3A_106 = arith.constant 0 : i32
        %dma_wait3A_107 = tpu.memref_slice %arg11[%dma_wait3A_105, %dma_wait3A_106] : memref<10000x128xf32, #tpu.memory_space<vmem_shared>> -> memref<10000x128xf32, #tpu.memory_space<vmem_shared>>
        tpu.wait_indirect_dma semaphore(%run_scoped3A_95 : memref<!tpu.dma_semaphore, #tpu.memory_space<semaphore_mem>>) src(%arg10 : memref<80x128xf32, #tpu.memory_space<vmem>>) dst(%dma_wait3A_107 : memref<10000x128xf32, #tpu.memory_space<vmem_shared>>)
        tpu.yield
      }) : () -> ()
      %add3A_88 = arith.constant 2 : i32
      %add3A_89 = arith.addi %add3A_68, %add3A_88 : i32
      %lt3A_90 = arith.constant 75 : i32
      %lt3A_91 = arith.cmpi slt, %add3A_89, %lt3A_90 : i32
      %convert_element_type3A_92 = arith.extui %lt3A_91 : i1 to i32
      %cond3A_93 = arith.constant 0 : i32
      %cond3A_94 = arith.cmpi ne, %convert_element_type3A_92, %cond3A_93 : i32
      scf.if %cond3A_94 {
        %add3A_95 = arith.constant 2 : i32
        %add3A_96 = arith.addi %add3A_68, %add3A_95 : i32
        %mul3A_97 = arith.constant 80 : i32
        %mul3A_98 = arith.muli %add3A_96, %mul3A_97 : i32
        %add3A_99 = arith.addi %mul3A_11, %mul3A_98 : i32
        %dma_start3A_100 = arith.constant 0 : i32
        %dma_start3A_101 = tpu.memref_slice %arg2[%add3A_99, %dma_start3A_100] : memref<192000x128xf32, #tpu.memory_space<hbm>> -> memref<80x128xf32, #tpu.memory_space<hbm>>
        %dma_start3A_102 = arith.constant 0 : i32
        %dma_start3A_103 = tpu.memref_slice %arg2[%add3A_99, %dma_start3A_102] : memref<192000x128xf32, #tpu.memory_space<hbm>> -> memref<80x128xf32, #tpu.memory_space<hbm>>
        tpu.enqueue_dma source(%dma_start3A_103 : memref<80x128xf32, #tpu.memory_space<hbm>>) target(%arg10 : memref<80x128xf32, #tpu.memory_space<vmem>>) target_semaphore(%arg13 : memref<!tpu.dma_semaphore, #tpu.memory_space<semaphore_mem>>)
      } else {
      }
    }
    %scan3A_25 = arith.constant 37 : i32
    %dma_wait3A = arith.constant 0 : i32
    %dma_wait3A_26 = arith.constant 0 : i32
    %dma_wait3A_27 = tpu.memref_slice %arg2[%dma_wait3A, %dma_wait3A_26] : memref<192000x128xf32, #tpu.memory_space<hbm>> -> memref<80x128xf32, #tpu.memory_space<hbm>>
    %dma_wait3A_28 = arith.constant 0 : i32
    %dma_wait3A_29 = arith.constant 0 : i32
    %dma_wait3A_30 = tpu.memref_slice %arg2[%dma_wait3A_28, %dma_wait3A_29] : memref<192000x128xf32, #tpu.memory_space<hbm>> -> memref<80x128xf32, #tpu.memory_space<hbm>>
    tpu.wait_dma2 semaphore(%arg12 : memref<!tpu.dma_semaphore, #tpu.memory_space<semaphore_mem>>) src(%dma_wait3A_30 : memref<80x128xf32, #tpu.memory_space<hbm>>) dst(%arg9 : memref<80x128xf32, #tpu.memory_space<vmem>>)
    %run_scoped3A = arith.constant 74 : i32
    "tpu.region"() ({
      %run_scoped3A_62 = tpu.sem_alloc : memref<!tpu.dma_semaphore, #tpu.memory_space<semaphore_mem>>
      %dma_start3A_63 = arith.constant 0 : i32
      %dma_start3A_64 = tpu.memref_slice %arg8[%run_scoped3A, %dma_start3A_63] : memref<75x80xi32, #tpu.memory_space<vmem>> -> memref<1x80xi32, #tpu.memory_space<vmem>>
      %dma_start3A_65 = tpu.memref_squeeze %dma_start3A_64 : memref<1x80xi32, #tpu.memory_space<vmem>> -> memref<80xi32, #tpu.memory_space<vmem>>
      %dma_start3A_66 = arith.constant 0 : i32
      %dma_start3A_67 = arith.constant 0 : i32
      %dma_start3A_68 = tpu.memref_slice %arg11[%dma_start3A_66, %dma_start3A_67] : memref<10000x128xf32, #tpu.memory_space<vmem_shared>> -> memref<10000x128xf32, #tpu.memory_space<vmem_shared>>
      tpu.enqueue_indirect_dma source(%arg9 : memref<80x128xf32, #tpu.memory_space<vmem>>) target(%dma_start3A_68 : memref<10000x128xf32, #tpu.memory_space<vmem_shared>>) offsets(%dma_start3A_65 : memref<80xi32, #tpu.memory_space<vmem>>) semaphore(%run_scoped3A_62 : memref<!tpu.dma_semaphore, #tpu.memory_space<semaphore_mem>>) {add = true}
      %dma_wait3A_69 = arith.constant 0 : i32
      %dma_wait3A_70 = tpu.memref_slice %arg8[%run_scoped3A, %dma_wait3A_69] : memref<75x80xi32, #tpu.memory_space<vmem>> -> memref<1x80xi32, #tpu.memory_space<vmem>>
      %dma_wait3A_71 = tpu.memref_squeeze %dma_wait3A_70 : memref<1x80xi32, #tpu.memory_space<vmem>> -> memref<80xi32, #tpu.memory_space<vmem>>
      %dma_wait3A_72 = arith.constant 0 : i32
      %dma_wait3A_73 = arith.constant 0 : i32
      %dma_wait3A_74 = tpu.memref_slice %arg11[%dma_wait3A_72, %dma_wait3A_73] : memref<10000x128xf32, #tpu.memory_space<vmem_shared>> -> memref<10000x128xf32, #tpu.memory_space<vmem_shared>>
      tpu.wait_indirect_dma semaphore(%run_scoped3A_62 : memref<!tpu.dma_semaphore, #tpu.memory_space<semaphore_mem>>) src(%arg9 : memref<80x128xf32, #tpu.memory_space<vmem>>) dst(%dma_wait3A_74 : memref<10000x128xf32, #tpu.memory_space<vmem_shared>>)
      tpu.yield
    }) : () -> ()
    %barrier3A_31 = arith.constant 0 : index
    tpu.barrier barrier_id(%barrier3A_31)
    %eq3A_32 = arith.constant 0 : i32
    %eq3A_33 = arith.cmpi eq, %arg0, %eq3A_32 : i32
    %lt3A = arith.constant 15 : i32
    %lt3A_34 = arith.cmpi slt, %arg1, %lt3A : i32
    %and3A = arith.andi %eq3A_33, %lt3A_34 : i1
    %convert_element_type3A_35 = arith.extui %and3A : i1 to i32
    %cond3A_36 = arith.constant 0 : i32
    %cond3A_37 = arith.cmpi ne, %convert_element_type3A_35, %cond3A_36 : i32
    scf.if %cond3A_37 {
      "tpu.region"() ({
        %run_scoped3A_62 = tpu.sem_alloc : memref<!tpu.dma_semaphore, #tpu.memory_space<semaphore_mem>>
        %dma_start3A_63 = arith.constant 0 : i32
        %dma_start3A_64 = tpu.memref_slice %arg6[%mul3A_2, %dma_start3A_63] : memref<10000x128xf32, #tpu.memory_space<hbm>> -> memref<632x128xf32, #tpu.memory_space<hbm>>
        %dma_start3A_65 = arith.constant 0 : i32
        %dma_start3A_66 = tpu.memref_slice %arg11[%mul3A_2, %dma_start3A_65] : memref<10000x128xf32, #tpu.memory_space<vmem_shared>> -> memref<632x128xf32, #tpu.memory_space<vmem_shared>>
        tpu.enqueue_dma source(%dma_start3A_66 : memref<632x128xf32, #tpu.memory_space<vmem_shared>>) target(%dma_start3A_64 : memref<632x128xf32, #tpu.memory_space<hbm>>) target_semaphore(%run_scoped3A_62 : memref<!tpu.dma_semaphore, #tpu.memory_space<semaphore_mem>>)
        %dma_wait3A_67 = arith.constant 0 : i32
        %dma_wait3A_68 = tpu.memref_slice %arg6[%mul3A_2, %dma_wait3A_67] : memref<10000x128xf32, #tpu.memory_space<hbm>> -> memref<632x128xf32, #tpu.memory_space<hbm>>
        %dma_wait3A_69 = arith.constant 0 : i32
        %dma_wait3A_70 = tpu.memref_slice %arg11[%mul3A_2, %dma_wait3A_69] : memref<10000x128xf32, #tpu.memory_space<vmem_shared>> -> memref<632x128xf32, #tpu.memory_space<vmem_shared>>
        tpu.wait_dma2 semaphore(%run_scoped3A_62 : memref<!tpu.dma_semaphore, #tpu.memory_space<semaphore_mem>>) src(%dma_wait3A_70 : memref<632x128xf32, #tpu.memory_space<vmem_shared>>) dst(%dma_wait3A_68 : memref<632x128xf32, #tpu.memory_space<hbm>>)
        tpu.yield
      }) : () -> ()
    } else {
    }
    %eq3A_38 = arith.constant 0 : i32
    %eq3A_39 = arith.cmpi eq, %arg0, %eq3A_38 : i32
    %eq3A_40 = arith.constant 15 : i32
    %eq3A_41 = arith.cmpi eq, %arg1, %eq3A_40 : i32
    %and3A_42 = arith.andi %eq3A_39, %eq3A_41 : i1
    %convert_element_type3A_43 = arith.extui %and3A_42 : i1 to i32
    %cond3A_44 = arith.constant 0 : i32
    %cond3A_45 = arith.cmpi ne, %convert_element_type3A_43, %cond3A_44 : i32
    scf.if %cond3A_45 {
      "tpu.region"() ({
        %run_scoped3A_62 = tpu.sem_alloc : memref<!tpu.dma_semaphore, #tpu.memory_space<semaphore_mem>>
        %dma_start3A_63 = arith.constant 9480 : i32
        %dma_start3A_64 = arith.constant 0 : i32
        %dma_start3A_65 = tpu.memref_slice %arg6[%dma_start3A_63, %dma_start3A_64] : memref<10000x128xf32, #tpu.memory_space<hbm>> -> memref<520x128xf32, #tpu.memory_space<hbm>>
        %dma_start3A_66 = arith.constant 9480 : i32
        %dma_start3A_67 = arith.constant 0 : i32
        %dma_start3A_68 = tpu.memref_slice %arg11[%dma_start3A_66, %dma_start3A_67] : memref<10000x128xf32, #tpu.memory_space<vmem_shared>> -> memref<520x128xf32, #tpu.memory_space<vmem_shared>>
        tpu.enqueue_dma source(%dma_start3A_68 : memref<520x128xf32, #tpu.memory_space<vmem_shared>>) target(%dma_start3A_65 : memref<520x128xf32, #tpu.memory_space<hbm>>) target_semaphore(%run_scoped3A_62 : memref<!tpu.dma_semaphore, #tpu.memory_space<semaphore_mem>>)
        %dma_wait3A_69 = arith.constant 9480 : i32
        %dma_wait3A_70 = arith.constant 0 : i32
        %dma_wait3A_71 = tpu.memref_slice %arg6[%dma_wait3A_69, %dma_wait3A_70] : memref<10000x128xf32, #tpu.memory_space<hbm>> -> memref<520x128xf32, #tpu.memory_space<hbm>>
        %dma_wait3A_72 = arith.constant 9480 : i32
        %dma_wait3A_73 = arith.constant 0 : i32
        %dma_wait3A_74 = tpu.memref_slice %arg11[%dma_wait3A_72, %dma_wait3A_73] : memref<10000x128xf32, #tpu.memory_space<vmem_shared>> -> memref<520x128xf32, #tpu.memory_space<vmem_shared>>
        tpu.wait_dma2 semaphore(%run_scoped3A_62 : memref<!tpu.dma_semaphore, #tpu.memory_space<semaphore_mem>>) src(%dma_wait3A_74 : memref<520x128xf32, #tpu.memory_space<vmem_shared>>) dst(%dma_wait3A_71 : memref<520x128xf32, #tpu.memory_space<hbm>>)
        tpu.yield
      }) : () -> ()
    } else {
    }
    %eq3A_46 = arith.constant 1 : i32
    %eq3A_47 = arith.cmpi eq, %arg0, %eq3A_46 : i32
    %lt3A_48 = arith.constant 15 : i32
    %lt3A_49 = arith.cmpi slt, %arg1, %lt3A_48 : i32
    %and3A_50 = arith.andi %eq3A_47, %lt3A_49 : i1
    %convert_element_type3A_51 = arith.extui %and3A_50 : i1 to i32
    %cond3A_52 = arith.constant 0 : i32
    %cond3A_53 = arith.cmpi ne, %convert_element_type3A_51, %cond3A_52 : i32
    scf.if %cond3A_53 {
      "tpu.region"() ({
        %run_scoped3A_62 = tpu.sem_alloc : memref<!tpu.dma_semaphore, #tpu.memory_space<semaphore_mem>>
        %dma_start3A_63 = arith.constant 0 : i32
        %dma_start3A_64 = tpu.memref_slice %arg7[%mul3A_2, %dma_start3A_63] : memref<10000x128xf32, #tpu.memory_space<hbm>> -> memref<632x128xf32, #tpu.memory_space<hbm>>
        %dma_start3A_65 = arith.constant 0 : i32
        %dma_start3A_66 = tpu.memref_slice %arg11[%mul3A_2, %dma_start3A_65] : memref<10000x128xf32, #tpu.memory_space<vmem_shared>> -> memref<632x128xf32, #tpu.memory_space<vmem_shared>>
        tpu.enqueue_dma source(%dma_start3A_66 : memref<632x128xf32, #tpu.memory_space<vmem_shared>>) target(%dma_start3A_64 : memref<632x128xf32, #tpu.memory_space<hbm>>) target_semaphore(%run_scoped3A_62 : memref<!tpu.dma_semaphore, #tpu.memory_space<semaphore_mem>>)
        %dma_wait3A_67 = arith.constant 0 : i32
        %dma_wait3A_68 = tpu.memref_slice %arg7[%mul3A_2, %dma_wait3A_67] : memref<10000x128xf32, #tpu.memory_space<hbm>> -> memref<632x128xf32, #tpu.memory_space<hbm>>
        %dma_wait3A_69 = arith.constant 0 : i32
        %dma_wait3A_70 = tpu.memref_slice %arg11[%mul3A_2, %dma_wait3A_69] : memref<10000x128xf32, #tpu.memory_space<vmem_shared>> -> memref<632x128xf32, #tpu.memory_space<vmem_shared>>
        tpu.wait_dma2 semaphore(%run_scoped3A_62 : memref<!tpu.dma_semaphore, #tpu.memory_space<semaphore_mem>>) src(%dma_wait3A_70 : memref<632x128xf32, #tpu.memory_space<vmem_shared>>) dst(%dma_wait3A_68 : memref<632x128xf32, #tpu.memory_space<hbm>>)
        tpu.yield
      }) : () -> ()
    } else {
    }
    %eq3A_54 = arith.constant 1 : i32
    %eq3A_55 = arith.cmpi eq, %arg0, %eq3A_54 : i32
    %eq3A_56 = arith.constant 15 : i32
    %eq3A_57 = arith.cmpi eq, %arg1, %eq3A_56 : i32
    %and3A_58 = arith.andi %eq3A_55, %eq3A_57 : i1
    %convert_element_type3A_59 = arith.extui %and3A_58 : i1 to i32
    %cond3A_60 = arith.constant 0 : i32
    %cond3A_61 = arith.cmpi ne, %convert_element_type3A_59, %cond3A_60 : i32
    scf.if %cond3A_61 {
      "tpu.region"() ({
        %run_scoped3A_62 = tpu.sem_alloc : memref<!tpu.dma_semaphore, #tpu.memory_space<semaphore_mem>>
        %dma_start3A_63 = arith.constant 9480 : i32
        %dma_start3A_64 = arith.constant 0 : i32
        %dma_start3A_65 = tpu.memref_slice %arg7[%dma_start3A_63, %dma_start3A_64] : memref<10000x128xf32, #tpu.memory_space<hbm>> -> memref<520x128xf32, #tpu.memory_space<hbm>>
        %dma_start3A_66 = arith.constant 9480 : i32
        %dma_start3A_67 = arith.constant 0 : i32
        %dma_start3A_68 = tpu.memref_slice %arg11[%dma_start3A_66, %dma_start3A_67] : memref<10000x128xf32, #tpu.memory_space<vmem_shared>> -> memref<520x128xf32, #tpu.memory_space<vmem_shared>>
        tpu.enqueue_dma source(%dma_start3A_68 : memref<520x128xf32, #tpu.memory_space<vmem_shared>>) target(%dma_start3A_65 : memref<520x128xf32, #tpu.memory_space<hbm>>) target_semaphore(%run_scoped3A_62 : memref<!tpu.dma_semaphore, #tpu.memory_space<semaphore_mem>>)
        %dma_wait3A_69 = arith.constant 9480 : i32
        %dma_wait3A_70 = arith.constant 0 : i32
        %dma_wait3A_71 = tpu.memref_slice %arg7[%dma_wait3A_69, %dma_wait3A_70] : memref<10000x128xf32, #tpu.memory_space<hbm>> -> memref<520x128xf32, #tpu.memory_space<hbm>>
        %dma_wait3A_72 = arith.constant 9480 : i32
        %dma_wait3A_73 = arith.constant 0 : i32
        %dma_wait3A_74 = tpu.memref_slice %arg11[%dma_wait3A_72, %dma_wait3A_73] : memref<10000x128xf32, #tpu.memory_space<vmem_shared>> -> memref<520x128xf32, #tpu.memory_space<vmem_shared>>
        tpu.wait_dma2 semaphore(%run_scoped3A_62 : memref<!tpu.dma_semaphore, #tpu.memory_space<semaphore_mem>>) src(%dma_wait3A_74 : memref<520x128xf32, #tpu.memory_space<vmem_shared>>) dst(%dma_wait3A_71 : memref<520x128xf32, #tpu.memory_space<hbm>>)
        tpu.yield
      }) : () -> ()
    } else {
    }
    return
  }
}

module attributes {stable_mosaic.version = 14 : i64} {
  func.func @_pq_body(%arg0: i32, %arg1: memref<2000x128xf32, #tpu.memory_space<vmem>>, %arg2: memref<128x128xf32, #tpu.memory_space<vmem>>, %arg3: memref<128x128xf32, #tpu.memory_space<vmem>>, %arg4: memref<128x128xf32, #tpu.memory_space<vmem>>, %arg5: memref<128x128xf32, #tpu.memory_space<vmem>>, %arg6: memref<2000x128xi32, #tpu.memory_space<vmem>>, %arg7: memref<2000x128xi32, #tpu.memory_space<vmem>>) attributes {dimension_semantics = [#tpu.dimension_semantics<arbitrary>], iteration_bounds = array<i64: 5>, scalar_prefetch = 0 : i64, scratch_operands = 0 : i64, tpu.core_type = #tpu.core_type<tc>, window_params = [{transform_indices = @transform_0, window_bounds = array<i64: 2000, 128>}, {pipeline_mode = #tpu.pipeline_mode<synchronous>, transform_indices = @transform_1, window_bounds = array<i64: 128, 128>}, {pipeline_mode = #tpu.pipeline_mode<synchronous>, transform_indices = @transform_2, window_bounds = array<i64: 128, 128>}, {pipeline_mode = #tpu.pipeline_mode<synchronous>, transform_indices = @transform_3, window_bounds = array<i64: 128, 128>}, {pipeline_mode = #tpu.pipeline_mode<synchronous>, transform_indices = @transform_4, window_bounds = array<i64: 128, 128>}, {transform_indices = @transform_5, window_bounds = array<i64: 2000, 128>}, {transform_indices = @transform_6, window_bounds = array<i64: 2000, 128>}]} {
    %get3A = arith.constant 0 : index
    %get3A_0 = arith.constant 0 : index
    %get3A_1 = vector.load %arg1[%get3A, %get3A_0] : memref<2000x128xf32, #tpu.memory_space<vmem>>, vector<2000x128xf32>
    %get3A_2 = arith.constant 0 : index
    %get3A_3 = arith.constant 0 : index
    %get3A_4 = vector.load %arg2[%get3A_2, %get3A_3] : memref<128x128xf32, #tpu.memory_space<vmem>>, vector<128x128xf32>
    %dot_general3A = arith.constant dense<0.000000e+00> : vector<2000x128xf32>
    %dot_general3A_5 = tpu.matmul %get3A_1, %get3A_4, %dot_general3A {dimension_numbers = #tpu.dot_dimension_numbers<[1], [0], [0], [1], [0, 0, 1, 1], [], []>, transpose_lhs_hint = false} : vector<2000x128xf32>, vector<128x128xf32>, vector<2000x128xf32> -> vector<2000x128xf32>
    %get3A_6 = arith.constant 0 : index
    %get3A_7 = arith.constant 0 : index
    %get3A_8 = vector.load %arg3[%get3A_6, %get3A_7] : memref<128x128xf32, #tpu.memory_space<vmem>>, vector<128x128xf32>
    %dot_general3A_9 = arith.constant dense<0.000000e+00> : vector<2000x128xf32>
    %dot_general3A_10 = tpu.matmul %get3A_1, %get3A_8, %dot_general3A_9 {dimension_numbers = #tpu.dot_dimension_numbers<[1], [0], [0], [1], [0, 0, 1, 1], [], []>, transpose_lhs_hint = false} : vector<2000x128xf32>, vector<128x128xf32>, vector<2000x128xf32> -> vector<2000x128xf32>
    %bitcast_convert_type3A = tpu.bitcast %dot_general3A_5 : vector<2000x128xf32> -> vector<2000x128xi32>
    %add3A = arith.constant 32768 : i32
    %add3A_11 = vector.broadcast %add3A : i32 to vector<2000x128xi32>
    %add3A_12 = arith.addi %bitcast_convert_type3A, %add3A_11 : vector<2000x128xi32>
    %shift_right_arithmetic3A = arith.constant 16 : i32
    %shift_right_arithmetic3A_13 = vector.broadcast %shift_right_arithmetic3A : i32 to vector<2000x128xi32>
    %shift_right_arithmetic3A_14 = arith.shrsi %add3A_12, %shift_right_arithmetic3A_13 : vector<2000x128xi32>
    %and3A = arith.constant 65535 : i32
    %and3A_15 = vector.broadcast %and3A : i32 to vector<2000x128xi32>
    %and3A_16 = arith.andi %shift_right_arithmetic3A_14, %and3A_15 : vector<2000x128xi32>
    %bitcast_convert_type3A_17 = tpu.bitcast %dot_general3A_10 : vector<2000x128xf32> -> vector<2000x128xi32>
    %add3A_18 = arith.constant 32768 : i32
    %add3A_19 = vector.broadcast %add3A_18 : i32 to vector<2000x128xi32>
    %add3A_20 = arith.addi %bitcast_convert_type3A_17, %add3A_19 : vector<2000x128xi32>
    %and3A_21 = arith.constant -65536 : i32
    %and3A_22 = vector.broadcast %and3A_21 : i32 to vector<2000x128xi32>
    %and3A_23 = arith.andi %add3A_20, %and3A_22 : vector<2000x128xi32>
    %or3A = arith.ori %and3A_16, %and3A_23 : vector<2000x128xi32>
    %swap3A = arith.constant 0 : index
    %swap3A_24 = arith.constant 0 : index
    %swap3A_25 = vector.load %arg6[%swap3A, %swap3A_24] : memref<2000x128xi32, #tpu.memory_space<vmem>>, vector<2000x128xi32>
    tpu.vector_store %arg6[%swap3A, %swap3A_24], %or3A {strides = array<i32>} : memref<2000x128xi32, #tpu.memory_space<vmem>>, vector<2000x128xi32>,
    %get3A_26 = arith.constant 0 : index
    %get3A_27 = arith.constant 0 : index
    %get3A_28 = vector.load %arg4[%get3A_26, %get3A_27] : memref<128x128xf32, #tpu.memory_space<vmem>>, vector<128x128xf32>
    %dot_general3A_29 = arith.constant dense<0.000000e+00> : vector<2000x128xf32>
    %dot_general3A_30 = tpu.matmul %get3A_1, %get3A_28, %dot_general3A_29 {dimension_numbers = #tpu.dot_dimension_numbers<[1], [0], [0], [1], [0, 0, 1, 1], [], []>, transpose_lhs_hint = false} : vector<2000x128xf32>, vector<128x128xf32>, vector<2000x128xf32> -> vector<2000x128xf32>
    %get3A_31 = arith.constant 0 : index
    %get3A_32 = arith.constant 0 : index
    %get3A_33 = vector.load %arg5[%get3A_31, %get3A_32] : memref<128x128xf32, #tpu.memory_space<vmem>>, vector<128x128xf32>
    %dot_general3A_34 = arith.constant dense<0.000000e+00> : vector<2000x128xf32>
    %dot_general3A_35 = tpu.matmul %get3A_1, %get3A_33, %dot_general3A_34 {dimension_numbers = #tpu.dot_dimension_numbers<[1], [0], [0], [1], [0, 0, 1, 1], [], []>, transpose_lhs_hint = false} : vector<2000x128xf32>, vector<128x128xf32>, vector<2000x128xf32> -> vector<2000x128xf32>
    %bitcast_convert_type3A_36 = tpu.bitcast %dot_general3A_30 : vector<2000x128xf32> -> vector<2000x128xi32>
    %add3A_37 = arith.constant 32768 : i32
    %add3A_38 = vector.broadcast %add3A_37 : i32 to vector<2000x128xi32>
    %add3A_39 = arith.addi %bitcast_convert_type3A_36, %add3A_38 : vector<2000x128xi32>
    %shift_right_arithmetic3A_40 = arith.constant 16 : i32
    %shift_right_arithmetic3A_41 = vector.broadcast %shift_right_arithmetic3A_40 : i32 to vector<2000x128xi32>
    %shift_right_arithmetic3A_42 = arith.shrsi %add3A_39, %shift_right_arithmetic3A_41 : vector<2000x128xi32>
    %and3A_43 = arith.constant 65535 : i32
    %and3A_44 = vector.broadcast %and3A_43 : i32 to vector<2000x128xi32>
    %and3A_45 = arith.andi %shift_right_arithmetic3A_42, %and3A_44 : vector<2000x128xi32>
    %bitcast_convert_type3A_46 = tpu.bitcast %dot_general3A_35 : vector<2000x128xf32> -> vector<2000x128xi32>
    %add3A_47 = arith.constant 32768 : i32
    %add3A_48 = vector.broadcast %add3A_47 : i32 to vector<2000x128xi32>
    %add3A_49 = arith.addi %bitcast_convert_type3A_46, %add3A_48 : vector<2000x128xi32>
    %and3A_50 = arith.constant -65536 : i32
    %and3A_51 = vector.broadcast %and3A_50 : i32 to vector<2000x128xi32>
    %and3A_52 = arith.andi %add3A_49, %and3A_51 : vector<2000x128xi32>
    %or3A_53 = arith.ori %and3A_45, %and3A_52 : vector<2000x128xi32>
    %swap3A_54 = arith.constant 0 : index
    %swap3A_55 = arith.constant 0 : index
    %swap3A_56 = vector.load %arg7[%swap3A_54, %swap3A_55] : memref<2000x128xi32, #tpu.memory_space<vmem>>, vector<2000x128xi32>
    tpu.vector_store %arg7[%swap3A_54, %swap3A_55], %or3A_53 {strides = array<i32>} : memref<2000x128xi32, #tpu.memory_space<vmem>>, vector<2000x128xi32>,
    return
  }
  func.func @transform_0(%arg0: i32) -> (i32, i32) {
    %c0_i32 = arith.constant 0 : i32
    %c0_i32_0 = arith.constant 0 : i32
    return %arg0, %c0_i32 : i32, i32
  }
  func.func @transform_1(%arg0: i32) -> (i32, i32) {
    %c0_i32 = arith.constant 0 : i32
    %c0_i32_0 = arith.constant 0 : i32
    %c0_i32_1 = arith.constant 0 : i32
    return %c0_i32, %c0_i32_0 : i32, i32
  }
  func.func @transform_2(%arg0: i32) -> (i32, i32) {
    %c0_i32 = arith.constant 0 : i32
    %c0_i32_0 = arith.constant 0 : i32
    %c0_i32_1 = arith.constant 0 : i32
    return %c0_i32, %c0_i32_0 : i32, i32
  }
  func.func @transform_3(%arg0: i32) -> (i32, i32) {
    %c0_i32 = arith.constant 0 : i32
    %c0_i32_0 = arith.constant 0 : i32
    %c0_i32_1 = arith.constant 0 : i32
    return %c0_i32, %c0_i32_0 : i32, i32
  }
  func.func @transform_4(%arg0: i32) -> (i32, i32) {
    %c0_i32 = arith.constant 0 : i32
    %c0_i32_0 = arith.constant 0 : i32
    %c0_i32_1 = arith.constant 0 : i32
    return %c0_i32, %c0_i32_0 : i32, i32
  }
  func.func @transform_5(%arg0: i32) -> (i32, i32) {
    %c0_i32 = arith.constant 0 : i32
    %c0_i32_0 = arith.constant 0 : i32
    return %arg0, %c0_i32 : i32, i32
  }
  func.func @transform_6(%arg0: i32) -> (i32, i32) {
    %c0_i32 = arith.constant 0 : i32
    %c0_i32_0 = arith.constant 0 : i32
    return %arg0, %c0_i32 : i32, i32
  }
}

module attributes {stable_mosaic.version = 14 : i64} {
  func.func @_stats_body(%arg0: i32, %arg1: memref<6400x128xi32, #tpu.memory_space<vmem>>, %arg2: memref<16x6400xf32, #tpu.memory_space<vmem>>, %arg3: memref<16x128xf32, #tpu.memory_space<vmem>>, %arg4: memref<16x128xf32, #tpu.memory_space<vmem>>, %arg5: memref<1x128xf32, #tpu.memory_space<vmem>>, %arg6: memref<1x128xf32, #tpu.memory_space<vmem>>, %arg7: memref<1x512xf32, #tpu.memory_space<vmem>>) attributes {dimension_semantics = [#tpu.dimension_semantics<arbitrary>], iteration_bounds = array<i64: 30>, scalar_prefetch = 0 : i64, scratch_operands = 0 : i64, tpu.core_type = #tpu.core_type<tc>, window_params = [{transform_indices = @transform_0, window_bounds = array<i64: 6400, 128>}, {transform_indices = @transform_1, window_bounds = array<i64: 16, 6400>}, {pipeline_mode = #tpu.pipeline_mode<synchronous>, transform_indices = @transform_2, window_bounds = array<i64: 16, 128>}, {pipeline_mode = #tpu.pipeline_mode<synchronous>, transform_indices = @transform_3, window_bounds = array<i64: 16, 128>}, {pipeline_mode = #tpu.pipeline_mode<synchronous>, transform_indices = @transform_4, window_bounds = array<i64: 1, 128>}, {pipeline_mode = #tpu.pipeline_mode<synchronous>, transform_indices = @transform_5, window_bounds = array<i64: 1, 128>}, {pipeline_mode = #tpu.pipeline_mode<synchronous>, transform_indices = @transform_6, window_bounds = array<i64: 1, 512>}]} {
    %get3A = arith.constant 0 : index
    %get3A_0 = arith.constant 0 : index
    %get3A_1 = vector.load %arg1[%get3A, %get3A_0] : memref<6400x128xi32, #tpu.memory_space<vmem>>, vector<6400x128xi32>
    %shift_left3A = arith.constant 16 : i32
    %shift_left3A_2 = vector.broadcast %shift_left3A : i32 to vector<6400x128xi32>
    %shift_left3A_3 = arith.shli %get3A_1, %shift_left3A_2 : vector<6400x128xi32>
    %bitcast_convert_type3A = tpu.bitcast %shift_left3A_3 : vector<6400x128xi32> -> vector<6400x128xf32>
    %and3A = arith.constant -65536 : i32
    %and3A_4 = vector.broadcast %and3A : i32 to vector<6400x128xi32>
    %and3A_5 = arith.andi %get3A_1, %and3A_4 : vector<6400x128xi32>
    %bitcast_convert_type3A_6 = tpu.bitcast %and3A_5 : vector<6400x128xi32> -> vector<6400x128xf32>
    %get3A_7 = arith.constant 0 : index
    %get3A_8 = arith.constant 0 : index
    %get3A_9 = vector.load %arg2[%get3A_7, %get3A_8] : memref<16x6400xf32, #tpu.memory_space<vmem>>, vector<16x6400xf32>
    %get3A_10 = arith.constant 0 : index
    %get3A_11 = arith.constant 0 : index
    %get3A_12 = vector.load %arg3[%get3A_10, %get3A_11] : memref<16x128xf32, #tpu.memory_space<vmem>>, vector<16x128xf32>
    %dot_general3A = arith.constant dense<0.000000e+00> : vector<6400x128xf32>
    %dot_general3A_13 = tpu.matmul %get3A_9, %get3A_12, %dot_general3A {dimension_numbers = #tpu.dot_dimension_numbers<[0], [0], [1], [1], [0, 1, 1, 1], [], []>, transpose_lhs_hint = false} : vector<16x6400xf32>, vector<16x128xf32>, vector<6400x128xf32> -> vector<6400x128xf32>
    %add3A = arith.addf %bitcast_convert_type3A, %dot_general3A_13 : vector<6400x128xf32>
    %get3A_14 = arith.constant 0 : index
    %get3A_15 = arith.constant 0 : index
    %get3A_16 = vector.load %arg5[%get3A_14, %get3A_15] : memref<1x128xf32, #tpu.memory_space<vmem>>, vector<1x128xf32>
    %add3A_17 = vector.broadcast %get3A_16 : vector<1x128xf32> to vector<6400x128xf32>
    %add3A_18 = arith.addf %add3A, %add3A_17 : vector<6400x128xf32>
    %get3A_19 = arith.constant 0 : index
    %get3A_20 = arith.constant 0 : index
    %get3A_21 = vector.load %arg4[%get3A_19, %get3A_20] : memref<16x128xf32, #tpu.memory_space<vmem>>, vector<16x128xf32>
    %dot_general3A_22 = arith.constant dense<0.000000e+00> : vector<6400x128xf32>
    %dot_general3A_23 = tpu.matmul %get3A_9, %get3A_21, %dot_general3A_22 {dimension_numbers = #tpu.dot_dimension_numbers<[0], [0], [1], [1], [0, 1, 1, 1], [], []>, transpose_lhs_hint = false} : vector<16x6400xf32>, vector<16x128xf32>, vector<6400x128xf32> -> vector<6400x128xf32>
    %add3A_24 = arith.addf %bitcast_convert_type3A_6, %dot_general3A_23 : vector<6400x128xf32>
    %get3A_25 = arith.constant 0 : index
    %get3A_26 = arith.constant 0 : index
    %get3A_27 = vector.load %arg6[%get3A_25, %get3A_26] : memref<1x128xf32, #tpu.memory_space<vmem>>, vector<1x128xf32>
    %add3A_28 = vector.broadcast %get3A_27 : vector<1x128xf32> to vector<6400x128xf32>
    %add3A_29 = arith.addf %add3A_24, %add3A_28 : vector<6400x128xf32>
    %reduce_sum3A = arith.constant dense<0.000000e+00> : vector<128xf32>
    %reduce_sum3A_30 = vector.multi_reduction <add>, %add3A_18, %reduce_sum3A [0] : vector<6400x128xf32> to vector<128xf32>
    %reduce_sum3A_31 = arith.constant dense<0.000000e+00> : vector<128xf32>
    %reduce_sum3A_32 = vector.multi_reduction <add>, %add3A_29, %reduce_sum3A_31 [0] : vector<6400x128xf32> to vector<128xf32>
    %mul3A = arith.mulf %add3A_18, %add3A_18 : vector<6400x128xf32>
    %reduce_sum3A_33 = arith.constant dense<0.000000e+00> : vector<128xf32>
    %reduce_sum3A_34 = vector.multi_reduction <add>, %mul3A, %reduce_sum3A_33 [0] : vector<6400x128xf32> to vector<128xf32>
    %mul3A_35 = arith.mulf %add3A_29, %add3A_29 : vector<6400x128xf32>
    %reduce_sum3A_36 = arith.constant dense<0.000000e+00> : vector<128xf32>
    %reduce_sum3A_37 = vector.multi_reduction <add>, %mul3A_35, %reduce_sum3A_36 [0] : vector<6400x128xf32> to vector<128xf32>
    %concatenate3A = tpu.concatenate %reduce_sum3A_30, %reduce_sum3A_32, %reduce_sum3A_34, %reduce_sum3A_37 in 0 : vector<128xf32>, vector<128xf32>, vector<128xf32>, vector<128xf32> -> vector<512xf32>
    %broadcast_in_dim3A = vector.shape_cast %concatenate3A : vector<512xf32> to vector<1x512xf32>
    %eq3A = arith.constant 0 : i32
    %eq3A_38 = arith.cmpi eq, %arg0, %eq3A : i32
    %convert_element_type3A = arith.extui %eq3A_38 : i1 to i32
    %cond3A = arith.constant 0 : i32
    %cond3A_39 = arith.cmpi ne, %convert_element_type3A, %cond3A : i32
    scf.if %cond3A_39 {
      %swap3A = arith.constant 0 : index
      %swap3A_44 = arith.constant 0 : index
      %swap3A_45 = vector.load %arg7[%swap3A, %swap3A_44] : memref<1x512xf32, #tpu.memory_space<vmem>>, vector<1x512xf32>
      tpu.vector_store %arg7[%swap3A, %swap3A_44], %broadcast_in_dim3A {strides = array<i32>} : memref<1x512xf32, #tpu.memory_space<vmem>>, vector<1x512xf32>,
    } else {
    }
    %ne3A = arith.constant 0 : i32
    %ne3A_40 = arith.cmpi ne, %arg0, %ne3A : i32
    %convert_element_type3A_41 = arith.extui %ne3A_40 : i1 to i32
    %cond3A_42 = arith.constant 0 : i32
    %cond3A_43 = arith.cmpi ne, %convert_element_type3A_41, %cond3A_42 : i32
    scf.if %cond3A_43 {
      %get3A_44 = arith.constant 0 : index
      %get3A_45 = arith.constant 0 : index
      %get3A_46 = vector.load %arg7[%get3A_44, %get3A_45] : memref<1x512xf32, #tpu.memory_space<vmem>>, vector<1x512xf32>
      %add3A_47 = arith.addf %get3A_46, %broadcast_in_dim3A : vector<1x512xf32>
      %swap3A = arith.constant 0 : index
      %swap3A_48 = arith.constant 0 : index
      %swap3A_49 = vector.load %arg7[%swap3A, %swap3A_48] : memref<1x512xf32, #tpu.memory_space<vmem>>, vector<1x512xf32>
      tpu.vector_store %arg7[%swap3A, %swap3A_48], %add3A_47 {strides = array<i32>} : memref<1x512xf32, #tpu.memory_space<vmem>>, vector<1x512xf32>,
    } else {
    }
    return
  }
  func.func @transform_0(%arg0: i32) -> (i32, i32) {
    %c0_i32 = arith.constant 0 : i32
    %c0_i32_0 = arith.constant 0 : i32
    return %arg0, %c0_i32 : i32, i32
  }
  func.func @transform_1(%arg0: i32) -> (i32, i32) {
    %add3A = arith.constant 0 : i32
    %add3A_0 = arith.addi %arg0, %add3A : i32
    %c0_i32 = arith.constant 0 : i32
    %c0_i32_1 = arith.constant 0 : i32
    return %c0_i32, %add3A_0 : i32, i32
  }
  func.func @transform_2(%arg0: i32) -> (i32, i32) {
    %c0_i32 = arith.constant 0 : i32
    %c0_i32_0 = arith.constant 0 : i32
    %c0_i32_1 = arith.constant 0 : i32
    return %c0_i32, %c0_i32_0 : i32, i32
  }
  func.func @transform_3(%arg0: i32) -> (i32, i32) {
    %c0_i32 = arith.constant 0 : i32
    %c0_i32_0 = arith.constant 0 : i32
    %c0_i32_1 = arith.constant 0 : i32
    return %c0_i32, %c0_i32_0 : i32, i32
  }
  func.func @transform_4(%arg0: i32) -> (i32, i32) {
    %c0_i32 = arith.constant 0 : i32
    %c0_i32_0 = arith.constant 0 : i32
    %c0_i32_1 = arith.constant 0 : i32
    return %c0_i32, %c0_i32_0 : i32, i32
  }
  func.func @transform_5(%arg0: i32) -> (i32, i32) {
    %c0_i32 = arith.constant 0 : i32
    %c0_i32_0 = arith.constant 0 : i32
    %c0_i32_1 = arith.constant 0 : i32
    return %c0_i32, %c0_i32_0 : i32, i32
  }
  func.func @transform_6(%arg0: i32) -> (i32, i32) {
    %c0_i32 = arith.constant 0 : i32
    %c0_i32_0 = arith.constant 0 : i32
    %c0_i32_1 = arith.constant 0 : i32
    return %c0_i32, %c0_i32_0 : i32, i32
  }
}

module attributes {stable_mosaic.version = 14 : i64} {
  func.func @_stats_body(%arg0: i32, %arg1: memref<6400x128xi32, #tpu.memory_space<vmem>>, %arg2: memref<16x6400xf32, #tpu.memory_space<vmem>>, %arg3: memref<16x128xf32, #tpu.memory_space<vmem>>, %arg4: memref<16x128xf32, #tpu.memory_space<vmem>>, %arg5: memref<1x128xf32, #tpu.memory_space<vmem>>, %arg6: memref<1x128xf32, #tpu.memory_space<vmem>>, %arg7: memref<1x512xf32, #tpu.memory_space<vmem>>) attributes {dimension_semantics = [#tpu.dimension_semantics<arbitrary>], iteration_bounds = array<i64: 20>, scalar_prefetch = 0 : i64, scratch_operands = 0 : i64, tpu.core_type = #tpu.core_type<tc>, window_params = [{transform_indices = @transform_0, window_bounds = array<i64: 6400, 128>}, {transform_indices = @transform_1, window_bounds = array<i64: 16, 6400>}, {pipeline_mode = #tpu.pipeline_mode<synchronous>, transform_indices = @transform_2, window_bounds = array<i64: 16, 128>}, {pipeline_mode = #tpu.pipeline_mode<synchronous>, transform_indices = @transform_3, window_bounds = array<i64: 16, 128>}, {pipeline_mode = #tpu.pipeline_mode<synchronous>, transform_indices = @transform_4, window_bounds = array<i64: 1, 128>}, {pipeline_mode = #tpu.pipeline_mode<synchronous>, transform_indices = @transform_5, window_bounds = array<i64: 1, 128>}, {pipeline_mode = #tpu.pipeline_mode<synchronous>, transform_indices = @transform_6, window_bounds = array<i64: 1, 512>}]} {
    %get3A = arith.constant 0 : index
    %get3A_0 = arith.constant 0 : index
    %get3A_1 = vector.load %arg1[%get3A, %get3A_0] : memref<6400x128xi32, #tpu.memory_space<vmem>>, vector<6400x128xi32>
    %shift_left3A = arith.constant 16 : i32
    %shift_left3A_2 = vector.broadcast %shift_left3A : i32 to vector<6400x128xi32>
    %shift_left3A_3 = arith.shli %get3A_1, %shift_left3A_2 : vector<6400x128xi32>
    %bitcast_convert_type3A = tpu.bitcast %shift_left3A_3 : vector<6400x128xi32> -> vector<6400x128xf32>
    %and3A = arith.constant -65536 : i32
    %and3A_4 = vector.broadcast %and3A : i32 to vector<6400x128xi32>
    %and3A_5 = arith.andi %get3A_1, %and3A_4 : vector<6400x128xi32>
    %bitcast_convert_type3A_6 = tpu.bitcast %and3A_5 : vector<6400x128xi32> -> vector<6400x128xf32>
    %get3A_7 = arith.constant 0 : index
    %get3A_8 = arith.constant 0 : index
    %get3A_9 = vector.load %arg2[%get3A_7, %get3A_8] : memref<16x6400xf32, #tpu.memory_space<vmem>>, vector<16x6400xf32>
    %get3A_10 = arith.constant 0 : index
    %get3A_11 = arith.constant 0 : index
    %get3A_12 = vector.load %arg3[%get3A_10, %get3A_11] : memref<16x128xf32, #tpu.memory_space<vmem>>, vector<16x128xf32>
    %dot_general3A = arith.constant dense<0.000000e+00> : vector<6400x128xf32>
    %dot_general3A_13 = tpu.matmul %get3A_9, %get3A_12, %dot_general3A {dimension_numbers = #tpu.dot_dimension_numbers<[0], [0], [1], [1], [0, 1, 1, 1], [], []>, transpose_lhs_hint = false} : vector<16x6400xf32>, vector<16x128xf32>, vector<6400x128xf32> -> vector<6400x128xf32>
    %add3A = arith.addf %bitcast_convert_type3A, %dot_general3A_13 : vector<6400x128xf32>
    %get3A_14 = arith.constant 0 : index
    %get3A_15 = arith.constant 0 : index
    %get3A_16 = vector.load %arg5[%get3A_14, %get3A_15] : memref<1x128xf32, #tpu.memory_space<vmem>>, vector<1x128xf32>
    %add3A_17 = vector.broadcast %get3A_16 : vector<1x128xf32> to vector<6400x128xf32>
    %add3A_18 = arith.addf %add3A, %add3A_17 : vector<6400x128xf32>
    %get3A_19 = arith.constant 0 : index
    %get3A_20 = arith.constant 0 : index
    %get3A_21 = vector.load %arg4[%get3A_19, %get3A_20] : memref<16x128xf32, #tpu.memory_space<vmem>>, vector<16x128xf32>
    %dot_general3A_22 = arith.constant dense<0.000000e+00> : vector<6400x128xf32>
    %dot_general3A_23 = tpu.matmul %get3A_9, %get3A_21, %dot_general3A_22 {dimension_numbers = #tpu.dot_dimension_numbers<[0], [0], [1], [1], [0, 1, 1, 1], [], []>, transpose_lhs_hint = false} : vector<16x6400xf32>, vector<16x128xf32>, vector<6400x128xf32> -> vector<6400x128xf32>
    %add3A_24 = arith.addf %bitcast_convert_type3A_6, %dot_general3A_23 : vector<6400x128xf32>
    %get3A_25 = arith.constant 0 : index
    %get3A_26 = arith.constant 0 : index
    %get3A_27 = vector.load %arg6[%get3A_25, %get3A_26] : memref<1x128xf32, #tpu.memory_space<vmem>>, vector<1x128xf32>
    %add3A_28 = vector.broadcast %get3A_27 : vector<1x128xf32> to vector<6400x128xf32>
    %add3A_29 = arith.addf %add3A_24, %add3A_28 : vector<6400x128xf32>
    %reduce_sum3A = arith.constant dense<0.000000e+00> : vector<128xf32>
    %reduce_sum3A_30 = vector.multi_reduction <add>, %add3A_18, %reduce_sum3A [0] : vector<6400x128xf32> to vector<128xf32>
    %reduce_sum3A_31 = arith.constant dense<0.000000e+00> : vector<128xf32>
    %reduce_sum3A_32 = vector.multi_reduction <add>, %add3A_29, %reduce_sum3A_31 [0] : vector<6400x128xf32> to vector<128xf32>
    %mul3A = arith.mulf %add3A_18, %add3A_18 : vector<6400x128xf32>
    %reduce_sum3A_33 = arith.constant dense<0.000000e+00> : vector<128xf32>
    %reduce_sum3A_34 = vector.multi_reduction <add>, %mul3A, %reduce_sum3A_33 [0] : vector<6400x128xf32> to vector<128xf32>
    %mul3A_35 = arith.mulf %add3A_29, %add3A_29 : vector<6400x128xf32>
    %reduce_sum3A_36 = arith.constant dense<0.000000e+00> : vector<128xf32>
    %reduce_sum3A_37 = vector.multi_reduction <add>, %mul3A_35, %reduce_sum3A_36 [0] : vector<6400x128xf32> to vector<128xf32>
    %concatenate3A = tpu.concatenate %reduce_sum3A_30, %reduce_sum3A_32, %reduce_sum3A_34, %reduce_sum3A_37 in 0 : vector<128xf32>, vector<128xf32>, vector<128xf32>, vector<128xf32> -> vector<512xf32>
    %broadcast_in_dim3A = vector.shape_cast %concatenate3A : vector<512xf32> to vector<1x512xf32>
    %eq3A = arith.constant 0 : i32
    %eq3A_38 = arith.cmpi eq, %arg0, %eq3A : i32
    %convert_element_type3A = arith.extui %eq3A_38 : i1 to i32
    %cond3A = arith.constant 0 : i32
    %cond3A_39 = arith.cmpi ne, %convert_element_type3A, %cond3A : i32
    scf.if %cond3A_39 {
      %swap3A = arith.constant 0 : index
      %swap3A_44 = arith.constant 0 : index
      %swap3A_45 = vector.load %arg7[%swap3A, %swap3A_44] : memref<1x512xf32, #tpu.memory_space<vmem>>, vector<1x512xf32>
      tpu.vector_store %arg7[%swap3A, %swap3A_44], %broadcast_in_dim3A {strides = array<i32>} : memref<1x512xf32, #tpu.memory_space<vmem>>, vector<1x512xf32>,
    } else {
    }
    %ne3A = arith.constant 0 : i32
    %ne3A_40 = arith.cmpi ne, %arg0, %ne3A : i32
    %convert_element_type3A_41 = arith.extui %ne3A_40 : i1 to i32
    %cond3A_42 = arith.constant 0 : i32
    %cond3A_43 = arith.cmpi ne, %convert_element_type3A_41, %cond3A_42 : i32
    scf.if %cond3A_43 {
      %get3A_44 = arith.constant 0 : index
      %get3A_45 = arith.constant 0 : index
      %get3A_46 = vector.load %arg7[%get3A_44, %get3A_45] : memref<1x512xf32, #tpu.memory_space<vmem>>, vector<1x512xf32>
      %add3A_47 = arith.addf %get3A_46, %broadcast_in_dim3A : vector<1x512xf32>
      %swap3A = arith.constant 0 : index
      %swap3A_48 = arith.constant 0 : index
      %swap3A_49 = vector.load %arg7[%swap3A, %swap3A_48] : memref<1x512xf32, #tpu.memory_space<vmem>>, vector<1x512xf32>
      tpu.vector_store %arg7[%swap3A, %swap3A_48], %add3A_47 {strides = array<i32>} : memref<1x512xf32, #tpu.memory_space<vmem>>, vector<1x512xf32>,
    } else {
    }
    return
  }
  func.func @transform_0(%arg0: i32) -> (i32, i32) {
    %c0_i32 = arith.constant 0 : i32
    %c0_i32_0 = arith.constant 0 : i32
    return %arg0, %c0_i32 : i32, i32
  }
  func.func @transform_1(%arg0: i32) -> (i32, i32) {
    %add3A = arith.constant 30 : i32
    %add3A_0 = arith.addi %arg0, %add3A : i32
    %c0_i32 = arith.constant 0 : i32
    %c0_i32_1 = arith.constant 0 : i32
    return %c0_i32, %add3A_0 : i32, i32
  }
  func.func @transform_2(%arg0: i32) -> (i32, i32) {
    %c0_i32 = arith.constant 0 : i32
    %c0_i32_0 = arith.constant 0 : i32
    %c0_i32_1 = arith.constant 0 : i32
    return %c0_i32, %c0_i32_0 : i32, i32
  }
  func.func @transform_3(%arg0: i32) -> (i32, i32) {
    %c0_i32 = arith.constant 0 : i32
    %c0_i32_0 = arith.constant 0 : i32
    %c0_i32_1 = arith.constant 0 : i32
    return %c0_i32, %c0_i32_0 : i32, i32
  }
  func.func @transform_4(%arg0: i32) -> (i32, i32) {
    %c0_i32 = arith.constant 0 : i32
    %c0_i32_0 = arith.constant 0 : i32
    %c0_i32_1 = arith.constant 0 : i32
    return %c0_i32, %c0_i32_0 : i32, i32
  }
  func.func @transform_5(%arg0: i32) -> (i32, i32) {
    %c0_i32 = arith.constant 0 : i32
    %c0_i32_0 = arith.constant 0 : i32
    %c0_i32_1 = arith.constant 0 : i32
    return %c0_i32, %c0_i32_0 : i32, i32
  }
  func.func @transform_6(%arg0: i32) -> (i32, i32) {
    %c0_i32 = arith.constant 0 : i32
    %c0_i32_0 = arith.constant 0 : i32
    %c0_i32_1 = arith.constant 0 : i32
    return %c0_i32, %c0_i32_0 : i32, i32
  }
}

module attributes {stable_mosaic.version = 14 : i64} {
  func.func @_gate_body(%arg0: i32, %arg1: memref<6400x128xi32, #tpu.memory_space<vmem>>, %arg2: memref<16x6400xf32, #tpu.memory_space<vmem>>, %arg3: memref<16x128xf32, #tpu.memory_space<vmem>>, %arg4: memref<16x128xf32, #tpu.memory_space<vmem>>, %arg5: memref<1x128xf32, #tpu.memory_space<vmem>>, %arg6: memref<1x128xf32, #tpu.memory_space<vmem>>, %arg7: memref<1x128xf32, #tpu.memory_space<vmem>>, %arg8: memref<1x128xf32, #tpu.memory_space<vmem>>, %arg9: memref<1x128xf32, #tpu.memory_space<vmem>>, %arg10: memref<1x128xf32, #tpu.memory_space<vmem>>, %arg11: memref<6400x128xf32, #tpu.memory_space<vmem>>) attributes {dimension_semantics = [#tpu.dimension_semantics<arbitrary>], iteration_bounds = array<i64: 30>, scalar_prefetch = 0 : i64, scratch_operands = 0 : i64, tpu.core_type = #tpu.core_type<tc>, window_params = [{transform_indices = @transform_0, window_bounds = array<i64: 6400, 128>}, {transform_indices = @transform_1, window_bounds = array<i64: 16, 6400>}, {pipeline_mode = #tpu.pipeline_mode<synchronous>, transform_indices = @transform_2, window_bounds = array<i64: 16, 128>}, {pipeline_mode = #tpu.pipeline_mode<synchronous>, transform_indices = @transform_3, window_bounds = array<i64: 16, 128>}, {pipeline_mode = #tpu.pipeline_mode<synchronous>, transform_indices = @transform_4, window_bounds = array<i64: 1, 128>}, {pipeline_mode = #tpu.pipeline_mode<synchronous>, transform_indices = @transform_5, window_bounds = array<i64: 1, 128>}, {pipeline_mode = #tpu.pipeline_mode<synchronous>, transform_indices = @transform_6, window_bounds = array<i64: 1, 128>}, {pipeline_mode = #tpu.pipeline_mode<synchronous>, transform_indices = @transform_7, window_bounds = array<i64: 1, 128>}, {pipeline_mode = #tpu.pipeline_mode<synchronous>, transform_indices = @transform_8, window_bounds = array<i64: 1, 128>}, {pipeline_mode = #tpu.pipeline_mode<synchronous>, transform_indices = @transform_9, window_bounds = array<i64: 1, 128>}, {transform_indices = @transform_10, window_bounds = array<i64: 6400, 128>}]} {
    %get3A = arith.constant 0 : index
    %get3A_0 = arith.constant 0 : index
    %get3A_1 = vector.load %arg1[%get3A, %get3A_0] : memref<6400x128xi32, #tpu.memory_space<vmem>>, vector<6400x128xi32>
    %shift_left3A = arith.constant 16 : i32
    %shift_left3A_2 = vector.broadcast %shift_left3A : i32 to vector<6400x128xi32>
    %shift_left3A_3 = arith.shli %get3A_1, %shift_left3A_2 : vector<6400x128xi32>
    %bitcast_convert_type3A = tpu.bitcast %shift_left3A_3 : vector<6400x128xi32> -> vector<6400x128xf32>
    %and3A = arith.constant -65536 : i32
    %and3A_4 = vector.broadcast %and3A : i32 to vector<6400x128xi32>
    %and3A_5 = arith.andi %get3A_1, %and3A_4 : vector<6400x128xi32>
    %bitcast_convert_type3A_6 = tpu.bitcast %and3A_5 : vector<6400x128xi32> -> vector<6400x128xf32>
    %get3A_7 = arith.constant 0 : index
    %get3A_8 = arith.constant 0 : index
    %get3A_9 = vector.load %arg2[%get3A_7, %get3A_8] : memref<16x6400xf32, #tpu.memory_space<vmem>>, vector<16x6400xf32>
    %get3A_10 = arith.constant 0 : index
    %get3A_11 = arith.constant 0 : index
    %get3A_12 = vector.load %arg3[%get3A_10, %get3A_11] : memref<16x128xf32, #tpu.memory_space<vmem>>, vector<16x128xf32>
    %dot_general3A = arith.constant dense<0.000000e+00> : vector<6400x128xf32>
    %dot_general3A_13 = tpu.matmul %get3A_9, %get3A_12, %dot_general3A {dimension_numbers = #tpu.dot_dimension_numbers<[0], [0], [1], [1], [0, 1, 1, 1], [], []>, transpose_lhs_hint = false} : vector<16x6400xf32>, vector<16x128xf32>, vector<6400x128xf32> -> vector<6400x128xf32>
    %add3A = arith.addf %bitcast_convert_type3A, %dot_general3A_13 : vector<6400x128xf32>
    %get3A_14 = arith.constant 0 : index
    %get3A_15 = arith.constant 0 : index
    %get3A_16 = vector.load %arg5[%get3A_14, %get3A_15] : memref<1x128xf32, #tpu.memory_space<vmem>>, vector<1x128xf32>
    %add3A_17 = vector.broadcast %get3A_16 : vector<1x128xf32> to vector<6400x128xf32>
    %add3A_18 = arith.addf %add3A, %add3A_17 : vector<6400x128xf32>
    %get3A_19 = arith.constant 0 : index
    %get3A_20 = arith.constant 0 : index
    %get3A_21 = vector.load %arg4[%get3A_19, %get3A_20] : memref<16x128xf32, #tpu.memory_space<vmem>>, vector<16x128xf32>
    %dot_general3A_22 = arith.constant dense<0.000000e+00> : vector<6400x128xf32>
    %dot_general3A_23 = tpu.matmul %get3A_9, %get3A_21, %dot_general3A_22 {dimension_numbers = #tpu.dot_dimension_numbers<[0], [0], [1], [1], [0, 1, 1, 1], [], []>, transpose_lhs_hint = false} : vector<16x6400xf32>, vector<16x128xf32>, vector<6400x128xf32> -> vector<6400x128xf32>
    %add3A_24 = arith.addf %bitcast_convert_type3A_6, %dot_general3A_23 : vector<6400x128xf32>
    %get3A_25 = arith.constant 0 : index
    %get3A_26 = arith.constant 0 : index
    %get3A_27 = vector.load %arg6[%get3A_25, %get3A_26] : memref<1x128xf32, #tpu.memory_space<vmem>>, vector<1x128xf32>
    %add3A_28 = vector.broadcast %get3A_27 : vector<1x128xf32> to vector<6400x128xf32>
    %add3A_29 = arith.addf %add3A_24, %add3A_28 : vector<6400x128xf32>
    %get3A_30 = arith.constant 0 : index
    %get3A_31 = arith.constant 0 : index
    %get3A_32 = vector.load %arg7[%get3A_30, %get3A_31] : memref<1x128xf32, #tpu.memory_space<vmem>>, vector<1x128xf32>
    %mul3A = vector.broadcast %get3A_32 : vector<1x128xf32> to vector<6400x128xf32>
    %mul3A_33 = arith.mulf %add3A_18, %mul3A : vector<6400x128xf32>
    %get3A_34 = arith.constant 0 : index
    %get3A_35 = arith.constant 0 : index
    %get3A_36 = vector.load %arg9[%get3A_34, %get3A_35] : memref<1x128xf32, #tpu.memory_space<vmem>>, vector<1x128xf32>
    %add3A_37 = vector.broadcast %get3A_36 : vector<1x128xf32> to vector<6400x128xf32>
    %add3A_38 = arith.addf %mul3A_33, %add3A_37 : vector<6400x128xf32>
    %get3A_39 = arith.constant 0 : index
    %get3A_40 = arith.constant 0 : index
    %get3A_41 = vector.load %arg8[%get3A_39, %get3A_40] : memref<1x128xf32, #tpu.memory_space<vmem>>, vector<1x128xf32>
    %mul3A_42 = vector.broadcast %get3A_41 : vector<1x128xf32> to vector<6400x128xf32>
    %mul3A_43 = arith.mulf %add3A_29, %mul3A_42 : vector<6400x128xf32>
    %get3A_44 = arith.constant 0 : index
    %get3A_45 = arith.constant 0 : index
    %get3A_46 = vector.load %arg10[%get3A_44, %get3A_45] : memref<1x128xf32, #tpu.memory_space<vmem>>, vector<1x128xf32>
    %add3A_47 = vector.broadcast %get3A_46 : vector<1x128xf32> to vector<6400x128xf32>
    %add3A_48 = arith.addf %mul3A_43, %add3A_47 : vector<6400x128xf32>
    %slice3A = vector.extract_strided_slice %add3A_38 {offsets = [0, 0], sizes = [6400, 64], strides = [1, 1]} : vector<6400x128xf32> to vector<6400x64xf32>
    %mul3A_49 = arith.constant 5.000000e-01 : f32
    %mul3A_50 = vector.broadcast %mul3A_49 : f32 to vector<6400x64xf32>
    %mul3A_51 = arith.mulf %mul3A_50, %slice3A : vector<6400x64xf32>
    %tanh3A = math.tanh %mul3A_51 : vector<6400x64xf32>
    %mul3A_52 = arith.constant 5.000000e-01 : f32
    %mul3A_53 = vector.broadcast %mul3A_52 : f32 to vector<6400x64xf32>
    %mul3A_54 = arith.mulf %mul3A_53, %tanh3A : vector<6400x64xf32>
    %add3A_55 = arith.constant 5.000000e-01 : f32
    %add3A_56 = vector.broadcast %add3A_55 : f32 to vector<6400x64xf32>
    %add3A_57 = arith.addf %mul3A_54, %add3A_56 : vector<6400x64xf32>
    %slice3A_58 = vector.extract_strided_slice %add3A_38 {offsets = [0, 64], sizes = [6400, 64], strides = [1, 1]} : vector<6400x128xf32> to vector<6400x64xf32>
    %neg3A = arith.constant 0.000000e+00 : f32
    %neg3A_59 = vector.broadcast %neg3A : f32 to vector<6400x64xf32>
    %neg3A_60 = arith.subf %neg3A_59, %slice3A_58 : vector<6400x64xf32>
    %exp3A = math.exp %neg3A_60 : vector<6400x64xf32>
    %add3A_61 = arith.constant 1.000000e+00 : f32
    %add3A_62 = vector.broadcast %add3A_61 : f32 to vector<6400x64xf32>
    %add3A_63 = arith.addf %add3A_62, %exp3A : vector<6400x64xf32>
    %log3A = math.log %add3A_63 : vector<6400x64xf32>
    %add3A_64 = arith.addf %slice3A_58, %log3A : vector<6400x64xf32>
    %mul3A_65 = arith.mulf %add3A_57, %add3A_64 : vector<6400x64xf32>
    %slice3A_66 = vector.extract_strided_slice %add3A_48 {offsets = [0, 0], sizes = [6400, 64], strides = [1, 1]} : vector<6400x128xf32> to vector<6400x64xf32>
    %mul3A_67 = arith.constant 5.000000e-01 : f32
    %mul3A_68 = vector.broadcast %mul3A_67 : f32 to vector<6400x64xf32>
    %mul3A_69 = arith.mulf %mul3A_68, %slice3A_66 : vector<6400x64xf32>
    %tanh3A_70 = math.tanh %mul3A_69 : vector<6400x64xf32>
    %mul3A_71 = arith.constant 5.000000e-01 : f32
    %mul3A_72 = vector.broadcast %mul3A_71 : f32 to vector<6400x64xf32>
    %mul3A_73 = arith.mulf %mul3A_72, %tanh3A_70 : vector<6400x64xf32>
    %add3A_74 = arith.constant 5.000000e-01 : f32
    %add3A_75 = vector.broadcast %add3A_74 : f32 to vector<6400x64xf32>
    %add3A_76 = arith.addf %mul3A_73, %add3A_75 : vector<6400x64xf32>
    %slice3A_77 = vector.extract_strided_slice %add3A_48 {offsets = [0, 64], sizes = [6400, 64], strides = [1, 1]} : vector<6400x128xf32> to vector<6400x64xf32>
    %neg3A_78 = arith.constant 0.000000e+00 : f32
    %neg3A_79 = vector.broadcast %neg3A_78 : f32 to vector<6400x64xf32>
    %neg3A_80 = arith.subf %neg3A_79, %slice3A_77 : vector<6400x64xf32>
    %exp3A_81 = math.exp %neg3A_80 : vector<6400x64xf32>
    %add3A_82 = arith.constant 1.000000e+00 : f32
    %add3A_83 = vector.broadcast %add3A_82 : f32 to vector<6400x64xf32>
    %add3A_84 = arith.addf %add3A_83, %exp3A_81 : vector<6400x64xf32>
    %log3A_85 = math.log %add3A_84 : vector<6400x64xf32>
    %add3A_86 = arith.addf %slice3A_77, %log3A_85 : vector<6400x64xf32>
    %mul3A_87 = arith.mulf %add3A_76, %add3A_86 : vector<6400x64xf32>
    %concatenate3A = tpu.concatenate %mul3A_65, %mul3A_87 in 1 : vector<6400x64xf32>, vector<6400x64xf32> -> vector<6400x128xf32>
    %swap3A = arith.constant 0 : index
    %swap3A_88 = arith.constant 0 : index
    %swap3A_89 = vector.load %arg11[%swap3A, %swap3A_88] : memref<6400x128xf32, #tpu.memory_space<vmem>>, vector<6400x128xf32>
    tpu.vector_store %arg11[%swap3A, %swap3A_88], %concatenate3A {strides = array<i32>} : memref<6400x128xf32, #tpu.memory_space<vmem>>, vector<6400x128xf32>,
    return
  }
  func.func @transform_0(%arg0: i32) -> (i32, i32) {
    %c0_i32 = arith.constant 0 : i32
    %c0_i32_0 = arith.constant 0 : i32
    return %arg0, %c0_i32 : i32, i32
  }
  func.func @transform_1(%arg0: i32) -> (i32, i32) {
    %add3A = arith.constant 0 : i32
    %add3A_0 = arith.addi %arg0, %add3A : i32
    %c0_i32 = arith.constant 0 : i32
    %c0_i32_1 = arith.constant 0 : i32
    return %c0_i32, %add3A_0 : i32, i32
  }
  func.func @transform_2(%arg0: i32) -> (i32, i32) {
    %c0_i32 = arith.constant 0 : i32
    %c0_i32_0 = arith.constant 0 : i32
    %c0_i32_1 = arith.constant 0 : i32
    return %c0_i32, %c0_i32_0 : i32, i32
  }
  func.func @transform_3(%arg0: i32) -> (i32, i32) {
    %c0_i32 = arith.constant 0 : i32
    %c0_i32_0 = arith.constant 0 : i32
    %c0_i32_1 = arith.constant 0 : i32
    return %c0_i32, %c0_i32_0 : i32, i32
  }
  func.func @transform_4(%arg0: i32) -> (i32, i32) {
    %c0_i32 = arith.constant 0 : i32
    %c0_i32_0 = arith.constant 0 : i32
    %c0_i32_1 = arith.constant 0 : i32
    return %c0_i32, %c0_i32_0 : i32, i32
  }
  func.func @transform_5(%arg0: i32) -> (i32, i32) {
    %c0_i32 = arith.constant 0 : i32
    %c0_i32_0 = arith.constant 0 : i32
    %c0_i32_1 = arith.constant 0 : i32
    return %c0_i32, %c0_i32_0 : i32, i32
  }
  func.func @transform_6(%arg0: i32) -> (i32, i32) {
    %c0_i32 = arith.constant 0 : i32
    %c0_i32_0 = arith.constant 0 : i32
    %c0_i32_1 = arith.constant 0 : i32
    return %c0_i32, %c0_i32_0 : i32, i32
  }
  func.func @transform_7(%arg0: i32) -> (i32, i32) {
    %c0_i32 = arith.constant 0 : i32
    %c0_i32_0 = arith.constant 0 : i32
    %c0_i32_1 = arith.constant 0 : i32
    return %c0_i32, %c0_i32_0 : i32, i32
  }
  func.func @transform_8(%arg0: i32) -> (i32, i32) {
    %c0_i32 = arith.constant 0 : i32
    %c0_i32_0 = arith.constant 0 : i32
    %c0_i32_1 = arith.constant 0 : i32
    return %c0_i32, %c0_i32_0 : i32, i32
  }
  func.func @transform_9(%arg0: i32) -> (i32, i32) {
    %c0_i32 = arith.constant 0 : i32
    %c0_i32_0 = arith.constant 0 : i32
    %c0_i32_1 = arith.constant 0 : i32
    return %c0_i32, %c0_i32_0 : i32, i32
  }
  func.func @transform_10(%arg0: i32) -> (i32, i32) {
    %c0_i32 = arith.constant 0 : i32
    %c0_i32_0 = arith.constant 0 : i32
    return %arg0, %c0_i32 : i32, i32
  }
}

module attributes {stable_mosaic.version = 14 : i64} {
  func.func @_gate_body(%arg0: i32, %arg1: memref<6400x128xi32, #tpu.memory_space<vmem>>, %arg2: memref<16x6400xf32, #tpu.memory_space<vmem>>, %arg3: memref<16x128xf32, #tpu.memory_space<vmem>>, %arg4: memref<16x128xf32, #tpu.memory_space<vmem>>, %arg5: memref<1x128xf32, #tpu.memory_space<vmem>>, %arg6: memref<1x128xf32, #tpu.memory_space<vmem>>, %arg7: memref<1x128xf32, #tpu.memory_space<vmem>>, %arg8: memref<1x128xf32, #tpu.memory_space<vmem>>, %arg9: memref<1x128xf32, #tpu.memory_space<vmem>>, %arg10: memref<1x128xf32, #tpu.memory_space<vmem>>, %arg11: memref<6400x128xf32, #tpu.memory_space<vmem>>) attributes {dimension_semantics = [#tpu.dimension_semantics<arbitrary>], iteration_bounds = array<i64: 20>, scalar_prefetch = 0 : i64, scratch_operands = 0 : i64, tpu.core_type = #tpu.core_type<tc>, window_params = [{transform_indices = @transform_0, window_bounds = array<i64: 6400, 128>}, {transform_indices = @transform_1, window_bounds = array<i64: 16, 6400>}, {pipeline_mode = #tpu.pipeline_mode<synchronous>, transform_indices = @transform_2, window_bounds = array<i64: 16, 128>}, {pipeline_mode = #tpu.pipeline_mode<synchronous>, transform_indices = @transform_3, window_bounds = array<i64: 16, 128>}, {pipeline_mode = #tpu.pipeline_mode<synchronous>, transform_indices = @transform_4, window_bounds = array<i64: 1, 128>}, {pipeline_mode = #tpu.pipeline_mode<synchronous>, transform_indices = @transform_5, window_bounds = array<i64: 1, 128>}, {pipeline_mode = #tpu.pipeline_mode<synchronous>, transform_indices = @transform_6, window_bounds = array<i64: 1, 128>}, {pipeline_mode = #tpu.pipeline_mode<synchronous>, transform_indices = @transform_7, window_bounds = array<i64: 1, 128>}, {pipeline_mode = #tpu.pipeline_mode<synchronous>, transform_indices = @transform_8, window_bounds = array<i64: 1, 128>}, {pipeline_mode = #tpu.pipeline_mode<synchronous>, transform_indices = @transform_9, window_bounds = array<i64: 1, 128>}, {transform_indices = @transform_10, window_bounds = array<i64: 6400, 128>}]} {
    %get3A = arith.constant 0 : index
    %get3A_0 = arith.constant 0 : index
    %get3A_1 = vector.load %arg1[%get3A, %get3A_0] : memref<6400x128xi32, #tpu.memory_space<vmem>>, vector<6400x128xi32>
    %shift_left3A = arith.constant 16 : i32
    %shift_left3A_2 = vector.broadcast %shift_left3A : i32 to vector<6400x128xi32>
    %shift_left3A_3 = arith.shli %get3A_1, %shift_left3A_2 : vector<6400x128xi32>
    %bitcast_convert_type3A = tpu.bitcast %shift_left3A_3 : vector<6400x128xi32> -> vector<6400x128xf32>
    %and3A = arith.constant -65536 : i32
    %and3A_4 = vector.broadcast %and3A : i32 to vector<6400x128xi32>
    %and3A_5 = arith.andi %get3A_1, %and3A_4 : vector<6400x128xi32>
    %bitcast_convert_type3A_6 = tpu.bitcast %and3A_5 : vector<6400x128xi32> -> vector<6400x128xf32>
    %get3A_7 = arith.constant 0 : index
    %get3A_8 = arith.constant 0 : index
    %get3A_9 = vector.load %arg2[%get3A_7, %get3A_8] : memref<16x6400xf32, #tpu.memory_space<vmem>>, vector<16x6400xf32>
    %get3A_10 = arith.constant 0 : index
    %get3A_11 = arith.constant 0 : index
    %get3A_12 = vector.load %arg3[%get3A_10, %get3A_11] : memref<16x128xf32, #tpu.memory_space<vmem>>, vector<16x128xf32>
    %dot_general3A = arith.constant dense<0.000000e+00> : vector<6400x128xf32>
    %dot_general3A_13 = tpu.matmul %get3A_9, %get3A_12, %dot_general3A {dimension_numbers = #tpu.dot_dimension_numbers<[0], [0], [1], [1], [0, 1, 1, 1], [], []>, transpose_lhs_hint = false} : vector<16x6400xf32>, vector<16x128xf32>, vector<6400x128xf32> -> vector<6400x128xf32>
    %add3A = arith.addf %bitcast_convert_type3A, %dot_general3A_13 : vector<6400x128xf32>
    %get3A_14 = arith.constant 0 : index
    %get3A_15 = arith.constant 0 : index
    %get3A_16 = vector.load %arg5[%get3A_14, %get3A_15] : memref<1x128xf32, #tpu.memory_space<vmem>>, vector<1x128xf32>
    %add3A_17 = vector.broadcast %get3A_16 : vector<1x128xf32> to vector<6400x128xf32>
    %add3A_18 = arith.addf %add3A, %add3A_17 : vector<6400x128xf32>
    %get3A_19 = arith.constant 0 : index
    %get3A_20 = arith.constant 0 : index
    %get3A_21 = vector.load %arg4[%get3A_19, %get3A_20] : memref<16x128xf32, #tpu.memory_space<vmem>>, vector<16x128xf32>
    %dot_general3A_22 = arith.constant dense<0.000000e+00> : vector<6400x128xf32>
    %dot_general3A_23 = tpu.matmul %get3A_9, %get3A_21, %dot_general3A_22 {dimension_numbers = #tpu.dot_dimension_numbers<[0], [0], [1], [1], [0, 1, 1, 1], [], []>, transpose_lhs_hint = false} : vector<16x6400xf32>, vector<16x128xf32>, vector<6400x128xf32> -> vector<6400x128xf32>
    %add3A_24 = arith.addf %bitcast_convert_type3A_6, %dot_general3A_23 : vector<6400x128xf32>
    %get3A_25 = arith.constant 0 : index
    %get3A_26 = arith.constant 0 : index
    %get3A_27 = vector.load %arg6[%get3A_25, %get3A_26] : memref<1x128xf32, #tpu.memory_space<vmem>>, vector<1x128xf32>
    %add3A_28 = vector.broadcast %get3A_27 : vector<1x128xf32> to vector<6400x128xf32>
    %add3A_29 = arith.addf %add3A_24, %add3A_28 : vector<6400x128xf32>
    %get3A_30 = arith.constant 0 : index
    %get3A_31 = arith.constant 0 : index
    %get3A_32 = vector.load %arg7[%get3A_30, %get3A_31] : memref<1x128xf32, #tpu.memory_space<vmem>>, vector<1x128xf32>
    %mul3A = vector.broadcast %get3A_32 : vector<1x128xf32> to vector<6400x128xf32>
    %mul3A_33 = arith.mulf %add3A_18, %mul3A : vector<6400x128xf32>
    %get3A_34 = arith.constant 0 : index
    %get3A_35 = arith.constant 0 : index
    %get3A_36 = vector.load %arg9[%get3A_34, %get3A_35] : memref<1x128xf32, #tpu.memory_space<vmem>>, vector<1x128xf32>
    %add3A_37 = vector.broadcast %get3A_36 : vector<1x128xf32> to vector<6400x128xf32>
    %add3A_38 = arith.addf %mul3A_33, %add3A_37 : vector<6400x128xf32>
    %get3A_39 = arith.constant 0 : index
    %get3A_40 = arith.constant 0 : index
    %get3A_41 = vector.load %arg8[%get3A_39, %get3A_40] : memref<1x128xf32, #tpu.memory_space<vmem>>, vector<1x128xf32>
    %mul3A_42 = vector.broadcast %get3A_41 : vector<1x128xf32> to vector<6400x128xf32>
    %mul3A_43 = arith.mulf %add3A_29, %mul3A_42 : vector<6400x128xf32>
    %get3A_44 = arith.constant 0 : index
    %get3A_45 = arith.constant 0 : index
    %get3A_46 = vector.load %arg10[%get3A_44, %get3A_45] : memref<1x128xf32, #tpu.memory_space<vmem>>, vector<1x128xf32>
    %add3A_47 = vector.broadcast %get3A_46 : vector<1x128xf32> to vector<6400x128xf32>
    %add3A_48 = arith.addf %mul3A_43, %add3A_47 : vector<6400x128xf32>
    %slice3A = vector.extract_strided_slice %add3A_38 {offsets = [0, 0], sizes = [6400, 64], strides = [1, 1]} : vector<6400x128xf32> to vector<6400x64xf32>
    %mul3A_49 = arith.constant 5.000000e-01 : f32
    %mul3A_50 = vector.broadcast %mul3A_49 : f32 to vector<6400x64xf32>
    %mul3A_51 = arith.mulf %mul3A_50, %slice3A : vector<6400x64xf32>
    %tanh3A = math.tanh %mul3A_51 : vector<6400x64xf32>
    %mul3A_52 = arith.constant 5.000000e-01 : f32
    %mul3A_53 = vector.broadcast %mul3A_52 : f32 to vector<6400x64xf32>
    %mul3A_54 = arith.mulf %mul3A_53, %tanh3A : vector<6400x64xf32>
    %add3A_55 = arith.constant 5.000000e-01 : f32
    %add3A_56 = vector.broadcast %add3A_55 : f32 to vector<6400x64xf32>
    %add3A_57 = arith.addf %mul3A_54, %add3A_56 : vector<6400x64xf32>
    %slice3A_58 = vector.extract_strided_slice %add3A_38 {offsets = [0, 64], sizes = [6400, 64], strides = [1, 1]} : vector<6400x128xf32> to vector<6400x64xf32>
    %neg3A = arith.constant 0.000000e+00 : f32
    %neg3A_59 = vector.broadcast %neg3A : f32 to vector<6400x64xf32>
    %neg3A_60 = arith.subf %neg3A_59, %slice3A_58 : vector<6400x64xf32>
    %exp3A = math.exp %neg3A_60 : vector<6400x64xf32>
    %add3A_61 = arith.constant 1.000000e+00 : f32
    %add3A_62 = vector.broadcast %add3A_61 : f32 to vector<6400x64xf32>
    %add3A_63 = arith.addf %add3A_62, %exp3A : vector<6400x64xf32>
    %log3A = math.log %add3A_63 : vector<6400x64xf32>
    %add3A_64 = arith.addf %slice3A_58, %log3A : vector<6400x64xf32>
    %mul3A_65 = arith.mulf %add3A_57, %add3A_64 : vector<6400x64xf32>
    %slice3A_66 = vector.extract_strided_slice %add3A_48 {offsets = [0, 0], sizes = [6400, 64], strides = [1, 1]} : vector<6400x128xf32> to vector<6400x64xf32>
    %mul3A_67 = arith.constant 5.000000e-01 : f32
    %mul3A_68 = vector.broadcast %mul3A_67 : f32 to vector<6400x64xf32>
    %mul3A_69 = arith.mulf %mul3A_68, %slice3A_66 : vector<6400x64xf32>
    %tanh3A_70 = math.tanh %mul3A_69 : vector<6400x64xf32>
    %mul3A_71 = arith.constant 5.000000e-01 : f32
    %mul3A_72 = vector.broadcast %mul3A_71 : f32 to vector<6400x64xf32>
    %mul3A_73 = arith.mulf %mul3A_72, %tanh3A_70 : vector<6400x64xf32>
    %add3A_74 = arith.constant 5.000000e-01 : f32
    %add3A_75 = vector.broadcast %add3A_74 : f32 to vector<6400x64xf32>
    %add3A_76 = arith.addf %mul3A_73, %add3A_75 : vector<6400x64xf32>
    %slice3A_77 = vector.extract_strided_slice %add3A_48 {offsets = [0, 64], sizes = [6400, 64], strides = [1, 1]} : vector<6400x128xf32> to vector<6400x64xf32>
    %neg3A_78 = arith.constant 0.000000e+00 : f32
    %neg3A_79 = vector.broadcast %neg3A_78 : f32 to vector<6400x64xf32>
    %neg3A_80 = arith.subf %neg3A_79, %slice3A_77 : vector<6400x64xf32>
    %exp3A_81 = math.exp %neg3A_80 : vector<6400x64xf32>
    %add3A_82 = arith.constant 1.000000e+00 : f32
    %add3A_83 = vector.broadcast %add3A_82 : f32 to vector<6400x64xf32>
    %add3A_84 = arith.addf %add3A_83, %exp3A_81 : vector<6400x64xf32>
    %log3A_85 = math.log %add3A_84 : vector<6400x64xf32>
    %add3A_86 = arith.addf %slice3A_77, %log3A_85 : vector<6400x64xf32>
    %mul3A_87 = arith.mulf %add3A_76, %add3A_86 : vector<6400x64xf32>
    %concatenate3A = tpu.concatenate %mul3A_65, %mul3A_87 in 1 : vector<6400x64xf32>, vector<6400x64xf32> -> vector<6400x128xf32>
    %swap3A = arith.constant 0 : index
    %swap3A_88 = arith.constant 0 : index
    %swap3A_89 = vector.load %arg11[%swap3A, %swap3A_88] : memref<6400x128xf32, #tpu.memory_space<vmem>>, vector<6400x128xf32>
    tpu.vector_store %arg11[%swap3A, %swap3A_88], %concatenate3A {strides = array<i32>} : memref<6400x128xf32, #tpu.memory_space<vmem>>, vector<6400x128xf32>,
    return
  }
  func.func @transform_0(%arg0: i32) -> (i32, i32) {
    %c0_i32 = arith.constant 0 : i32
    %c0_i32_0 = arith.constant 0 : i32
    return %arg0, %c0_i32 : i32, i32
  }
  func.func @transform_1(%arg0: i32) -> (i32, i32) {
    %add3A = arith.constant 30 : i32
    %add3A_0 = arith.addi %arg0, %add3A : i32
    %c0_i32 = arith.constant 0 : i32
    %c0_i32_1 = arith.constant 0 : i32
    return %c0_i32, %add3A_0 : i32, i32
  }
  func.func @transform_2(%arg0: i32) -> (i32, i32) {
    %c0_i32 = arith.constant 0 : i32
    %c0_i32_0 = arith.constant 0 : i32
    %c0_i32_1 = arith.constant 0 : i32
    return %c0_i32, %c0_i32_0 : i32, i32
  }
  func.func @transform_3(%arg0: i32) -> (i32, i32) {
    %c0_i32 = arith.constant 0 : i32
    %c0_i32_0 = arith.constant 0 : i32
    %c0_i32_1 = arith.constant 0 : i32
    return %c0_i32, %c0_i32_0 : i32, i32
  }
  func.func @transform_4(%arg0: i32) -> (i32, i32) {
    %c0_i32 = arith.constant 0 : i32
    %c0_i32_0 = arith.constant 0 : i32
    %c0_i32_1 = arith.constant 0 : i32
    return %c0_i32, %c0_i32_0 : i32, i32
  }
  func.func @transform_5(%arg0: i32) -> (i32, i32) {
    %c0_i32 = arith.constant 0 : i32
    %c0_i32_0 = arith.constant 0 : i32
    %c0_i32_1 = arith.constant 0 : i32
    return %c0_i32, %c0_i32_0 : i32, i32
  }
  func.func @transform_6(%arg0: i32) -> (i32, i32) {
    %c0_i32 = arith.constant 0 : i32
    %c0_i32_0 = arith.constant 0 : i32
    %c0_i32_1 = arith.constant 0 : i32
    return %c0_i32, %c0_i32_0 : i32, i32
  }
  func.func @transform_7(%arg0: i32) -> (i32, i32) {
    %c0_i32 = arith.constant 0 : i32
    %c0_i32_0 = arith.constant 0 : i32
    %c0_i32_1 = arith.constant 0 : i32
    return %c0_i32, %c0_i32_0 : i32, i32
  }
  func.func @transform_8(%arg0: i32) -> (i32, i32) {
    %c0_i32 = arith.constant 0 : i32
    %c0_i32_0 = arith.constant 0 : i32
    %c0_i32_1 = arith.constant 0 : i32
    return %c0_i32, %c0_i32_0 : i32, i32
  }
  func.func @transform_9(%arg0: i32) -> (i32, i32) {
    %c0_i32 = arith.constant 0 : i32
    %c0_i32_0 = arith.constant 0 : i32
    %c0_i32_1 = arith.constant 0 : i32
    return %c0_i32, %c0_i32_0 : i32, i32
  }
  func.func @transform_10(%arg0: i32) -> (i32, i32) {
    %c0_i32 = arith.constant 0 : i32
    %c0_i32_0 = arith.constant 0 : i32
    return %arg0, %c0_i32 : i32, i32
  }
}

module attributes {stable_mosaic.version = 14 : i64} {
  func.func @_final_body(%arg0: memref<10000x128xf32, #tpu.memory_space<vmem>>, %arg1: memref<10000x128xf32, #tpu.memory_space<vmem>>, %arg2: memref<10000x128xf32, #tpu.memory_space<vmem>>, %arg3: memref<1x128xf32, #tpu.memory_space<vmem>>, %arg4: memref<1x128xf32, #tpu.memory_space<vmem>>, %arg5: memref<10000x128xf32, #tpu.memory_space<vmem>>) attributes {dimension_semantics = [], scalar_prefetch = 0 : i64, scratch_operands = 0 : i64, tpu.core_type = #tpu.core_type<tc>} {
    %get3A = arith.constant 0 : index
    %get3A_0 = arith.constant 0 : index
    %get3A_1 = vector.load %arg0[%get3A, %get3A_0] : memref<10000x128xf32, #tpu.memory_space<vmem>>, vector<10000x128xf32>
    %get3A_2 = arith.constant 0 : index
    %get3A_3 = arith.constant 0 : index
    %get3A_4 = vector.load %arg1[%get3A_2, %get3A_3] : memref<10000x128xf32, #tpu.memory_space<vmem>>, vector<10000x128xf32>
    %add3A = arith.addf %get3A_1, %get3A_4 : vector<10000x128xf32>
    %reduce_sum3A = arith.constant dense<0.000000e+00> : vector<128xf32>
    %reduce_sum3A_5 = vector.multi_reduction <add>, %add3A, %reduce_sum3A [0] : vector<10000x128xf32> to vector<128xf32>
    %broadcast_in_dim3A = vector.shape_cast %reduce_sum3A_5 : vector<128xf32> to vector<1x128xf32>
    %div3A = arith.constant 1.000000e+04 : f32
    %div3A_6 = vector.broadcast %div3A : f32 to vector<1x128xf32>
    %div3A_7 = arith.divf %broadcast_in_dim3A, %div3A_6 : vector<1x128xf32>
    %sub3A = vector.broadcast %div3A_7 : vector<1x128xf32> to vector<10000x128xf32>
    %sub3A_8 = arith.subf %add3A, %sub3A : vector<10000x128xf32>
    %integer_pow3A = arith.mulf %sub3A_8, %sub3A_8 : vector<10000x128xf32>
    %reduce_sum3A_9 = arith.constant dense<0.000000e+00> : vector<128xf32>
    %reduce_sum3A_10 = vector.multi_reduction <add>, %integer_pow3A, %reduce_sum3A_9 [0] : vector<10000x128xf32> to vector<128xf32>
    %broadcast_in_dim3A_11 = vector.shape_cast %reduce_sum3A_10 : vector<128xf32> to vector<1x128xf32>
    %div3A_12 = arith.constant 1.000000e+04 : f32
    %div3A_13 = vector.broadcast %div3A_12 : f32 to vector<1x128xf32>
    %div3A_14 = arith.divf %broadcast_in_dim3A_11, %div3A_13 : vector<1x128xf32>
    %sub3A_15 = vector.broadcast %div3A_7 : vector<1x128xf32> to vector<10000x128xf32>
    %sub3A_16 = arith.subf %add3A, %sub3A_15 : vector<10000x128xf32>
    %add3A_17 = arith.constant 9.99999974E-6 : f32
    %add3A_18 = vector.broadcast %add3A_17 : f32 to vector<1x128xf32>
    %add3A_19 = arith.addf %div3A_14, %add3A_18 : vector<1x128xf32>
    %rsqrt3A = math.rsqrt %add3A_19 : vector<1x128xf32>
    %mul3A = vector.broadcast %rsqrt3A : vector<1x128xf32> to vector<10000x128xf32>
    %mul3A_20 = arith.mulf %sub3A_16, %mul3A : vector<10000x128xf32>
    %get3A_21 = arith.constant 0 : index
    %get3A_22 = arith.constant 0 : index
    %get3A_23 = vector.load %arg3[%get3A_21, %get3A_22] : memref<1x128xf32, #tpu.memory_space<vmem>>, vector<1x128xf32>
    %mul3A_24 = vector.broadcast %get3A_23 : vector<1x128xf32> to vector<10000x128xf32>
    %mul3A_25 = arith.mulf %mul3A_20, %mul3A_24 : vector<10000x128xf32>
    %get3A_26 = arith.constant 0 : index
    %get3A_27 = arith.constant 0 : index
    %get3A_28 = vector.load %arg4[%get3A_26, %get3A_27] : memref<1x128xf32, #tpu.memory_space<vmem>>, vector<1x128xf32>
    %add3A_29 = vector.broadcast %get3A_28 : vector<1x128xf32> to vector<10000x128xf32>
    %add3A_30 = arith.addf %mul3A_25, %add3A_29 : vector<10000x128xf32>
    %get3A_31 = arith.constant 0 : index
    %get3A_32 = arith.constant 0 : index
    %get3A_33 = vector.load %arg2[%get3A_31, %get3A_32] : memref<10000x128xf32, #tpu.memory_space<vmem>>, vector<10000x128xf32>
    %add3A_34 = arith.addf %get3A_33, %add3A_30 : vector<10000x128xf32>
    %custom_jvp_call3A = arith.constant 0.000000e+00 : f32
    %max3A = vector.broadcast %custom_jvp_call3A : f32 to vector<10000x128xf32>
    %max3A_35 = arith.maximumf %add3A_34, %max3A : vector<10000x128xf32>
    %sub3A_36 = vector.broadcast %custom_jvp_call3A : f32 to vector<10000x128xf32>
    %sub3A_37 = arith.subf %add3A_34, %sub3A_36 : vector<10000x128xf32>
    %ne3A = arith.cmpf one, %sub3A_37, %sub3A_37 : vector<10000x128xf32>
    %add3A_38 = vector.broadcast %custom_jvp_call3A : f32 to vector<10000x128xf32>
    %add3A_39 = arith.addf %add3A_34, %add3A_38 : vector<10000x128xf32>
    %abs3A = math.absf %sub3A_37 : vector<10000x128xf32>
    %neg3A = arith.constant 0.000000e+00 : f32
    %neg3A_40 = vector.broadcast %neg3A : f32 to vector<10000x128xf32>
    %neg3A_41 = arith.subf %neg3A_40, %abs3A : vector<10000x128xf32>
    %exp3A = math.exp %neg3A_41 : vector<10000x128xf32>
    %log1p3A = math.log1p %exp3A : vector<10000x128xf32>
    %add3A_42 = arith.addf %max3A_35, %log1p3A : vector<10000x128xf32>
    %select_n3A = arith.select %ne3A, %add3A_39, %add3A_42 : vector<10000x128xi1>, vector<10000x128xf32>
    %swap3A = arith.constant 0 : index
    %swap3A_43 = arith.constant 0 : index
    %swap3A_44 = vector.load %arg5[%swap3A, %swap3A_43] : memref<10000x128xf32, #tpu.memory_space<vmem>>, vector<10000x128xf32>
    tpu.vector_store %arg5[%swap3A, %swap3A_43], %select_n3A {strides = array<i32>} : memref<10000x128xf32, #tpu.memory_space<vmem>>, vector<10000x128xf32>,
    return
  }
}

</mosaic_0001>

<sc_bundles>
// kernel: kernel.12.cloned.1.call-start
scs
__scs_entry_jumppad:
0x0: {  	(pc) =	sbr.rel $0x88, $3  }
0x1: {  	(tag) =	ssettag $0x0;
	lr =	simm.s32 $0x1  }
0x2: {  	[smem:$0x3F97] =	sst lr;
	_ =	strace $0xD0000000  }
0x3: {  	_ = 	snop  }
0x4: {  	_ = 	snop  }
0x5: {  	_ = 	snop  }
0x6: {  	_ = 	snop  }
0x7: {  	_ = 	snop  }
__scs_overlays_trampoline_lowered:
0x8: {  	[smem:$0x3FA6] =	sst s0  }
0x9: {  	[smem:$0x3FA7] =	sst s1  }
0xa: {  	[smem:$0x3FA8] =	sst s2  }
0xb: {  	[smem:$0x3FA9] =	sst s3  }
0xc: {  	[smem:$0x3FAA] =	sst s4  }
0xd: {  	[smem:$0x3FAB] =	sst s5  }
0xe: {  	[smem:$0x3FAC] =	sst s6  }
0xf: {  	[smem:$0x3FAD] =	sst s7  }
0x10: {  	[smem:$0x3FAE] =	sst s8  }
0x11: {  	[smem:$0x3FAF] =	sst s9;
	s0 =	simm.s32 @!p0 $0x0  }
0x12: {  	s1 =	sld [smem:$0x3F95];
	s0 =	simm.s32 @p0 $0x1  }
0x13: {  	[smem:$0x3FB0] =	sst s0;
	s0 =	simm.s32 @!p1 $0x0  }
0x14: {  	s2 =	sld [smem:$0x3F94];
	s0 =	simm.s32 @p1 $0x1  }
0x15: {  	[smem:$0x3FB1] =	sst s0;
	s0 =	simm.s32 @!p2 $0x0  }
0x16: {  	s3 =	sld [smem:$0x3FDB];
	s0 =	simm.s32 @p2 $0x1  }
0x17: {  	s4 =	simm.s32 $0x1BF5;
	[smem:$0x3FB3] =	sst s0  }
0x18: {  	s0 =	sld [smem:$0x3F96];
	_ =	swait.ge [sflag:s4], $0x0  }
0x19: {  	s7 =	sld [smem:$0x3F97]  }
0x1a: {  	s8 =	sadd.s32 $0xFFFFE003, lr  }
0x1b: {  	s9 =	sadd.s32 $0xFFFFFEF7, lr;
	s5 =	simm.s32 $0xFFFFFFFF;
	p2 =	slt.u32 s8, $0xFFFFF086  }
0x1c: {  	p1 =	slt.u32 s9, $0xF7A;
	s5 =	simm.s32 @!p2 $0x0  }
0x1d: {  	s5 =	simm.s32 @p1 $0x1;
	p0 =	seq.s32 s7, s2  }
0x1e: {  	s7 =	smul.u32 @!p0 $0xF7A, s2;
	p2 =	seq.s32 @!p0 s5, $0x0  }
0x1f: {  	s9 =	smul.u32 $0xF7A, s1;
	s8 =	simm.s32 @!p0 $0x1BF5;
	p2 =	por !p2, p0  }
0x20: {  	[sflag:s8] =	ssyncset.s32 @!p0 $0xFFFFF086;
	s6 =	sadd.s32 @!p0 s3, s7;
	s7 =	simm.s32 @!p0 $0x108  }
0x21: {  	s3 =	sadd.s32 s3, s9;
	s6 =	sadd.s32 @!p0 $0x88, s6;
	s7 =	simm.s32 @p2 $0x1082  }
0x22: {  	[simem:s7], [sflag:s8] =	dma.local @!p0 [hbm:s6], $0xF7A  }
0x23: {  	s9 =	sor.u32 $0xD0000000, s2;
	s6 =	simm.s32 $0x108;
	_ =	swait.ge @!p0 [sflag:s8], $0x0  }
0x24: {  	s3 =	sadd.s32 $0x88, s3;
	s6 =	simm.s32 @!p1 $0x1082;
	[sflag:s4] =	ssyncset.s32 $0xFFFFF086  }
0x25: {  	[simem:s6], [sflag:s4] =	dma.local [hbm:s3], $0xF7A  }
0x26: {  	[smem:$0x3F97] =	sst s1;
	(tag) =	ssettag s2;
	_ =	strace s9  }
0x27: {  	s1 =	sld [smem:$0x3FA7]  }
0x28: {  	s2 =	sld [smem:$0x3FA8]  }
0x29: {  	s4 =	sld [smem:$0x3FAA]  }
0x2a: {  	p0 =	seq.s32 s5, $0x0;
	s5 =	sld [smem:$0x3FAB]  }
0x2b: {  	s6 =	sld [smem:$0x3FAC]  }
0x2c: {  	s7 =	sld [smem:$0x3FAD]  }
0x2d: {  	s3 =	simm.s32 $0x108;
	s8 =	sld [smem:$0x3FAE]  }
0x2e: {  	s3 =	simm.s32 @!p0 $0x1082;
	s9 =	sld [smem:$0x3FAF]  }
0x2f: {  	lr =	sadd.s32 s0, s3;
	s0 =	sld [smem:$0x3FA6]  }
0x30: {  	s3 =	sld [smem:$0x3FA9]  }
0x31: {  	[smem:$0x3FB2] =	sst s10  }
0x32: {  	s10 =	sld [smem:$0x3FB0];
	_ =	sdelay $0x3  }
0x33: {  	p0 =	seq.s32 s10, $0x1;
	s10 =	sld [smem:$0x3FB2];
	_ =	sdelay $0x3  }
0x34: {  	[smem:$0x3FB2] =	sst s10  }
0x35: {  	s10 =	sld [smem:$0x3FB1];
	_ =	sdelay $0x3  }
0x36: {  	p1 =	seq.s32 s10, $0x1;
	s10 =	sld [smem:$0x3FB2];
	_ =	sdelay $0x3  }
0x37: {  	[smem:$0x3FB2] =	sst s10  }
0x38: {  	s10 =	sld [smem:$0x3FB3]  }
0x39: {  	_ = 	snop;
	(pc) =	sbr.ind lr, $3  }
0x3a: {  	_ = 	snop  }
0x3b: {  	_ = 	snop  }
0x3c: {  	p2 =	seq.s32 s10, $0x1;
	s10 =	sld [smem:$0x3FB2]  }
0x3d: {  	_ =	shalt  }
0x3e: {  	_ =	shalt  }
0x3f: {  	_ =	shalt  }
0x40: {  	_ =	shalt  }
0x41: {  	_ =	shalt  }
0x42: {  	_ =	shalt  }
0x43: {  	_ =	shalt  }
0x44: {  	_ =	shalt  }
0x45: {  	_ =	shalt  }
0x46: {  	_ =	shalt  }
0x47: {  	_ =	shalt  }
0x48: {  	_ =	shalt  }
0x49: {  	_ =	shalt  }
0x4a: {  	_ =	shalt  }
0x4b: {  	_ =	shalt  }
0x4c: {  	_ =	shalt  }
0x4d: {  	_ =	shalt  }
0x4e: {  	_ =	shalt  }
0x4f: {  	_ =	shalt  }
0x50: {  	_ =	shalt  }
0x51: {  	_ =	shalt  }
0x52: {  	_ =	shalt  }
0x53: {  	_ =	shalt  }
0x54: {  	_ =	shalt  }
0x55: {  	_ =	shalt  }
0x56: {  	_ =	shalt  }
0x57: {  	_ =	shalt  }
0x58: {  	_ =	shalt  }
0x59: {  	_ =	shalt  }
0x5a: {  	_ =	shalt  }
0x5b: {  	_ =	shalt  }
0x5c: {  	_ =	shalt  }
0x5d: {  	_ =	shalt  }
0x5e: {  	_ =	shalt  }
0x5f: {  	_ =	shalt  }
0x60: {  	_ =	shalt  }
0x61: {  	_ =	shalt  }
0x62: {  	_ =	shalt  }
0x63: {  	_ =	shalt  }
0x64: {  	_ =	shalt  }
0x65: {  	_ =	shalt  }
0x66: {  	_ =	shalt  }
0x67: {  	_ =	shalt  }
0x68: {  	_ =	shalt  }
0x69: {  	_ =	shalt  }
0x6a: {  	_ =	shalt  }
0x6b: {  	_ =	shalt  }
0x6c: {  	_ =	shalt  }
0x6d: {  	_ =	shalt  }
0x6e: {  	_ =	shalt  }
0x6f: {  	_ =	shalt  }
0x70: {  	_ =	shalt  }
0x71: {  	_ =	shalt  }
0x72: {  	_ =	shalt  }
0x73: {  	_ =	shalt  }
0x74: {  	_ =	shalt  }
0x75: {  	_ =	shalt  }
0x76: {  	_ =	shalt  }
0x77: {  	_ =	shalt  }
0x78: {  	_ =	shalt  }
0x79: {  	_ =	shalt  }
0x7a: {  	_ =	shalt  }
0x7b: {  	_ =	shalt  }
0x7c: {  	_ =	shalt  }
0x7d: {  	_ =	shalt  }
0x7e: {  	_ =	shalt  }
0x7f: {  	_ =	shalt  }
0x80: {  	_ =	shalt  }
0x81: {  	_ =	shalt  }
0x82: {  	_ =	shalt  }
0x83: {  	_ =	shalt  }
0x84: {  	_ =	shalt  }
0x85: {  	_ =	shalt  }
0x86: {  	_ =	shalt  }
0x87: {  	_ =	shalt  }
.Lfunc_end0:
.L_simem_size_0:
called_computation_lowered:
.L_overlay_start_0:
0x88: {  	s2 =	sld [smem:$0x3FD9]  }
0x89: {  	s3 =	sld [smem:$0x3FFE];
	_ =	sdelay $0x1  }
0x8a: {  	s1 =	srdreg.scid  }
0x8b: {  	s0 =	sand.u32 $0x1, s1  }
0x8c: {  	s17 =	sshll.u32 s0, $0xA;
	s2 =	sadd.s32 s3, s2  }
0x8d: {  	s2 =	sadd.s32 s2, s17  }
0x8e: {  	[smem:$0x3FBE] =	sst s2  }
0x8f: {  	_ = 	snop  }
0x90: {  	s2 =	sld [smem:$0x3FD0];
	(tm) =	ssettm $0x1  }
0x91: {  	s18 =	sld [smem:$0x3FFB];
	_ =	sdelay $0x3  }
0x92: {  	_ =	strace s18  }
0x93: {  	s3 =	sld [smem:$0x3FFC];
	_ =	sdelay $0x3  }
0x94: {  	_ =	strace s3  }
0x95: {  	s3 =	sld [smem:$0x3FFD];
	_ =	sdelay $0x3  }
0x96: {  	_ =	strace s3  }
0x97: {  	_ =	strace $0x8FFFFFFF  }
0x98: {  	s19 =	sld [smem:$0x3FDB];
	_ =	sdelay $0x1  }
0x99: {  	s4 =	simm.s32 $_scs_section_size  }
0x9a: {  	s5 =	simm.s32 $_size__tile_overlayer_lowered;
	s6 =	simm.s32 $_tile_overlayer_lowered  }
0x9b: {  	s22 =	simm.s32 $0x1BFF;
	s21 =	sshll.u32 s6, $0x1;
	s3 =	sadd.s32 s4, s19  }
0x9c: {  	s7 =	simm.s32 $0x0;
	s20 =	sshll.u32 s5, $0x1;
	s5 =	sadd.s32 s21, s3  }
0x9d: {  	[timem:s7], [sflag:s22] =	dma.local [hbm:s5], s20  }
0x9e: {  	_ =	swait.ge [sflag:s22], s20  }
0x9f: {  	s4 =	ssub.s32 $0x0, s20;
	[sflag:s22] =	ssyncset.done $0x0  }
0xa0: {  	[sflag:s22] =	ssyncadd.s32 s4;
	_ =	sdelay $0x1  }
0xa1: {  	s23 =	simm.s32 $0x1B8B  }
0xa2: {  	_ =	swait.ge [sflag:s23], $0x1  }
0xa3: {  	[sflag:s23] =	ssyncset.done $0x0  }
0xa4: {  	s25 =	simm.s32 $0x1B8E;
	s24 =	sld [smem:$0x3FFE];
	[sflag:s23] =	ssyncadd.s32 $0xFFFFFFFF  }
0xa5: {  	s26 =	simm.s32 $execute0_lowered;
	[smem:$0x3FD2] =	sst s25  }
0xa6: {  	s5 =	sshll.u32 s26, $0x1;
	_ =	strace $0x80000046;
	[dreg:$0x1] =	wrdreg $0xFFFFFFFF  }
0xa7: {  	s28 =	simm.s32 $_size_execute0_lowered;
	s3 =	sadd.s32 s3, s5;
	[dreg:$0x0] =	wrdreg $0x0  }
0xa8: {  	s5 =	sshll.u32 s28, $0x1;
	[dreg:$0x2] =	wrdreg s3  }
0xa9: {  	[dreg:$0x3] =	wrdreg s5  }
0xaa: {  	[dreg:$0x4] =	wrdreg $0xC0  }
0xab: {  	_ =	task [dreg:s7], $0x5FFFF  }
0xac: {  	[dreg:$0x1] =	wrdreg $0xFFFFFFFF  }
0xad: {  	[dreg:$0x0] =	wrdreg $0x60  }
0xae: {  	[dreg:$0x2] =	wrdreg s2  }
0xaf: {  	[dreg:$0x3] =	wrdreg s24  }
0xb0: {  	[dreg:$0x4] =	wrdreg $0x9  }
0xb1: {  	_ =	task.clear_ibuf [dreg:s7], $0x5FFFF;
	_ =	strace $0x90000046  }
0xb2: {  	s29 =	simm.s32 $0x9;
	_ =	strace $0x80000048  }
0xb3: {  	_ =	swait.ge [sflag:s29], $0x1  }
0xb4: {  	[sflag:s29] =	ssyncadd.s32 $0xFFFFFFFF  }
0xb5: {  	_ =	strace $0x90000048  }
0xb6: {  	_ =	sfence  }
0xb7: {  	s30 =	sld [smem:$0x0];
	_ =	sdelay $0x2  }
0xb8: {  	s31 =	sshll.u32 s1, $0xD;
	s1 =	sshrl.u32 s1, $0x2  }
0xb9: {  	s3 =	sand.u32 $0x4000, s31;
	s1 =	sadd.s32 s1, s30  }
0xba: {  	s0 =	sor.u32 s3, s0;
	s1 =	sshll.u32 s1, $0x11  }
0xbb: {  	s0 =	sor.u32 s1, s0  }
0xbc: {  	s0 =	sadd.s32 $0x8F2B, s0  }
0xbd: {  	[sflag:s0] =	ssyncadd.remote.s32 $0x1  }
0xbe: {  	_ =	sfence.sel $0xFFFF  }
0xbf: {  	[dreg:$0x0] =	wrdreg $0xFFFFFFFF;
	(pc) =	sbr.abs _section_cstart, $3  }
0xc0: {  	[dreg:$0x1] =	wrdreg $0xFFFFFFFF  }
0xc1: {  	_ =	task.clear_ibuf [dreg:s7], $0x2FFFF;
	_ =	strace $0x9FFFFFFF  }
0xc2: {  	(tm) =	ssettm $0x7FFFFFFF  }
0xc3: {  	_ =	shalt  }
tec
execute0_lowered:
.L_overlay_start_1:
0x0: {  	(tag) =	ssettag $0x1  }
0x1: {  	s2 =	rddreg [dreg:$0x0]  }
0x2: {  	s0 =	rddreg [dreg:$0x1]  }
0x3: {  	s1 =	srdreg.scid;
	s4 =	stileid.u32;
	s3 =	simm.s32 $0x0  }
0x4: {  	s12 =	simm.s32 $0x7;
	s14 =	simm.s32 $0x50;
	s15 =	simm.s32 $0x5000  }
0x5: {  	s16 =	simm.s32 $0x7800;
	s18 =	simm.s32 $0xC800;
	s20 =	simm.s32 $0xF000  }
0x6: {  	s21 =	simm.s32 $0x1;
	s22 =	simm.s32 $0x2;
	s23 =	simm.s32 $0xA000  }
0x7: {  	s24 =	simm.s32 $0x4;
	s1 =	sand.u32 $0x1, s1;
	s4 =	sshll.u32 s4, $0x1  }
0x8: {  	s25 =	simm.s32 $0x5;
	s28 =	simm.s32 $0x3;
	s6 =	sor.u32 s1, s4  }
0x9: {  	s29 =	simm.s32 $0x6;
	[smem:$0x7FF] =	sst s3;
	s5 =	smul.u32 $0x500, s6  }
0xa: {  	s30 =	simm.s32 $0x0;
	_ =	strace $0x80000047;
	s7 =	smul.u32 $0xBB800, s6  }
0xb: {  	s4 =	sadd.s32 $0x19A00, s0;
	s1 =	ssub.s32 $0x2, s1;
	s6 =	smul.u32 $0x1770, s6  }
0xc: {  	s26 =	sshrl.u32 s1, $0x1;
	s8 =	sadd.s32 s5, s0;
	s5 =	sadd.s32 $0x40C00, s0  }
0xd: {  	s0 =	ssub.s32 s1, s26;
	s31 =	sshrl.u32 s7, $0x3;
	s9 =	sadd.s32 $0x50, s6  }
0xe: {  	s26 =	simm.s32 $0x11800;
	s7 =	sadd.s32 $0xFA00, s8;
	s1 =	sadd.s32 s5, s31  }
0xf: {  	s8 =	sadd.s32 $0x5A00, s8;
	s11 =	smax.u32 s0, $0x1;
	s10 =	sadd.s32 $0x17200, s1  }
.LBB2_1:
0x10: {  	[tilespmem:s3], [sflag:$0x7] =	stream.linear.gather [hbm4b:s7+s3], $0x2580, $0x38;
	[tilespmem:$0x14000] =	vst v63  }
0x11: {  	_ =	swait.ge [sflag:s12], $0x2580  }
0x12: {  	[sflag:s12] =	ssyncset.done $0x0  }
0x13: {  	s0 =	simm.s32 $0x2800;
	[sflag:s12] =	ssyncadd.s32 $0xFFFFDA80  }
0x14: {  	[tilespmem:s0], [sflag:$0x7] =	stream.linear.gather [hbm4b:s8+s3], $0x2580, $0x38;
	[tilespmem:$0x14000] =	vst v63  }
0x15: {  	_ =	swait.ge [sflag:s12], $0x2580  }
0x16: {  	[sflag:s12] =	ssyncset.done $0x0  }
0x17: {  	[sflag:s12] =	ssyncadd.s32 $0xFFFFDA80  }
0x18: {  	[tilespmem:s15], [sflag:$0x1] =	stream.indirect.gather [hbm4b:s2+s14], $0x80, s3, s14, $0xb8;
	[tilespmem:$0x14000] =	vst v63  }
0x19: {  	_ = 	snop  }
0x1a: {  	[tilespmem:s16], [sflag:$0x2] =	stream.indirect.gather [hbm4b:s4+s14], $0x80, s0, s14, $0xb8;
	[tilespmem:$0x14000] =	vst v63  }
0x1b: {  	s17 =	simm.s32 $0x80  }
0x1c: {  	[tilespmem:s18], [sflag:$0x4] =	stream.indirect.gather [hbm4b:s2+s14], $0x80, s17, s14, $0xb8;
	[tilespmem:$0x14000] =	vst v63  }
0x1d: {  	s19 =	simm.s32 $0x2880;
	s31 =	simm.s32 $0x0  }
0x1e: {  	[tilespmem:s20], [sflag:$0x5] =	stream.indirect.gather [hbm4b:s4+s14], $0x80, s19, s14, $0xb8;
	[tilespmem:$0x14000] =	vst v63  }
.LBB2_2:
0x1f: {  	_ =	swait.ge [sflag:s21], $0x2800  }
0x20: {  	[sflag:s21] =	ssyncset.done $0x0  }
0x21: {  	[sflag:s21] =	ssyncadd.s32 $0xFFFFD800  }
0x22: {  	_ =	swait.ge [sflag:s22], $0x2800  }
0x23: {  	p0 =	seq.s32 s31, $0x0;
	[sflag:s22] =	ssyncset.done $0x0  }
0x24: {  	s0 =	simm.s32 @!p0 $0x3;
	[sflag:s22] =	ssyncadd.s32 $0xFFFFD800  }
0x25: {  	_ =	swait.ge @!p0 [sflag:s0], $0x2800  }
0x26: {  	[sflag:s0] =	ssyncset.done @!p0 $0x0  }
0x27: {  	s1 =	simm.s32 $0x0;
	[sflag:s0] =	ssyncadd.s32 @!p0 $0xFFFFD800  }
0x28: {  	v0 =	vld [tilespmem:s1+$0x5070]  }
0x29: {  	v1 =	vld [tilespmem:s1+$0x7870]  }
0x2a: {  	v2 =	vld [tilespmem:s1+$0x5000]  }
0x2b: {  	v4 =	vld [tilespmem:s1+$0x5010]  }
0x2c: {  	v5 =	vld [tilespmem:s1+$0x7810]  }
0x2d: {  	v7 =	vld [tilespmem:s1+$0x5020]  }
0x2e: {  	v9 =	vld [tilespmem:s1+$0x7820]  }
0x2f: {  	v18 =	vld [tilespmem:s1+$0x7850];
	v6 =	vshll.u32 v0, $0x10  }
0x30: {  	v3 =	vld [tilespmem:s1+$0x7800];
	v8 =	vshll.u32 v1, $0x10;
	v0 =	vand.u32 $0xFFFF0000, v0;
	v1 =	vand.u32 $0xFFFF0000, v1  }
0x31: {  	v15 =	vld [tilespmem:s1+$0x7840];
	v10 =	vshll.u32 v2, $0x10;
	v2 =	vand.u32 $0xFFFF0000, v2;
	v12 =	vshll.u32 v4, $0x10  }
0x32: {  	v14 =	vshll.u32 v5, $0x10;
	v4 =	vand.u32 $0xFFFF0000, v4;
	v5 =	vand.u32 $0xFFFF0000, v5  }
0x33: {  	v11 =	vld [tilespmem:s1+$0x7830];
	v16 =	vshll.u32 v7, $0x10;
	v17 =	vshll.u32 v9, $0x10;
	v7 =	vand.u32 $0xFFFF0000, v7  }
0x34: {  	v13 =	vld [tilespmem:s1+$0x5040];
	v60 =	vshll.u32 v18, $0x10;
	v18 =	vand.u32 $0xFFFF0000, v18;
	v6 =	vadd.f32 v8, v6  }
0x35: {  	v0 =	vadd.f32 v1, v0;
	v8 =	vshll.u32 v3, $0x10;
	v3 =	vand.u32 $0xFFFF0000, v3  }
0x36: {  	v12 =	vadd.f32 v14, v12;
	v14 =	vshll.u32 v15, $0x10;
	v4 =	vadd.f32 v5, v4  }
0x37: {  	v15 =	vand.u32 $0xFFFF0000, v15;
	v16 =	vadd.f32 v17, v16;
	v8 =	vadd.f32 v8, v10  }
0x38: {  	v1 =	vld [tilespmem:s1+$0x5030];
	v10 =	vshll.u32 v11, $0x10;
	v11 =	vand.u32 $0xFFFF0000, v11;
	v2 =	vadd.f32 v3, v2  }
0x39: {  	v19 =	vld [tilespmem:s1+$0x5060];
	v3 =	vshll.u32 v13, $0x10;
	v13 =	vand.u32 $0xFFFF0000, v13;
	v6 =	vadd.s32 $0x8000, v6  }
0x3a: {  	v20 =	vld [tilespmem:s1+$0x7860];
	v0 =	vadd.s32 $0x8000, v0;
	v3 =	vadd.f32 v14, v3;
	v14 =	vadd.s32 $0x8000, v12  }
0x3b: {  	v6 =	vshrl.u32 v6, $0x10;
	v0 =	vand.u32 $0xFFFF0000, v0;
	v8 =	vadd.s32 $0x8000, v8  }
0x3c: {  	v0 =	vor.u32 v0, v6;
	v63 =	vadd.s32 $0x8000, v3;
	v8 =	vshrl.u32 v8, $0x10  }
0x3d: {  	[tilespmem:s1+$0xA070] =	vst v0;
	v0 =	vand.u32 $0xFFFF0000, v9;
	v9 =	vshll.u32 v1, $0x10;
	v1 =	vand.u32 $0xFFFF0000, v1  }
0x3e: {  	v6 =	vld [tilespmem:s1+$0x5050];
	v0 =	vadd.f32 v0, v7;
	v7 =	vshll.u32 v19, $0x10;
	v19 =	vand.u32 $0xFFFF0000, v19  }
0x3f: {  	v9 =	vadd.f32 v10, v9;
	v10 =	vshll.u32 v20, $0x10;
	v20 =	vand.u32 $0xFFFF0000, v20  }
0x40: {  	v1 =	vadd.f32 v11, v1;
	v11 =	vadd.s32 $0x8000, v2;
	v2 =	vadd.f32 v15, v13  }
0x41: {  	v15 =	vadd.s32 $0x8000, v16;
	v7 =	vadd.f32 v10, v7;
	v10 =	vadd.s32 $0x8000, v4  }
0x42: {  	v12 =	vadd.f32 v20, v19;
	v0 =	vadd.s32 $0x8000, v0;
	v61 =	vadd.s32 $0x8000, v9  }
0x43: {  	v62 =	vadd.s32 $0x8000, v1;
	v9 =	vand.u32 $0xFFFF0000, v10;
	v5 =	vshll.u32 v6, $0x10  }
0x44: {  	v6 =	vand.u32 $0xFFFF0000, v6;
	v1 =	vadd.s32 $0x8000, v12;
	v12 =	vand.u32 $0xFFFF0000, v11  }
0x45: {  	v10 =	vand.u32 $0xFFFF0000, v0;
	v13 =	vadd.f32 v60, v5;
	v6 =	vadd.f32 v18, v6  }
0x46: {  	v11 =	vshrl.u32 v63, $0x10;
	v5 =	vadd.s32 $0x8000, v2;
	v2 =	vadd.s32 $0x8000, v7  }
0x47: {  	s17 =	simm.s32 $0x80;
	v7 =	vshrl.u32 v15, $0x10;
	v3 =	vadd.s32 $0x8000, v13;
	v4 =	vadd.s32 $0x8000, v6  }
0x48: {  	s19 =	simm.s32 $0x400;
	s0 =	sshll.u32 s31, $0x8;
	v0 =	vld [tilespmem:s17+$0x5070];
	v6 =	vshrl.u32 v14, $0x10;
	v13 =	vshrl.u32 v61, $0x10;
	v14 =	vand.u32 $0xFFFF0000, v62  }
.LBB2_3:
0x49: {  	p1 =	sne.s32 s19, $0x9E00;
	v15 =	vld [tilespmem:s17+$0x7870];
	v5 =	vand.u32 $0xFFFF0000, v5;
	v3 =	vshrl.u32 v3, $0x10;
	v4 =	vand.u32 $0xFFFF0000, v4  }
0x4a: {  	v8 =	vor.u32 v12, v8;
	v2 =	vshrl.u32 v2, $0x10;
	v1 =	vand.u32 $0xFFFF0000, v1;
	v16 =	vld [tilespmem:s17+$0x5000]  }
0x4b: {  	v6 =	vor.u32 v9, v6;
	v7 =	vor.u32 v10, v7;
	v12 =	vld [tilespmem:s17+$0x7800];
	[tilespmem:s1+$0xA000] =	vst v8;
	v8 =	vor.u32 v14, v13  }
0x4c: {  	v5 =	vor.u32 v5, v11;
	v3 =	vor.u32 v4, v3;
	v1 =	vor.u32 v1, v2;
	v9 =	vld [tilespmem:s17+$0x5010];
	[tilespmem:s1+$0xA010] =	vst v6  }
0x4d: {  	v2 =	vld [tilespmem:s17+$0x7810];
	v4 =	vshll.u32 v0, $0x10;
	[tilespmem:s1+$0xA020] =	vst v7  }
0x4e: {  	v0 =	vand.u32 $0xFFFF0000, v0;
	v6 =	vld [tilespmem:s17+$0x5020];
	v7 =	vshll.u32 v15, $0x10;
	v10 =	vand.u32 $0xFFFF0000, v15;
	[tilespmem:s1+$0xA030] =	vst v8  }
0x4f: {  	v8 =	vshll.u32 v16, $0x10;
	v11 =	vld [tilespmem:s17+$0x7820];
	v4 =	vadd.f32 v7, v4;
	v0 =	vadd.f32 v10, v0;
	[tilespmem:s1+$0xA040] =	vst v5  }
0x50: {  	v7 =	vand.u32 $0xFFFF0000, v16;
	v5 =	vshll.u32 v12, $0x10;
	v10 =	vand.u32 $0xFFFF0000, v12;
	v12 =	vld [tilespmem:s17+$0x5030];
	[tilespmem:s1+$0xA050] =	vst v3  }
0x51: {  	v3 =	vshll.u32 v9, $0x10;
	v13 =	vld [tilespmem:s17+$0x7830];
	v4 =	vadd.s32 $0x8000, v4;
	v0 =	vadd.s32 $0x8000, v0;
	[tilespmem:s1+$0xA060] =	vst v1;
	s1 =	smov.u32 s17  }
0x52: {  	v1 =	vshll.u32 v2, $0x10;
	v14 =	vld [tilespmem:s1+$0x5040];
	v4 =	vshrl.u32 v4, $0x10;
	v0 =	vand.u32 $0xFFFF0000, v0  }
0x53: {  	v9 =	vand.u32 $0xFFFF0000, v9;
	v2 =	vand.u32 $0xFFFF0000, v2;
	v15 =	vld [tilespmem:s1+$0x7840];
	v0 =	vor.u32 v0, v4  }
0x54: {  	v4 =	vshll.u32 v6, $0x10;
	v6 =	vand.u32 $0xFFFF0000, v6;
	v16 =	vshll.u32 v11, $0x10;
	v17 =	vld [tilespmem:s1+$0x5050];
	[tilespmem:s1+$0xA070] =	vst v0  }
0x55: {  	v0 =	vand.u32 $0xFFFF0000, v11;
	v11 =	vshll.u32 v12, $0x10;
	v12 =	vand.u32 $0xFFFF0000, v12;
	v18 =	vld [tilespmem:s1+$0x7850]  }
0x56: {  	v5 =	vadd.f32 v5, v8;
	v8 =	vshll.u32 v13, $0x10;
	v13 =	vand.u32 $0xFFFF0000, v13;
	v19 =	vld [tilespmem:s1+$0x5060]  }
0x57: {  	v7 =	vadd.f32 v10, v7;
	v10 =	vshll.u32 v14, $0x10;
	v14 =	vand.u32 $0xFFFF0000, v14;
	v20 =	vld [tilespmem:s1+$0x7860]  }
0x58: {  	v1 =	vadd.f32 v1, v3;
	v3 =	vshll.u32 v15, $0x10;
	v15 =	vand.u32 $0xFFFF0000, v15  }
0x59: {  	v2 =	vadd.f32 v2, v9;
	v9 =	vshll.u32 v17, $0x10;
	v17 =	vand.u32 $0xFFFF0000, v17  }
0x5a: {  	v4 =	vadd.f32 v16, v4;
	v16 =	vshll.u32 v18, $0x10;
	v18 =	vand.u32 $0xFFFF0000, v18  }
0x5b: {  	v0 =	vadd.f32 v0, v6;
	v6 =	vshll.u32 v19, $0x10;
	v19 =	vand.u32 $0xFFFF0000, v19  }
0x5c: {  	v8 =	vadd.f32 v8, v11;
	v11 =	vshll.u32 v20, $0x10;
	v20 =	vand.u32 $0xFFFF0000, v20  }
0x5d: {  	v21 =	vadd.s32 $0x8000, v5;
	v5 =	vadd.f32 v13, v12;
	v3 =	vadd.f32 v3, v10  }
0x5e: {  	v7 =	vadd.s32 $0x8000, v7;
	v10 =	vadd.f32 v15, v14;
	v9 =	vadd.f32 v16, v9  }
0x5f: {  	v13 =	vadd.s32 $0x8000, v1;
	v1 =	vadd.f32 v18, v17;
	v6 =	vadd.f32 v11, v6  }
0x60: {  	v14 =	vadd.s32 $0x8000, v4;
	v11 =	vadd.s32 $0x8000, v2;
	v12 =	vadd.f32 v20, v19  }
0x61: {  	v0 =	vadd.s32 $0x8000, v0;
	v15 =	vadd.s32 $0x8000, v8;
	v16 =	vadd.s32 $0x8000, v5  }
.Ltmp0:
0x62: {  	v17 =	vadd.s32 $0x8000, v3;
	v5 =	vadd.s32 $0x8000, v10;
	v3 =	vadd.s32 $0x8000, v9;
	(pc) =	sbr.rel @p1 .LBB2_3-.Ltmp0, $4  }
0x63: {  	v4 =	vadd.s32 $0x8000, v1;
	v2 =	vadd.s32 $0x8000, v6;
	v1 =	vadd.s32 $0x8000, v12  }
0x64: {  	v8 =	vshrl.u32 v21, $0x10;
	v12 =	vand.u32 $0xFFFF0000, v7;
	v6 =	vshrl.u32 v13, $0x10  }
0x65: {  	s17 =	sshra.s32 s19, $0x2;
	v10 =	vand.u32 $0xFFFF0000, v0;
	v9 =	vand.u32 $0xFFFF0000, v11;
	v7 =	vshrl.u32 v14, $0x10  }
0x66: {  	s19 =	sadd.s32 $0x200, s19;
	v11 =	vshrl.u32 v17, $0x10;
	v13 =	vshrl.u32 v15, $0x10;
	v14 =	vand.u32 $0xFFFF0000, v16;
	v0 =	vld [tilespmem:s17+$0x5070]  }
0x67: {  	v15 =	vld [tilespmem:s17+$0x7870]  }
0x68: {  	v16 =	vld [tilespmem:s17+$0x5000];
	v8 =	vor.u32 v12, v8;
	v6 =	vor.u32 v9, v6;
	v5 =	vand.u32 $0xFFFF0000, v5  }
0x69: {  	v12 =	vld [tilespmem:s17+$0x7800];
	v3 =	vshrl.u32 v3, $0x10;
	v4 =	vand.u32 $0xFFFF0000, v4;
	v2 =	vshrl.u32 v2, $0x10;
	[tilespmem:s1+$0xA000] =	vst v8  }
0x6a: {  	v1 =	vand.u32 $0xFFFF0000, v1;
	v5 =	vor.u32 v5, v11;
	v8 =	vld [tilespmem:s17+$0x5010];
	[tilespmem:s1+$0xA010] =	vst v6;
	v6 =	vor.u32 v10, v7  }
0x6b: {  	v3 =	vor.u32 v4, v3;
	v7 =	vld [tilespmem:s17+$0x7810];
	[tilespmem:s1+$0xA020] =	vst v6;
	v6 =	vor.u32 v14, v13;
	v4 =	vshll.u32 v0, $0x10  }
0x6c: {  	v9 =	vld [tilespmem:s17+$0x5020];
	[tilespmem:s1+$0xA030] =	vst v6;
	v0 =	vand.u32 $0xFFFF0000, v0;
	v10 =	vshll.u32 v15, $0x10;
	v11 =	vand.u32 $0xFFFF0000, v15  }
0x6d: {  	v1 =	vor.u32 v1, v2;
	v6 =	vld [tilespmem:s17+$0x7820];
	[tilespmem:s1+$0xA040] =	vst v5;
	v2 =	vadd.f32 v10, v4;
	v0 =	vadd.f32 v11, v0  }
0x6e: {  	v5 =	vld [tilespmem:s17+$0x5030];
	[tilespmem:s1+$0xA050] =	vst v3;
	v4 =	vshll.u32 v16, $0x10;
	v10 =	vshll.u32 v12, $0x10;
	v11 =	vand.u32 $0xFFFF0000, v16  }
0x6f: {  	v3 =	vld [tilespmem:s17+$0x7830];
	[tilespmem:s1+$0xA060] =	vst v1;
	v1 =	vand.u32 $0xFFFF0000, v12;
	v13 =	vshll.u32 v8, $0x10;
	v8 =	vand.u32 $0xFFFF0000, v8  }
0x70: {  	v4 =	vadd.f32 v10, v4;
	v2 =	vadd.s32 $0x8000, v2;
	v0 =	vadd.s32 $0x8000, v0  }
0x71: {  	v15 =	vshll.u32 v7, $0x10;
	v7 =	vand.u32 $0xFFFF0000, v7;
	v1 =	vadd.f32 v1, v11  }
0x72: {  	v2 =	vshrl.u32 v2, $0x10;
	v0 =	vand.u32 $0xFFFF0000, v0;
	v53 =	vshll.u32 v9, $0x10  }
0x73: {  	v12 =	vld [tilespmem:s17+$0x5040];
	v13 =	vadd.f32 v15, v13;
	v7 =	vadd.f32 v7, v8;
	v4 =	vadd.s32 $0x8000, v4  }
0x74: {  	v14 =	vld [tilespmem:s17+$0x7840];
	v0 =	vor.u32 v0, v2;
	v17 =	vshll.u32 v6, $0x10;
	v6 =	vand.u32 $0xFFFF0000, v6  }
0x75: {  	v18 =	vld [tilespmem:s17+$0x7850];
	v1 =	vadd.s32 $0x8000, v1;
	v4 =	vshrl.u32 v4, $0x10;
	[tilespmem:s17+$0xA070] =	vst v0;
	v0 =	vand.u32 $0xFFFF0000, v9  }
0x76: {  	v19 =	vld [tilespmem:s17+$0x5060];
	v9 =	vshll.u32 v5, $0x10;
	v5 =	vand.u32 $0xFFFF0000, v5;
	v16 =	vadd.f32 v17, v53  }
0x77: {  	v20 =	vld [tilespmem:s17+$0x7860];
	v7 =	vadd.s32 $0x8000, v7;
	v1 =	vand.u32 $0xFFFF0000, v1;
	v10 =	vshll.u32 v3, $0x10  }
0x78: {  	v3 =	vand.u32 $0xFFFF0000, v3;
	v0 =	vadd.f32 v6, v0;
	v7 =	vand.u32 $0xFFFF0000, v7  }
0x79: {  	v1 =	vor.u32 v1, v4;
	v11 =	vshll.u32 v12, $0x10;
	v12 =	vand.u32 $0xFFFF0000, v12  }
0x7a: {  	v2 =	vld [tilespmem:s17+$0x5050];
	v15 =	vshll.u32 v14, $0x10;
	v14 =	vand.u32 $0xFFFF0000, v14;
	v54 =	vshll.u32 v18, $0x10  }
0x7b: {  	v18 =	vand.u32 $0xFFFF0000, v18;
	v6 =	vshll.u32 v19, $0x10;
	v19 =	vand.u32 $0xFFFF0000, v19  }
0x7c: {  	v9 =	vadd.f32 v10, v9;
	v10 =	vshll.u32 v20, $0x10;
	v3 =	vadd.f32 v3, v5  }
0x7d: {  	v20 =	vand.u32 $0xFFFF0000, v20;
	v5 =	vadd.f32 v15, v11;
	v11 =	vadd.f32 v14, v12  }
0x7e: {  	v12 =	vadd.s32 $0x8000, v13;
	v6 =	vadd.f32 v10, v6;
	v10 =	vadd.s32 $0x8000, v16  }
0x7f: {  	v13 =	vadd.f32 v20, v19;
	v0 =	vadd.s32 $0x8000, v0;
	v8 =	vshll.u32 v2, $0x10  }
0x80: {  	v2 =	vand.u32 $0xFFFF0000, v2;
	v9 =	vadd.s32 $0x8000, v9;
	v3 =	vadd.s32 $0x8000, v3  }
0x81: {  	v12 =	vshrl.u32 v12, $0x10;
	v4 =	vshrl.u32 v10, $0x10;
	v0 =	vand.u32 $0xFFFF0000, v0  }
0x82: {  	v8 =	vadd.f32 v54, v8;
	v2 =	vadd.f32 v18, v2;
	v5 =	vadd.s32 $0x8000, v5  }
0x83: {  	v11 =	vadd.s32 $0x8000, v11;
	v6 =	vadd.s32 $0x8000, v6;
	v13 =	vadd.s32 $0x8000, v13  }
0x84: {  	[tilespmem:s17+$0xA000] =	vst v1;
	v1 =	vor.u32 v7, v12;
	v7 =	vshrl.u32 v9, $0x10;
	v3 =	vand.u32 $0xFFFF0000, v3  }
0x85: {  	v0 =	vor.u32 v0, v4;
	[tilespmem:s17+$0xA010] =	vst v1;
	v1 =	vshrl.u32 v5, $0x10;
	v4 =	vand.u32 $0xFFFF0000, v11  }
0x86: {  	s1 =	smul.u32 $0xA0, s31;
	v3 =	vor.u32 v3, v7;
	[tilespmem:s17+$0xA020] =	vst v0;
	v8 =	vadd.s32 $0x8000, v8;
	v2 =	vadd.s32 $0x8000, v2  }
0x87: {  	v1 =	vor.u32 v4, v1;
	[tilespmem:s17+$0xA030] =	vst v3;
	v3 =	vshrl.u32 v6, $0x10;
	v4 =	vand.u32 $0xFFFF0000, v13  }
0x88: {  	s13 =	sadd.s32 s6, s1;
	v0 =	vshrl.u32 v8, $0x10;
	v2 =	vand.u32 $0xFFFF0000, v2;
	[tilespmem:s17+$0xA040] =	vst v1;
	v1 =	vor.u32 v4, v3  }
0x89: {  	s13 =	sshll.u32 s13, $0x4;
	v0 =	vor.u32 v2, v0;
	[tilespmem:s17+$0xA060] =	vst v1  }
0x8a: {  	s13 =	sadd.s32 s5, s13;
	[tilespmem:s17+$0xA050] =	vst v0  }
0x8b: {  	[hbm4b:s13+s3] =	stream.linear.scatter [tilespmem:s23], [sflag:$0x3], $0x2800, $0x38;
	[tilespmem:$0x14000] =	vst v63  }
0x8c: {  	s17 =	sadd.s32 $0x100, s0  }
0x8d: {  	[tilespmem:s15], [sflag:$0x1] =	stream.indirect.gather [hbm4b:s2+s14], $0x80, s17, s14, $0xb8;
	[tilespmem:$0x14000] =	vst v63  }
0x8e: {  	s19 =	sadd.s32 $0x2900, s0  }
0x8f: {  	[tilespmem:s16], [sflag:$0x2] =	stream.indirect.gather [hbm4b:s4+s14], $0x80, s19, s14, $0xb8;
	[tilespmem:$0x14000] =	vst v63  }
0x90: {  	_ =	swait.ge [sflag:s24], $0x2800  }
0x91: {  	[sflag:s24] =	ssyncset.done $0x0  }
0x92: {  	[sflag:s24] =	ssyncadd.s32 $0xFFFFD800  }
0x93: {  	_ =	swait.ge [sflag:s25], $0x2800  }
0x94: {  	[sflag:s25] =	ssyncset.done $0x0  }
0x95: {  	s13 =	simm.s32 @!p0 $0x6;
	[sflag:s25] =	ssyncadd.s32 $0xFFFFD800  }
0x96: {  	_ =	swait.ge @!p0 [sflag:s13], $0x2800  }
0x97: {  	[sflag:s13] =	ssyncset.done @!p0 $0x0  }
0x98: {  	s17 =	simm.s32 $0x0;
	[sflag:s13] =	ssyncadd.s32 @!p0 $0xFFFFD800  }
0x99: {  	v0 =	vld [tilespmem:s17+$0xC870]  }
0x9a: {  	v1 =	vld [tilespmem:s17+$0xF070]  }
0x9b: {  	v2 =	vld [tilespmem:s17+$0xC800]  }
0x9c: {  	v4 =	vld [tilespmem:s17+$0xC810]  }
0x9d: {  	v5 =	vld [tilespmem:s17+$0xF010]  }
0x9e: {  	v7 =	vld [tilespmem:s17+$0xC820]  }
0x9f: {  	v9 =	vld [tilespmem:s17+$0xF020]  }
0xa0: {  	v57 =	vld [tilespmem:s17+$0xF050]  }
0xa1: {  	v58 =	vld [tilespmem:s17+$0xC860];
	v6 =	vshll.u32 v0, $0x10  }
0xa2: {  	v59 =	vld [tilespmem:s17+$0xF060];
	v8 =	vshll.u32 v1, $0x10;
	v0 =	vand.u32 $0xFFFF0000, v0;
	v1 =	vand.u32 $0xFFFF0000, v1  }
0xa3: {  	v3 =	vld [tilespmem:s17+$0xF000];
	v10 =	vshll.u32 v2, $0x10;
	v2 =	vand.u32 $0xFFFF0000, v2;
	v12 =	vshll.u32 v4, $0x10  }
0xa4: {  	v15 =	vld [tilespmem:s17+$0xF040];
	v14 =	vshll.u32 v5, $0x10;
	v4 =	vand.u32 $0xFFFF0000, v4;
	v5 =	vand.u32 $0xFFFF0000, v5  }
0xa5: {  	v11 =	vld [tilespmem:s17+$0xF030];
	v55 =	vshll.u32 v7, $0x10;
	v56 =	vshll.u32 v9, $0x10;
	v7 =	vand.u32 $0xFFFF0000, v7  }
0xa6: {  	v13 =	vld [tilespmem:s17+$0xC840];
	v60 =	vshll.u32 v57, $0x10;
	v18 =	vand.u32 $0xFFFF0000, v57;
	v19 =	vand.u32 $0xFFFF0000, v58  }
0xa7: {  	v20 =	vand.u32 $0xFFFF0000, v59;
	v6 =	vadd.f32 v8, v6;
	v0 =	vadd.f32 v1, v0  }
0xa8: {  	v8 =	vshll.u32 v3, $0x10;
	v3 =	vand.u32 $0xFFFF0000, v3;
	v12 =	vadd.f32 v14, v12  }
0xa9: {  	v14 =	vshll.u32 v15, $0x10;
	v15 =	vand.u32 $0xFFFF0000, v15;
	v4 =	vadd.f32 v5, v4  }
0xaa: {  	v16 =	vadd.f32 v56, v55;
	v8 =	vadd.f32 v8, v10;
	v10 =	vshll.u32 v11, $0x10  }
0xab: {  	v1 =	vld [tilespmem:s17+$0xC830];
	v11 =	vand.u32 $0xFFFF0000, v11;
	v2 =	vadd.f32 v3, v2;
	v3 =	vshll.u32 v13, $0x10  }
0xac: {  	v13 =	vand.u32 $0xFFFF0000, v13;
	v6 =	vadd.s32 $0x8000, v6;
	v0 =	vadd.s32 $0x8000, v0  }
0xad: {  	v3 =	vadd.f32 v14, v3;
	v6 =	vshrl.u32 v6, $0x10;
	v0 =	vand.u32 $0xFFFF0000, v0  }
0xae: {  	v14 =	vadd.s32 $0x8000, v12;
	v12 =	vadd.f32 v20, v19;
	v0 =	vor.u32 v0, v6  }
0xaf: {  	v8 =	vadd.s32 $0x8000, v8;
	v63 =	vadd.s32 $0x8000, v3;
	[tilespmem:s17+$0x11870] =	vst v0;
	v0 =	vand.u32 $0xFFFF0000, v9  }
0xb0: {  	v9 =	vshll.u32 v1, $0x10;
	v1 =	vand.u32 $0xFFFF0000, v1;
	v0 =	vadd.f32 v0, v7  }
0xb1: {  	v6 =	vld [tilespmem:s17+$0xC850];
	v7 =	vshll.u32 v58, $0x10;
	v9 =	vadd.f32 v10, v9;
	v10 =	vshll.u32 v59, $0x10  }
0xb2: {  	v1 =	vadd.f32 v11, v1;
	v11 =	vadd.s32 $0x8000, v2;
	v2 =	vadd.f32 v15, v13  }
0xb3: {  	v15 =	vadd.s32 $0x8000, v16;
	v7 =	vadd.f32 v10, v7;
	v10 =	vadd.s32 $0x8000, v4  }
0xb4: {  	v0 =	vadd.s32 $0x8000, v0;
	v61 =	vadd.s32 $0x8000, v9;
	v62 =	vadd.s32 $0x8000, v1  }
0xb5: {  	v1 =	vadd.s32 $0x8000, v12;
	v9 =	vshrl.u32 v8, $0x10;
	v12 =	vand.u32 $0xFFFF0000, v11  }
0xb6: {  	v10 =	vand.u32 $0xFFFF0000, v10;
	v5 =	vshll.u32 v6, $0x10;
	v6 =	vand.u32 $0xFFFF0000, v6  }
0xb7: {  	v8 =	vshrl.u32 v63, $0x10;
	v13 =	vadd.f32 v60, v5;
	v6 =	vadd.f32 v18, v6  }
0xb8: {  	v11 =	vand.u32 $0xFFFF0000, v0;
	v5 =	vadd.s32 $0x8000, v2;
	v2 =	vadd.s32 $0x8000, v7  }
0xb9: {  	s19 =	simm.s32 $0x80;
	v7 =	vshrl.u32 v15, $0x10;
	v3 =	vadd.s32 $0x8000, v13;
	v4 =	vadd.s32 $0x8000, v6  }
0xba: {  	s13 =	simm.s32 $0x400;
	v0 =	vld [tilespmem:s19+$0xC870];
	v6 =	vshrl.u32 v14, $0x10;
	v13 =	vshrl.u32 v61, $0x10;
	v14 =	vand.u32 $0xFFFF0000, v62  }
.LBB2_5:
0xbb: {  	p0 =	sne.s32 s13, $0x9E00;
	v15 =	vld [tilespmem:s19+$0xF070];
	v5 =	vand.u32 $0xFFFF0000, v5;
	v3 =	vshrl.u32 v3, $0x10;
	v4 =	vand.u32 $0xFFFF0000, v4  }
0xbc: {  	v9 =	vor.u32 v12, v9;
	v2 =	vshrl.u32 v2, $0x10;
	v1 =	vand.u32 $0xFFFF0000, v1;
	v16 =	vld [tilespmem:s19+$0xC800]  }
0xbd: {  	v6 =	vor.u32 v10, v6;
	v7 =	vor.u32 v11, v7;
	v12 =	vld [tilespmem:s19+$0xF000];
	[tilespmem:s17+$0x11800] =	vst v9;
	v9 =	vor.u32 v14, v13  }
0xbe: {  	v5 =	vor.u32 v5, v8;
	v3 =	vor.u32 v4, v3;
	v1 =	vor.u32 v1, v2;
	v10 =	vld [tilespmem:s19+$0xC810];
	[tilespmem:s17+$0x11810] =	vst v6  }
0xbf: {  	v2 =	vld [tilespmem:s19+$0xF010];
	v4 =	vshll.u32 v0, $0x10;
	[tilespmem:s17+$0x11820] =	vst v7  }
0xc0: {  	v0 =	vand.u32 $0xFFFF0000, v0;
	v6 =	vld [tilespmem:s19+$0xC820];
	v7 =	vshll.u32 v15, $0x10;
	v8 =	vand.u32 $0xFFFF0000, v15;
	[tilespmem:s17+$0x11830] =	vst v9  }
0xc1: {  	v9 =	vshll.u32 v16, $0x10;
	v11 =	vld [tilespmem:s19+$0xF020];
	v4 =	vadd.f32 v7, v4;
	v0 =	vadd.f32 v8, v0;
	[tilespmem:s17+$0x11840] =	vst v5  }
0xc2: {  	v7 =	vand.u32 $0xFFFF0000, v16;
	v5 =	vshll.u32 v12, $0x10;
	v8 =	vand.u32 $0xFFFF0000, v12;
	v12 =	vld [tilespmem:s19+$0xC830];
	[tilespmem:s17+$0x11850] =	vst v3  }
0xc3: {  	v3 =	vshll.u32 v10, $0x10;
	v13 =	vld [tilespmem:s19+$0xF030];
	v4 =	vadd.s32 $0x8000, v4;
	v0 =	vadd.s32 $0x8000, v0;
	[tilespmem:s17+$0x11860] =	vst v1;
	s17 =	smov.u32 s19  }
0xc4: {  	v1 =	vshll.u32 v2, $0x10;
	v14 =	vld [tilespmem:s17+$0xC840];
	v4 =	vshrl.u32 v4, $0x10;
	v0 =	vand.u32 $0xFFFF0000, v0  }
0xc5: {  	v10 =	vand.u32 $0xFFFF0000, v10;
	v2 =	vand.u32 $0xFFFF0000, v2;
	v15 =	vld [tilespmem:s17+$0xF040];
	v0 =	vor.u32 v0, v4  }
0xc6: {  	v4 =	vshll.u32 v6, $0x10;
	v6 =	vand.u32 $0xFFFF0000, v6;
	v16 =	vshll.u32 v11, $0x10;
	v17 =	vld [tilespmem:s17+$0xC850];
	[tilespmem:s17+$0x11870] =	vst v0  }
0xc7: {  	v0 =	vand.u32 $0xFFFF0000, v11;
	v11 =	vshll.u32 v12, $0x10;
	v12 =	vand.u32 $0xFFFF0000, v12;
	v18 =	vld [tilespmem:s17+$0xF050]  }
0xc8: {  	v5 =	vadd.f32 v5, v9;
	v9 =	vshll.u32 v13, $0x10;
	v13 =	vand.u32 $0xFFFF0000, v13;
	v19 =	vld [tilespmem:s17+$0xC860]  }
0xc9: {  	v7 =	vadd.f32 v8, v7;
	v8 =	vshll.u32 v14, $0x10;
	v14 =	vand.u32 $0xFFFF0000, v14;
	v20 =	vld [tilespmem:s17+$0xF060]  }
0xca: {  	v1 =	vadd.f32 v1, v3;
	v3 =	vshll.u32 v15, $0x10;
	v15 =	vand.u32 $0xFFFF0000, v15  }
0xcb: {  	v2 =	vadd.f32 v2, v10;
	v10 =	vshll.u32 v17, $0x10;
	v17 =	vand.u32 $0xFFFF0000, v17  }
0xcc: {  	v4 =	vadd.f32 v16, v4;
	v16 =	vshll.u32 v18, $0x10;
	v18 =	vand.u32 $0xFFFF0000, v18  }
0xcd: {  	v0 =	vadd.f32 v0, v6;
	v6 =	vshll.u32 v19, $0x10;
	v19 =	vand.u32 $0xFFFF0000, v19  }
0xce: {  	v9 =	vadd.f32 v9, v11;
	v11 =	vshll.u32 v20, $0x10;
	v20 =	vand.u32 $0xFFFF0000, v20  }
0xcf: {  	v21 =	vadd.s32 $0x8000, v5;
	v5 =	vadd.f32 v13, v12;
	v3 =	vadd.f32 v3, v8  }
0xd0: {  	v7 =	vadd.s32 $0x8000, v7;
	v8 =	vadd.f32 v15, v14;
	v10 =	vadd.f32 v16, v10  }
0xd1: {  	v13 =	vadd.s32 $0x8000, v1;
	v1 =	vadd.f32 v18, v17;
	v6 =	vadd.f32 v11, v6  }
0xd2: {  	v14 =	vadd.s32 $0x8000, v4;
	v11 =	vadd.s32 $0x8000, v2;
	v12 =	vadd.f32 v20, v19  }
0xd3: {  	v0 =	vadd.s32 $0x8000, v0;
	v15 =	vadd.s32 $0x8000, v9;
	v16 =	vadd.s32 $0x8000, v5  }
.Ltmp1:
0xd4: {  	v17 =	vadd.s32 $0x8000, v3;
	v5 =	vadd.s32 $0x8000, v8;
	v3 =	vadd.s32 $0x8000, v10;
	(pc) =	sbr.rel @p0 .LBB2_5-.Ltmp1, $4  }
0xd5: {  	v4 =	vadd.s32 $0x8000, v1;
	v2 =	vadd.s32 $0x8000, v6;
	v1 =	vadd.s32 $0x8000, v12  }
0xd6: {  	v9 =	vshrl.u32 v21, $0x10;
	v12 =	vand.u32 $0xFFFF0000, v7;
	v6 =	vshrl.u32 v13, $0x10  }
0xd7: {  	s19 =	sshra.s32 s13, $0x2;
	v10 =	vand.u32 $0xFFFF0000, v11;
	v11 =	vand.u32 $0xFFFF0000, v0;
	v7 =	vshrl.u32 v14, $0x10  }
0xd8: {  	s13 =	sadd.s32 $0x200, s13;
	v8 =	vshrl.u32 v17, $0x10;
	v13 =	vshrl.u32 v15, $0x10;
	v14 =	vand.u32 $0xFFFF0000, v16;
	v0 =	vld [tilespmem:s19+$0xC870]  }
0xd9: {  	v15 =	vld [tilespmem:s19+$0xF070]  }
0xda: {  	v16 =	vld [tilespmem:s19+$0xC800]  }
0xdb: {  	v9 =	vor.u32 v12, v9;
	v21 =	vld [tilespmem:s19+$0xF000];
	v6 =	vor.u32 v10, v6;
	v22 =	vor.u32 v11, v7  }
0xdc: {  	v24 =	vor.u32 v14, v13;
	v5 =	vand.u32 $0xFFFF0000, v5;
	v3 =	vshrl.u32 v3, $0x10;
	[tilespmem:s17+$0x11800] =	vst v9  }
0xdd: {  	v4 =	vand.u32 $0xFFFF0000, v4;
	v2 =	vshrl.u32 v2, $0x10;
	v1 =	vand.u32 $0xFFFF0000, v1;
	v9 =	vld [tilespmem:s19+$0xC810]  }
0xde: {  	v5 =	vor.u32 v5, v8;
	v3 =	vor.u32 v4, v3;
	v1 =	vor.u32 v1, v2;
	[tilespmem:s17+$0x11810] =	vst v6  }
0xdf: {  	v23 =	vld [tilespmem:s19+$0xF010];
	[tilespmem:s17+$0x11820] =	vst v22;
	v26 =	vshll.u32 v0, $0x10;
	v28 =	vand.u32 $0xFFFF0000, v0;
	v27 =	vshll.u32 v15, $0x10  }
0xe0: {  	v25 =	vld [tilespmem:s19+$0xC820];
	[tilespmem:s17+$0x11830] =	vst v24;
	v29 =	vand.u32 $0xFFFF0000, v15;
	v31 =	vshll.u32 v16, $0x10;
	v32 =	vshll.u32 v21, $0x10  }
0xe1: {  	v6 =	vld [tilespmem:s19+$0xF020];
	[tilespmem:s17+$0x11840] =	vst v5;
	v33 =	vand.u32 $0xFFFF0000, v16;
	v34 =	vand.u32 $0xFFFF0000, v21;
	v30 =	vadd.f32 v27, v26  }
0xe2: {  	v5 =	vld [tilespmem:s19+$0xC830];
	[tilespmem:s17+$0x11850] =	vst v3;
	v0 =	vadd.f32 v29, v28;
	v4 =	vadd.f32 v32, v31;
	v36 =	vshll.u32 v9, $0x10  }
0xe3: {  	v3 =	vld [tilespmem:s19+$0xF030];
	[tilespmem:s17+$0x11860] =	vst v1;
	v9 =	vand.u32 $0xFFFF0000, v9;
	v1 =	vadd.f32 v34, v33;
	v2 =	vadd.s32 $0x8000, v30  }
0xe4: {  	v0 =	vadd.s32 $0x8000, v0;
	v38 =	vshll.u32 v23, $0x10;
	v7 =	vand.u32 $0xFFFF0000, v23  }
0xe5: {  	v4 =	vadd.s32 $0x8000, v4;
	v2 =	vshrl.u32 v2, $0x10;
	v0 =	vand.u32 $0xFFFF0000, v0  }
0xe6: {  	v35 =	vld [tilespmem:s19+$0xC840];
	v40 =	vshll.u32 v25, $0x10;
	v41 =	vand.u32 $0xFFFF0000, v25;
	v13 =	vadd.f32 v38, v36  }
0xe7: {  	v37 =	vld [tilespmem:s19+$0xF040];
	v7 =	vadd.f32 v7, v9;
	v1 =	vadd.s32 $0x8000, v1;
	v4 =	vshrl.u32 v4, $0x10  }
0xe8: {  	v39 =	vld [tilespmem:s19+$0xC850];
	v0 =	vor.u32 v0, v2;
	v17 =	vshll.u32 v6, $0x10;
	v6 =	vand.u32 $0xFFFF0000, v6  }
0xe9: {  	v18 =	vld [tilespmem:s19+$0xF050];
	v1 =	vand.u32 $0xFFFF0000, v1;
	v42 =	vshll.u32 v5, $0x10;
	v5 =	vand.u32 $0xFFFF0000, v5  }
0xea: {  	v19 =	vld [tilespmem:s19+$0xC860];
	[tilespmem:s19+$0x11870] =	vst v0;
	v16 =	vadd.f32 v17, v40;
	v0 =	vadd.f32 v6, v41;
	v52 =	vadd.s32 $0x8000, v13  }
0xeb: {  	v20 =	vld [tilespmem:s19+$0xF060];
	v7 =	vadd.s32 $0x8000, v7;
	v1 =	vor.u32 v1, v4;
	v43 =	vshll.u32 v3, $0x10  }
0xec: {  	v3 =	vand.u32 $0xFFFF0000, v3;
	v7 =	vand.u32 $0xFFFF0000, v7;
	v44 =	vshll.u32 v35, $0x10  }
0xed: {  	v12 =	vand.u32 $0xFFFF0000, v35;
	v45 =	vshll.u32 v37, $0x10;
	v14 =	vand.u32 $0xFFFF0000, v37  }
0xee: {  	v46 =	vshll.u32 v39, $0x10;
	v2 =	vand.u32 $0xFFFF0000, v39;
	v47 =	vshll.u32 v18, $0x10  }
0xef: {  	v18 =	vand.u32 $0xFFFF0000, v18;
	v48 =	vshll.u32 v19, $0x10;
	v19 =	vand.u32 $0xFFFF0000, v19  }
0xf0: {  	v8 =	vadd.f32 v43, v42;
	v49 =	vshll.u32 v20, $0x10;
	v3 =	vadd.f32 v3, v5  }
0xf1: {  	v20 =	vand.u32 $0xFFFF0000, v20;
	v50 =	vadd.f32 v45, v44;
	v51 =	vadd.f32 v14, v12  }
0xf2: {  	v53 =	vadd.s32 $0x8000, v16;
	v9 =	vadd.f32 v47, v46;
	v2 =	vadd.f32 v18, v2  }
0xf3: {  	v0 =	vadd.s32 $0x8000, v0;
	v6 =	vadd.f32 v49, v48;
	v54 =	vadd.f32 v20, v19  }
0xf4: {  	v12 =	vshrl.u32 v52, $0x10;
	v55 =	vshrl.u32 v53, $0x10;
	v0 =	vand.u32 $0xFFFF0000, v0  }
0xf5: {  	v8 =	vadd.s32 $0x8000, v8;
	v3 =	vadd.s32 $0x8000, v3;
	v56 =	vor.u32 v7, v12  }
0xf6: {  	v0 =	vor.u32 v0, v55;
	v5 =	vadd.s32 $0x8000, v50;
	v11 =	vadd.s32 $0x8000, v51  }
0xf7: {  	[tilespmem:s19+$0x11800] =	vst v1;
	v9 =	vadd.s32 $0x8000, v9;
	v2 =	vadd.s32 $0x8000, v2;
	v6 =	vadd.s32 $0x8000, v6  }
0xf8: {  	v13 =	vadd.s32 $0x8000, v54;
	v57 =	vshrl.u32 v8, $0x10;
	v3 =	vand.u32 $0xFFFF0000, v3;
	[tilespmem:s19+$0x11810] =	vst v56  }
0xf9: {  	p0 =	seq.s32 s31, $0x24;
	[tilespmem:s19+$0x11820] =	vst v0;
	v58 =	vshrl.u32 v5, $0x10;
	v59 =	vand.u32 $0xFFFF0000, v11;
	v3 =	vor.u32 v3, v57  }
.Ltmp2:
0xfa: {  	v60 =	vshrl.u32 v9, $0x10;
	v2 =	vand.u32 $0xFFFF0000, v2;
	v1 =	vor.u32 v59, v58;
	[tilespmem:s19+$0x11830] =	vst v3;
	(pc) =	sbr.rel @p0 .LBB2_8-.Ltmp2, $4  }
0xfb: {  	s1 =	sadd.s32 s1, s9;
	v61 =	vshrl.u32 v6, $0x10;
	v62 =	vand.u32 $0xFFFF0000, v13;
	v0 =	vor.u32 v2, v60;
	[tilespmem:s19+$0x11840] =	vst v1  }
0xfc: {  	s1 =	sshll.u32 s1, $0x4;
	v63 =	vor.u32 v62, v61;
	[tilespmem:s19+$0x11850] =	vst v0  }
0xfd: {  	s1 =	sadd.s32 s5, s1;
	[tilespmem:s19+$0x11860] =	vst v63  }
0xfe: {  	[hbm4b:s1+s3] =	stream.linear.scatter [tilespmem:s26], [sflag:$0x6], $0x2800, $0x38;
	[tilespmem:$0x14000] =	vst v63  }
.Ltmp3:
0xff: {  	(pc) =	sbr.rel .LBB2_2-.Ltmp3, $4  }
0x100: {  	s1 =	sadd.s32 $0x180, s0  }
0x101: {  	[tilespmem:s18], [sflag:$0x4] =	stream.indirect.gather [hbm4b:s2+s14], $0x80, s1, s14, $0xb8;
	[tilespmem:$0x14000] =	vst v63  }
0x102: {  	s19 =	sadd.s32 $0x2980, s0;
	s31 =	sadd.s32 $0x1, s31  }
0x103: {  	[tilespmem:s20], [sflag:$0x5] =	stream.indirect.gather [hbm4b:s4+s14], $0x80, s19, s14, $0xb8;
	[tilespmem:$0x14000] =	vst v63  }
.LBB2_8:
0x104: {  	_ =	swait.ge [sflag:s21], $0x2800  }
0x105: {  	[sflag:s21] =	ssyncset.done $0x0  }
0x106: {  	[sflag:s21] =	ssyncadd.s32 $0xFFFFD800  }
0x107: {  	_ =	swait.ge [sflag:s22], $0x2800  }
0x108: {  	[sflag:s22] =	ssyncset.done $0x0  }
0x109: {  	[sflag:s22] =	ssyncadd.s32 $0xFFFFD800  }
0x10a: {  	_ =	swait.ge [sflag:s28], $0x2800  }
0x10b: {  	[sflag:s28] =	ssyncset.done $0x0  }
0x10c: {  	s0 =	simm.s32 $0x0;
	[sflag:s28] =	ssyncadd.s32 $0xFFFFD800  }
0x10d: {  	v0 =	vld [tilespmem:s0+$0x5070]  }
0x10e: {  	v1 =	vld [tilespmem:s0+$0x7870]  }
0x10f: {  	v2 =	vld [tilespmem:s0+$0x5000]  }
0x110: {  	v4 =	vld [tilespmem:s0+$0x5010]  }
0x111: {  	v5 =	vld [tilespmem:s0+$0x7810]  }
0x112: {  	v7 =	vld [tilespmem:s0+$0x5020]  }
0x113: {  	v9 =	vld [tilespmem:s0+$0x7820]  }
0x114: {  	v18 =	vld [tilespmem:s0+$0x7850];
	v6 =	vshll.u32 v0, $0x10  }
0x115: {  	v3 =	vld [tilespmem:s0+$0x7800];
	v8 =	vshll.u32 v1, $0x10;
	v0 =	vand.u32 $0xFFFF0000, v0;
	v1 =	vand.u32 $0xFFFF0000, v1  }
0x116: {  	v15 =	vld [tilespmem:s0+$0x7840];
	v10 =	vshll.u32 v2, $0x10;
	v2 =	vand.u32 $0xFFFF0000, v2;
	v12 =	vshll.u32 v4, $0x10  }
0x117: {  	v14 =	vshll.u32 v5, $0x10;
	v4 =	vand.u32 $0xFFFF0000, v4;
	v5 =	vand.u32 $0xFFFF0000, v5  }
0x118: {  	v11 =	vld [tilespmem:s0+$0x7830];
	v16 =	vshll.u32 v7, $0x10;
	v17 =	vshll.u32 v9, $0x10;
	v7 =	vand.u32 $0xFFFF0000, v7  }
0x119: {  	v13 =	vld [tilespmem:s0+$0x5040];
	v60 =	vshll.u32 v18, $0x10;
	v18 =	vand.u32 $0xFFFF0000, v18;
	v6 =	vadd.f32 v8, v6  }
0x11a: {  	v0 =	vadd.f32 v1, v0;
	v8 =	vshll.u32 v3, $0x10;
	v3 =	vand.u32 $0xFFFF0000, v3  }
0x11b: {  	v12 =	vadd.f32 v14, v12;
	v14 =	vshll.u32 v15, $0x10;
	v4 =	vadd.f32 v5, v4  }
0x11c: {  	v15 =	vand.u32 $0xFFFF0000, v15;
	v16 =	vadd.f32 v17, v16;
	v8 =	vadd.f32 v8, v10  }
0x11d: {  	v1 =	vld [tilespmem:s0+$0x5030];
	v10 =	vshll.u32 v11, $0x10;
	v11 =	vand.u32 $0xFFFF0000, v11;
	v2 =	vadd.f32 v3, v2  }
0x11e: {  	v19 =	vld [tilespmem:s0+$0x5060];
	v3 =	vshll.u32 v13, $0x10;
	v6 =	vadd.s32 $0x8000, v6;
	v0 =	vadd.s32 $0x8000, v0  }
0x11f: {  	v20 =	vld [tilespmem:s0+$0x7860];
	v3 =	vadd.f32 v14, v3;
	v6 =	vshrl.u32 v6, $0x10;
	v0 =	vand.u32 $0xFFFF0000, v0  }
0x120: {  	v13 =	vand.u32 $0xFFFF0000, v13;
	v14 =	vadd.s32 $0x8000, v12;
	v0 =	vor.u32 v0, v6  }
0x121: {  	v8 =	vadd.s32 $0x8000, v8;
	v63 =	vadd.s32 $0x8000, v3;
	[tilespmem:s0+$0xA070] =	vst v0;
	v0 =	vand.u32 $0xFFFF0000, v9  }
0x122: {  	v9 =	vshll.u32 v1, $0x10;
	v1 =	vand.u32 $0xFFFF0000, v1;
	v0 =	vadd.f32 v0, v7  }
0x123: {  	v7 =	vshll.u32 v19, $0x10;
	v19 =	vand.u32 $0xFFFF0000, v19;
	v9 =	vadd.f32 v10, v9  }
0x124: {  	v6 =	vld [tilespmem:s0+$0x5050];
	v10 =	vshll.u32 v20, $0x10;
	v20 =	vand.u32 $0xFFFF0000, v20;
	v1 =	vadd.f32 v11, v1  }
0x125: {  	v11 =	vadd.s32 $0x8000, v2;
	v2 =	vadd.f32 v15, v13;
	v15 =	vadd.s32 $0x8000, v16  }
0x126: {  	v7 =	vadd.f32 v10, v7;
	v10 =	vadd.s32 $0x8000, v4;
	v12 =	vadd.f32 v20, v19  }
0x127: {  	v0 =	vadd.s32 $0x8000, v0;
	v61 =	vadd.s32 $0x8000, v9;
	v62 =	vadd.s32 $0x8000, v1  }
0x128: {  	v9 =	vshrl.u32 v8, $0x10;
	v10 =	vand.u32 $0xFFFF0000, v10;
	v8 =	vshrl.u32 v63, $0x10  }
0x129: {  	v5 =	vshll.u32 v6, $0x10;
	v6 =	vand.u32 $0xFFFF0000, v6;
	v1 =	vadd.s32 $0x8000, v12  }
0x12a: {  	v12 =	vand.u32 $0xFFFF0000, v11;
	v13 =	vadd.f32 v60, v5;
	v6 =	vadd.f32 v18, v6  }
0x12b: {  	v11 =	vand.u32 $0xFFFF0000, v0;
	v5 =	vadd.s32 $0x8000, v2;
	v2 =	vadd.s32 $0x8000, v7  }
0x12c: {  	s1 =	simm.s32 $0x80;
	v7 =	vshrl.u32 v15, $0x10;
	v3 =	vadd.s32 $0x8000, v13;
	v4 =	vadd.s32 $0x8000, v6  }
0x12d: {  	s13 =	simm.s32 $0x400;
	v0 =	vld [tilespmem:s1+$0x5070];
	v6 =	vshrl.u32 v14, $0x10;
	v13 =	vshrl.u32 v61, $0x10;
	v14 =	vand.u32 $0xFFFF0000, v62  }
.LBB2_9:
0x12e: {  	p0 =	sne.s32 s13, $0x9E00;
	v15 =	vld [tilespmem:s1+$0x7870];
	v5 =	vand.u32 $0xFFFF0000, v5;
	v3 =	vshrl.u32 v3, $0x10;
	v4 =	vand.u32 $0xFFFF0000, v4  }
0x12f: {  	v9 =	vor.u32 v12, v9;
	v2 =	vshrl.u32 v2, $0x10;
	v1 =	vand.u32 $0xFFFF0000, v1;
	v16 =	vld [tilespmem:s1+$0x5000]  }
0x130: {  	v6 =	vor.u32 v10, v6;
	v7 =	vor.u32 v11, v7;
	v12 =	vld [tilespmem:s1+$0x7800];
	[tilespmem:s0+$0xA000] =	vst v9;
	v9 =	vor.u32 v14, v13  }
0x131: {  	v5 =	vor.u32 v5, v8;
	v3 =	vor.u32 v4, v3;
	v1 =	vor.u32 v1, v2;
	v10 =	vld [tilespmem:s1+$0x5010];
	[tilespmem:s0+$0xA010] =	vst v6  }
0x132: {  	v2 =	vld [tilespmem:s1+$0x7810];
	v4 =	vshll.u32 v0, $0x10;
	[tilespmem:s0+$0xA020] =	vst v7  }
0x133: {  	v0 =	vand.u32 $0xFFFF0000, v0;
	v6 =	vld [tilespmem:s1+$0x5020];
	v7 =	vshll.u32 v15, $0x10;
	v8 =	vand.u32 $0xFFFF0000, v15;
	[tilespmem:s0+$0xA030] =	vst v9  }
0x134: {  	v9 =	vshll.u32 v16, $0x10;
	v11 =	vld [tilespmem:s1+$0x7820];
	v4 =	vadd.f32 v7, v4;
	v0 =	vadd.f32 v8, v0;
	[tilespmem:s0+$0xA040] =	vst v5  }
0x135: {  	v7 =	vand.u32 $0xFFFF0000, v16;
	v5 =	vshll.u32 v12, $0x10;
	v8 =	vand.u32 $0xFFFF0000, v12;
	v12 =	vld [tilespmem:s1+$0x5030];
	[tilespmem:s0+$0xA050] =	vst v3  }
0x136: {  	v3 =	vshll.u32 v10, $0x10;
	v13 =	vld [tilespmem:s1+$0x7830];
	v4 =	vadd.s32 $0x8000, v4;
	v0 =	vadd.s32 $0x8000, v0;
	[tilespmem:s0+$0xA060] =	vst v1;
	s0 =	smov.u32 s1  }
0x137: {  	v1 =	vshll.u32 v2, $0x10;
	v14 =	vld [tilespmem:s0+$0x5040];
	v4 =	vshrl.u32 v4, $0x10;
	v0 =	vand.u32 $0xFFFF0000, v0  }
0x138: {  	v10 =	vand.u32 $0xFFFF0000, v10;
	v2 =	vand.u32 $0xFFFF0000, v2;
	v15 =	vld [tilespmem:s0+$0x7840];
	v0 =	vor.u32 v0, v4  }
0x139: {  	v4 =	vshll.u32 v6, $0x10;
	v6 =	vand.u32 $0xFFFF0000, v6;
	v16 =	vshll.u32 v11, $0x10;
	v17 =	vld [tilespmem:s0+$0x5050];
	[tilespmem:s0+$0xA070] =	vst v0  }
0x13a: {  	v0 =	vand.u32 $0xFFFF0000, v11;
	v11 =	vshll.u32 v12, $0x10;
	v12 =	vand.u32 $0xFFFF0000, v12;
	v18 =	vld [tilespmem:s0+$0x7850]  }
0x13b: {  	v5 =	vadd.f32 v5, v9;
	v9 =	vshll.u32 v13, $0x10;
	v13 =	vand.u32 $0xFFFF0000, v13;
	v19 =	vld [tilespmem:s0+$0x5060]  }
0x13c: {  	v7 =	vadd.f32 v8, v7;
	v8 =	vshll.u32 v14, $0x10;
	v14 =	vand.u32 $0xFFFF0000, v14;
	v20 =	vld [tilespmem:s0+$0x7860]  }
0x13d: {  	v1 =	vadd.f32 v1, v3;
	v3 =	vshll.u32 v15, $0x10;
	v15 =	vand.u32 $0xFFFF0000, v15  }
0x13e: {  	v2 =	vadd.f32 v2, v10;
	v10 =	vshll.u32 v17, $0x10;
	v17 =	vand.u32 $0xFFFF0000, v17  }
0x13f: {  	v4 =	vadd.f32 v16, v4;
	v16 =	vshll.u32 v18, $0x10;
	v18 =	vand.u32 $0xFFFF0000, v18  }
0x140: {  	v0 =	vadd.f32 v0, v6;
	v6 =	vshll.u32 v19, $0x10;
	v19 =	vand.u32 $0xFFFF0000, v19  }
0x141: {  	v9 =	vadd.f32 v9, v11;
	v11 =	vshll.u32 v20, $0x10;
	v20 =	vand.u32 $0xFFFF0000, v20  }
0x142: {  	v21 =	vadd.s32 $0x8000, v5;
	v5 =	vadd.f32 v13, v12;
	v3 =	vadd.f32 v3, v8  }
0x143: {  	v7 =	vadd.s32 $0x8000, v7;
	v8 =	vadd.f32 v15, v14;
	v10 =	vadd.f32 v16, v10  }
0x144: {  	v13 =	vadd.s32 $0x8000, v1;
	v1 =	vadd.f32 v18, v17;
	v6 =	vadd.f32 v11, v6  }
0x145: {  	v14 =	vadd.s32 $0x8000, v4;
	v11 =	vadd.s32 $0x8000, v2;
	v12 =	vadd.f32 v20, v19  }
0x146: {  	v0 =	vadd.s32 $0x8000, v0;
	v15 =	vadd.s32 $0x8000, v9;
	v16 =	vadd.s32 $0x8000, v5  }
.Ltmp4:
0x147: {  	v17 =	vadd.s32 $0x8000, v3;
	v5 =	vadd.s32 $0x8000, v8;
	v3 =	vadd.s32 $0x8000, v10;
	(pc) =	sbr.rel @p0 .LBB2_9-.Ltmp4, $4  }
0x148: {  	v4 =	vadd.s32 $0x8000, v1;
	v2 =	vadd.s32 $0x8000, v6;
	v1 =	vadd.s32 $0x8000, v12  }
0x149: {  	v9 =	vshrl.u32 v21, $0x10;
	v12 =	vand.u32 $0xFFFF0000, v7;
	v6 =	vshrl.u32 v13, $0x10  }
0x14a: {  	s1 =	sshra.s32 s13, $0x2;
	v10 =	vand.u32 $0xFFFF0000, v11;
	v11 =	vand.u32 $0xFFFF0000, v0;
	v7 =	vshrl.u32 v14, $0x10  }
0x14b: {  	s13 =	sadd.s32 $0x200, s13;
	v8 =	vshrl.u32 v17, $0x10;
	v13 =	vshrl.u32 v15, $0x10;
	v14 =	vand.u32 $0xFFFF0000, v16;
	v0 =	vld [tilespmem:s1+$0x5070]  }
0x14c: {  	v15 =	vld [tilespmem:s1+$0x7870]  }
0x14d: {  	v16 =	vld [tilespmem:s1+$0x5000]  }
0x14e: {  	v9 =	vor.u32 v12, v9;
	v21 =	vld [tilespmem:s1+$0x7800];
	v6 =	vor.u32 v10, v6;
	v22 =	vor.u32 v11, v7  }
0x14f: {  	v24 =	vor.u32 v14, v13;
	v5 =	vand.u32 $0xFFFF0000, v5;
	v3 =	vshrl.u32 v3, $0x10;
	[tilespmem:s0+$0xA000] =	vst v9  }
0x150: {  	v4 =	vand.u32 $0xFFFF0000, v4;
	v2 =	vshrl.u32 v2, $0x10;
	v1 =	vand.u32 $0xFFFF0000, v1;
	v9 =	vld [tilespmem:s1+$0x5010]  }
0x151: {  	v5 =	vor.u32 v5, v8;
	v3 =	vor.u32 v4, v3;
	v1 =	vor.u32 v1, v2;
	[tilespmem:s0+$0xA010] =	vst v6  }
0x152: {  	v23 =	vld [tilespmem:s1+$0x7810];
	[tilespmem:s0+$0xA020] =	vst v22;
	v26 =	vshll.u32 v0, $0x10;
	v28 =	vand.u32 $0xFFFF0000, v0;
	v27 =	vshll.u32 v15, $0x10  }
0x153: {  	v25 =	vld [tilespmem:s1+$0x5020];
	[tilespmem:s0+$0xA030] =	vst v24;
	v29 =	vand.u32 $0xFFFF0000, v15;
	v31 =	vshll.u32 v16, $0x10;
	v32 =	vshll.u32 v21, $0x10  }
0x154: {  	v6 =	vld [tilespmem:s1+$0x7820];
	[tilespmem:s0+$0xA040] =	vst v5;
	v33 =	vand.u32 $0xFFFF0000, v16;
	v34 =	vand.u32 $0xFFFF0000, v21;
	v30 =	vadd.f32 v27, v26  }
0x155: {  	v5 =	vld [tilespmem:s1+$0x5030];
	[tilespmem:s0+$0xA050] =	vst v3;
	v0 =	vadd.f32 v29, v28;
	v4 =	vadd.f32 v32, v31;
	v36 =	vshll.u32 v9, $0x10  }
0x156: {  	v3 =	vld [tilespmem:s1+$0x7830];
	[tilespmem:s0+$0xA060] =	vst v1;
	v9 =	vand.u32 $0xFFFF0000, v9;
	v1 =	vadd.f32 v34, v33;
	v2 =	vadd.s32 $0x8000, v30  }
0x157: {  	v0 =	vadd.s32 $0x8000, v0;
	v38 =	vshll.u32 v23, $0x10;
	v7 =	vand.u32 $0xFFFF0000, v23  }
0x158: {  	v4 =	vadd.s32 $0x8000, v4;
	v2 =	vshrl.u32 v2, $0x10;
	v0 =	vand.u32 $0xFFFF0000, v0  }
0x159: {  	v35 =	vld [tilespmem:s1+$0x5040];
	v40 =	vshll.u32 v25, $0x10;
	v41 =	vand.u32 $0xFFFF0000, v25;
	v13 =	vadd.f32 v38, v36  }
0x15a: {  	v37 =	vld [tilespmem:s1+$0x7840];
	v7 =	vadd.f32 v7, v9;
	v1 =	vadd.s32 $0x8000, v1;
	v4 =	vshrl.u32 v4, $0x10  }
0x15b: {  	v39 =	vld [tilespmem:s1+$0x5050];
	v0 =	vor.u32 v0, v2;
	v17 =	vshll.u32 v6, $0x10;
	v6 =	vand.u32 $0xFFFF0000, v6  }
0x15c: {  	v18 =	vld [tilespmem:s1+$0x7850];
	v1 =	vand.u32 $0xFFFF0000, v1;
	v42 =	vshll.u32 v5, $0x10;
	v5 =	vand.u32 $0xFFFF0000, v5  }
0x15d: {  	v19 =	vld [tilespmem:s1+$0x5060];
	[tilespmem:s1+$0xA070] =	vst v0;
	v16 =	vadd.f32 v17, v40;
	v0 =	vadd.f32 v6, v41;
	v52 =	vadd.s32 $0x8000, v13  }
0x15e: {  	v20 =	vld [tilespmem:s1+$0x7860];
	v7 =	vadd.s32 $0x8000, v7;
	v1 =	vor.u32 v1, v4;
	v43 =	vshll.u32 v3, $0x10  }
0x15f: {  	v3 =	vand.u32 $0xFFFF0000, v3;
	v7 =	vand.u32 $0xFFFF0000, v7;
	v44 =	vshll.u32 v35, $0x10  }
0x160: {  	v12 =	vand.u32 $0xFFFF0000, v35;
	v45 =	vshll.u32 v37, $0x10;
	v14 =	vand.u32 $0xFFFF0000, v37  }
0x161: {  	v46 =	vshll.u32 v39, $0x10;
	v2 =	vand.u32 $0xFFFF0000, v39;
	v47 =	vshll.u32 v18, $0x10  }
0x162: {  	v18 =	vand.u32 $0xFFFF0000, v18;
	v48 =	vshll.u32 v19, $0x10;
	v19 =	vand.u32 $0xFFFF0000, v19  }
0x163: {  	v8 =	vadd.f32 v43, v42;
	v49 =	vshll.u32 v20, $0x10;
	v3 =	vadd.f32 v3, v5  }
0x164: {  	v20 =	vand.u32 $0xFFFF0000, v20;
	v50 =	vadd.f32 v45, v44;
	v51 =	vadd.f32 v14, v12  }
0x165: {  	v53 =	vadd.s32 $0x8000, v16;
	v9 =	vadd.f32 v47, v46;
	v2 =	vadd.f32 v18, v2  }
0x166: {  	v0 =	vadd.s32 $0x8000, v0;
	v6 =	vadd.f32 v49, v48;
	v54 =	vadd.f32 v20, v19  }
0x167: {  	v12 =	vshrl.u32 v52, $0x10;
	v55 =	vshrl.u32 v53, $0x10;
	v0 =	vand.u32 $0xFFFF0000, v0  }
0x168: {  	v8 =	vadd.s32 $0x8000, v8;
	v3 =	vadd.s32 $0x8000, v3;
	v56 =	vor.u32 v7, v12  }
0x169: {  	v0 =	vor.u32 v0, v55;
	v5 =	vadd.s32 $0x8000, v50;
	v11 =	vadd.s32 $0x8000, v51  }
0x16a: {  	[tilespmem:s1+$0xA000] =	vst v1;
	v9 =	vadd.s32 $0x8000, v9;
	v2 =	vadd.s32 $0x8000, v2;
	v6 =	vadd.s32 $0x8000, v6  }
0x16b: {  	v13 =	vadd.s32 $0x8000, v54;
	v57 =	vshrl.u32 v8, $0x10;
	v3 =	vand.u32 $0xFFFF0000, v3;
	[tilespmem:s1+$0xA010] =	vst v56  }
0x16c: {  	[tilespmem:s1+$0xA020] =	vst v0;
	v58 =	vshrl.u32 v5, $0x10;
	v59 =	vand.u32 $0xFFFF0000, v11;
	v3 =	vor.u32 v3, v57  }
0x16d: {  	v60 =	vshrl.u32 v9, $0x10;
	v2 =	vand.u32 $0xFFFF0000, v2;
	v1 =	vor.u32 v59, v58;
	[tilespmem:s1+$0xA030] =	vst v3  }
0x16e: {  	v61 =	vshrl.u32 v6, $0x10;
	v62 =	vand.u32 $0xFFFF0000, v13;
	v0 =	vor.u32 v2, v60;
	[tilespmem:s1+$0xA040] =	vst v1  }
0x16f: {  	v63 =	vor.u32 v62, v61;
	[tilespmem:s1+$0xA050] =	vst v0  }
0x170: {  	s30 =	sadd.s32 $0x1, s30;
	[tilespmem:s1+$0xA060] =	vst v63  }
0x171: {  	[hbm4b:s10+s3] =	stream.linear.scatter [tilespmem:s23], [sflag:$0x3], $0x2800, $0x38;
	[tilespmem:$0x14000] =	vst v63  }
0x172: {  	p0 =	sne.s32 s30, s11;
	_ =	swait.ge [sflag:s28], $0x2800  }
.Ltmp5:
0x173: {  	[sflag:s28] =	ssyncset.done $0x0;
	(pc) =	sbr.rel @p0 .LBB2_1-.Ltmp5, $4  }
0x174: {  	[sflag:s28] =	ssyncadd.s32 $0xFFFFD800  }
0x175: {  	_ =	swait.ge [sflag:s29], $0x2800  }
0x176: {  	[sflag:s29] =	ssyncset.done $0x0  }
0x177: {  	[sflag:s29] =	ssyncadd.s32 $0xFFFFD800  }
0x178: {  	_ =	sfence.sel $0x180000  }
0x179: {  	[bflag:$0x0] =	sbarrier.arrive $0xFFFF  }
0x17a: {  	_ =	strace $0x90000047  }
0x17b: {  	s0 =	stileid.u32;
	[bflag:$0x2] =	sbarrier.arrive $0xFFFF  }
0x17c: {  	p0 =	sne.s32 s0, $0x0;
	s0 =	rddreg [dreg:$0x2]  }
0x17d: {  	s0 =	sadd.s32 @!p0 $0x100000, s0  }
0x17e: {  	[sflag:s0] =	ssyncadd.tile.s32 @!p0 $0x1;
	_ =	shalt  }
.Lfunc_end2:
_tile_overlayer_lowered:
.L_overlay_start_2:
0x17f: {  	(tag) =	ssettag $0x2  }
0x180: {  	s0 =	rddreg [dreg:$0x0];
	s2 =	stileid.u32  }
0x181: {  	s1 =	rddreg [dreg:$0x1];
	p0 =	sne.s32 s2, $0x0  }
0x182: {  	s3 =	rddreg [dreg:$0x2];
	[bflag:$0x3] =	sbarrier.arrive $0xFFFF;
	s2 =	simm.s32 @!p0 $0x1C07  }
0x183: {  	[timem:s3], [sflag:s2] =	dma.local @!p0 [hbm:s0], s1  }
0x184: {  	s0 =	simm.s32 @!p0 $0x7  }
0x185: {  	_ =	swait.ge @!p0 [sflag:s0], s1  }
0x186: {  	s1 =	ssub.s32 @!p0 $0x0, s1;
	[sflag:s0] =	ssyncset.done @!p0 $0x0  }
0x187: {  	[sflag:s0] =	ssyncadd.s32 @!p0 s1  }
0x188: {  	[bflag:$0x3] =	sbarrier.arrive $0xFFFF  }
0x189: {  	_ =	shalt  }

// kernel: kernel.15.cloned.1.call-start
scs
__scs_entry_jumppad:
0x0: {  	(pc) =	sbr.rel $0x88, $3  }
0x1: {  	(tag) =	ssettag $0x0;
	lr =	simm.s32 $0x1  }
0x2: {  	[smem:$0x3F97] =	sst lr;
	_ =	strace $0xD0000000  }
0x3: {  	_ = 	snop  }
0x4: {  	_ = 	snop  }
0x5: {  	_ = 	snop  }
0x6: {  	_ = 	snop  }
0x7: {  	_ = 	snop  }
__scs_overlays_trampoline_lowered:
0x8: {  	[smem:$0x3FA6] =	sst s0  }
0x9: {  	[smem:$0x3FA7] =	sst s1  }
0xa: {  	[smem:$0x3FA8] =	sst s2  }
0xb: {  	[smem:$0x3FA9] =	sst s3  }
0xc: {  	[smem:$0x3FAA] =	sst s4  }
0xd: {  	[smem:$0x3FAB] =	sst s5  }
0xe: {  	[smem:$0x3FAC] =	sst s6  }
0xf: {  	[smem:$0x3FAD] =	sst s7  }
0x10: {  	[smem:$0x3FAE] =	sst s8  }
0x11: {  	[smem:$0x3FAF] =	sst s9;
	s0 =	simm.s32 @!p0 $0x0  }
0x12: {  	s1 =	sld [smem:$0x3F95];
	s0 =	simm.s32 @p0 $0x1  }
0x13: {  	[smem:$0x3FB0] =	sst s0;
	s0 =	simm.s32 @!p1 $0x0  }
0x14: {  	s2 =	sld [smem:$0x3F94];
	s0 =	simm.s32 @p1 $0x1  }
0x15: {  	[smem:$0x3FB1] =	sst s0;
	s0 =	simm.s32 @!p2 $0x0  }
0x16: {  	s3 =	sld [smem:$0x3FDB];
	s0 =	simm.s32 @p2 $0x1  }
0x17: {  	s4 =	simm.s32 $0x1BF5;
	[smem:$0x3FB3] =	sst s0  }
0x18: {  	s0 =	sld [smem:$0x3F96];
	_ =	swait.ge [sflag:s4], $0x0  }
0x19: {  	s7 =	sld [smem:$0x3F97]  }
0x1a: {  	s8 =	sadd.s32 $0xFFFFE003, lr  }
0x1b: {  	s9 =	sadd.s32 $0xFFFFFEF7, lr;
	s5 =	simm.s32 $0xFFFFFFFF;
	p2 =	slt.u32 s8, $0xFFFFF086  }
0x1c: {  	p1 =	slt.u32 s9, $0xF7A;
	s5 =	simm.s32 @!p2 $0x0  }
0x1d: {  	s5 =	simm.s32 @p1 $0x1;
	p0 =	seq.s32 s7, s2  }
0x1e: {  	s7 =	smul.u32 @!p0 $0xF7A, s2;
	p2 =	seq.s32 @!p0 s5, $0x0  }
0x1f: {  	s9 =	smul.u32 $0xF7A, s1;
	s8 =	simm.s32 @!p0 $0x1BF5;
	p2 =	por !p2, p0  }
0x20: {  	[sflag:s8] =	ssyncset.s32 @!p0 $0xFFFFF086;
	s6 =	sadd.s32 @!p0 s3, s7;
	s7 =	simm.s32 @!p0 $0x108  }
0x21: {  	s3 =	sadd.s32 s3, s9;
	s6 =	sadd.s32 @!p0 $0x88, s6;
	s7 =	simm.s32 @p2 $0x1082  }
0x22: {  	[simem:s7], [sflag:s8] =	dma.local @!p0 [hbm:s6], $0xF7A  }
0x23: {  	s9 =	sor.u32 $0xD0000000, s2;
	s6 =	simm.s32 $0x108;
	_ =	swait.ge @!p0 [sflag:s8], $0x0  }
0x24: {  	s3 =	sadd.s32 $0x88, s3;
	s6 =	simm.s32 @!p1 $0x1082;
	[sflag:s4] =	ssyncset.s32 $0xFFFFF086  }
0x25: {  	[simem:s6], [sflag:s4] =	dma.local [hbm:s3], $0xF7A  }
0x26: {  	[smem:$0x3F97] =	sst s1;
	(tag) =	ssettag s2;
	_ =	strace s9  }
0x27: {  	s1 =	sld [smem:$0x3FA7]  }
0x28: {  	s2 =	sld [smem:$0x3FA8]  }
0x29: {  	s4 =	sld [smem:$0x3FAA]  }
0x2a: {  	p0 =	seq.s32 s5, $0x0;
	s5 =	sld [smem:$0x3FAB]  }
0x2b: {  	s6 =	sld [smem:$0x3FAC]  }
0x2c: {  	s7 =	sld [smem:$0x3FAD]  }
0x2d: {  	s3 =	simm.s32 $0x108;
	s8 =	sld [smem:$0x3FAE]  }
0x2e: {  	s3 =	simm.s32 @!p0 $0x1082;
	s9 =	sld [smem:$0x3FAF]  }
0x2f: {  	lr =	sadd.s32 s0, s3;
	s0 =	sld [smem:$0x3FA6]  }
0x30: {  	s3 =	sld [smem:$0x3FA9]  }
0x31: {  	[smem:$0x3FB2] =	sst s10  }
0x32: {  	s10 =	sld [smem:$0x3FB0];
	_ =	sdelay $0x3  }
0x33: {  	p0 =	seq.s32 s10, $0x1;
	s10 =	sld [smem:$0x3FB2];
	_ =	sdelay $0x3  }
0x34: {  	[smem:$0x3FB2] =	sst s10  }
0x35: {  	s10 =	sld [smem:$0x3FB1];
	_ =	sdelay $0x3  }
0x36: {  	p1 =	seq.s32 s10, $0x1;
	s10 =	sld [smem:$0x3FB2];
	_ =	sdelay $0x3  }
0x37: {  	[smem:$0x3FB2] =	sst s10  }
0x38: {  	s10 =	sld [smem:$0x3FB3]  }
0x39: {  	_ = 	snop;
	(pc) =	sbr.ind lr, $3  }
0x3a: {  	_ = 	snop  }
0x3b: {  	_ = 	snop  }
0x3c: {  	p2 =	seq.s32 s10, $0x1;
	s10 =	sld [smem:$0x3FB2]  }
0x3d: {  	_ =	shalt  }
0x3e: {  	_ =	shalt  }
0x3f: {  	_ =	shalt  }
0x40: {  	_ =	shalt  }
0x41: {  	_ =	shalt  }
0x42: {  	_ =	shalt  }
0x43: {  	_ =	shalt  }
0x44: {  	_ =	shalt  }
0x45: {  	_ =	shalt  }
0x46: {  	_ =	shalt  }
0x47: {  	_ =	shalt  }
0x48: {  	_ =	shalt  }
0x49: {  	_ =	shalt  }
0x4a: {  	_ =	shalt  }
0x4b: {  	_ =	shalt  }
0x4c: {  	_ =	shalt  }
0x4d: {  	_ =	shalt  }
0x4e: {  	_ =	shalt  }
0x4f: {  	_ =	shalt  }
0x50: {  	_ =	shalt  }
0x51: {  	_ =	shalt  }
0x52: {  	_ =	shalt  }
0x53: {  	_ =	shalt  }
0x54: {  	_ =	shalt  }
0x55: {  	_ =	shalt  }
0x56: {  	_ =	shalt  }
0x57: {  	_ =	shalt  }
0x58: {  	_ =	shalt  }
0x59: {  	_ =	shalt  }
0x5a: {  	_ =	shalt  }
0x5b: {  	_ =	shalt  }
0x5c: {  	_ =	shalt  }
0x5d: {  	_ =	shalt  }
0x5e: {  	_ =	shalt  }
0x5f: {  	_ =	shalt  }
0x60: {  	_ =	shalt  }
0x61: {  	_ =	shalt  }
0x62: {  	_ =	shalt  }
0x63: {  	_ =	shalt  }
0x64: {  	_ =	shalt  }
0x65: {  	_ =	shalt  }
0x66: {  	_ =	shalt  }
0x67: {  	_ =	shalt  }
0x68: {  	_ =	shalt  }
0x69: {  	_ =	shalt  }
0x6a: {  	_ =	shalt  }
0x6b: {  	_ =	shalt  }
0x6c: {  	_ =	shalt  }
0x6d: {  	_ =	shalt  }
0x6e: {  	_ =	shalt  }
0x6f: {  	_ =	shalt  }
0x70: {  	_ =	shalt  }
0x71: {  	_ =	shalt  }
0x72: {  	_ =	shalt  }
0x73: {  	_ =	shalt  }
0x74: {  	_ =	shalt  }
0x75: {  	_ =	shalt  }
0x76: {  	_ =	shalt  }
0x77: {  	_ =	shalt  }
0x78: {  	_ =	shalt  }
0x79: {  	_ =	shalt  }
0x7a: {  	_ =	shalt  }
0x7b: {  	_ =	shalt  }
0x7c: {  	_ =	shalt  }
0x7d: {  	_ =	shalt  }
0x7e: {  	_ =	shalt  }
0x7f: {  	_ =	shalt  }
0x80: {  	_ =	shalt  }
0x81: {  	_ =	shalt  }
0x82: {  	_ =	shalt  }
0x83: {  	_ =	shalt  }
0x84: {  	_ =	shalt  }
0x85: {  	_ =	shalt  }
0x86: {  	_ =	shalt  }
0x87: {  	_ =	shalt  }
.Lfunc_end0:
.L_simem_size_0:
called_computation.1_lowered:
.L_overlay_start_0:
0x88: {  	s2 =	sld [smem:$0x3FD9]  }
0x89: {  	s3 =	sld [smem:$0x3FFE];
	_ =	sdelay $0x1  }
0x8a: {  	s1 =	srdreg.scid  }
0x8b: {  	s0 =	sand.u32 $0x1, s1  }
0x8c: {  	s17 =	sshll.u32 s0, $0xA;
	s2 =	sadd.s32 s3, s2  }
0x8d: {  	s2 =	sadd.s32 s2, s17  }
0x8e: {  	[smem:$0x3FBE] =	sst s2  }
0x8f: {  	_ = 	snop  }
0x90: {  	s18 =	sld [smem:$0x3FD0];
	(tm) =	ssettm $0x1  }
0x91: {  	s19 =	sld [smem:$0x3FFB];
	_ =	sdelay $0x3  }
0x92: {  	_ =	strace s19  }
0x93: {  	s2 =	sld [smem:$0x3FFC];
	_ =	sdelay $0x3  }
0x94: {  	_ =	strace s2  }
0x95: {  	s2 =	sld [smem:$0x3FFD];
	_ =	sdelay $0x3  }
0x96: {  	_ =	strace s2  }
0x97: {  	_ =	strace $0x8FFFFFFF  }
0x98: {  	s20 =	sld [smem:$0x3FDB];
	_ =	sdelay $0x1  }
0x99: {  	s4 =	simm.s32 $_scs_section_size  }
0x9a: {  	s5 =	simm.s32 $_size__tile_overlayer_lowered;
	s6 =	simm.s32 $_tile_overlayer_lowered  }
0x9b: {  	s7 =	simm.s32 $0x1BFF;
	s21 =	sshll.u32 s6, $0x1;
	s4 =	sadd.s32 s4, s20  }
0x9c: {  	s22 =	simm.s32 $0x0;
	s5 =	sshll.u32 s5, $0x1;
	s6 =	sadd.s32 s21, s4  }
0x9d: {  	[timem:s22], [sflag:s7] =	dma.local [hbm:s6], s5  }
0x9e: {  	_ =	swait.ge [sflag:s7], s5  }
0x9f: {  	s5 =	ssub.s32 $0x0, s5;
	[sflag:s7] =	ssyncset.done $0x0  }
0xa0: {  	[sflag:s7] =	ssyncadd.s32 s5;
	_ =	sdelay $0x1  }
0xa1: {  	s23 =	simm.s32 $0x1B8B  }
0xa2: {  	_ =	swait.ge [sflag:s23], $0x1  }
0xa3: {  	[sflag:s23] =	ssyncset.done $0x0  }
0xa4: {  	[sflag:s23] =	ssyncadd.s32 $0xFFFFFFFF  }
0xa5: {  	s5 =	sld [smem:$0x0]  }
0xa6: {  	s6 =	sand.u32 $0xFFFFFFFE, s1  }
0xa7: {  	p0 =	sne.s32 s1, s6  }
0xa8: {  	s6 =	sshll.u32 @p0 s6, $0xE  }
0xa9: {  	s6 =	sadd.s32 @p0 $0x11B8D, s6;
	s7 =	sshll.u32 @p0 s5, $0x11  }
0xaa: {  	s6 =	sor.u32 @p0 s7, s6  }
0xab: {  	[sflag:s6] =	ssyncadd.remote.s32 @p0 $0x1;
	_ =	sdelay $0x1  }
0xac: {  	s6 =	simm.s32 @p0 $0x1B8D  }
0xad: {  	_ =	swait.eq @p0 [sflag:s6], $0x1  }
0xae: {  	[sflag:s6] =	ssyncadd.s32 @p0 $0xFFFFFFFF  }
0xaf: {  	s7 =	sshll.u32 @!p0 s1, $0xE  }
0xb0: {  	s7 =	sor.u32 @!p0 $0x4000, s7;
	s6 =	simm.s32 @!p0 $0x1B8D  }
0xb1: {  	s5 =	sshll.u32 @!p0 s5, $0x11;
	s7 =	sadd.s32 @!p0 $0x11B8D, s7;
	_ =	swait.eq @!p0 [sflag:s6], $0x1  }
0xb2: {  	s5 =	sor.u32 @!p0 s5, s7;
	[sflag:s6] =	ssyncadd.s32 @!p0 $0xFFFFFFFF  }
0xb3: {  	s25 =	simm.s32 $0x1B8E;
	s24 =	sld [smem:$0x3FFE];
	[sflag:s5] =	ssyncadd.remote.s32 @!p0 $0x1  }
0xb4: {  	s26 =	simm.s32 $execute0_lowered;
	[smem:$0x3FD2] =	sst s25  }
0xb5: {  	s6 =	sshll.u32 s26, $0x1;
	_ =	strace $0x80000049;
	[dreg:$0x1] =	wrdreg $0xFFFFFFFF  }
0xb6: {  	s28 =	simm.s32 $_size_execute0_lowered;
	s4 =	sadd.s32 s4, s6;
	[dreg:$0x0] =	wrdreg $0x0  }
0xb7: {  	s6 =	sshll.u32 s28, $0x1;
	[dreg:$0x2] =	wrdreg s4  }
0xb8: {  	[dreg:$0x3] =	wrdreg s6  }
0xb9: {  	[dreg:$0x4] =	wrdreg $0xC0  }
0xba: {  	_ =	task [dreg:s22], $0x5FFFF  }
0xbb: {  	[dreg:$0x1] =	wrdreg $0xFFFFFFFF  }
0xbc: {  	[dreg:$0x0] =	wrdreg $0x60  }
0xbd: {  	[dreg:$0x2] =	wrdreg s18  }
0xbe: {  	[dreg:$0x3] =	wrdreg s24  }
0xbf: {  	[dreg:$0x4] =	wrdreg $0xA  }
0xc0: {  	_ =	task.clear_ibuf [dreg:s22], $0x5FFFF;
	_ =	strace $0x90000049  }
0xc1: {  	s29 =	simm.s32 $0xA;
	_ =	strace $0x8000004B  }
0xc2: {  	_ =	swait.ge [sflag:s29], $0x1  }
0xc3: {  	[sflag:s29] =	ssyncadd.s32 $0xFFFFFFFF  }
0xc4: {  	_ =	strace $0x9000004B  }
0xc5: {  	_ =	sfence  }
0xc6: {  	s30 =	sld [smem:$0x0];
	_ =	sdelay $0x2  }
0xc7: {  	s31 =	sshll.u32 s1, $0xD;
	s1 =	sshrl.u32 s1, $0x2  }
0xc8: {  	s4 =	sand.u32 $0x4000, s31;
	s1 =	sadd.s32 s1, s30  }
0xc9: {  	s0 =	sor.u32 s4, s0;
	s1 =	sshll.u32 s1, $0x11  }
0xca: {  	s0 =	sor.u32 s1, s0  }
0xcb: {  	s0 =	sadd.s32 $0x8F2B, s0  }
0xcc: {  	[sflag:s0] =	ssyncadd.remote.s32 $0x1  }
0xcd: {  	_ =	sfence.sel $0xFFFF  }
0xce: {  	[dreg:$0x0] =	wrdreg $0xFFFFFFFF;
	(pc) =	sbr.abs _section_cstart, $3  }
0xcf: {  	[dreg:$0x1] =	wrdreg $0xFFFFFFFF  }
0xd0: {  	_ =	task.clear_ibuf [dreg:s22], $0x2FFFF;
	_ =	strace $0x9FFFFFFF  }
0xd1: {  	(tm) =	ssettm $0x7FFFFFFF  }
tec
execute0_lowered:
.L_overlay_start_1:
0x0: {  	(tag) =	ssettag $0x1  }
0x1: {  	s2 =	rddreg [dreg:$0x0]  }
0x2: {  	s0 =	srdreg.scid;
	s3 =	stileid.u32  }
0x3: {  	s1 =	rddreg [dreg:$0x1];
	s11 =	simm.s32 $0x7;
	s12 =	simm.s32 $0x1C00  }
0x4: {  	s13 =	simm.s32 $0x50;
	s16 =	simm.s32 $0x80;
	s17 =	simm.s32 $0xB000  }
0x5: {  	s18 =	simm.s32 $0x1C80;
	s19 =	simm.s32 $0xD800;
	s20 =	simm.s32 $0x1  }
0x6: {  	s21 =	simm.s32 $0x2;
	s22 =	simm.s32 $0x8800;
	s23 =	simm.s32 $0x4  }
0x7: {  	s24 =	simm.s32 $0x5;
	s0 =	sand.u32 $0x1, s0;
	s4 =	sshll.u32 s3, $0x1  }
0x8: {  	s25 =	simm.s32 $0x10000;
	s26 =	simm.s32 $0x3;
	s5 =	sor.u32 s0, s4  }
0x9: {  	s28 =	simm.s32 $0x6;
	s29 =	simm.s32 $0x0;
	s6 =	smul.u32 $0x380, s5  }
.Ltmp0:
0xa: {  	s3 =	simm.s32 $0x0;
	s0 =	ssub.s32 $0x2, s0;
	(pc) =	sbr.rel .LBB2_1-.Ltmp0, $4  }
0xb: {  	[smem:$0x7FF] =	sst s3;
	s7 =	sshrl.u32 s0, $0x1;
	s5 =	smul.u32 $0xFA0, s5  }
0xc: {  	s4 =	sadd.s32 $0x19A00, s1;
	_ =	strace $0x8000004A;
	s0 =	ssub.s32 s0, s7  }
0xd: {  	s8 =	sadd.s32 s6, s1;
	s6 =	sadd.s32 $0x33CC00, s1;
	s9 =	sadd.s32 $0x50, s5  }
0xe: {  	s10 =	smax.u32 s0, $0x1;
	s7 =	sadd.s32 $0x335C00, s8;
	s8 =	sadd.s32 $0x32EC00, s8  }
.LBB2_8:
0xf: {  	s29 =	sadd.s32 $0x1, s29  }
0x10: {  	_ =	swait.ge [sflag:s26], $0x2800;
	p0 =	sne.s32 s29, s10  }
.Ltmp1:
0x11: {  	[sflag:s26] =	ssyncset.done $0x0;
	(pc) =	sbr.rel @!p0 .LBB2_9-.Ltmp1, $4  }
0x12: {  	[sflag:s26] =	ssyncadd.s32 $0xFFFFD800  }
0x13: {  	_ =	swait.ge [sflag:s28], $0x2800  }
0x14: {  	[sflag:s28] =	ssyncset.done $0x0  }
0x15: {  	[sflag:s28] =	ssyncadd.s32 $0xFFFFD800  }
.LBB2_1:
0x16: {  	[tilespmem:s3], [sflag:$0x7] =	stream.linear.gather [hbm4b:s7+s3], $0x1900, $0x38;
	[tilespmem:$0x12800] =	vst v63  }
0x17: {  	_ =	swait.ge [sflag:s11], $0x1900  }
0x18: {  	[sflag:s11] =	ssyncset.done $0x0  }
0x19: {  	[sflag:s11] =	ssyncadd.s32 $0xFFFFE700  }
0x1a: {  	[tilespmem:s12], [sflag:$0x7] =	stream.linear.gather [hbm4b:s8+s3], $0x1900, $0x38;
	[tilespmem:$0x12800] =	vst v63  }
0x1b: {  	_ =	swait.ge [sflag:s11], $0x1900  }
0x1c: {  	[sflag:s11] =	ssyncset.done $0x0  }
0x1d: {  	s0 =	simm.s32 $0x3800;
	[sflag:s11] =	ssyncadd.s32 $0xFFFFE700  }
0x1e: {  	[tilespmem:s0], [sflag:$0x1] =	stream.indirect.gather [hbm4b:s2+s13], $0x80, s3, s13, $0xb8;
	[tilespmem:$0x12800] =	vst v63  }
0x1f: {  	s31 =	simm.s32 $0x6000  }
0x20: {  	[tilespmem:s31], [sflag:$0x2] =	stream.indirect.gather [hbm4b:s4+s13], $0x80, s12, s13, $0xb8;
	[tilespmem:$0x12800] =	vst v63  }
0x21: {  	_ = 	snop  }
0x22: {  	[tilespmem:s17], [sflag:$0x4] =	stream.indirect.gather [hbm4b:s2+s13], $0x80, s16, s13, $0xb8;
	[tilespmem:$0x12800] =	vst v63  }
0x23: {  	s30 =	simm.s32 $0x0  }
0x24: {  	[tilespmem:s19], [sflag:$0x5] =	stream.indirect.gather [hbm4b:s4+s13], $0x80, s18, s13, $0xb8;
	[tilespmem:$0x12800] =	vst v63  }
.LBB2_2:
0x25: {  	_ =	swait.ge [sflag:s20], $0x2800  }
0x26: {  	[sflag:s20] =	ssyncset.done $0x0  }
0x27: {  	[sflag:s20] =	ssyncadd.s32 $0xFFFFD800  }
0x28: {  	_ =	swait.ge [sflag:s21], $0x2800  }
0x29: {  	p0 =	seq.s32 s30, $0x0;
	[sflag:s21] =	ssyncset.done $0x0  }
0x2a: {  	s0 =	simm.s32 @!p0 $0x3;
	[sflag:s21] =	ssyncadd.s32 $0xFFFFD800  }
0x2b: {  	_ =	swait.ge @!p0 [sflag:s0], $0x2800  }
0x2c: {  	[sflag:s0] =	ssyncset.done @!p0 $0x0  }
0x2d: {  	s1 =	simm.s32 $0x0;
	[sflag:s0] =	ssyncadd.s32 @!p0 $0xFFFFD800  }
0x2e: {  	v0 =	vld [tilespmem:s1+$0x3870]  }
0x2f: {  	v1 =	vld [tilespmem:s1+$0x6070]  }
0x30: {  	v2 =	vld [tilespmem:s1+$0x3800]  }
0x31: {  	v4 =	vld [tilespmem:s1+$0x3810]  }
0x32: {  	v5 =	vld [tilespmem:s1+$0x6010]  }
0x33: {  	v7 =	vld [tilespmem:s1+$0x3820]  }
0x34: {  	v9 =	vld [tilespmem:s1+$0x6020]  }
0x35: {  	v18 =	vld [tilespmem:s1+$0x6050];
	v6 =	vshll.u32 v0, $0x10  }
0x36: {  	v3 =	vld [tilespmem:s1+$0x6000];
	v8 =	vshll.u32 v1, $0x10;
	v0 =	vand.u32 $0xFFFF0000, v0;
	v1 =	vand.u32 $0xFFFF0000, v1  }
0x37: {  	v15 =	vld [tilespmem:s1+$0x6040];
	v10 =	vshll.u32 v2, $0x10;
	v2 =	vand.u32 $0xFFFF0000, v2;
	v12 =	vshll.u32 v4, $0x10  }
0x38: {  	v14 =	vshll.u32 v5, $0x10;
	v4 =	vand.u32 $0xFFFF0000, v4;
	v5 =	vand.u32 $0xFFFF0000, v5  }
0x39: {  	v11 =	vld [tilespmem:s1+$0x6030];
	v16 =	vshll.u32 v7, $0x10;
	v17 =	vshll.u32 v9, $0x10;
	v7 =	vand.u32 $0xFFFF0000, v7  }
0x3a: {  	v13 =	vld [tilespmem:s1+$0x3840];
	v60 =	vshll.u32 v18, $0x10;
	v18 =	vand.u32 $0xFFFF0000, v18;
	v6 =	vadd.f32 v8, v6  }
0x3b: {  	v0 =	vadd.f32 v1, v0;
	v8 =	vshll.u32 v3, $0x10;
	v3 =	vand.u32 $0xFFFF0000, v3  }
0x3c: {  	v12 =	vadd.f32 v14, v12;
	v14 =	vshll.u32 v15, $0x10;
	v4 =	vadd.f32 v5, v4  }
0x3d: {  	v15 =	vand.u32 $0xFFFF0000, v15;
	v16 =	vadd.f32 v17, v16;
	v8 =	vadd.f32 v8, v10  }
0x3e: {  	v1 =	vld [tilespmem:s1+$0x3830];
	v10 =	vshll.u32 v11, $0x10;
	v11 =	vand.u32 $0xFFFF0000, v11;
	v2 =	vadd.f32 v3, v2  }
0x3f: {  	v19 =	vld [tilespmem:s1+$0x3860];
	v3 =	vshll.u32 v13, $0x10;
	v13 =	vand.u32 $0xFFFF0000, v13;
	v6 =	vadd.s32 $0x8000, v6  }
0x40: {  	v20 =	vld [tilespmem:s1+$0x6060];
	v0 =	vadd.s32 $0x8000, v0;
	v3 =	vadd.f32 v14, v3;
	v14 =	vadd.s32 $0x8000, v12  }
0x41: {  	v6 =	vshrl.u32 v6, $0x10;
	v0 =	vand.u32 $0xFFFF0000, v0;
	v8 =	vadd.s32 $0x8000, v8  }
0x42: {  	v0 =	vor.u32 v0, v6;
	v63 =	vadd.s32 $0x8000, v3;
	v8 =	vshrl.u32 v8, $0x10  }
0x43: {  	[tilespmem:s1+$0x8870] =	vst v0;
	v0 =	vand.u32 $0xFFFF0000, v9;
	v9 =	vshll.u32 v1, $0x10;
	v1 =	vand.u32 $0xFFFF0000, v1  }
0x44: {  	v6 =	vld [tilespmem:s1+$0x3850];
	v0 =	vadd.f32 v0, v7;
	v7 =	vshll.u32 v19, $0x10;
	v19 =	vand.u32 $0xFFFF0000, v19  }
0x45: {  	v9 =	vadd.f32 v10, v9;
	v10 =	vshll.u32 v20, $0x10;
	v20 =	vand.u32 $0xFFFF0000, v20  }
0x46: {  	v1 =	vadd.f32 v11, v1;
	v11 =	vadd.s32 $0x8000, v2;
	v2 =	vadd.f32 v15, v13  }
0x47: {  	v15 =	vadd.s32 $0x8000, v16;
	v7 =	vadd.f32 v10, v7;
	v10 =	vadd.s32 $0x8000, v4  }
0x48: {  	v12 =	vadd.f32 v20, v19;
	v0 =	vadd.s32 $0x8000, v0;
	v61 =	vadd.s32 $0x8000, v9  }
0x49: {  	v62 =	vadd.s32 $0x8000, v1;
	v9 =	vand.u32 $0xFFFF0000, v10;
	v5 =	vshll.u32 v6, $0x10  }
0x4a: {  	v6 =	vand.u32 $0xFFFF0000, v6;
	v1 =	vadd.s32 $0x8000, v12;
	v12 =	vand.u32 $0xFFFF0000, v11  }
0x4b: {  	v10 =	vand.u32 $0xFFFF0000, v0;
	v13 =	vadd.f32 v60, v5;
	v6 =	vadd.f32 v18, v6  }
0x4c: {  	v11 =	vshrl.u32 v63, $0x10;
	v5 =	vadd.s32 $0x8000, v2;
	v2 =	vadd.s32 $0x8000, v7  }
0x4d: {  	s0 =	simm.s32 $0x80;
	v7 =	vshrl.u32 v15, $0x10;
	v3 =	vadd.s32 $0x8000, v13;
	v4 =	vadd.s32 $0x8000, v6  }
0x4e: {  	s31 =	sshll.u32 s30, $0x8;
	s14 =	simm.s32 $0x400;
	v0 =	vld [tilespmem:s0+$0x3870];
	v6 =	vshrl.u32 v14, $0x10;
	v13 =	vshrl.u32 v61, $0x10;
	v14 =	vand.u32 $0xFFFF0000, v62  }
.LBB2_3:
0x4f: {  	p1 =	sne.s32 s14, $0x9E00;
	v15 =	vld [tilespmem:s0+$0x6070];
	v5 =	vand.u32 $0xFFFF0000, v5;
	v3 =	vshrl.u32 v3, $0x10;
	v4 =	vand.u32 $0xFFFF0000, v4  }
0x50: {  	v8 =	vor.u32 v12, v8;
	v2 =	vshrl.u32 v2, $0x10;
	v1 =	vand.u32 $0xFFFF0000, v1;
	v16 =	vld [tilespmem:s0+$0x3800]  }
0x51: {  	v6 =	vor.u32 v9, v6;
	v7 =	vor.u32 v10, v7;
	v12 =	vld [tilespmem:s0+$0x6000];
	[tilespmem:s1+$0x8800] =	vst v8;
	v8 =	vor.u32 v14, v13  }
0x52: {  	v5 =	vor.u32 v5, v11;
	v3 =	vor.u32 v4, v3;
	v1 =	vor.u32 v1, v2;
	v9 =	vld [tilespmem:s0+$0x3810];
	[tilespmem:s1+$0x8810] =	vst v6  }
0x53: {  	v2 =	vld [tilespmem:s0+$0x6010];
	v4 =	vshll.u32 v0, $0x10;
	[tilespmem:s1+$0x8820] =	vst v7  }
0x54: {  	v0 =	vand.u32 $0xFFFF0000, v0;
	v6 =	vld [tilespmem:s0+$0x3820];
	v7 =	vshll.u32 v15, $0x10;
	v10 =	vand.u32 $0xFFFF0000, v15;
	[tilespmem:s1+$0x8830] =	vst v8  }
0x55: {  	v8 =	vshll.u32 v16, $0x10;
	v11 =	vld [tilespmem:s0+$0x6020];
	v4 =	vadd.f32 v7, v4;
	v0 =	vadd.f32 v10, v0;
	[tilespmem:s1+$0x8840] =	vst v5  }
0x56: {  	v7 =	vand.u32 $0xFFFF0000, v16;
	v5 =	vshll.u32 v12, $0x10;
	v10 =	vand.u32 $0xFFFF0000, v12;
	v12 =	vld [tilespmem:s0+$0x3830];
	[tilespmem:s1+$0x8850] =	vst v3  }
0x57: {  	v3 =	vshll.u32 v9, $0x10;
	v13 =	vld [tilespmem:s0+$0x6030];
	v4 =	vadd.s32 $0x8000, v4;
	v0 =	vadd.s32 $0x8000, v0;
	[tilespmem:s1+$0x8860] =	vst v1;
	s1 =	smov.u32 s0  }
0x58: {  	v1 =	vshll.u32 v2, $0x10;
	v14 =	vld [tilespmem:s1+$0x3840];
	v4 =	vshrl.u32 v4, $0x10;
	v0 =	vand.u32 $0xFFFF0000, v0  }
0x59: {  	v9 =	vand.u32 $0xFFFF0000, v9;
	v2 =	vand.u32 $0xFFFF0000, v2;
	v15 =	vld [tilespmem:s1+$0x6040];
	v0 =	vor.u32 v0, v4  }
0x5a: {  	v4 =	vshll.u32 v6, $0x10;
	v6 =	vand.u32 $0xFFFF0000, v6;
	v16 =	vshll.u32 v11, $0x10;
	v17 =	vld [tilespmem:s1+$0x3850];
	[tilespmem:s1+$0x8870] =	vst v0  }
0x5b: {  	v0 =	vand.u32 $0xFFFF0000, v11;
	v11 =	vshll.u32 v12, $0x10;
	v12 =	vand.u32 $0xFFFF0000, v12;
	v18 =	vld [tilespmem:s1+$0x6050]  }
0x5c: {  	v5 =	vadd.f32 v5, v8;
	v8 =	vshll.u32 v13, $0x10;
	v13 =	vand.u32 $0xFFFF0000, v13;
	v19 =	vld [tilespmem:s1+$0x3860]  }
0x5d: {  	v7 =	vadd.f32 v10, v7;
	v10 =	vshll.u32 v14, $0x10;
	v14 =	vand.u32 $0xFFFF0000, v14;
	v20 =	vld [tilespmem:s1+$0x6060]  }
0x5e: {  	v1 =	vadd.f32 v1, v3;
	v3 =	vshll.u32 v15, $0x10;
	v15 =	vand.u32 $0xFFFF0000, v15  }
0x5f: {  	v2 =	vadd.f32 v2, v9;
	v9 =	vshll.u32 v17, $0x10;
	v17 =	vand.u32 $0xFFFF0000, v17  }
0x60: {  	v4 =	vadd.f32 v16, v4;
	v16 =	vshll.u32 v18, $0x10;
	v18 =	vand.u32 $0xFFFF0000, v18  }
0x61: {  	v0 =	vadd.f32 v0, v6;
	v6 =	vshll.u32 v19, $0x10;
	v19 =	vand.u32 $0xFFFF0000, v19  }
0x62: {  	v8 =	vadd.f32 v8, v11;
	v11 =	vshll.u32 v20, $0x10;
	v20 =	vand.u32 $0xFFFF0000, v20  }
0x63: {  	v21 =	vadd.s32 $0x8000, v5;
	v5 =	vadd.f32 v13, v12;
	v3 =	vadd.f32 v3, v10  }
0x64: {  	v7 =	vadd.s32 $0x8000, v7;
	v10 =	vadd.f32 v15, v14;
	v9 =	vadd.f32 v16, v9  }
0x65: {  	v13 =	vadd.s32 $0x8000, v1;
	v1 =	vadd.f32 v18, v17;
	v6 =	vadd.f32 v11, v6  }
0x66: {  	v14 =	vadd.s32 $0x8000, v4;
	v11 =	vadd.s32 $0x8000, v2;
	v12 =	vadd.f32 v20, v19  }
0x67: {  	v0 =	vadd.s32 $0x8000, v0;
	v15 =	vadd.s32 $0x8000, v8;
	v16 =	vadd.s32 $0x8000, v5  }
.Ltmp2:
0x68: {  	v17 =	vadd.s32 $0x8000, v3;
	v5 =	vadd.s32 $0x8000, v10;
	v3 =	vadd.s32 $0x8000, v9;
	(pc) =	sbr.rel @p1 .LBB2_3-.Ltmp2, $4  }
0x69: {  	v4 =	vadd.s32 $0x8000, v1;
	v2 =	vadd.s32 $0x8000, v6;
	v1 =	vadd.s32 $0x8000, v12  }
0x6a: {  	v8 =	vshrl.u32 v21, $0x10;
	v12 =	vand.u32 $0xFFFF0000, v7;
	v6 =	vshrl.u32 v13, $0x10  }
0x6b: {  	s0 =	sshra.s32 s14, $0x2;
	v10 =	vand.u32 $0xFFFF0000, v0;
	v9 =	vand.u32 $0xFFFF0000, v11;
	v7 =	vshrl.u32 v14, $0x10  }
0x6c: {  	s14 =	sadd.s32 $0x200, s14;
	v11 =	vshrl.u32 v17, $0x10;
	v13 =	vshrl.u32 v15, $0x10;
	v14 =	vand.u32 $0xFFFF0000, v16;
	v0 =	vld [tilespmem:s0+$0x3870]  }
0x6d: {  	v15 =	vld [tilespmem:s0+$0x6070]  }
0x6e: {  	v16 =	vld [tilespmem:s0+$0x3800];
	v8 =	vor.u32 v12, v8;
	v6 =	vor.u32 v9, v6;
	v5 =	vand.u32 $0xFFFF0000, v5  }
0x6f: {  	v12 =	vld [tilespmem:s0+$0x6000];
	v3 =	vshrl.u32 v3, $0x10;
	v4 =	vand.u32 $0xFFFF0000, v4;
	v2 =	vshrl.u32 v2, $0x10;
	[tilespmem:s1+$0x8800] =	vst v8  }
0x70: {  	v1 =	vand.u32 $0xFFFF0000, v1;
	v5 =	vor.u32 v5, v11;
	v8 =	vld [tilespmem:s0+$0x3810];
	[tilespmem:s1+$0x8810] =	vst v6;
	v6 =	vor.u32 v10, v7  }
0x71: {  	v3 =	vor.u32 v4, v3;
	v7 =	vld [tilespmem:s0+$0x6010];
	[tilespmem:s1+$0x8820] =	vst v6;
	v6 =	vor.u32 v14, v13;
	v4 =	vshll.u32 v0, $0x10  }
0x72: {  	v9 =	vld [tilespmem:s0+$0x3820];
	[tilespmem:s1+$0x8830] =	vst v6;
	v0 =	vand.u32 $0xFFFF0000, v0;
	v10 =	vshll.u32 v15, $0x10;
	v11 =	vand.u32 $0xFFFF0000, v15  }
0x73: {  	v1 =	vor.u32 v1, v2;
	v6 =	vld [tilespmem:s0+$0x6020];
	[tilespmem:s1+$0x8840] =	vst v5;
	v2 =	vadd.f32 v10, v4;
	v0 =	vadd.f32 v11, v0  }
0x74: {  	v5 =	vld [tilespmem:s0+$0x3830];
	[tilespmem:s1+$0x8850] =	vst v3;
	v4 =	vshll.u32 v16, $0x10;
	v10 =	vshll.u32 v12, $0x10;
	v11 =	vand.u32 $0xFFFF0000, v16  }
0x75: {  	v3 =	vld [tilespmem:s0+$0x6030];
	[tilespmem:s1+$0x8860] =	vst v1;
	v1 =	vand.u32 $0xFFFF0000, v12;
	v13 =	vshll.u32 v8, $0x10;
	v8 =	vand.u32 $0xFFFF0000, v8  }
0x76: {  	v4 =	vadd.f32 v10, v4;
	v2 =	vadd.s32 $0x8000, v2;
	v0 =	vadd.s32 $0x8000, v0  }
0x77: {  	v15 =	vshll.u32 v7, $0x10;
	v7 =	vand.u32 $0xFFFF0000, v7;
	v1 =	vadd.f32 v1, v11  }
0x78: {  	v2 =	vshrl.u32 v2, $0x10;
	v0 =	vand.u32 $0xFFFF0000, v0;
	v53 =	vshll.u32 v9, $0x10  }
0x79: {  	v12 =	vld [tilespmem:s0+$0x3840];
	v13 =	vadd.f32 v15, v13;
	v7 =	vadd.f32 v7, v8;
	v4 =	vadd.s32 $0x8000, v4  }
0x7a: {  	v14 =	vld [tilespmem:s0+$0x6040];
	v0 =	vor.u32 v0, v2;
	v17 =	vshll.u32 v6, $0x10;
	v6 =	vand.u32 $0xFFFF0000, v6  }
0x7b: {  	v18 =	vld [tilespmem:s0+$0x6050];
	v1 =	vadd.s32 $0x8000, v1;
	v4 =	vshrl.u32 v4, $0x10;
	[tilespmem:s0+$0x8870] =	vst v0;
	v0 =	vand.u32 $0xFFFF0000, v9  }
0x7c: {  	v19 =	vld [tilespmem:s0+$0x3860];
	v9 =	vshll.u32 v5, $0x10;
	v5 =	vand.u32 $0xFFFF0000, v5;
	v16 =	vadd.f32 v17, v53  }
0x7d: {  	v20 =	vld [tilespmem:s0+$0x6060];
	v7 =	vadd.s32 $0x8000, v7;
	v1 =	vand.u32 $0xFFFF0000, v1;
	v10 =	vshll.u32 v3, $0x10  }
0x7e: {  	v3 =	vand.u32 $0xFFFF0000, v3;
	v0 =	vadd.f32 v6, v0;
	v7 =	vand.u32 $0xFFFF0000, v7  }
0x7f: {  	v1 =	vor.u32 v1, v4;
	v11 =	vshll.u32 v12, $0x10;
	v12 =	vand.u32 $0xFFFF0000, v12  }
0x80: {  	v2 =	vld [tilespmem:s0+$0x3850];
	v15 =	vshll.u32 v14, $0x10;
	v14 =	vand.u32 $0xFFFF0000, v14;
	v54 =	vshll.u32 v18, $0x10  }
0x81: {  	v18 =	vand.u32 $0xFFFF0000, v18;
	v6 =	vshll.u32 v19, $0x10;
	v19 =	vand.u32 $0xFFFF0000, v19  }
0x82: {  	v9 =	vadd.f32 v10, v9;
	v10 =	vshll.u32 v20, $0x10;
	v3 =	vadd.f32 v3, v5  }
0x83: {  	v20 =	vand.u32 $0xFFFF0000, v20;
	v5 =	vadd.f32 v15, v11;
	v11 =	vadd.f32 v14, v12  }
0x84: {  	v12 =	vadd.s32 $0x8000, v13;
	v6 =	vadd.f32 v10, v6;
	v10 =	vadd.s32 $0x8000, v16  }
0x85: {  	v13 =	vadd.f32 v20, v19;
	v0 =	vadd.s32 $0x8000, v0;
	v8 =	vshll.u32 v2, $0x10  }
0x86: {  	v2 =	vand.u32 $0xFFFF0000, v2;
	v9 =	vadd.s32 $0x8000, v9;
	v3 =	vadd.s32 $0x8000, v3  }
0x87: {  	v12 =	vshrl.u32 v12, $0x10;
	v4 =	vshrl.u32 v10, $0x10;
	v0 =	vand.u32 $0xFFFF0000, v0  }
0x88: {  	v8 =	vadd.f32 v54, v8;
	v2 =	vadd.f32 v18, v2;
	v5 =	vadd.s32 $0x8000, v5  }
0x89: {  	v11 =	vadd.s32 $0x8000, v11;
	v6 =	vadd.s32 $0x8000, v6;
	v13 =	vadd.s32 $0x8000, v13  }
0x8a: {  	[tilespmem:s0+$0x8800] =	vst v1;
	v1 =	vor.u32 v7, v12;
	v7 =	vshrl.u32 v9, $0x10;
	v3 =	vand.u32 $0xFFFF0000, v3  }
0x8b: {  	v0 =	vor.u32 v0, v4;
	[tilespmem:s0+$0x8810] =	vst v1;
	v1 =	vshrl.u32 v5, $0x10;
	v4 =	vand.u32 $0xFFFF0000, v11  }
0x8c: {  	s1 =	smul.u32 $0xA0, s30;
	v3 =	vor.u32 v3, v7;
	[tilespmem:s0+$0x8820] =	vst v0;
	v8 =	vadd.s32 $0x8000, v8;
	v2 =	vadd.s32 $0x8000, v2  }
0x8d: {  	v1 =	vor.u32 v4, v1;
	[tilespmem:s0+$0x8830] =	vst v3;
	v3 =	vshrl.u32 v6, $0x10;
	v4 =	vand.u32 $0xFFFF0000, v13  }
0x8e: {  	s14 =	sadd.s32 s5, s1;
	v0 =	vshrl.u32 v8, $0x10;
	v2 =	vand.u32 $0xFFFF0000, v2;
	[tilespmem:s0+$0x8840] =	vst v1;
	v1 =	vor.u32 v4, v3  }
0x8f: {  	s14 =	sshll.u32 s14, $0x4;
	v0 =	vor.u32 v2, v0;
	[tilespmem:s0+$0x8860] =	vst v1  }
0x90: {  	p1 =	seq.s32 s30, $0x18;
	s15 =	sadd.s32 s6, s14;
	[tilespmem:s0+$0x8850] =	vst v0  }
0x91: {  	[hbm4b:s15+s3] =	stream.linear.scatter [tilespmem:s22], [sflag:$0x3], $0x2800, $0x38;
	[tilespmem:$0x12800] =	vst v63  }
0x92: {  	s14 =	simm.s32 @!p1 $0x50;
	s0 =	sadd.s32 @!p1 $0x100, s31;
	s15 =	simm.s32 @!p1 $0x3800  }
0x93: {  	[tilespmem:s15], [sflag:$0x1] =	stream.indirect.gather @!p1 [hbm4b:s2+s14], $0x80, s0, s14, $0xb8;
	[tilespmem:$0x12800] =	vst v63  }
0x94: {  	s0 =	sadd.s32 @!p1 $0x1D00, s31;
	s15 =	simm.s32 @!p1 $0x6000  }
0x95: {  	[tilespmem:s15], [sflag:$0x2] =	stream.indirect.gather @!p1 [hbm4b:s4+s14], $0x80, s0, s14, $0xb8;
	[tilespmem:$0x12800] =	vst v63  }
0x96: {  	_ =	swait.ge [sflag:s23], $0x2800  }
0x97: {  	[sflag:s23] =	ssyncset.done $0x0  }
0x98: {  	[sflag:s23] =	ssyncadd.s32 $0xFFFFD800  }
0x99: {  	_ =	swait.ge [sflag:s24], $0x2800  }
0x9a: {  	[sflag:s24] =	ssyncset.done $0x0  }
0x9b: {  	s0 =	simm.s32 @!p0 $0x6;
	[sflag:s24] =	ssyncadd.s32 $0xFFFFD800  }
0x9c: {  	_ =	swait.ge @!p0 [sflag:s0], $0x2800  }
0x9d: {  	[sflag:s0] =	ssyncset.done @!p0 $0x0  }
0x9e: {  	[sflag:s0] =	ssyncadd.s32 @!p0 $0xFFFFD800;
	s0 =	simm.s32 $0x0  }
0x9f: {  	v0 =	vld [tilespmem:s0+$0xB070]  }
0xa0: {  	v1 =	vld [tilespmem:s0+$0xD870]  }
0xa1: {  	v2 =	vld [tilespmem:s0+$0xB000]  }
0xa2: {  	v4 =	vld [tilespmem:s0+$0xB010]  }
0xa3: {  	v5 =	vld [tilespmem:s0+$0xD810]  }
0xa4: {  	v7 =	vld [tilespmem:s0+$0xB020]  }
0xa5: {  	v9 =	vld [tilespmem:s0+$0xD820]  }
0xa6: {  	v57 =	vld [tilespmem:s0+$0xD850]  }
0xa7: {  	v58 =	vld [tilespmem:s0+$0xB060];
	v6 =	vshll.u32 v0, $0x10  }
0xa8: {  	v59 =	vld [tilespmem:s0+$0xD860];
	v8 =	vshll.u32 v1, $0x10;
	v0 =	vand.u32 $0xFFFF0000, v0;
	v1 =	vand.u32 $0xFFFF0000, v1  }
0xa9: {  	v3 =	vld [tilespmem:s0+$0xD800];
	v10 =	vshll.u32 v2, $0x10;
	v2 =	vand.u32 $0xFFFF0000, v2;
	v12 =	vshll.u32 v4, $0x10  }
0xaa: {  	v15 =	vld [tilespmem:s0+$0xD840];
	v14 =	vshll.u32 v5, $0x10;
	v4 =	vand.u32 $0xFFFF0000, v4;
	v5 =	vand.u32 $0xFFFF0000, v5  }
0xab: {  	v11 =	vld [tilespmem:s0+$0xD830];
	v55 =	vshll.u32 v7, $0x10;
	v56 =	vshll.u32 v9, $0x10;
	v7 =	vand.u32 $0xFFFF0000, v7  }
0xac: {  	v13 =	vld [tilespmem:s0+$0xB040];
	v60 =	vshll.u32 v57, $0x10;
	v18 =	vand.u32 $0xFFFF0000, v57;
	v19 =	vand.u32 $0xFFFF0000, v58  }
0xad: {  	v20 =	vand.u32 $0xFFFF0000, v59;
	v6 =	vadd.f32 v8, v6;
	v0 =	vadd.f32 v1, v0  }
0xae: {  	v8 =	vshll.u32 v3, $0x10;
	v3 =	vand.u32 $0xFFFF0000, v3;
	v12 =	vadd.f32 v14, v12  }
0xaf: {  	v14 =	vshll.u32 v15, $0x10;
	v15 =	vand.u32 $0xFFFF0000, v15;
	v4 =	vadd.f32 v5, v4  }
0xb0: {  	v16 =	vadd.f32 v56, v55;
	v8 =	vadd.f32 v8, v10;
	v10 =	vshll.u32 v11, $0x10  }
0xb1: {  	v1 =	vld [tilespmem:s0+$0xB030];
	v11 =	vand.u32 $0xFFFF0000, v11;
	v2 =	vadd.f32 v3, v2;
	v3 =	vshll.u32 v13, $0x10  }
0xb2: {  	v13 =	vand.u32 $0xFFFF0000, v13;
	v6 =	vadd.s32 $0x8000, v6;
	v0 =	vadd.s32 $0x8000, v0  }
0xb3: {  	v3 =	vadd.f32 v14, v3;
	v6 =	vshrl.u32 v6, $0x10;
	v0 =	vand.u32 $0xFFFF0000, v0  }
0xb4: {  	v14 =	vadd.s32 $0x8000, v12;
	v12 =	vadd.f32 v20, v19;
	v0 =	vor.u32 v0, v6  }
0xb5: {  	v8 =	vadd.s32 $0x8000, v8;
	v63 =	vadd.s32 $0x8000, v3;
	[tilespmem:s0+$0x10070] =	vst v0;
	v0 =	vand.u32 $0xFFFF0000, v9  }
0xb6: {  	v9 =	vshll.u32 v1, $0x10;
	v1 =	vand.u32 $0xFFFF0000, v1;
	v0 =	vadd.f32 v0, v7  }
0xb7: {  	v6 =	vld [tilespmem:s0+$0xB050];
	v7 =	vshll.u32 v58, $0x10;
	v9 =	vadd.f32 v10, v9;
	v10 =	vshll.u32 v59, $0x10  }
0xb8: {  	v1 =	vadd.f32 v11, v1;
	v11 =	vadd.s32 $0x8000, v2;
	v2 =	vadd.f32 v15, v13  }
0xb9: {  	v15 =	vadd.s32 $0x8000, v16;
	v7 =	vadd.f32 v10, v7;
	v10 =	vadd.s32 $0x8000, v4  }
0xba: {  	v0 =	vadd.s32 $0x8000, v0;
	v61 =	vadd.s32 $0x8000, v9;
	v62 =	vadd.s32 $0x8000, v1  }
0xbb: {  	v1 =	vadd.s32 $0x8000, v12;
	v9 =	vshrl.u32 v8, $0x10;
	v12 =	vand.u32 $0xFFFF0000, v11  }
0xbc: {  	v10 =	vand.u32 $0xFFFF0000, v10;
	v5 =	vshll.u32 v6, $0x10;
	v6 =	vand.u32 $0xFFFF0000, v6  }
0xbd: {  	v8 =	vshrl.u32 v63, $0x10;
	v13 =	vadd.f32 v60, v5;
	v6 =	vadd.f32 v18, v6  }
0xbe: {  	v11 =	vand.u32 $0xFFFF0000, v0;
	v5 =	vadd.s32 $0x8000, v2;
	v2 =	vadd.s32 $0x8000, v7  }
0xbf: {  	s14 =	simm.s32 $0x80;
	v7 =	vshrl.u32 v15, $0x10;
	v3 =	vadd.s32 $0x8000, v13;
	v4 =	vadd.s32 $0x8000, v6  }
0xc0: {  	s15 =	simm.s32 $0x400;
	v0 =	vld [tilespmem:s14+$0xB070];
	v6 =	vshrl.u32 v14, $0x10;
	v13 =	vshrl.u32 v61, $0x10;
	v14 =	vand.u32 $0xFFFF0000, v62  }
.LBB2_5:
0xc1: {  	p0 =	sne.s32 s15, $0x9E00;
	v15 =	vld [tilespmem:s14+$0xD870];
	v5 =	vand.u32 $0xFFFF0000, v5;
	v3 =	vshrl.u32 v3, $0x10;
	v4 =	vand.u32 $0xFFFF0000, v4  }
0xc2: {  	v9 =	vor.u32 v12, v9;
	v2 =	vshrl.u32 v2, $0x10;
	v1 =	vand.u32 $0xFFFF0000, v1;
	v16 =	vld [tilespmem:s14+$0xB000]  }
0xc3: {  	v6 =	vor.u32 v10, v6;
	v7 =	vor.u32 v11, v7;
	v12 =	vld [tilespmem:s14+$0xD800];
	[tilespmem:s0+$0x10000] =	vst v9;
	v9 =	vor.u32 v14, v13  }
0xc4: {  	v5 =	vor.u32 v5, v8;
	v3 =	vor.u32 v4, v3;
	v1 =	vor.u32 v1, v2;
	v10 =	vld [tilespmem:s14+$0xB010];
	[tilespmem:s0+$0x10010] =	vst v6  }
0xc5: {  	v2 =	vld [tilespmem:s14+$0xD810];
	v4 =	vshll.u32 v0, $0x10;
	[tilespmem:s0+$0x10020] =	vst v7  }
0xc6: {  	v0 =	vand.u32 $0xFFFF0000, v0;
	v6 =	vld [tilespmem:s14+$0xB020];
	v7 =	vshll.u32 v15, $0x10;
	v8 =	vand.u32 $0xFFFF0000, v15;
	[tilespmem:s0+$0x10030] =	vst v9  }
0xc7: {  	v9 =	vshll.u32 v16, $0x10;
	v11 =	vld [tilespmem:s14+$0xD820];
	v4 =	vadd.f32 v7, v4;
	v0 =	vadd.f32 v8, v0;
	[tilespmem:s0+$0x10040] =	vst v5  }
0xc8: {  	v7 =	vand.u32 $0xFFFF0000, v16;
	v5 =	vshll.u32 v12, $0x10;
	v8 =	vand.u32 $0xFFFF0000, v12;
	v12 =	vld [tilespmem:s14+$0xB030];
	[tilespmem:s0+$0x10050] =	vst v3  }
0xc9: {  	v3 =	vshll.u32 v10, $0x10;
	v13 =	vld [tilespmem:s14+$0xD830];
	v4 =	vadd.s32 $0x8000, v4;
	v0 =	vadd.s32 $0x8000, v0;
	[tilespmem:s0+$0x10060] =	vst v1;
	s0 =	smov.u32 s14  }
0xca: {  	v1 =	vshll.u32 v2, $0x10;
	v14 =	vld [tilespmem:s0+$0xB040];
	v4 =	vshrl.u32 v4, $0x10;
	v0 =	vand.u32 $0xFFFF0000, v0  }
0xcb: {  	v10 =	vand.u32 $0xFFFF0000, v10;
	v2 =	vand.u32 $0xFFFF0000, v2;
	v15 =	vld [tilespmem:s0+$0xD840];
	v0 =	vor.u32 v0, v4  }
0xcc: {  	v4 =	vshll.u32 v6, $0x10;
	v6 =	vand.u32 $0xFFFF0000, v6;
	v16 =	vshll.u32 v11, $0x10;
	v17 =	vld [tilespmem:s0+$0xB050];
	[tilespmem:s0+$0x10070] =	vst v0  }
0xcd: {  	v0 =	vand.u32 $0xFFFF0000, v11;
	v11 =	vshll.u32 v12, $0x10;
	v12 =	vand.u32 $0xFFFF0000, v12;
	v18 =	vld [tilespmem:s0+$0xD850]  }
0xce: {  	v5 =	vadd.f32 v5, v9;
	v9 =	vshll.u32 v13, $0x10;
	v13 =	vand.u32 $0xFFFF0000, v13;
	v19 =	vld [tilespmem:s0+$0xB060]  }
0xcf: {  	v7 =	vadd.f32 v8, v7;
	v8 =	vshll.u32 v14, $0x10;
	v14 =	vand.u32 $0xFFFF0000, v14;
	v20 =	vld [tilespmem:s0+$0xD860]  }
0xd0: {  	v1 =	vadd.f32 v1, v3;
	v3 =	vshll.u32 v15, $0x10;
	v15 =	vand.u32 $0xFFFF0000, v15  }
0xd1: {  	v2 =	vadd.f32 v2, v10;
	v10 =	vshll.u32 v17, $0x10;
	v17 =	vand.u32 $0xFFFF0000, v17  }
0xd2: {  	v4 =	vadd.f32 v16, v4;
	v16 =	vshll.u32 v18, $0x10;
	v18 =	vand.u32 $0xFFFF0000, v18  }
0xd3: {  	v0 =	vadd.f32 v0, v6;
	v6 =	vshll.u32 v19, $0x10;
	v19 =	vand.u32 $0xFFFF0000, v19  }
0xd4: {  	v9 =	vadd.f32 v9, v11;
	v11 =	vshll.u32 v20, $0x10;
	v20 =	vand.u32 $0xFFFF0000, v20  }
0xd5: {  	v21 =	vadd.s32 $0x8000, v5;
	v5 =	vadd.f32 v13, v12;
	v3 =	vadd.f32 v3, v8  }
0xd6: {  	v7 =	vadd.s32 $0x8000, v7;
	v8 =	vadd.f32 v15, v14;
	v10 =	vadd.f32 v16, v10  }
0xd7: {  	v13 =	vadd.s32 $0x8000, v1;
	v1 =	vadd.f32 v18, v17;
	v6 =	vadd.f32 v11, v6  }
0xd8: {  	v14 =	vadd.s32 $0x8000, v4;
	v11 =	vadd.s32 $0x8000, v2;
	v12 =	vadd.f32 v20, v19  }
0xd9: {  	v0 =	vadd.s32 $0x8000, v0;
	v15 =	vadd.s32 $0x8000, v9;
	v16 =	vadd.s32 $0x8000, v5  }
.Ltmp3:
0xda: {  	v17 =	vadd.s32 $0x8000, v3;
	v5 =	vadd.s32 $0x8000, v8;
	v3 =	vadd.s32 $0x8000, v10;
	(pc) =	sbr.rel @p0 .LBB2_5-.Ltmp3, $4  }
0xdb: {  	v4 =	vadd.s32 $0x8000, v1;
	v2 =	vadd.s32 $0x8000, v6;
	v1 =	vadd.s32 $0x8000, v12  }
0xdc: {  	v9 =	vshrl.u32 v21, $0x10;
	v12 =	vand.u32 $0xFFFF0000, v7;
	v6 =	vshrl.u32 v13, $0x10  }
0xdd: {  	s14 =	sshra.s32 s15, $0x2;
	v10 =	vand.u32 $0xFFFF0000, v11;
	v11 =	vand.u32 $0xFFFF0000, v0;
	v7 =	vshrl.u32 v14, $0x10  }
0xde: {  	s15 =	sadd.s32 $0x200, s15;
	v8 =	vshrl.u32 v17, $0x10;
	v13 =	vshrl.u32 v15, $0x10;
	v14 =	vand.u32 $0xFFFF0000, v16;
	v0 =	vld [tilespmem:s14+$0xB070]  }
0xdf: {  	v15 =	vld [tilespmem:s14+$0xD870]  }
0xe0: {  	v16 =	vld [tilespmem:s14+$0xB000]  }
0xe1: {  	v9 =	vor.u32 v12, v9;
	v21 =	vld [tilespmem:s14+$0xD800];
	v6 =	vor.u32 v10, v6;
	v22 =	vor.u32 v11, v7  }
0xe2: {  	v24 =	vor.u32 v14, v13;
	v5 =	vand.u32 $0xFFFF0000, v5;
	v3 =	vshrl.u32 v3, $0x10;
	[tilespmem:s0+$0x10000] =	vst v9  }
0xe3: {  	v4 =	vand.u32 $0xFFFF0000, v4;
	v2 =	vshrl.u32 v2, $0x10;
	v1 =	vand.u32 $0xFFFF0000, v1;
	v9 =	vld [tilespmem:s14+$0xB010]  }
0xe4: {  	v5 =	vor.u32 v5, v8;
	v3 =	vor.u32 v4, v3;
	v1 =	vor.u32 v1, v2;
	[tilespmem:s0+$0x10010] =	vst v6  }
0xe5: {  	v23 =	vld [tilespmem:s14+$0xD810];
	[tilespmem:s0+$0x10020] =	vst v22;
	v26 =	vshll.u32 v0, $0x10;
	v28 =	vand.u32 $0xFFFF0000, v0;
	v27 =	vshll.u32 v15, $0x10  }
0xe6: {  	v25 =	vld [tilespmem:s14+$0xB020];
	[tilespmem:s0+$0x10030] =	vst v24;
	v29 =	vand.u32 $0xFFFF0000, v15;
	v31 =	vshll.u32 v16, $0x10;
	v32 =	vshll.u32 v21, $0x10  }
0xe7: {  	v6 =	vld [tilespmem:s14+$0xD820];
	[tilespmem:s0+$0x10040] =	vst v5;
	v33 =	vand.u32 $0xFFFF0000, v16;
	v34 =	vand.u32 $0xFFFF0000, v21;
	v30 =	vadd.f32 v27, v26  }
0xe8: {  	v5 =	vld [tilespmem:s14+$0xB030];
	[tilespmem:s0+$0x10050] =	vst v3;
	v0 =	vadd.f32 v29, v28;
	v4 =	vadd.f32 v32, v31;
	v36 =	vshll.u32 v9, $0x10  }
0xe9: {  	v3 =	vld [tilespmem:s14+$0xD830];
	[tilespmem:s0+$0x10060] =	vst v1;
	v9 =	vand.u32 $0xFFFF0000, v9;
	v1 =	vadd.f32 v34, v33;
	v2 =	vadd.s32 $0x8000, v30  }
0xea: {  	v0 =	vadd.s32 $0x8000, v0;
	v38 =	vshll.u32 v23, $0x10;
	v7 =	vand.u32 $0xFFFF0000, v23  }
0xeb: {  	v4 =	vadd.s32 $0x8000, v4;
	v2 =	vshrl.u32 v2, $0x10;
	v0 =	vand.u32 $0xFFFF0000, v0  }
0xec: {  	v35 =	vld [tilespmem:s14+$0xB040];
	v40 =	vshll.u32 v25, $0x10;
	v41 =	vand.u32 $0xFFFF0000, v25;
	v13 =	vadd.f32 v38, v36  }
0xed: {  	v37 =	vld [tilespmem:s14+$0xD840];
	v7 =	vadd.f32 v7, v9;
	v1 =	vadd.s32 $0x8000, v1;
	v4 =	vshrl.u32 v4, $0x10  }
0xee: {  	v39 =	vld [tilespmem:s14+$0xB050];
	v0 =	vor.u32 v0, v2;
	v17 =	vshll.u32 v6, $0x10;
	v6 =	vand.u32 $0xFFFF0000, v6  }
0xef: {  	v18 =	vld [tilespmem:s14+$0xD850];
	v1 =	vand.u32 $0xFFFF0000, v1;
	v42 =	vshll.u32 v5, $0x10;
	v5 =	vand.u32 $0xFFFF0000, v5  }
0xf0: {  	v19 =	vld [tilespmem:s14+$0xB060];
	[tilespmem:s14+$0x10070] =	vst v0;
	v16 =	vadd.f32 v17, v40;
	v0 =	vadd.f32 v6, v41;
	v52 =	vadd.s32 $0x8000, v13  }
0xf1: {  	v20 =	vld [tilespmem:s14+$0xD860];
	v7 =	vadd.s32 $0x8000, v7;
	v1 =	vor.u32 v1, v4;
	v43 =	vshll.u32 v3, $0x10  }
0xf2: {  	v3 =	vand.u32 $0xFFFF0000, v3;
	v7 =	vand.u32 $0xFFFF0000, v7;
	v44 =	vshll.u32 v35, $0x10  }
0xf3: {  	v12 =	vand.u32 $0xFFFF0000, v35;
	v45 =	vshll.u32 v37, $0x10;
	v14 =	vand.u32 $0xFFFF0000, v37  }
0xf4: {  	v46 =	vshll.u32 v39, $0x10;
	v2 =	vand.u32 $0xFFFF0000, v39;
	v47 =	vshll.u32 v18, $0x10  }
0xf5: {  	v18 =	vand.u32 $0xFFFF0000, v18;
	v48 =	vshll.u32 v19, $0x10;
	v19 =	vand.u32 $0xFFFF0000, v19  }
0xf6: {  	v8 =	vadd.f32 v43, v42;
	v49 =	vshll.u32 v20, $0x10;
	v3 =	vadd.f32 v3, v5  }
0xf7: {  	v20 =	vand.u32 $0xFFFF0000, v20;
	v50 =	vadd.f32 v45, v44;
	v51 =	vadd.f32 v14, v12  }
0xf8: {  	v53 =	vadd.s32 $0x8000, v16;
	v9 =	vadd.f32 v47, v46;
	v2 =	vadd.f32 v18, v2  }
0xf9: {  	v0 =	vadd.s32 $0x8000, v0;
	v6 =	vadd.f32 v49, v48;
	v54 =	vadd.f32 v20, v19  }
0xfa: {  	v12 =	vshrl.u32 v52, $0x10;
	v55 =	vshrl.u32 v53, $0x10;
	v0 =	vand.u32 $0xFFFF0000, v0  }
0xfb: {  	v8 =	vadd.s32 $0x8000, v8;
	v3 =	vadd.s32 $0x8000, v3;
	v56 =	vor.u32 v7, v12  }
0xfc: {  	v0 =	vor.u32 v0, v55;
	v5 =	vadd.s32 $0x8000, v50;
	v11 =	vadd.s32 $0x8000, v51  }
0xfd: {  	[tilespmem:s14+$0x10000] =	vst v1;
	v9 =	vadd.s32 $0x8000, v9;
	v2 =	vadd.s32 $0x8000, v2;
	v6 =	vadd.s32 $0x8000, v6  }
0xfe: {  	v13 =	vadd.s32 $0x8000, v54;
	v57 =	vshrl.u32 v8, $0x10;
	v3 =	vand.u32 $0xFFFF0000, v3;
	[tilespmem:s14+$0x10010] =	vst v56  }
0xff: {  	[tilespmem:s14+$0x10020] =	vst v0;
	v58 =	vshrl.u32 v5, $0x10;
	v59 =	vand.u32 $0xFFFF0000, v11;
	v3 =	vor.u32 v3, v57  }
.Ltmp4:
0x100: {  	v60 =	vshrl.u32 v9, $0x10;
	v2 =	vand.u32 $0xFFFF0000, v2;
	v1 =	vor.u32 v59, v58;
	[tilespmem:s14+$0x10030] =	vst v3;
	(pc) =	sbr.rel @p1 .LBB2_8-.Ltmp4, $4  }
0x101: {  	s15 =	sadd.s32 s1, s9;
	v61 =	vshrl.u32 v6, $0x10;
	v62 =	vand.u32 $0xFFFF0000, v13;
	v0 =	vor.u32 v2, v60;
	[tilespmem:s14+$0x10040] =	vst v1  }
0x102: {  	s0 =	sshll.u32 s15, $0x4;
	v63 =	vor.u32 v62, v61;
	[tilespmem:s14+$0x10050] =	vst v0  }
0x103: {  	s0 =	sadd.s32 s6, s0;
	[tilespmem:s14+$0x10060] =	vst v63  }
0x104: {  	[hbm4b:s0+s3] =	stream.linear.scatter [tilespmem:s25], [sflag:$0x6], $0x2800, $0x38;
	[tilespmem:$0x12800] =	vst v63  }
.Ltmp5:
0x105: {  	(pc) =	sbr.rel .LBB2_2-.Ltmp5, $4  }
0x106: {  	s0 =	sadd.s32 $0x180, s31  }
0x107: {  	[tilespmem:s17], [sflag:$0x4] =	stream.indirect.gather [hbm4b:s2+s13], $0x80, s0, s13, $0xb8;
	[tilespmem:$0x12800] =	vst v63  }
0x108: {  	s31 =	sadd.s32 $0x1D80, s31;
	s30 =	sadd.s32 $0x1, s30  }
0x109: {  	[tilespmem:s19], [sflag:$0x5] =	stream.indirect.gather [hbm4b:s4+s13], $0x80, s31, s13, $0xb8;
	[tilespmem:$0x12800] =	vst v63  }
.LBB2_9:
0x10a: {  	_ =	sfence.sel $0x180000  }
0x10b: {  	[bflag:$0x0] =	sbarrier.arrive $0xFFFF  }
0x10c: {  	_ =	strace $0x9000004A  }
0x10d: {  	s0 =	stileid.u32;
	[bflag:$0x2] =	sbarrier.arrive $0xFFFF  }
0x10e: {  	p0 =	sne.s32 s0, $0x0;
	s0 =	rddreg [dreg:$0x2]  }
0x10f: {  	s0 =	sadd.s32 @!p0 $0x100000, s0  }
0x110: {  	[sflag:s0] =	ssyncadd.tile.s32 @!p0 $0x1;
	_ =	shalt  }
.Lfunc_end2:
_tile_overlayer_lowered:
.L_overlay_start_2:
0x111: {  	(tag) =	ssettag $0x2  }
0x112: {  	s0 =	rddreg [dreg:$0x0];
	s2 =	stileid.u32  }
0x113: {  	s1 =	rddreg [dreg:$0x1];
	p0 =	sne.s32 s2, $0x0  }
0x114: {  	s3 =	rddreg [dreg:$0x2];
	[bflag:$0x3] =	sbarrier.arrive $0xFFFF;
	s2 =	simm.s32 @!p0 $0x1C07  }
0x115: {  	[timem:s3], [sflag:s2] =	dma.local @!p0 [hbm:s0], s1  }
0x116: {  	s0 =	simm.s32 @!p0 $0x7  }
0x117: {  	_ =	swait.ge @!p0 [sflag:s0], s1  }
0x118: {  	s1 =	ssub.s32 @!p0 $0x0, s1;
	[sflag:s0] =	ssyncset.done @!p0 $0x0  }
0x119: {  	[sflag:s0] =	ssyncadd.s32 @!p0 s1  }
0x11a: {  	[bflag:$0x3] =	sbarrier.arrive $0xFFFF  }
0x11b: {  	_ =	shalt  }

// kernel: kernel.18.cloned.1.call-start
scs
__scs_entry_jumppad:
0x0: {  	(pc) =	sbr.rel $0x88, $3  }
0x1: {  	(tag) =	ssettag $0x0;
	lr =	simm.s32 $0x1  }
0x2: {  	[smem:$0x3F97] =	sst lr;
	_ =	strace $0xD0000000  }
0x3: {  	_ = 	snop  }
0x4: {  	_ = 	snop  }
0x5: {  	_ = 	snop  }
0x6: {  	_ = 	snop  }
0x7: {  	_ = 	snop  }
__scs_overlays_trampoline_lowered:
0x8: {  	[smem:$0x3FA6] =	sst s0  }
0x9: {  	[smem:$0x3FA7] =	sst s1  }
0xa: {  	[smem:$0x3FA8] =	sst s2  }
0xb: {  	[smem:$0x3FA9] =	sst s3  }
0xc: {  	[smem:$0x3FAA] =	sst s4  }
0xd: {  	[smem:$0x3FAB] =	sst s5  }
0xe: {  	[smem:$0x3FAC] =	sst s6  }
0xf: {  	[smem:$0x3FAD] =	sst s7  }
0x10: {  	[smem:$0x3FAE] =	sst s8  }
0x11: {  	[smem:$0x3FAF] =	sst s9;
	s0 =	simm.s32 @!p0 $0x0  }
0x12: {  	s1 =	sld [smem:$0x3F95];
	s0 =	simm.s32 @p0 $0x1  }
0x13: {  	[smem:$0x3FB0] =	sst s0;
	s0 =	simm.s32 @!p1 $0x0  }
0x14: {  	s2 =	sld [smem:$0x3F94];
	s0 =	simm.s32 @p1 $0x1  }
0x15: {  	[smem:$0x3FB1] =	sst s0;
	s0 =	simm.s32 @!p2 $0x0  }
0x16: {  	s3 =	sld [smem:$0x3FDB];
	s0 =	simm.s32 @p2 $0x1  }
0x17: {  	s4 =	simm.s32 $0x1BF5;
	[smem:$0x3FB3] =	sst s0  }
0x18: {  	s0 =	sld [smem:$0x3F96];
	_ =	swait.ge [sflag:s4], $0x0  }
0x19: {  	s7 =	sld [smem:$0x3F97]  }
0x1a: {  	s8 =	sadd.s32 $0xFFFFE003, lr  }
0x1b: {  	s9 =	sadd.s32 $0xFFFFFEF7, lr;
	s5 =	simm.s32 $0xFFFFFFFF;
	p2 =	slt.u32 s8, $0xFFFFF086  }
0x1c: {  	p1 =	slt.u32 s9, $0xF7A;
	s5 =	simm.s32 @!p2 $0x0  }
0x1d: {  	s5 =	simm.s32 @p1 $0x1;
	p0 =	seq.s32 s7, s2  }
0x1e: {  	s7 =	smul.u32 @!p0 $0xF7A, s2;
	p2 =	seq.s32 @!p0 s5, $0x0  }
0x1f: {  	s9 =	smul.u32 $0xF7A, s1;
	s8 =	simm.s32 @!p0 $0x1BF5;
	p2 =	por !p2, p0  }
0x20: {  	[sflag:s8] =	ssyncset.s32 @!p0 $0xFFFFF086;
	s6 =	sadd.s32 @!p0 s3, s7;
	s7 =	simm.s32 @!p0 $0x108  }
0x21: {  	s3 =	sadd.s32 s3, s9;
	s6 =	sadd.s32 @!p0 $0x88, s6;
	s7 =	simm.s32 @p2 $0x1082  }
0x22: {  	[simem:s7], [sflag:s8] =	dma.local @!p0 [hbm:s6], $0xF7A  }
0x23: {  	s9 =	sor.u32 $0xD0000000, s2;
	s6 =	simm.s32 $0x108;
	_ =	swait.ge @!p0 [sflag:s8], $0x0  }
0x24: {  	s3 =	sadd.s32 $0x88, s3;
	s6 =	simm.s32 @!p1 $0x1082;
	[sflag:s4] =	ssyncset.s32 $0xFFFFF086  }
0x25: {  	[simem:s6], [sflag:s4] =	dma.local [hbm:s3], $0xF7A  }
0x26: {  	[smem:$0x3F97] =	sst s1;
	(tag) =	ssettag s2;
	_ =	strace s9  }
0x27: {  	s1 =	sld [smem:$0x3FA7]  }
0x28: {  	s2 =	sld [smem:$0x3FA8]  }
0x29: {  	s4 =	sld [smem:$0x3FAA]  }
0x2a: {  	p0 =	seq.s32 s5, $0x0;
	s5 =	sld [smem:$0x3FAB]  }
0x2b: {  	s6 =	sld [smem:$0x3FAC]  }
0x2c: {  	s7 =	sld [smem:$0x3FAD]  }
0x2d: {  	s3 =	simm.s32 $0x108;
	s8 =	sld [smem:$0x3FAE]  }
0x2e: {  	s3 =	simm.s32 @!p0 $0x1082;
	s9 =	sld [smem:$0x3FAF]  }
0x2f: {  	lr =	sadd.s32 s0, s3;
	s0 =	sld [smem:$0x3FA6]  }
0x30: {  	s3 =	sld [smem:$0x3FA9]  }
0x31: {  	[smem:$0x3FB2] =	sst s10  }
0x32: {  	s10 =	sld [smem:$0x3FB0];
	_ =	sdelay $0x3  }
0x33: {  	p0 =	seq.s32 s10, $0x1;
	s10 =	sld [smem:$0x3FB2];
	_ =	sdelay $0x3  }
0x34: {  	[smem:$0x3FB2] =	sst s10  }
0x35: {  	s10 =	sld [smem:$0x3FB1];
	_ =	sdelay $0x3  }
0x36: {  	p1 =	seq.s32 s10, $0x1;
	s10 =	sld [smem:$0x3FB2];
	_ =	sdelay $0x3  }
0x37: {  	[smem:$0x3FB2] =	sst s10  }
0x38: {  	s10 =	sld [smem:$0x3FB3]  }
0x39: {  	_ = 	snop;
	(pc) =	sbr.ind lr, $3  }
0x3a: {  	_ = 	snop  }
0x3b: {  	_ = 	snop  }
0x3c: {  	p2 =	seq.s32 s10, $0x1;
	s10 =	sld [smem:$0x3FB2]  }
0x3d: {  	_ =	shalt  }
0x3e: {  	_ =	shalt  }
0x3f: {  	_ =	shalt  }
0x40: {  	_ =	shalt  }
0x41: {  	_ =	shalt  }
0x42: {  	_ =	shalt  }
0x43: {  	_ =	shalt  }
0x44: {  	_ =	shalt  }
0x45: {  	_ =	shalt  }
0x46: {  	_ =	shalt  }
0x47: {  	_ =	shalt  }
0x48: {  	_ =	shalt  }
0x49: {  	_ =	shalt  }
0x4a: {  	_ =	shalt  }
0x4b: {  	_ =	shalt  }
0x4c: {  	_ =	shalt  }
0x4d: {  	_ =	shalt  }
0x4e: {  	_ =	shalt  }
0x4f: {  	_ =	shalt  }
0x50: {  	_ =	shalt  }
0x51: {  	_ =	shalt  }
0x52: {  	_ =	shalt  }
0x53: {  	_ =	shalt  }
0x54: {  	_ =	shalt  }
0x55: {  	_ =	shalt  }
0x56: {  	_ =	shalt  }
0x57: {  	_ =	shalt  }
0x58: {  	_ =	shalt  }
0x59: {  	_ =	shalt  }
0x5a: {  	_ =	shalt  }
0x5b: {  	_ =	shalt  }
0x5c: {  	_ =	shalt  }
0x5d: {  	_ =	shalt  }
0x5e: {  	_ =	shalt  }
0x5f: {  	_ =	shalt  }
0x60: {  	_ =	shalt  }
0x61: {  	_ =	shalt  }
0x62: {  	_ =	shalt  }
0x63: {  	_ =	shalt  }
0x64: {  	_ =	shalt  }
0x65: {  	_ =	shalt  }
0x66: {  	_ =	shalt  }
0x67: {  	_ =	shalt  }
0x68: {  	_ =	shalt  }
0x69: {  	_ =	shalt  }
0x6a: {  	_ =	shalt  }
0x6b: {  	_ =	shalt  }
0x6c: {  	_ =	shalt  }
0x6d: {  	_ =	shalt  }
0x6e: {  	_ =	shalt  }
0x6f: {  	_ =	shalt  }
0x70: {  	_ =	shalt  }
0x71: {  	_ =	shalt  }
0x72: {  	_ =	shalt  }
0x73: {  	_ =	shalt  }
0x74: {  	_ =	shalt  }
0x75: {  	_ =	shalt  }
0x76: {  	_ =	shalt  }
0x77: {  	_ =	shalt  }
0x78: {  	_ =	shalt  }
0x79: {  	_ =	shalt  }
0x7a: {  	_ =	shalt  }
0x7b: {  	_ =	shalt  }
0x7c: {  	_ =	shalt  }
0x7d: {  	_ =	shalt  }
0x7e: {  	_ =	shalt  }
0x7f: {  	_ =	shalt  }
0x80: {  	_ =	shalt  }
0x81: {  	_ =	shalt  }
0x82: {  	_ =	shalt  }
0x83: {  	_ =	shalt  }
0x84: {  	_ =	shalt  }
0x85: {  	_ =	shalt  }
0x86: {  	_ =	shalt  }
0x87: {  	_ =	shalt  }
.Lfunc_end0:
.L_simem_size_0:
called_computation.2_lowered:
.L_overlay_start_0:
0x88: {  	s2 =	sld [smem:$0x3FD9]  }
0x89: {  	s3 =	sld [smem:$0x3FFE];
	_ =	sdelay $0x1  }
0x8a: {  	s1 =	srdreg.scid  }
0x8b: {  	s0 =	sand.u32 $0x1, s1  }
0x8c: {  	s17 =	sshll.u32 s0, $0xA;
	s2 =	sadd.s32 s3, s2  }
0x8d: {  	s2 =	sadd.s32 s2, s17  }
0x8e: {  	[smem:$0x3FBE] =	sst s2  }
0x8f: {  	_ = 	snop  }
0x90: {  	s2 =	sld [smem:$0x3FD0];
	(tm) =	ssettm $0x1  }
0x91: {  	s18 =	sld [smem:$0x3FFB];
	_ =	sdelay $0x3  }
0x92: {  	_ =	strace s18  }
0x93: {  	s3 =	sld [smem:$0x3FFC];
	_ =	sdelay $0x3  }
0x94: {  	_ =	strace s3  }
0x95: {  	s3 =	sld [smem:$0x3FFD];
	_ =	sdelay $0x3  }
0x96: {  	_ =	strace s3  }
0x97: {  	_ =	strace $0x8FFFFFFF  }
0x98: {  	s19 =	sld [smem:$0x3FDB];
	_ =	sdelay $0x1  }
0x99: {  	s4 =	simm.s32 $_scs_section_size  }
0x9a: {  	s5 =	simm.s32 $_size__tile_overlayer_lowered;
	s6 =	simm.s32 $_tile_overlayer_lowered  }
0x9b: {  	s22 =	simm.s32 $0x1BFF;
	s21 =	sshll.u32 s6, $0x1;
	s3 =	sadd.s32 s4, s19  }
0x9c: {  	s7 =	simm.s32 $0x0;
	s20 =	sshll.u32 s5, $0x1;
	s5 =	sadd.s32 s21, s3  }
0x9d: {  	[timem:s7], [sflag:s22] =	dma.local [hbm:s5], s20  }
0x9e: {  	_ =	swait.ge [sflag:s22], s20  }
0x9f: {  	s4 =	ssub.s32 $0x0, s20;
	[sflag:s22] =	ssyncset.done $0x0  }
0xa0: {  	[sflag:s22] =	ssyncadd.s32 s4;
	_ =	sdelay $0x1  }
0xa1: {  	s23 =	simm.s32 $0x1B8B  }
0xa2: {  	_ =	swait.ge [sflag:s23], $0x1  }
0xa3: {  	[sflag:s23] =	ssyncset.done $0x0  }
0xa4: {  	s25 =	simm.s32 $0x1B8E;
	s24 =	sld [smem:$0x3FFE];
	[sflag:s23] =	ssyncadd.s32 $0xFFFFFFFF  }
0xa5: {  	s26 =	simm.s32 $execute0_lowered;
	[smem:$0x3FD2] =	sst s25  }
0xa6: {  	s5 =	sshll.u32 s26, $0x1;
	_ =	strace $0x8000004C;
	[dreg:$0x1] =	wrdreg $0xFFFFFFFF  }
0xa7: {  	s28 =	simm.s32 $_size_execute0_lowered;
	s3 =	sadd.s32 s3, s5;
	[dreg:$0x0] =	wrdreg $0x0  }
0xa8: {  	s5 =	sshll.u32 s28, $0x1;
	[dreg:$0x2] =	wrdreg s3  }
0xa9: {  	[dreg:$0x3] =	wrdreg s5  }
0xaa: {  	[dreg:$0x4] =	wrdreg $0xC0  }
0xab: {  	_ =	task [dreg:s7], $0x5FFFF  }
0xac: {  	[dreg:$0x1] =	wrdreg $0xFFFFFFFF  }
0xad: {  	[dreg:$0x0] =	wrdreg $0x60  }
0xae: {  	[dreg:$0x2] =	wrdreg s24  }
0xaf: {  	[dreg:$0x3] =	wrdreg s2  }
0xb0: {  	[dreg:$0x4] =	wrdreg $0x78000  }
0xb1: {  	[dreg:$0x5] =	wrdreg $0x9  }
0xb2: {  	_ =	task.clear_ibuf [dreg:s7], $0x6FFFF;
	_ =	strace $0x9000004C  }
0xb3: {  	s29 =	simm.s32 $0x9;
	_ =	strace $0x8000004E  }
0xb4: {  	_ =	swait.ge [sflag:s29], $0x1  }
0xb5: {  	[sflag:s29] =	ssyncadd.s32 $0xFFFFFFFF  }
0xb6: {  	_ =	strace $0x9000004E  }
0xb7: {  	_ =	sfence  }
0xb8: {  	s30 =	sld [smem:$0x0];
	_ =	sdelay $0x2  }
0xb9: {  	s31 =	sshll.u32 s1, $0xD;
	s1 =	sshrl.u32 s1, $0x2  }
0xba: {  	s3 =	sand.u32 $0x4000, s31;
	s1 =	sadd.s32 s1, s30  }
0xbb: {  	s0 =	sor.u32 s3, s0;
	s1 =	sshll.u32 s1, $0x11  }
0xbc: {  	s0 =	sor.u32 s1, s0  }
0xbd: {  	s0 =	sadd.s32 $0x8F2B, s0  }
0xbe: {  	[sflag:s0] =	ssyncadd.remote.s32 $0x1  }
0xbf: {  	_ =	sfence.sel $0xFFFF  }
0xc0: {  	[dreg:$0x0] =	wrdreg $0xFFFFFFFF;
	(pc) =	sbr.abs _section_cstart, $3  }
0xc1: {  	[dreg:$0x1] =	wrdreg $0xFFFFFFFF  }
0xc2: {  	_ =	task.clear_ibuf [dreg:s7], $0x2FFFF;
	_ =	strace $0x9FFFFFFF  }
0xc3: {  	(tm) =	ssettm $0x7FFFFFFF  }
tec
execute0_lowered:
.L_overlay_start_1:
0x0: {  	(tag) =	ssettag $0x1  }
0x1: {  	s0 =	rddreg [dreg:$0x0]  }
0x2: {  	s8 =	rddreg [dreg:$0x1]  }
0x3: {  	s2 =	rddreg [dreg:$0x2]  }
0x4: {  	s4 =	srdreg.scid;
	s1 =	stileid.u32;
	s3 =	simm.s32 $0x0  }
0x5: {  	s18 =	simm.s32 $0x3;
	s28 =	simm.s32 $0x2400;
	s29 =	simm.s32 $0x2480  }
0x6: {  	s30 =	simm.s32 $0x2500;
	s31 =	simm.s32 $0x0;
	s11 =	sand.u32 $0x1, s4  }
0x7: {  	s19 =	sshll.u32 s1, $0x1;
	[smem:$0x7FF] =	sst s3;
	s6 =	smul.u32 $0x2780, s1  }
0x8: {  	s13 =	sadd.s32 $0x530C00, s0;
	s10 =	smul.u32 $0x4F000, s1;
	p0 =	seq.s32 s1, $0xF  }
0x9: {  	s23 =	sadd.s32 $0x25080, s8;
	p3 =	sne.s32 s1, $0xF;
	s16 =	smul.u32 $0x2EE00, s1  }
0xa: {  	s24 =	sadd.s32 $0x34A80, s0;
	s26 =	sshll.u32 s1, $0x6;
	s7 =	sor.u32 s11, s19  }
0xb: {  	_ =	strace $0x8000004D;
	s5 =	ssub.s32 $0x2, s11;
	p2 =	seq.s32 s11, $0x0  }
0xc: {  	p1 =	seq.s32 s11, $0x1;
	[dreg:$0x5] =	wrdreg s23;
	s17 =	smul.u32 $0x17700, s11  }
0xd: {  	[dreg:$0x6] =	wrdreg s24;
	s23 =	simm.s32 $0x5000;
	s24 =	simm.s32 $0x1  }
0xe: {  	s4 =	smul.u32 $0x500, s7;
	s9 =	sshrl.u32 s5, $0x1;
	s14 =	sadd.s32 s6, s0  }
0xf: {  	s20 =	sshrl.u32 s10, $0x2;
	s21 =	smul.u32 $0xBB800, s7;
	s6 =	sadd.s32 s8, s6  }
0x10: {  	s22 =	smul.u32 $0x17700, s7;
	s7 =	sadd.s32 $0x128400, s2;
	p3 =	por !p2, !p3  }
0x11: {  	p4 =	por !p2, !p0;
	s16 =	sadd.s32 s16, s13;
	s15 =	ssub.s32 s5, s9  }
0x12: {  	s5 =	sadd.s32 s20, s2;
	[dreg:$0x4] =	wrdreg s6;
	p2 =	por !p3, !p3  }
0x13: {  	p3 =	por !p4, !p4;
	s25 =	sadd.s32 s17, s16;
	p4 =	sne.s32 s11, $0x0  }
0x14: {  	s19 =	sshrl.u32 s7, $0x3;
	s4 =	sadd.s32 s4, s0;
	s9 =	sshrl.u32 s21, $0x3  }
0x15: {  	s6 =	simm.s32 @!p3 $0x0;
	s15 =	smax.u32 s15, $0x1;
	s20 =	sadd.s32 $0xF00, s25  }
.Ltmp0:
0x16: {  	s21 =	sor.u32 $0x1C03, s26;
	s25 =	simm.s32 $0x50;
	(pc) =	sbr.rel .LBB2_1-.Ltmp0, $4  }
0x17: {  	s26 =	simm.s32 $0x2;
	s4 =	sadd.s32 $0x5A00, s4;
	s12 =	sadd.s32 s13, s9  }
0x18: {  	s9 =	sadd.s32 s13, s22;
	s6 =	simm.s32 @p3 $0x1;
	s13 =	sadd.s32 $0x36C00, s14  }
0x19: {  	s22 =	simm.s32 $0x2800;
	s10 =	sadd.s32 $0x500, s12;
	[smem:$0x7FD] =	sst s6  }
0x1a: {  	s12 =	sadd.s32 $0xFA00, s14;
	s14 =	sadd.s32 $0x5BC80, s0;
	s16 =	sadd.s32 $0x17200, s9  }
.LBB2_15:
0x1b: {  	s0 =	rddreg [dreg:$0x6];
	s6 =	simm.s32 $0x1FC3  }
0x1c: {  	[hbm:s0], [sflag:s6] =	dma.local [spmem:s19], $0x2080  }
0x1d: {  	_ =	swait.ge [sflag:s18], $0x2080  }
0x1e: {  	[sflag:s18] =	ssyncset.done $0x0  }
0x1f: {  	p6 =	por $0x1, $0x1;
	[sflag:s18] =	ssyncadd.s32 $0xFFFFDF80  }
.LBB2_16:
0x20: {  	p3 =	por !p5, !p6  }
0x21: {  	p3 =	por !p3, !p3  }
0x22: {  	s31 =	sadd.s32 $0x1, s31;
	s0 =	sshll.u32 @p3 s1, $0x6  }
0x23: {  	p5 =	sne.s32 s31, s15;
	s6 =	sshrl.u32 @p3 s7, $0x3;
	s0 =	sor.u32 @p3 $0x1C03, s0  }
0x24: {  	[hbm:s14], [sflag:s0] =	dma.local @p3 [spmem:s6], $0x2080  }
.Ltmp1:
0x25: {  	_ = 	snop;
	(pc) =	sbr.rel @!p5 .LBB2_17-.Ltmp1, $4  }
0x26: {  	s0 =	simm.s32 @p3 $0x3  }
0x27: {  	_ =	swait.ge @p3 [sflag:s0], $0x2080  }
0x28: {  	[sflag:s0] =	ssyncset.done @p3 $0x0  }
0x29: {  	[sflag:s0] =	ssyncadd.s32 @p3 $0xFFFFDF80  }
.LBB2_1:
.Ltmp2:
0x2a: {  	(pc) =	sbr.rel @p4 .LBB2_5-.Ltmp2, $4  }
0x2b: {  	[tilespmem:s3], [sflag:$0x3] =	stream.linear.gather [hbm4b:s4+s3], $0x2580, $0x38;
	[tilespmem:$0x1B080] =	vst v63  }
0x2c: {  	_ =	swait.ge [sflag:s18], $0x2580  }
0x2d: {  	[sflag:s18] =	ssyncset.done $0x0  }
0x2e: {  	[sflag:s18] =	ssyncadd.s32 $0xFFFFDA80  }
.Ltmp3:
0x2f: {  	(pc) =	sbr.rel @!p0 .LBB2_3-.Ltmp3, $1  }
0x30: {  	_ =	sdelay $0x3  }
.Ltmp4:
0x31: {  	s0 =	rddreg [dreg:$0x5];
	s6 =	simm.s32 $0x1FC3;
	(pc) =	sbr.rel .LBB2_9-.Ltmp4, $4  }
0x32: {  	[spmem:s19], [sflag:s6] =	dma.local [hbm:s0], $0x2080  }
0x33: {  	_ =	swait.ge [sflag:s18], $0x2080  }
0x34: {  	[sflag:s18] =	ssyncset.done $0x0  }
0x35: {  	p5 =	por $0x0, $0x0;
	[sflag:s18] =	ssyncadd.s32 $0xFFFFDF80  }
.LBB2_5:
.Ltmp5:
0x36: {  	(pc) =	sbr.rel @!p1 .LBB2_9-.Ltmp5, $2  }
0x37: {  	_ =	sdelay $0x2  }
0x38: {  	p5 =	por $0x0, $0x0  }
.Ltmp6:
0x39: {  	(pc) =	sbr.rel @!p0 .LBB2_7-.Ltmp6, $1  }
0x3a: {  	_ =	sdelay $0x3  }
.Ltmp7:
0x3b: {  	s0 =	rddreg [dreg:$0x5];
	s6 =	simm.s32 $0x1FC3;
	(pc) =	sbr.rel .LBB2_9-.Ltmp7, $4  }
0x3c: {  	[spmem:s19], [sflag:s6] =	dma.local [hbm:s0], $0x2080  }
0x3d: {  	_ =	swait.ge [sflag:s18], $0x2080  }
0x3e: {  	[sflag:s18] =	ssyncset.done $0x0  }
0x3f: {  	p5 =	por $0x1, $0x1;
	[sflag:s18] =	ssyncadd.s32 $0xFFFFDF80  }
.LBB2_3:
.Ltmp8:
0x40: {  	s0 =	sshrl.u32 s5, $0x3;
	s6 =	rddreg [dreg:$0x4];
	(pc) =	sbr.rel @!p1 .LBB2_9-.Ltmp8, $4  }
0x41: {  	[spmem:s0], [sflag:s21] =	dma.local [hbm:s6], $0x2780  }
0x42: {  	_ =	swait.ge [sflag:s18], $0x2780  }
0x43: {  	[sflag:s18] =	ssyncset.done $0x0  }
0x44: {  	p5 =	por $0x0, $0x0;
	[sflag:s18] =	ssyncadd.s32 $0xFFFFD880  }
.LBB2_7:
0x45: {  	s0 =	sshrl.u32 s5, $0x3;
	s6 =	rddreg [dreg:$0x4]  }
0x46: {  	[spmem:s0], [sflag:s21] =	dma.local [hbm:s6], $0x2780  }
0x47: {  	_ =	swait.ge [sflag:s18], $0x2780  }
0x48: {  	[sflag:s18] =	ssyncset.done $0x0  }
0x49: {  	p5 =	por $0x1, $0x1;
	[sflag:s18] =	ssyncadd.s32 $0xFFFFD880  }
.LBB2_9:
0x4a: {  	[bflag:$0x0] =	sbarrier.arrive $0xFFFF;
	s0 =	simm.s32 $0x0  }
0x4b: {  	[tilespmem:s22], [sflag:$0x1] =	stream.linear.gather [hbm4b:s9+s0], $0x2800, $0x38;
	[tilespmem:$0x1B080] =	vst v63  }
0x4c: {  	_ = 	snop  }
0x4d: {  	[tilespmem:s23], [sflag:$0x2] =	stream.linear.gather [hbm4b:s10+s0], $0x2800, $0x38;
	[tilespmem:$0x1B080] =	vst v63  }
0x4e: {  	_ =	swait.ge [sflag:s24], $0x2800  }
0x4f: {  	[sflag:s24] =	ssyncset.done $0x0  }
0x50: {  	s8 =	simm.s32 $0x0;
	[sflag:s24] =	ssyncadd.s32 $0xFFFFD800  }
0x51: {  	[spmem:s2] =	stream.indirect.scatter.add.f32 [tilespmem:s22], [sflag:$0x3], $0x80, s8, s25, $0xb8;
	[tilespmem:$0x1B080] =	vst v63  }
0x52: {  	_ =	swait.ge [sflag:s18], $0x2800  }
0x53: {  	[sflag:s18] =	ssyncset.done $0x0  }
0x54: {  	s11 =	sadd.s32 $0xFFFFFB00, s20;
	[sflag:s18] =	ssyncadd.s32 $0xFFFFD800  }
0x55: {  	[tilespmem:s22], [sflag:$0x1] =	stream.linear.gather [hbm4b:s11+s3], $0x2800, $0x38;
	[tilespmem:$0x1B080] =	vst v63  }
0x56: {  	_ =	swait.ge [sflag:s26], $0x2800  }
0x57: {  	[sflag:s26] =	ssyncset.done $0x0  }
0x58: {  	s17 =	simm.s32 $0x80;
	[sflag:s26] =	ssyncadd.s32 $0xFFFFD800  }
0x59: {  	[spmem:s2] =	stream.indirect.scatter.add.f32 [tilespmem:s23], [sflag:$0x3], $0x80, s17, s25, $0xb8;
	[tilespmem:$0x1B080] =	vst v63  }
0x5a: {  	_ =	swait.ge [sflag:s18], $0x2800  }
0x5b: {  	s0 =	simm.s32 $0x400;
	[sflag:s18] =	ssyncset.done $0x0  }
0x5c: {  	s11 =	sadd.s32 $0xA00, s20;
	s17 =	smov.u32 s20;
	[sflag:s18] =	ssyncadd.s32 $0xFFFFD800  }
.LBB2_10:
0x5d: {  	[tilespmem:s23], [sflag:$0x2] =	stream.linear.gather [hbm4b:s17+s3], $0x2800, $0x38;
	[tilespmem:$0x1B080] =	vst v63  }
0x5e: {  	s8 =	smov.u32 s0;
	s17 =	smov.u32 s11  }
0x5f: {  	p6 =	sne.s32 s0, $0x8C00;
	s0 =	sadd.s32 $0x400, s0;
	_ =	swait.ge [sflag:s24], $0x2800  }
0x60: {  	[sflag:s24] =	ssyncset.done $0x0  }
0x61: {  	s8 =	sshra.s32 s8, $0x2;
	[sflag:s24] =	ssyncadd.s32 $0xFFFFD800  }
0x62: {  	[spmem:s2] =	stream.indirect.scatter.add.f32 [tilespmem:s22], [sflag:$0x3], $0x80, s8, s25, $0xb8;
	[tilespmem:$0x1B080] =	vst v63  }
0x63: {  	_ =	swait.ge [sflag:s18], $0x2800  }
0x64: {  	[sflag:s18] =	ssyncset.done $0x0  }
0x65: {  	s6 =	sadd.s32 $0xFFFFFB00, s11;
	[sflag:s18] =	ssyncadd.s32 $0xFFFFD800  }
0x66: {  	[tilespmem:s22], [sflag:$0x1] =	stream.linear.gather [hbm4b:s6+s3], $0x2800, $0x38;
	[tilespmem:$0x1B080] =	vst v63  }
0x67: {  	_ =	swait.ge [sflag:s26], $0x2800  }
0x68: {  	[sflag:s26] =	ssyncset.done $0x0  }
.Ltmp9:
0x69: {  	s6 =	sadd.s32 $0x80, s8;
	[sflag:s26] =	ssyncadd.s32 $0xFFFFD800;
	(pc) =	sbr.rel @p6 .LBB2_10-.Ltmp9, $4  }
0x6a: {  	[spmem:s2] =	stream.indirect.scatter.add.f32 [tilespmem:s23], [sflag:$0x3], $0x80, s6, s25, $0xb8;
	[tilespmem:$0x1B080] =	vst v63  }
0x6b: {  	_ =	swait.ge [sflag:s18], $0x2800  }
0x6c: {  	[sflag:s18] =	ssyncset.done $0x0  }
0x6d: {  	s11 =	sadd.s32 $0xA00, s11;
	[sflag:s18] =	ssyncadd.s32 $0xFFFFD800  }
0x6e: {  	[tilespmem:s23], [sflag:$0x2] =	stream.linear.gather [hbm4b:s17+s3], $0x2800, $0x38;
	[tilespmem:$0x1B080] =	vst v63  }
0x6f: {  	_ =	swait.ge [sflag:s24], $0x2800  }
0x70: {  	[sflag:s24] =	ssyncset.done $0x0  }
0x71: {  	[sflag:s24] =	ssyncadd.s32 $0xFFFFD800  }
0x72: {  	[spmem:s2] =	stream.indirect.scatter.add.f32 [tilespmem:s22], [sflag:$0x3], $0x80, s28, s25, $0xb8;
	[tilespmem:$0x1B080] =	vst v63  }
0x73: {  	_ =	swait.ge [sflag:s18], $0x2800  }
0x74: {  	[sflag:s18] =	ssyncset.done $0x0  }
0x75: {  	[sflag:s18] =	ssyncadd.s32 $0xFFFFD800  }
0x76: {  	[tilespmem:s22], [sflag:$0x1] =	stream.linear.gather [hbm4b:s16+s3], $0x2800, $0x38;
	[tilespmem:$0x1B080] =	vst v63  }
0x77: {  	_ =	swait.ge [sflag:s26], $0x2800  }
0x78: {  	[sflag:s26] =	ssyncset.done $0x0  }
0x79: {  	[sflag:s26] =	ssyncadd.s32 $0xFFFFD800  }
0x7a: {  	[spmem:s2] =	stream.indirect.scatter.add.f32 [tilespmem:s23], [sflag:$0x3], $0x80, s29, s25, $0xb8;
	[tilespmem:$0x1B080] =	vst v63  }
0x7b: {  	_ =	swait.ge [sflag:s18], $0x2800  }
0x7c: {  	[sflag:s18] =	ssyncset.done $0x0  }
0x7d: {  	[sflag:s18] =	ssyncadd.s32 $0xFFFFD800  }
0x7e: {  	_ =	swait.ge [sflag:s24], $0x2800  }
0x7f: {  	[sflag:s24] =	ssyncset.done $0x0  }
0x80: {  	[sflag:s24] =	ssyncadd.s32 $0xFFFFD800  }
0x81: {  	[spmem:s2] =	stream.indirect.scatter.add.f32 [tilespmem:s22], [sflag:$0x3], $0x80, s30, s25, $0xb8;
	[tilespmem:$0x1B080] =	vst v63  }
.Ltmp10:
0x82: {  	_ =	swait.ge [sflag:s18], $0x2800;
	(pc) =	sbr.rel @!p2 .LBB2_14-.Ltmp10, $3  }
0x83: {  	[sflag:s18] =	ssyncset.done $0x0  }
0x84: {  	[sflag:s18] =	ssyncadd.s32 $0xFFFFD800  }
0x85: {  	[bflag:$0x0] =	sbarrier.arrive $0xFFFF;
	_ =	sdelay $0x1  }
.Ltmp11:
0x86: {  	s0 =	sshrl.u32 s5, $0x3;
	(pc) =	sbr.rel .LBB2_13-.Ltmp11, $4  }
0x87: {  	[hbm:s12], [sflag:s21] =	dma.local [spmem:s0], $0x2780  }
0x88: {  	_ =	swait.ge [sflag:s18], $0x2780  }
0x89: {  	[sflag:s18] =	ssyncset.done $0x0  }
0x8a: {  	p6 =	por $0x0, $0x0;
	[sflag:s18] =	ssyncadd.s32 $0xFFFFD880  }
.LBB2_14:
0x8b: {  	s0 =	sld [smem:$0x7FD];
	_ =	sdelay $0x2  }
0x8c: {  	p3 =	seq.s32 s0, $0x1  }
.Ltmp12:
0x8d: {  	_ = 	snop;
	(pc) =	sbr.rel @p3 .LBB2_15-.Ltmp12, $2  }
0x8e: {  	_ =	sdelay $0x2  }
0x8f: {  	p6 =	por p0, p0  }
.LBB2_13:
0x90: {  	p3 =	por !p5, !p5  }
0x91: {  	p3 =	por p0, p3  }
0x92: {  	s0 =	sshll.u32 @!p3 s1, $0x6  }
0x93: {  	s6 =	sshrl.u32 @!p3 s5, $0x3;
	s0 =	sor.u32 @!p3 $0x1C03, s0  }
0x94: {  	[hbm:s13], [sflag:s0] =	dma.local @!p3 [spmem:s6], $0x2780  }
.Ltmp13:
0x95: {  	_ = 	snop;
	(pc) =	sbr.rel .LBB2_16-.Ltmp13, $4  }
0x96: {  	s0 =	simm.s32 @!p3 $0x3  }
0x97: {  	_ =	swait.ge @!p3 [sflag:s0], $0x2780  }
0x98: {  	[sflag:s0] =	ssyncset.done @!p3 $0x0  }
0x99: {  	[sflag:s0] =	ssyncadd.s32 @!p3 $0xFFFFD880  }
.LBB2_17:
0x9a: {  	_ =	sfence.sel $0x180000  }
0x9b: {  	[bflag:$0x0] =	sbarrier.arrive $0xFFFF  }
0x9c: {  	_ =	strace $0x9000004D  }
0x9d: {  	[bflag:$0x2] =	sbarrier.arrive $0xFFFF  }
0x9e: {  	p0 =	sne.s32 s1, $0x0;
	s0 =	rddreg [dreg:$0x3]  }
0x9f: {  	s0 =	sadd.s32 @!p0 $0x100000, s0  }
0xa0: {  	[sflag:s0] =	ssyncadd.tile.s32 @!p0 $0x1;
	_ =	shalt  }
.Lfunc_end2:
_tile_overlayer_lowered:
.L_overlay_start_2:
0xa1: {  	(tag) =	ssettag $0x2  }
0xa2: {  	s0 =	rddreg [dreg:$0x0];
	s2 =	stileid.u32  }
0xa3: {  	s1 =	rddreg [dreg:$0x1];
	p0 =	sne.s32 s2, $0x0  }
0xa4: {  	s3 =	rddreg [dreg:$0x2];
	[bflag:$0x3] =	sbarrier.arrive $0xFFFF;
	s2 =	simm.s32 @!p0 $0x1C03  }
0xa5: {  	[timem:s3], [sflag:s2] =	dma.local @!p0 [hbm:s0], s1  }
0xa6: {  	s0 =	simm.s32 @!p0 $0x3  }
0xa7: {  	_ =	swait.ge @!p0 [sflag:s0], s1  }
0xa8: {  	s1 =	ssub.s32 @!p0 $0x0, s1;
	[sflag:s0] =	ssyncset.done @!p0 $0x0  }
0xa9: {  	[sflag:s0] =	ssyncadd.s32 @!p0 s1  }
0xaa: {  	[bflag:$0x3] =	sbarrier.arrive $0xFFFF  }
0xab: {  	_ =	shalt  }

// kernel: kernel.21.cloned.1.call-start
scs
__scs_entry_jumppad:
0x0: {  	(pc) =	sbr.rel $0x88, $3  }
0x1: {  	(tag) =	ssettag $0x0;
	lr =	simm.s32 $0x1  }
0x2: {  	[smem:$0x3F97] =	sst lr;
	_ =	strace $0xD0000000  }
0x3: {  	_ = 	snop  }
0x4: {  	_ = 	snop  }
0x5: {  	_ = 	snop  }
0x6: {  	_ = 	snop  }
0x7: {  	_ = 	snop  }
__scs_overlays_trampoline_lowered:
0x8: {  	[smem:$0x3FA6] =	sst s0  }
0x9: {  	[smem:$0x3FA7] =	sst s1  }
0xa: {  	[smem:$0x3FA8] =	sst s2  }
0xb: {  	[smem:$0x3FA9] =	sst s3  }
0xc: {  	[smem:$0x3FAA] =	sst s4  }
0xd: {  	[smem:$0x3FAB] =	sst s5  }
0xe: {  	[smem:$0x3FAC] =	sst s6  }
0xf: {  	[smem:$0x3FAD] =	sst s7  }
0x10: {  	[smem:$0x3FAE] =	sst s8  }
0x11: {  	[smem:$0x3FAF] =	sst s9;
	s0 =	simm.s32 @!p0 $0x0  }
0x12: {  	s1 =	sld [smem:$0x3F95];
	s0 =	simm.s32 @p0 $0x1  }
0x13: {  	[smem:$0x3FB0] =	sst s0;
	s0 =	simm.s32 @!p1 $0x0  }
0x14: {  	s2 =	sld [smem:$0x3F94];
	s0 =	simm.s32 @p1 $0x1  }
0x15: {  	[smem:$0x3FB1] =	sst s0;
	s0 =	simm.s32 @!p2 $0x0  }
0x16: {  	s3 =	sld [smem:$0x3FDB];
	s0 =	simm.s32 @p2 $0x1  }
0x17: {  	s4 =	simm.s32 $0x1BF5;
	[smem:$0x3FB3] =	sst s0  }
0x18: {  	s0 =	sld [smem:$0x3F96];
	_ =	swait.ge [sflag:s4], $0x0  }
0x19: {  	s7 =	sld [smem:$0x3F97]  }
0x1a: {  	s8 =	sadd.s32 $0xFFFFE003, lr  }
0x1b: {  	s9 =	sadd.s32 $0xFFFFFEF7, lr;
	s5 =	simm.s32 $0xFFFFFFFF;
	p2 =	slt.u32 s8, $0xFFFFF086  }
0x1c: {  	p1 =	slt.u32 s9, $0xF7A;
	s5 =	simm.s32 @!p2 $0x0  }
0x1d: {  	s5 =	simm.s32 @p1 $0x1;
	p0 =	seq.s32 s7, s2  }
0x1e: {  	s7 =	smul.u32 @!p0 $0xF7A, s2;
	p2 =	seq.s32 @!p0 s5, $0x0  }
0x1f: {  	s9 =	smul.u32 $0xF7A, s1;
	s8 =	simm.s32 @!p0 $0x1BF5;
	p2 =	por !p2, p0  }
0x20: {  	[sflag:s8] =	ssyncset.s32 @!p0 $0xFFFFF086;
	s6 =	sadd.s32 @!p0 s3, s7;
	s7 =	simm.s32 @!p0 $0x108  }
0x21: {  	s3 =	sadd.s32 s3, s9;
	s6 =	sadd.s32 @!p0 $0x88, s6;
	s7 =	simm.s32 @p2 $0x1082  }
0x22: {  	[simem:s7], [sflag:s8] =	dma.local @!p0 [hbm:s6], $0xF7A  }
0x23: {  	s9 =	sor.u32 $0xD0000000, s2;
	s6 =	simm.s32 $0x108;
	_ =	swait.ge @!p0 [sflag:s8], $0x0  }
0x24: {  	s3 =	sadd.s32 $0x88, s3;
	s6 =	simm.s32 @!p1 $0x1082;
	[sflag:s4] =	ssyncset.s32 $0xFFFFF086  }
0x25: {  	[simem:s6], [sflag:s4] =	dma.local [hbm:s3], $0xF7A  }
0x26: {  	[smem:$0x3F97] =	sst s1;
	(tag) =	ssettag s2;
	_ =	strace s9  }
0x27: {  	s1 =	sld [smem:$0x3FA7]  }
0x28: {  	s2 =	sld [smem:$0x3FA8]  }
0x29: {  	s4 =	sld [smem:$0x3FAA]  }
0x2a: {  	p0 =	seq.s32 s5, $0x0;
	s5 =	sld [smem:$0x3FAB]  }
0x2b: {  	s6 =	sld [smem:$0x3FAC]  }
0x2c: {  	s7 =	sld [smem:$0x3FAD]  }
0x2d: {  	s3 =	simm.s32 $0x108;
	s8 =	sld [smem:$0x3FAE]  }
0x2e: {  	s3 =	simm.s32 @!p0 $0x1082;
	s9 =	sld [smem:$0x3FAF]  }
0x2f: {  	lr =	sadd.s32 s0, s3;
	s0 =	sld [smem:$0x3FA6]  }
0x30: {  	s3 =	sld [smem:$0x3FA9]  }
0x31: {  	[smem:$0x3FB2] =	sst s10  }
0x32: {  	s10 =	sld [smem:$0x3FB0];
	_ =	sdelay $0x3  }
0x33: {  	p0 =	seq.s32 s10, $0x1;
	s10 =	sld [smem:$0x3FB2];
	_ =	sdelay $0x3  }
0x34: {  	[smem:$0x3FB2] =	sst s10  }
0x35: {  	s10 =	sld [smem:$0x3FB1];
	_ =	sdelay $0x3  }
0x36: {  	p1 =	seq.s32 s10, $0x1;
	s10 =	sld [smem:$0x3FB2];
	_ =	sdelay $0x3  }
0x37: {  	[smem:$0x3FB2] =	sst s10  }
0x38: {  	s10 =	sld [smem:$0x3FB3]  }
0x39: {  	_ = 	snop;
	(pc) =	sbr.ind lr, $3  }
0x3a: {  	_ = 	snop  }
0x3b: {  	_ = 	snop  }
0x3c: {  	p2 =	seq.s32 s10, $0x1;
	s10 =	sld [smem:$0x3FB2]  }
0x3d: {  	_ =	shalt  }
0x3e: {  	_ =	shalt  }
0x3f: {  	_ =	shalt  }
0x40: {  	_ =	shalt  }
0x41: {  	_ =	shalt  }
0x42: {  	_ =	shalt  }
0x43: {  	_ =	shalt  }
0x44: {  	_ =	shalt  }
0x45: {  	_ =	shalt  }
0x46: {  	_ =	shalt  }
0x47: {  	_ =	shalt  }
0x48: {  	_ =	shalt  }
0x49: {  	_ =	shalt  }
0x4a: {  	_ =	shalt  }
0x4b: {  	_ =	shalt  }
0x4c: {  	_ =	shalt  }
0x4d: {  	_ =	shalt  }
0x4e: {  	_ =	shalt  }
0x4f: {  	_ =	shalt  }
0x50: {  	_ =	shalt  }
0x51: {  	_ =	shalt  }
0x52: {  	_ =	shalt  }
0x53: {  	_ =	shalt  }
0x54: {  	_ =	shalt  }
0x55: {  	_ =	shalt  }
0x56: {  	_ =	shalt  }
0x57: {  	_ =	shalt  }
0x58: {  	_ =	shalt  }
0x59: {  	_ =	shalt  }
0x5a: {  	_ =	shalt  }
0x5b: {  	_ =	shalt  }
0x5c: {  	_ =	shalt  }
0x5d: {  	_ =	shalt  }
0x5e: {  	_ =	shalt  }
0x5f: {  	_ =	shalt  }
0x60: {  	_ =	shalt  }
0x61: {  	_ =	shalt  }
0x62: {  	_ =	shalt  }
0x63: {  	_ =	shalt  }
0x64: {  	_ =	shalt  }
0x65: {  	_ =	shalt  }
0x66: {  	_ =	shalt  }
0x67: {  	_ =	shalt  }
0x68: {  	_ =	shalt  }
0x69: {  	_ =	shalt  }
0x6a: {  	_ =	shalt  }
0x6b: {  	_ =	shalt  }
0x6c: {  	_ =	shalt  }
0x6d: {  	_ =	shalt  }
0x6e: {  	_ =	shalt  }
0x6f: {  	_ =	shalt  }
0x70: {  	_ =	shalt  }
0x71: {  	_ =	shalt  }
0x72: {  	_ =	shalt  }
0x73: {  	_ =	shalt  }
0x74: {  	_ =	shalt  }
0x75: {  	_ =	shalt  }
0x76: {  	_ =	shalt  }
0x77: {  	_ =	shalt  }
0x78: {  	_ =	shalt  }
0x79: {  	_ =	shalt  }
0x7a: {  	_ =	shalt  }
0x7b: {  	_ =	shalt  }
0x7c: {  	_ =	shalt  }
0x7d: {  	_ =	shalt  }
0x7e: {  	_ =	shalt  }
0x7f: {  	_ =	shalt  }
0x80: {  	_ =	shalt  }
0x81: {  	_ =	shalt  }
0x82: {  	_ =	shalt  }
0x83: {  	_ =	shalt  }
0x84: {  	_ =	shalt  }
0x85: {  	_ =	shalt  }
0x86: {  	_ =	shalt  }
0x87: {  	_ =	shalt  }
.Lfunc_end0:
.L_simem_size_0:
called_computation.3_lowered:
.L_overlay_start_0:
0x88: {  	s2 =	sld [smem:$0x3FD9]  }
0x89: {  	s3 =	sld [smem:$0x3FFE];
	_ =	sdelay $0x1  }
0x8a: {  	s1 =	srdreg.scid  }
0x8b: {  	s0 =	sand.u32 $0x1, s1  }
0x8c: {  	s17 =	sshll.u32 s0, $0xA;
	s2 =	sadd.s32 s3, s2  }
0x8d: {  	s2 =	sadd.s32 s2, s17  }
0x8e: {  	[smem:$0x3FBE] =	sst s2  }
0x8f: {  	_ = 	snop  }
0x90: {  	s2 =	sld [smem:$0x3FD0];
	(tm) =	ssettm $0x1  }
0x91: {  	s18 =	sld [smem:$0x3FFB];
	_ =	sdelay $0x3  }
0x92: {  	_ =	strace s18  }
0x93: {  	s3 =	sld [smem:$0x3FFC];
	_ =	sdelay $0x3  }
0x94: {  	_ =	strace s3  }
0x95: {  	s3 =	sld [smem:$0x3FFD];
	_ =	sdelay $0x3  }
0x96: {  	_ =	strace s3  }
0x97: {  	_ =	strace $0x8FFFFFFF  }
0x98: {  	s19 =	sld [smem:$0x3FDB];
	_ =	sdelay $0x1  }
0x99: {  	s4 =	simm.s32 $_scs_section_size  }
0x9a: {  	s5 =	simm.s32 $_size__tile_overlayer_lowered;
	s6 =	simm.s32 $_tile_overlayer_lowered  }
0x9b: {  	s22 =	simm.s32 $0x1BFF;
	s21 =	sshll.u32 s6, $0x1;
	s3 =	sadd.s32 s4, s19  }
0x9c: {  	s7 =	simm.s32 $0x0;
	s20 =	sshll.u32 s5, $0x1;
	s5 =	sadd.s32 s21, s3  }
0x9d: {  	[timem:s7], [sflag:s22] =	dma.local [hbm:s5], s20  }
0x9e: {  	_ =	swait.ge [sflag:s22], s20  }
0x9f: {  	s4 =	ssub.s32 $0x0, s20;
	[sflag:s22] =	ssyncset.done $0x0  }
0xa0: {  	[sflag:s22] =	ssyncadd.s32 s4;
	_ =	sdelay $0x1  }
0xa1: {  	s23 =	simm.s32 $0x1B8B  }
0xa2: {  	_ =	swait.ge [sflag:s23], $0x1  }
0xa3: {  	[sflag:s23] =	ssyncset.done $0x0  }
0xa4: {  	s25 =	simm.s32 $0x1B8E;
	s24 =	sld [smem:$0x3FFE];
	[sflag:s23] =	ssyncadd.s32 $0xFFFFFFFF  }
0xa5: {  	s26 =	simm.s32 $execute0_lowered;
	[smem:$0x3FD2] =	sst s25  }
0xa6: {  	s5 =	sshll.u32 s26, $0x1;
	_ =	strace $0x8000004F;
	[dreg:$0x1] =	wrdreg $0xFFFFFFFF  }
0xa7: {  	s28 =	simm.s32 $_size_execute0_lowered;
	s3 =	sadd.s32 s3, s5;
	[dreg:$0x0] =	wrdreg $0x0  }
0xa8: {  	s5 =	sshll.u32 s28, $0x1;
	[dreg:$0x2] =	wrdreg s3  }
0xa9: {  	[dreg:$0x3] =	wrdreg s5  }
0xaa: {  	[dreg:$0x4] =	wrdreg $0xC0  }
0xab: {  	_ =	task [dreg:s7], $0x5FFFF  }
0xac: {  	[dreg:$0x1] =	wrdreg $0xFFFFFFFF  }
0xad: {  	[dreg:$0x0] =	wrdreg $0x60  }
0xae: {  	[dreg:$0x2] =	wrdreg s24  }
0xaf: {  	[dreg:$0x3] =	wrdreg s2  }
0xb0: {  	[dreg:$0x4] =	wrdreg $0x6C000  }
0xb1: {  	[dreg:$0x5] =	wrdreg $0x9  }
0xb2: {  	_ =	task.clear_ibuf [dreg:s7], $0x6FFFF;
	_ =	strace $0x9000004F  }
0xb3: {  	s29 =	simm.s32 $0x9;
	_ =	strace $0x80000051  }
0xb4: {  	_ =	swait.ge [sflag:s29], $0x1  }
0xb5: {  	[sflag:s29] =	ssyncadd.s32 $0xFFFFFFFF  }
0xb6: {  	_ =	strace $0x90000051  }
0xb7: {  	_ =	sfence  }
0xb8: {  	s30 =	sld [smem:$0x0];
	_ =	sdelay $0x2  }
0xb9: {  	s31 =	sshll.u32 s1, $0xD;
	s1 =	sshrl.u32 s1, $0x2  }
0xba: {  	s3 =	sand.u32 $0x4000, s31;
	s1 =	sadd.s32 s1, s30  }
0xbb: {  	s0 =	sor.u32 s3, s0;
	s1 =	sshll.u32 s1, $0x11  }
0xbc: {  	s0 =	sor.u32 s1, s0  }
0xbd: {  	s0 =	sadd.s32 $0x8F2B, s0  }
0xbe: {  	[sflag:s0] =	ssyncadd.remote.s32 $0x1  }
0xbf: {  	_ =	sfence.sel $0xFFFF  }
0xc0: {  	[dreg:$0x0] =	wrdreg $0xFFFFFFFF;
	(pc) =	sbr.abs _section_cstart, $3  }
0xc1: {  	[dreg:$0x1] =	wrdreg $0xFFFFFFFF  }
0xc2: {  	_ =	task.clear_ibuf [dreg:s7], $0x2FFFF;
	_ =	strace $0x9FFFFFFF  }
0xc3: {  	(tm) =	ssettm $0x7FFFFFFF  }
tec
execute0_lowered:
.L_overlay_start_1:
0x0: {  	(tag) =	ssettag $0x1  }
0x1: {  	s1 =	rddreg [dreg:$0x0]  }
0x2: {  	s9 =	rddreg [dreg:$0x1];
	s3 =	srdreg.scid  }
0x3: {  	s0 =	stileid.u32;
	s2 =	rddreg [dreg:$0x2]  }
0x4: {  	s21 =	simm.s32 $0x1FC3;
	s28 =	simm.s32 $0x1800;
	s29 =	simm.s32 $0x1880  }
0x5: {  	s30 =	simm.s32 $0x0;
	s18 =	sand.u32 $0x1, s3;
	s4 =	sshll.u32 s0, $0x1  }
0x6: {  	s3 =	simm.s32 $0x0;
	s14 =	smul.u32 $0x2780, s0;
	s15 =	sadd.s32 $0x5DE00, s1  }
0x7: {  	s6 =	smul.u32 $0x4F000, s0;
	p0 =	seq.s32 s0, $0xF;
	s8 =	sadd.s32 $0x128400, s2  }
0x8: {  	s25 =	sadd.s32 $0x5BC80, s1;
	p2 =	sne.s32 s0, $0xF;
	s19 =	smul.u32 $0x1F400, s0  }
0x9: {  	s10 =	sor.u32 s18, s4;
	[smem:$0x7FF] =	sst s3;
	s5 =	ssub.s32 $0x2, s18  }
0xa: {  	p3 =	seq.s32 s18, $0x0;
	p1 =	seq.s32 s18, $0x1;
	s20 =	smul.u32 $0xFA00, s18  }
0xb: {  	p4 =	sne.s32 s18, $0x0;
	s4 =	smul.u32 $0x380, s10;
	_ =	strace $0x80000050  }
0xc: {  	s16 =	sadd.s32 s14, s1;
	s7 =	sshrl.u32 s5, $0x1;
	s11 =	smul.u32 $0x7D000, s10  }
0xd: {  	s22 =	sshrl.u32 s6, $0x2;
	s12 =	smul.u32 $0xFA00, s10;
	[dreg:$0x6] =	wrdreg s25  }
0xe: {  	s10 =	sadd.s32 $0x34A80, s1;
	p2 =	por !p3, !p2;
	p3 =	por !p3, !p0  }
0xf: {  	s19 =	sadd.s32 s19, s15;
	s14 =	sadd.s32 s9, s14;
	s25 =	simm.s32 $0x50  }
0x10: {  	s17 =	ssub.s32 s5, s7;
	s5 =	sadd.s32 s22, s2;
	s23 =	sadd.s32 $0xFA00, s16  }
0x11: {  	s24 =	sadd.s32 $0x36C00, s16;
	p2 =	por !p2, !p2;
	p3 =	por !p3, !p3  }
0x12: {  	s31 =	sadd.s32 s20, s19;
	s19 =	simm.s32 $0x3;
	s20 =	sshrl.u32 s8, $0x3  }
0x13: {  	s22 =	simm.s32 $0x1C00;
	s4 =	sadd.s32 s4, s1;
	[dreg:$0x4] =	wrdreg s23  }
0x14: {  	[dreg:$0x5] =	wrdreg s24;
	s13 =	sshrl.u32 s11, $0x3;
	s11 =	sadd.s32 s15, s12  }
.Ltmp0:
0x15: {  	s6 =	simm.s32 @!p3 $0x0;
	s17 =	smax.u32 s17, $0x1;
	(pc) =	sbr.rel .LBB2_1-.Ltmp0, $4  }
0x16: {  	s23 =	simm.s32 $0x4400;
	s24 =	simm.s32 $0x1;
	s4 =	sadd.s32 $0x32EC00, s4  }
0x17: {  	s26 =	sadd.s32 s15, s13;
	s6 =	simm.s32 @p3 $0x1;
	s15 =	sadd.s32 $0x251E00, s16  }
0x18: {  	s13 =	sadd.s32 $0x25080, s9;
	s16 =	sadd.s32 $0x276E80, s1;
	s9 =	sadd.s32 $0xF00, s31  }
0x19: {  	s12 =	sadd.s32 $0x500, s26;
	[smem:$0x7FD] =	sst s6;
	s26 =	simm.s32 $0x2  }
.LBB2_15:
0x1a: {  	[hbm:s13], [sflag:s21] =	dma.local [spmem:s20], $0x2080  }
0x1b: {  	_ =	swait.ge [sflag:s19], $0x2080  }
0x1c: {  	[sflag:s19] =	ssyncset.done $0x0  }
0x1d: {  	p6 =	por $0x1, $0x1;
	[sflag:s19] =	ssyncadd.s32 $0xFFFFDF80  }
.LBB2_16:
0x1e: {  	p3 =	por !p5, !p6  }
0x1f: {  	p3 =	por !p3, !p3  }
0x20: {  	s30 =	sadd.s32 $0x1, s30;
	s1 =	sshll.u32 @p3 s0, $0x6  }
0x21: {  	p5 =	sne.s32 s30, s17;
	s6 =	sshrl.u32 @p3 s8, $0x3;
	s1 =	sor.u32 @p3 $0x1C03, s1  }
0x22: {  	[hbm:s16], [sflag:s1] =	dma.local @p3 [spmem:s6], $0x2080  }
.Ltmp1:
0x23: {  	_ = 	snop;
	(pc) =	sbr.rel @!p5 .LBB2_17-.Ltmp1, $4  }
0x24: {  	s1 =	simm.s32 @p3 $0x3  }
0x25: {  	_ =	swait.ge @p3 [sflag:s1], $0x2080  }
0x26: {  	[sflag:s1] =	ssyncset.done @p3 $0x0  }
0x27: {  	[sflag:s1] =	ssyncadd.s32 @p3 $0xFFFFDF80  }
.LBB2_1:
.Ltmp2:
0x28: {  	(pc) =	sbr.rel @p4 .LBB2_5-.Ltmp2, $4  }
0x29: {  	[tilespmem:s3], [sflag:$0x3] =	stream.linear.gather [hbm4b:s4+s3], $0x1900, $0x38;
	[tilespmem:$0x1A480] =	vst v63  }
0x2a: {  	_ =	swait.ge [sflag:s19], $0x1900  }
0x2b: {  	[sflag:s19] =	ssyncset.done $0x0  }
0x2c: {  	[sflag:s19] =	ssyncadd.s32 $0xFFFFE700  }
.Ltmp3:
0x2d: {  	(pc) =	sbr.rel @!p0 .LBB2_3-.Ltmp3, $1  }
0x2e: {  	_ =	sdelay $0x3  }
.Ltmp4:
0x2f: {  	(pc) =	sbr.rel .LBB2_9-.Ltmp4, $4  }
0x30: {  	[spmem:s20], [sflag:s21] =	dma.local [hbm:s10], $0x2080  }
0x31: {  	_ =	swait.ge [sflag:s19], $0x2080  }
0x32: {  	[sflag:s19] =	ssyncset.done $0x0  }
0x33: {  	p5 =	por $0x0, $0x0;
	[sflag:s19] =	ssyncadd.s32 $0xFFFFDF80  }
.LBB2_5:
.Ltmp5:
0x34: {  	(pc) =	sbr.rel @!p1 .LBB2_9-.Ltmp5, $2  }
0x35: {  	_ =	sdelay $0x2  }
0x36: {  	p5 =	por $0x0, $0x0  }
.Ltmp6:
0x37: {  	(pc) =	sbr.rel @!p0 .LBB2_7-.Ltmp6, $1  }
0x38: {  	_ =	sdelay $0x3  }
.Ltmp7:
0x39: {  	s1 =	rddreg [dreg:$0x6];
	(pc) =	sbr.rel .LBB2_9-.Ltmp7, $4  }
0x3a: {  	[spmem:s20], [sflag:s21] =	dma.local [hbm:s1], $0x2080  }
0x3b: {  	_ =	swait.ge [sflag:s19], $0x2080  }
0x3c: {  	[sflag:s19] =	ssyncset.done $0x0  }
0x3d: {  	p5 =	por $0x1, $0x1;
	[sflag:s19] =	ssyncadd.s32 $0xFFFFDF80  }
.LBB2_3:
0x3e: {  	s1 =	sshll.u32 s0, $0x6;
	s18 =	sshrl.u32 s5, $0x3  }
.Ltmp8:
0x3f: {  	s6 =	rddreg [dreg:$0x4];
	s1 =	sor.u32 $0x1C03, s1;
	(pc) =	sbr.rel @!p1 .LBB2_9-.Ltmp8, $4  }
0x40: {  	[spmem:s18], [sflag:s1] =	dma.local [hbm:s6], $0x2780  }
0x41: {  	_ =	swait.ge [sflag:s19], $0x2780  }
0x42: {  	[sflag:s19] =	ssyncset.done $0x0  }
0x43: {  	p5 =	por $0x0, $0x0;
	[sflag:s19] =	ssyncadd.s32 $0xFFFFD880  }
.LBB2_7:
0x44: {  	s1 =	sshll.u32 s0, $0x6  }
0x45: {  	s18 =	sshrl.u32 s5, $0x3;
	s6 =	rddreg [dreg:$0x5];
	s1 =	sor.u32 $0x1C03, s1  }
0x46: {  	[spmem:s18], [sflag:s1] =	dma.local [hbm:s6], $0x2780  }
0x47: {  	_ =	swait.ge [sflag:s19], $0x2780  }
0x48: {  	[sflag:s19] =	ssyncset.done $0x0  }
0x49: {  	p5 =	por $0x1, $0x1;
	[sflag:s19] =	ssyncadd.s32 $0xFFFFD880  }
.LBB2_9:
0x4a: {  	[bflag:$0x0] =	sbarrier.arrive $0xFFFF;
	s1 =	simm.s32 $0x0  }
0x4b: {  	[tilespmem:s22], [sflag:$0x1] =	stream.linear.gather [hbm4b:s11+s1], $0x2800, $0x38;
	[tilespmem:$0x1A480] =	vst v63  }
0x4c: {  	_ = 	snop  }
0x4d: {  	[tilespmem:s23], [sflag:$0x2] =	stream.linear.gather [hbm4b:s12+s1], $0x2800, $0x38;
	[tilespmem:$0x1A480] =	vst v63  }
0x4e: {  	_ =	swait.ge [sflag:s24], $0x2800  }
0x4f: {  	[sflag:s24] =	ssyncset.done $0x0  }
0x50: {  	s6 =	simm.s32 $0x0;
	[sflag:s24] =	ssyncadd.s32 $0xFFFFD800  }
0x51: {  	[spmem:s2] =	stream.indirect.scatter.add.f32 [tilespmem:s22], [sflag:$0x3], $0x80, s6, s25, $0xb8;
	[tilespmem:$0x1A480] =	vst v63  }
0x52: {  	_ =	swait.ge [sflag:s19], $0x2800  }
0x53: {  	[sflag:s19] =	ssyncset.done $0x0  }
0x54: {  	s7 =	sadd.s32 $0xFFFFFB00, s9;
	[sflag:s19] =	ssyncadd.s32 $0xFFFFD800  }
0x55: {  	[tilespmem:s22], [sflag:$0x1] =	stream.linear.gather [hbm4b:s7+s3], $0x2800, $0x38;
	[tilespmem:$0x1A480] =	vst v63  }
0x56: {  	_ =	swait.ge [sflag:s26], $0x2800  }
0x57: {  	[sflag:s26] =	ssyncset.done $0x0  }
0x58: {  	s18 =	simm.s32 $0x80;
	[sflag:s26] =	ssyncadd.s32 $0xFFFFD800  }
0x59: {  	[spmem:s2] =	stream.indirect.scatter.add.f32 [tilespmem:s23], [sflag:$0x3], $0x80, s18, s25, $0xb8;
	[tilespmem:$0x1A480] =	vst v63  }
0x5a: {  	_ =	swait.ge [sflag:s19], $0x2800  }
0x5b: {  	s31 =	simm.s32 $0x400;
	[sflag:s19] =	ssyncset.done $0x0  }
0x5c: {  	s1 =	sadd.s32 $0xA00, s9;
	s18 =	smov.u32 s9;
	[sflag:s19] =	ssyncadd.s32 $0xFFFFD800  }
.LBB2_10:
0x5d: {  	[tilespmem:s23], [sflag:$0x2] =	stream.linear.gather [hbm4b:s18+s3], $0x2800, $0x38;
	[tilespmem:$0x1A480] =	vst v63  }
0x5e: {  	s6 =	smov.u32 s31;
	s18 =	smov.u32 s1  }
0x5f: {  	p6 =	sne.s32 s31, $0x5C00;
	s31 =	sadd.s32 $0x400, s31;
	_ =	swait.ge [sflag:s24], $0x2800  }
0x60: {  	[sflag:s24] =	ssyncset.done $0x0  }
0x61: {  	s6 =	sshra.s32 s6, $0x2;
	[sflag:s24] =	ssyncadd.s32 $0xFFFFD800  }
0x62: {  	[spmem:s2] =	stream.indirect.scatter.add.f32 [tilespmem:s22], [sflag:$0x3], $0x80, s6, s25, $0xb8;
	[tilespmem:$0x1A480] =	vst v63  }
0x63: {  	_ =	swait.ge [sflag:s19], $0x2800  }
0x64: {  	[sflag:s19] =	ssyncset.done $0x0  }
0x65: {  	s7 =	sadd.s32 $0xFFFFFB00, s1;
	[sflag:s19] =	ssyncadd.s32 $0xFFFFD800  }
0x66: {  	[tilespmem:s22], [sflag:$0x1] =	stream.linear.gather [hbm4b:s7+s3], $0x2800, $0x38;
	[tilespmem:$0x1A480] =	vst v63  }
0x67: {  	_ =	swait.ge [sflag:s26], $0x2800  }
0x68: {  	[sflag:s26] =	ssyncset.done $0x0  }
.Ltmp9:
0x69: {  	s6 =	sadd.s32 $0x80, s6;
	[sflag:s26] =	ssyncadd.s32 $0xFFFFD800;
	(pc) =	sbr.rel @p6 .LBB2_10-.Ltmp9, $4  }
0x6a: {  	[spmem:s2] =	stream.indirect.scatter.add.f32 [tilespmem:s23], [sflag:$0x3], $0x80, s6, s25, $0xb8;
	[tilespmem:$0x1A480] =	vst v63  }
0x6b: {  	_ =	swait.ge [sflag:s19], $0x2800  }
0x6c: {  	[sflag:s19] =	ssyncset.done $0x0  }
0x6d: {  	s1 =	sadd.s32 $0xA00, s1;
	[sflag:s19] =	ssyncadd.s32 $0xFFFFD800  }
0x6e: {  	[tilespmem:s23], [sflag:$0x2] =	stream.linear.gather [hbm4b:s18+s3], $0x2800, $0x38;
	[tilespmem:$0x1A480] =	vst v63  }
0x6f: {  	_ =	swait.ge [sflag:s24], $0x2800  }
0x70: {  	[sflag:s24] =	ssyncset.done $0x0  }
0x71: {  	[sflag:s24] =	ssyncadd.s32 $0xFFFFD800  }
0x72: {  	[spmem:s2] =	stream.indirect.scatter.add.f32 [tilespmem:s22], [sflag:$0x3], $0x80, s28, s25, $0xb8;
	[tilespmem:$0x1A480] =	vst v63  }
0x73: {  	_ =	swait.ge [sflag:s19], $0x2800  }
0x74: {  	[sflag:s19] =	ssyncset.done $0x0  }
0x75: {  	[sflag:s19] =	ssyncadd.s32 $0xFFFFD800  }
0x76: {  	_ =	swait.ge [sflag:s26], $0x2800  }
0x77: {  	[sflag:s26] =	ssyncset.done $0x0  }
0x78: {  	[sflag:s26] =	ssyncadd.s32 $0xFFFFD800  }
0x79: {  	[spmem:s2] =	stream.indirect.scatter.add.f32 [tilespmem:s23], [sflag:$0x3], $0x80, s29, s25, $0xb8;
	[tilespmem:$0x1A480] =	vst v63  }
.Ltmp10:
0x7a: {  	_ =	swait.ge [sflag:s19], $0x2800;
	(pc) =	sbr.rel @!p2 .LBB2_14-.Ltmp10, $3  }
0x7b: {  	[sflag:s19] =	ssyncset.done $0x0  }
0x7c: {  	[sflag:s19] =	ssyncadd.s32 $0xFFFFD800  }
0x7d: {  	[bflag:$0x0] =	sbarrier.arrive $0xFFFF;
	_ =	sdelay $0x1  }
0x7e: {  	s1 =	sshll.u32 s0, $0x6  }
.Ltmp11:
0x7f: {  	s6 =	sshrl.u32 s5, $0x3;
	s1 =	sor.u32 $0x1C03, s1;
	(pc) =	sbr.rel .LBB2_13-.Ltmp11, $4  }
0x80: {  	[hbm:s14], [sflag:s1] =	dma.local [spmem:s6], $0x2780  }
0x81: {  	_ =	swait.ge [sflag:s19], $0x2780  }
0x82: {  	[sflag:s19] =	ssyncset.done $0x0  }
0x83: {  	p6 =	por $0x0, $0x0;
	[sflag:s19] =	ssyncadd.s32 $0xFFFFD880  }
.LBB2_14:
0x84: {  	s1 =	sld [smem:$0x7FD];
	_ =	sdelay $0x2  }
0x85: {  	p3 =	seq.s32 s1, $0x1  }
.Ltmp12:
0x86: {  	_ = 	snop;
	(pc) =	sbr.rel @p3 .LBB2_15-.Ltmp12, $2  }
0x87: {  	_ =	sdelay $0x2  }
0x88: {  	p6 =	por p0, p0  }
.LBB2_13:
0x89: {  	p3 =	por !p5, !p5  }
0x8a: {  	p3 =	por p0, p3  }
0x8b: {  	s1 =	sshll.u32 @!p3 s0, $0x6  }
0x8c: {  	s6 =	sshrl.u32 @!p3 s5, $0x3;
	s1 =	sor.u32 @!p3 $0x1C03, s1  }
0x8d: {  	[hbm:s15], [sflag:s1] =	dma.local @!p3 [spmem:s6], $0x2780  }
.Ltmp13:
0x8e: {  	_ = 	snop;
	(pc) =	sbr.rel .LBB2_16-.Ltmp13, $4  }
0x8f: {  	s1 =	simm.s32 @!p3 $0x3  }
0x90: {  	_ =	swait.ge @!p3 [sflag:s1], $0x2780  }
0x91: {  	[sflag:s1] =	ssyncset.done @!p3 $0x0  }
0x92: {  	[sflag:s1] =	ssyncadd.s32 @!p3 $0xFFFFD880  }
.LBB2_17:
0x93: {  	_ =	sfence.sel $0x180000  }
0x94: {  	[bflag:$0x0] =	sbarrier.arrive $0xFFFF  }
0x95: {  	_ =	strace $0x90000050  }
0x96: {  	[bflag:$0x2] =	sbarrier.arrive $0xFFFF  }
0x97: {  	p0 =	sne.s32 s0, $0x0;
	s0 =	rddreg [dreg:$0x3]  }
0x98: {  	s0 =	sadd.s32 @!p0 $0x100000, s0  }
0x99: {  	[sflag:s0] =	ssyncadd.tile.s32 @!p0 $0x1;
	_ =	shalt  }
.Lfunc_end2:
_tile_overlayer_lowered:
.L_overlay_start_2:
0x9a: {  	(tag) =	ssettag $0x2  }
0x9b: {  	s0 =	rddreg [dreg:$0x0];
	s2 =	stileid.u32  }
0x9c: {  	s1 =	rddreg [dreg:$0x1];
	p0 =	sne.s32 s2, $0x0  }
0x9d: {  	s3 =	rddreg [dreg:$0x2];
	[bflag:$0x3] =	sbarrier.arrive $0xFFFF;
	s2 =	simm.s32 @!p0 $0x1C03  }
0x9e: {  	[timem:s3], [sflag:s2] =	dma.local @!p0 [hbm:s0], s1  }
0x9f: {  	s0 =	simm.s32 @!p0 $0x3  }
0xa0: {  	_ =	swait.ge @!p0 [sflag:s0], s1  }
0xa1: {  	s1 =	ssub.s32 @!p0 $0x0, s1;
	[sflag:s0] =	ssyncset.done @!p0 $0x0  }
0xa2: {  	[sflag:s0] =	ssyncadd.s32 @!p0 s1  }
0xa3: {  	[bflag:$0x3] =	sbarrier.arrive $0xFFFF  }
0xa4: {  	_ =	shalt  }

</sc_bundles>
